<compile_context>
chip_gen: v7x
topology: tpu7x:2x2x1
jax: 0.10.2.dev20260603
libtpu: 0.0.44.dev20260713+nightly
codegen_flags: <defaults>
</compile_context>

<pallas_src>
import jax
import jax.numpy as jnp
from jax import lax
from jax.experimental import pallas as pl
from jax.experimental.pallas import tpu as pltpu
from jax.experimental.pallas import tpu_sc as plsc

B = 16384
M = 50
D = 32
NW = 32
RPW = B // NW
CB = 32
NCH = RPW // CB
ROWS = CB * M
NFULL = ROWS // 128
TAIL = ROWS - NFULL * 128


def _tr_body(tin, tout):
    for j in range(32):
        parts = [jnp.transpose(
            tin[:, 512 * j + 128 * a:512 * j + 128 * (a + 1)], (1, 0))
            for a in range(4)]
        tout[pl.ds(16384 * j, 16384)] = jnp.reshape(
            jnp.concatenate(parts, axis=1), (16384,))


def _transpose_flat(tbl_t, nblk):
    return pl.pallas_call(
        _tr_body,
        grid=(nblk,),
        in_specs=[pl.BlockSpec((32, 16384), lambda i: (0, i))],
        out_specs=pl.BlockSpec((524288,), lambda i: (i,)),
        out_shape=jax.ShapeDtypeStruct((nblk * 524288,), jnp.float32),
    )(tbl_t)


def _perm_rows(i):
    return ((i >> 9) << 9) | ((i & 127) << 2) | ((i >> 7) & 3)


def _bcast_lane(vec, lane):
    idx = jnp.full((16, 1), lane, jnp.int32)
    dn = lax.GatherDimensionNumbers(
        offset_dims=(), collapsed_slice_dims=(0,), start_index_map=(0,))
    return lax.gather(vec, idx, dn, (1,),
                      mode=lax.GatherScatterMode.PROMISE_IN_BOUNDS)


def _body(user_hbm, mem_hbm, utab_hbm, itab_hbm, cw_hbm, out_hbm,
          idx0, idx1, x0, x1, u0, u1, o0, o1, uidx, cw,
          insem0, insem1, outsem0, outsem1):
    idxb = (idx0, idx1)
    xb = (x0, x1)
    ub = (u0, u1)
    ob = (o0, o1)
    insem = (insem0, insem1)
    outsem = (outsem0, outsem1)

    wid = lax.axis_index("s") * 2 + lax.axis_index("c")
    row0 = wid * RPW

    pltpu.sync_copy(user_hbm.at[pl.ds(row0, RPW)], uidx)
    pltpu.sync_copy(cw_hbm, cw)

    def in_copies(g, s):
        cps = []
        for p in range(NFULL):
            cps.append(pltpu.make_async_copy(
                itab_hbm.at[idxb[s].at[pl.ds(p * 128, 128)]],
                xb[s].at[pl.ds(p * 128, 128)], insem[s]))
        cps.append(pltpu.make_async_copy(
            itab_hbm.at[idxb[s].at[pl.ds(NFULL * 128, TAIL)]],
            xb[s].at[pl.ds(NFULL * 128, TAIL)], insem[s]))
        cps.append(pltpu.make_async_copy(
            utab_hbm.at[uidx.at[pl.ds(g * CB, CB)]], ub[s], insem[s]))
        return cps

    def fire(g, s):
        ebase = row0 * M + g * ROWS
        pltpu.sync_copy(mem_hbm.at[pl.ds(ebase, ROWS)], idxb[s])
        for cp in in_copies(g, s):
            cp.start()

    def drain(g, s):
        for cp in in_copies(g, s):
            cp.wait()

    def out_copy(g, s):
        return pltpu.make_async_copy(
            ob[s], out_hbm.at[pl.ds(row0 + g * CB, CB)], outsem[s])

    def compute(g, s):
        xr = xb[s]
        ur = ub[s]
        orf = ob[s]
        cwv = [cw[pl.ds(16 * k, 16)] for k in range(4)]
        cb_vec = _bcast_lane(cwv[M // 16], M % 16)

        def brow(b, carry):
            rb = b * M
            acc0 = [jnp.zeros((16,), jnp.float32) for _ in range(4)]
            acc1 = [jnp.zeros((16,), jnp.float32) for _ in range(4)]
            for m in range(M):
                wv = _bcast_lane(cwv[m // 16], m % 16)
                r0 = xr[rb + m, pl.ds(0, 16)]
                r1 = xr[rb + m, pl.ds(16, 16)]
                acc0[m % 4] = acc0[m % 4] + wv * r0
                acc1[m % 4] = acc1[m % 4] + wv * r1
            drr0 = (acc0[0] + acc0[1]) + (acc0[2] + acc0[3]) + cb_vec
            drr1 = (acc1[0] + acc1[1]) + (acc1[2] + acc1[3]) + cb_vec
            ue0 = ur[b, pl.ds(0, 16)]
            ue1 = ur[b, pl.ds(16, 16)]
            orf[b, pl.ds(0, 16)] = ue0
            orf[b, pl.ds(16, 16)] = ue1
            orf[b, pl.ds(32, 16)] = ue0 * drr0
            orf[b, pl.ds(48, 16)] = ue1 * drr1
            orf[b, pl.ds(64, 16)] = drr0
            orf[b, pl.ds(80, 16)] = drr1
            return carry

        lax.fori_loop(0, CB, brow, 0)

    fire(0, 0)
    fire(1, 1)

    def outer(i, carry):
        for s in (0, 1):
            g = 2 * i + s

            @pl.when(g >= 2)
            def _():
                out_copy(g - 2, s).wait()

            drain(g, s)
            compute(g, s)
            out_copy(g, s).start()

            @pl.when(g + 2 < NCH)
            def _():
                fire(g + 2, s)
        return carry

    lax.fori_loop(0, NCH // 2, outer, 0)

    out_copy(NCH - 2, 0).wait()
    out_copy(NCH - 1, 1).wait()


def kernel(user, memory, user_table, item_table, conv_w, conv_b):
    mem_flat = _perm_rows(memory.astype(jnp.int32)).reshape(-1)
    user_i = _perm_rows(user.astype(jnp.int32))
    tab_i = _transpose_flat(item_table.T, 62).reshape(-1, 32)
    tab_u = _transpose_flat(user_table.T, 7).reshape(-1, 32)
    cw_pad = jnp.concatenate(
        [conv_w.astype(jnp.float32),
         jnp.reshape(conv_b, (1,)).astype(jnp.float32),
         jnp.zeros((13,), jnp.float32)])

    mesh = plsc.VectorSubcoreMesh(core_axis_name="c", subcore_axis_name="s")
    f = pl.kernel(
        _body,
        out_type=jax.ShapeDtypeStruct((B, 3 * D), jnp.float32),
        mesh=mesh,
        compiler_params=pltpu.CompilerParams(use_tc_tiling_on_sc=False),
        scratch_types=[
            pltpu.VMEM((ROWS,), jnp.int32),
            pltpu.VMEM((ROWS,), jnp.int32),
            pltpu.VMEM((ROWS, D), jnp.float32),
            pltpu.VMEM((ROWS, D), jnp.float32),
            pltpu.VMEM((CB, D), jnp.float32),
            pltpu.VMEM((CB, D), jnp.float32),
            pltpu.VMEM((CB, 3 * D), jnp.float32),
            pltpu.VMEM((CB, 3 * D), jnp.float32),
            pltpu.VMEM((RPW,), jnp.int32),
            pltpu.VMEM((64,), jnp.float32),
            pltpu.SemaphoreType.DMA,
            pltpu.SemaphoreType.DMA,
            pltpu.SemaphoreType.DMA,
            pltpu.SemaphoreType.DMA,
        ],
    )
    return f(user_i, mem_flat, tab_u, tab_i, cw_pad)

# --- scband reference (transcript-rebuilt; emitter-appended) ---
"""Pipeline reference for scband-state-repr-module-77438260347555 (READ-ONLY COPY).

The authoritative reference and input builder live on the scoring server;
editing this copy changes nothing except your own understanding.
"""

import jax, jax.numpy as jnp
import numpy as np

USER_NUM = 100000
ITEM_NUM = 1000000
EMBED_DIM = 32
MEMORY_SIZE = 50
BATCH = 16384


def setup_inputs(seed: int = 0) -> dict:
    key = jax.random.key(seed)
    k_user, k_mem, k_ut, k_it, k_w = jax.random.split(key, 5)
    user = jax.random.randint(k_user, (BATCH,), 0, USER_NUM, dtype=jnp.int64 if jax.config.jax_enable_x64 else jnp.int32)
    memory = jax.random.randint(k_mem, (BATCH, MEMORY_SIZE), 0, ITEM_NUM, dtype=jnp.int64 if jax.config.jax_enable_x64 else jnp.int32)
    user_table = jax.random.normal(k_ut, (USER_NUM, EMBED_DIM), dtype=jnp.float32)
    item_table = jax.random.normal(k_it, (ITEM_NUM + 1, EMBED_DIM), dtype=jnp.float32)
    # padding_idx = ITEM_NUM -> zero row, matching nn.Embedding(padding_idx=item_num)
    item_table = item_table.at[ITEM_NUM].set(0.0)
    # Conv1d(in=memory_size, out=1, kernel=1): weight [1, M, 1] init uniform, bias zero
    conv_w = jax.random.uniform(k_w, (MEMORY_SIZE,), dtype=jnp.float32)
    conv_b = jnp.zeros((), dtype=jnp.float32)
    return {"user": user, "memory": memory, "user_table": user_table, "item_table": item_table, "conv_w": conv_w, "conv_b": conv_b}


def reference(user, memory, user_table, item_table, conv_w, conv_b):
    user_embedding = jnp.take(user_table, user, axis=0)            # [B, D]
    item_embeddings = jnp.take(item_table, memory, axis=0)         # [B, M, D]
    # Conv1d kernel-size-1 over channel dim M collapsing to 1 channel == weighted sum over memory axis
    drr_ave = jnp.einsum('bmd,m->bd', item_embeddings, conv_w) + conv_b  # [B, D]
    return jnp.concatenate((user_embedding, user_embedding * drr_ave, drr_ave), axis=1)  # [B, 3D]

if __name__ == "__main__":
    import jax
    _d = setup_inputs()
    print(jax.jit(kernel)(*tuple(_d.values())))

</pallas_src>

<mosaic_0001>
#map = affine_map<(d0, d1) -> (0)>
#map1 = affine_map<(d0, d1) -> (0, 0)>
module attributes {stable_mosaic.version = 14 : i64} {
  func.func @_body(%arg0: i32, %arg1: i32, %arg2: memref<16384xi32, #tpu.memory_space<hbm>>, %arg3: memref<819200xi32, #tpu.memory_space<hbm>>, %arg4: memref<114688x32xf32, #tpu.memory_space<hbm>>, %arg5: memref<1015808x32xf32, #tpu.memory_space<hbm>>, %arg6: memref<64xf32, #tpu.memory_space<hbm>>, %arg7: memref<16384x96xf32, #tpu.memory_space<hbm>>, %arg8: memref<1600xi32, #tpu.memory_space<vmem>>, %arg9: memref<1600xi32, #tpu.memory_space<vmem>>, %arg10: memref<1600x32xf32, #tpu.memory_space<vmem>>, %arg11: memref<1600x32xf32, #tpu.memory_space<vmem>>, %arg12: memref<32x32xf32, #tpu.memory_space<vmem>>, %arg13: memref<32x32xf32, #tpu.memory_space<vmem>>, %arg14: memref<32x96xf32, #tpu.memory_space<vmem>>, %arg15: memref<32x96xf32, #tpu.memory_space<vmem>>, %arg16: memref<512xi32, #tpu.memory_space<vmem>>, %arg17: memref<64xf32, #tpu.memory_space<vmem>>, %arg18: memref<!tpu.dma_semaphore, #tpu.memory_space<semaphore_mem>>, %arg19: memref<!tpu.dma_semaphore, #tpu.memory_space<semaphore_mem>>, %arg20: memref<!tpu.dma_semaphore, #tpu.memory_space<semaphore_mem>>, %arg21: memref<!tpu.dma_semaphore, #tpu.memory_space<semaphore_mem>>) attributes {dimension_semantics = [#tpu.dimension_semantics<core_parallel>, #tpu.dimension_semantics<subcore_parallel>], iteration_bounds = array<i64: 2, 16>, scalar_prefetch = 0 : i64, scratch_operands = 14 : i64, tpu.core_type = #tpu.core_type<sc_vector_subcore>, window_params = [{transform_indices = #map}, {transform_indices = #map}, {transform_indices = #map1}, {transform_indices = #map1}, {transform_indices = #map}, {transform_indices = #map1}]} {
    %mul3A = arith.constant 2 : i32
    %mul3A_0 = arith.muli %arg1, %mul3A : i32
    %add3A = arith.addi %mul3A_0, %arg0 : i32
    %mul3A_1 = arith.constant 512 : i32
    %mul3A_2 = arith.muli %add3A, %mul3A_1 : i32
    "tpu.region"() ({
      %run_scoped3A = tpu.sem_alloc : memref<!tpu.dma_semaphore, #tpu.memory_space<semaphore_mem>>
      %dma_start3A_244 = tpu.memref_slice %arg2[%mul3A_2] : memref<16384xi32, #tpu.memory_space<hbm>> -> memref<512xi32, #tpu.memory_space<hbm>>
      %dma_start3A_245 = tpu.memref_slice %arg2[%mul3A_2] : memref<16384xi32, #tpu.memory_space<hbm>> -> memref<512xi32, #tpu.memory_space<hbm>>
      tpu.enqueue_dma source(%dma_start3A_245 : memref<512xi32, #tpu.memory_space<hbm>>) target(%arg16 : memref<512xi32, #tpu.memory_space<vmem>>) target_semaphore(%run_scoped3A : memref<!tpu.dma_semaphore, #tpu.memory_space<semaphore_mem>>)
      %dma_wait3A_246 = tpu.memref_slice %arg2[%mul3A_2] : memref<16384xi32, #tpu.memory_space<hbm>> -> memref<512xi32, #tpu.memory_space<hbm>>
      %dma_wait3A_247 = tpu.memref_slice %arg2[%mul3A_2] : memref<16384xi32, #tpu.memory_space<hbm>> -> memref<512xi32, #tpu.memory_space<hbm>>
      tpu.wait_dma2 semaphore(%run_scoped3A : memref<!tpu.dma_semaphore, #tpu.memory_space<semaphore_mem>>) src(%dma_wait3A_247 : memref<512xi32, #tpu.memory_space<hbm>>) dst(%arg16 : memref<512xi32, #tpu.memory_space<vmem>>)
      tpu.yield
    }) : () -> ()
    "tpu.region"() ({
      %run_scoped3A = tpu.sem_alloc : memref<!tpu.dma_semaphore, #tpu.memory_space<semaphore_mem>>
      tpu.enqueue_dma source(%arg6 : memref<64xf32, #tpu.memory_space<hbm>>) target(%arg17 : memref<64xf32, #tpu.memory_space<vmem>>) target_semaphore(%run_scoped3A : memref<!tpu.dma_semaphore, #tpu.memory_space<semaphore_mem>>)
      tpu.wait_dma2 semaphore(%run_scoped3A : memref<!tpu.dma_semaphore, #tpu.memory_space<semaphore_mem>>) src(%arg6 : memref<64xf32, #tpu.memory_space<hbm>>) dst(%arg17 : memref<64xf32, #tpu.memory_space<vmem>>)
      tpu.yield
    }) : () -> ()
    %mul3A_3 = arith.constant 50 : i32
    %mul3A_4 = arith.muli %mul3A_2, %mul3A_3 : i32
    %add3A_5 = arith.constant 0 : i32
    %add3A_6 = arith.addi %mul3A_4, %add3A_5 : i32
    "tpu.region"() ({
      %run_scoped3A = tpu.sem_alloc : memref<!tpu.dma_semaphore, #tpu.memory_space<semaphore_mem>>
      %dma_start3A_244 = tpu.memref_slice %arg3[%add3A_6] : memref<819200xi32, #tpu.memory_space<hbm>> -> memref<1600xi32, #tpu.memory_space<hbm>>
      %dma_start3A_245 = tpu.memref_slice %arg3[%add3A_6] : memref<819200xi32, #tpu.memory_space<hbm>> -> memref<1600xi32, #tpu.memory_space<hbm>>
      tpu.enqueue_dma source(%dma_start3A_245 : memref<1600xi32, #tpu.memory_space<hbm>>) target(%arg8 : memref<1600xi32, #tpu.memory_space<vmem>>) target_semaphore(%run_scoped3A : memref<!tpu.dma_semaphore, #tpu.memory_space<semaphore_mem>>)
      %dma_wait3A_246 = tpu.memref_slice %arg3[%add3A_6] : memref<819200xi32, #tpu.memory_space<hbm>> -> memref<1600xi32, #tpu.memory_space<hbm>>
      %dma_wait3A_247 = tpu.memref_slice %arg3[%add3A_6] : memref<819200xi32, #tpu.memory_space<hbm>> -> memref<1600xi32, #tpu.memory_space<hbm>>
      tpu.wait_dma2 semaphore(%run_scoped3A : memref<!tpu.dma_semaphore, #tpu.memory_space<semaphore_mem>>) src(%dma_wait3A_247 : memref<1600xi32, #tpu.memory_space<hbm>>) dst(%arg8 : memref<1600xi32, #tpu.memory_space<vmem>>)
      tpu.yield
    }) : () -> ()
    %dma_start3A = arith.constant 0 : i32
    %dma_start3A_7 = arith.constant 0 : i32
    %dma_start3A_8 = tpu.memref_slice %arg10[%dma_start3A, %dma_start3A_7] : memref<1600x32xf32, #tpu.memory_space<vmem>> -> memref<128x32xf32, #tpu.memory_space<vmem>>
    %dma_start3A_9 = arith.constant 0 : i32
    %dma_start3A_10 = tpu.memref_slice %arg8[%dma_start3A_9] : memref<1600xi32, #tpu.memory_space<vmem>> -> memref<128xi32, #tpu.memory_space<vmem>>
    %dma_start3A_11 = arith.constant 0 : i32
    %dma_start3A_12 = arith.constant 0 : i32
    %dma_start3A_13 = tpu.memref_slice %arg5[%dma_start3A_11, %dma_start3A_12] : memref<1015808x32xf32, #tpu.memory_space<hbm>> -> memref<1015808x32xf32, #tpu.memory_space<hbm>>
    tpu.enqueue_indirect_dma source(%dma_start3A_13 : memref<1015808x32xf32, #tpu.memory_space<hbm>>) target(%dma_start3A_8 : memref<128x32xf32, #tpu.memory_space<vmem>>) offsets(%dma_start3A_10 : memref<128xi32, #tpu.memory_space<vmem>>) semaphore(%arg18 : memref<!tpu.dma_semaphore, #tpu.memory_space<semaphore_mem>>)
    %dma_start3A_14 = arith.constant 128 : i32
    %dma_start3A_15 = arith.constant 0 : i32
    %dma_start3A_16 = tpu.memref_slice %arg10[%dma_start3A_14, %dma_start3A_15] : memref<1600x32xf32, #tpu.memory_space<vmem>> -> memref<128x32xf32, #tpu.memory_space<vmem>>
    %dma_start3A_17 = arith.constant 128 : i32
    %dma_start3A_18 = tpu.memref_slice %arg8[%dma_start3A_17] : memref<1600xi32, #tpu.memory_space<vmem>> -> memref<128xi32, #tpu.memory_space<vmem>>
    %dma_start3A_19 = arith.constant 0 : i32
    %dma_start3A_20 = arith.constant 0 : i32
    %dma_start3A_21 = tpu.memref_slice %arg5[%dma_start3A_19, %dma_start3A_20] : memref<1015808x32xf32, #tpu.memory_space<hbm>> -> memref<1015808x32xf32, #tpu.memory_space<hbm>>
    tpu.enqueue_indirect_dma source(%dma_start3A_21 : memref<1015808x32xf32, #tpu.memory_space<hbm>>) target(%dma_start3A_16 : memref<128x32xf32, #tpu.memory_space<vmem>>) offsets(%dma_start3A_18 : memref<128xi32, #tpu.memory_space<vmem>>) semaphore(%arg18 : memref<!tpu.dma_semaphore, #tpu.memory_space<semaphore_mem>>)
    %dma_start3A_22 = arith.constant 256 : i32
    %dma_start3A_23 = arith.constant 0 : i32
    %dma_start3A_24 = tpu.memref_slice %arg10[%dma_start3A_22, %dma_start3A_23] : memref<1600x32xf32, #tpu.memory_space<vmem>> -> memref<128x32xf32, #tpu.memory_space<vmem>>
    %dma_start3A_25 = arith.constant 256 : i32
    %dma_start3A_26 = tpu.memref_slice %arg8[%dma_start3A_25] : memref<1600xi32, #tpu.memory_space<vmem>> -> memref<128xi32, #tpu.memory_space<vmem>>
    %dma_start3A_27 = arith.constant 0 : i32
    %dma_start3A_28 = arith.constant 0 : i32
    %dma_start3A_29 = tpu.memref_slice %arg5[%dma_start3A_27, %dma_start3A_28] : memref<1015808x32xf32, #tpu.memory_space<hbm>> -> memref<1015808x32xf32, #tpu.memory_space<hbm>>
    tpu.enqueue_indirect_dma source(%dma_start3A_29 : memref<1015808x32xf32, #tpu.memory_space<hbm>>) target(%dma_start3A_24 : memref<128x32xf32, #tpu.memory_space<vmem>>) offsets(%dma_start3A_26 : memref<128xi32, #tpu.memory_space<vmem>>) semaphore(%arg18 : memref<!tpu.dma_semaphore, #tpu.memory_space<semaphore_mem>>)
    %dma_start3A_30 = arith.constant 384 : i32
    %dma_start3A_31 = arith.constant 0 : i32
    %dma_start3A_32 = tpu.memref_slice %arg10[%dma_start3A_30, %dma_start3A_31] : memref<1600x32xf32, #tpu.memory_space<vmem>> -> memref<128x32xf32, #tpu.memory_space<vmem>>
    %dma_start3A_33 = arith.constant 384 : i32
    %dma_start3A_34 = tpu.memref_slice %arg8[%dma_start3A_33] : memref<1600xi32, #tpu.memory_space<vmem>> -> memref<128xi32, #tpu.memory_space<vmem>>
    %dma_start3A_35 = arith.constant 0 : i32
    %dma_start3A_36 = arith.constant 0 : i32
    %dma_start3A_37 = tpu.memref_slice %arg5[%dma_start3A_35, %dma_start3A_36] : memref<1015808x32xf32, #tpu.memory_space<hbm>> -> memref<1015808x32xf32, #tpu.memory_space<hbm>>
    tpu.enqueue_indirect_dma source(%dma_start3A_37 : memref<1015808x32xf32, #tpu.memory_space<hbm>>) target(%dma_start3A_32 : memref<128x32xf32, #tpu.memory_space<vmem>>) offsets(%dma_start3A_34 : memref<128xi32, #tpu.memory_space<vmem>>) semaphore(%arg18 : memref<!tpu.dma_semaphore, #tpu.memory_space<semaphore_mem>>)
    %dma_start3A_38 = arith.constant 512 : i32
    %dma_start3A_39 = arith.constant 0 : i32
    %dma_start3A_40 = tpu.memref_slice %arg10[%dma_start3A_38, %dma_start3A_39] : memref<1600x32xf32, #tpu.memory_space<vmem>> -> memref<128x32xf32, #tpu.memory_space<vmem>>
    %dma_start3A_41 = arith.constant 512 : i32
    %dma_start3A_42 = tpu.memref_slice %arg8[%dma_start3A_41] : memref<1600xi32, #tpu.memory_space<vmem>> -> memref<128xi32, #tpu.memory_space<vmem>>
    %dma_start3A_43 = arith.constant 0 : i32
    %dma_start3A_44 = arith.constant 0 : i32
    %dma_start3A_45 = tpu.memref_slice %arg5[%dma_start3A_43, %dma_start3A_44] : memref<1015808x32xf32, #tpu.memory_space<hbm>> -> memref<1015808x32xf32, #tpu.memory_space<hbm>>
    tpu.enqueue_indirect_dma source(%dma_start3A_45 : memref<1015808x32xf32, #tpu.memory_space<hbm>>) target(%dma_start3A_40 : memref<128x32xf32, #tpu.memory_space<vmem>>) offsets(%dma_start3A_42 : memref<128xi32, #tpu.memory_space<vmem>>) semaphore(%arg18 : memref<!tpu.dma_semaphore, #tpu.memory_space<semaphore_mem>>)
    %dma_start3A_46 = arith.constant 640 : i32
    %dma_start3A_47 = arith.constant 0 : i32
    %dma_start3A_48 = tpu.memref_slice %arg10[%dma_start3A_46, %dma_start3A_47] : memref<1600x32xf32, #tpu.memory_space<vmem>> -> memref<128x32xf32, #tpu.memory_space<vmem>>
    %dma_start3A_49 = arith.constant 640 : i32
    %dma_start3A_50 = tpu.memref_slice %arg8[%dma_start3A_49] : memref<1600xi32, #tpu.memory_space<vmem>> -> memref<128xi32, #tpu.memory_space<vmem>>
    %dma_start3A_51 = arith.constant 0 : i32
    %dma_start3A_52 = arith.constant 0 : i32
    %dma_start3A_53 = tpu.memref_slice %arg5[%dma_start3A_51, %dma_start3A_52] : memref<1015808x32xf32, #tpu.memory_space<hbm>> -> memref<1015808x32xf32, #tpu.memory_space<hbm>>
    tpu.enqueue_indirect_dma source(%dma_start3A_53 : memref<1015808x32xf32, #tpu.memory_space<hbm>>) target(%dma_start3A_48 : memref<128x32xf32, #tpu.memory_space<vmem>>) offsets(%dma_start3A_50 : memref<128xi32, #tpu.memory_space<vmem>>) semaphore(%arg18 : memref<!tpu.dma_semaphore, #tpu.memory_space<semaphore_mem>>)
    %dma_start3A_54 = arith.constant 768 : i32
    %dma_start3A_55 = arith.constant 0 : i32
    %dma_start3A_56 = tpu.memref_slice %arg10[%dma_start3A_54, %dma_start3A_55] : memref<1600x32xf32, #tpu.memory_space<vmem>> -> memref<128x32xf32, #tpu.memory_space<vmem>>
    %dma_start3A_57 = arith.constant 768 : i32
    %dma_start3A_58 = tpu.memref_slice %arg8[%dma_start3A_57] : memref<1600xi32, #tpu.memory_space<vmem>> -> memref<128xi32, #tpu.memory_space<vmem>>
    %dma_start3A_59 = arith.constant 0 : i32
    %dma_start3A_60 = arith.constant 0 : i32
    %dma_start3A_61 = tpu.memref_slice %arg5[%dma_start3A_59, %dma_start3A_60] : memref<1015808x32xf32, #tpu.memory_space<hbm>> -> memref<1015808x32xf32, #tpu.memory_space<hbm>>
    tpu.enqueue_indirect_dma source(%dma_start3A_61 : memref<1015808x32xf32, #tpu.memory_space<hbm>>) target(%dma_start3A_56 : memref<128x32xf32, #tpu.memory_space<vmem>>) offsets(%dma_start3A_58 : memref<128xi32, #tpu.memory_space<vmem>>) semaphore(%arg18 : memref<!tpu.dma_semaphore, #tpu.memory_space<semaphore_mem>>)
    %dma_start3A_62 = arith.constant 896 : i32
    %dma_start3A_63 = arith.constant 0 : i32
    %dma_start3A_64 = tpu.memref_slice %arg10[%dma_start3A_62, %dma_start3A_63] : memref<1600x32xf32, #tpu.memory_space<vmem>> -> memref<128x32xf32, #tpu.memory_space<vmem>>
    %dma_start3A_65 = arith.constant 896 : i32
    %dma_start3A_66 = tpu.memref_slice %arg8[%dma_start3A_65] : memref<1600xi32, #tpu.memory_space<vmem>> -> memref<128xi32, #tpu.memory_space<vmem>>
    %dma_start3A_67 = arith.constant 0 : i32
    %dma_start3A_68 = arith.constant 0 : i32
    %dma_start3A_69 = tpu.memref_slice %arg5[%dma_start3A_67, %dma_start3A_68] : memref<1015808x32xf32, #tpu.memory_space<hbm>> -> memref<1015808x32xf32, #tpu.memory_space<hbm>>
    tpu.enqueue_indirect_dma source(%dma_start3A_69 : memref<1015808x32xf32, #tpu.memory_space<hbm>>) target(%dma_start3A_64 : memref<128x32xf32, #tpu.memory_space<vmem>>) offsets(%dma_start3A_66 : memref<128xi32, #tpu.memory_space<vmem>>) semaphore(%arg18 : memref<!tpu.dma_semaphore, #tpu.memory_space<semaphore_mem>>)
    %dma_start3A_70 = arith.constant 1024 : i32
    %dma_start3A_71 = arith.constant 0 : i32
    %dma_start3A_72 = tpu.memref_slice %arg10[%dma_start3A_70, %dma_start3A_71] : memref<1600x32xf32, #tpu.memory_space<vmem>> -> memref<128x32xf32, #tpu.memory_space<vmem>>
    %dma_start3A_73 = arith.constant 1024 : i32
    %dma_start3A_74 = tpu.memref_slice %arg8[%dma_start3A_73] : memref<1600xi32, #tpu.memory_space<vmem>> -> memref<128xi32, #tpu.memory_space<vmem>>
    %dma_start3A_75 = arith.constant 0 : i32
    %dma_start3A_76 = arith.constant 0 : i32
    %dma_start3A_77 = tpu.memref_slice %arg5[%dma_start3A_75, %dma_start3A_76] : memref<1015808x32xf32, #tpu.memory_space<hbm>> -> memref<1015808x32xf32, #tpu.memory_space<hbm>>
    tpu.enqueue_indirect_dma source(%dma_start3A_77 : memref<1015808x32xf32, #tpu.memory_space<hbm>>) target(%dma_start3A_72 : memref<128x32xf32, #tpu.memory_space<vmem>>) offsets(%dma_start3A_74 : memref<128xi32, #tpu.memory_space<vmem>>) semaphore(%arg18 : memref<!tpu.dma_semaphore, #tpu.memory_space<semaphore_mem>>)
    %dma_start3A_78 = arith.constant 1152 : i32
    %dma_start3A_79 = arith.constant 0 : i32
    %dma_start3A_80 = tpu.memref_slice %arg10[%dma_start3A_78, %dma_start3A_79] : memref<1600x32xf32, #tpu.memory_space<vmem>> -> memref<128x32xf32, #tpu.memory_space<vmem>>
    %dma_start3A_81 = arith.constant 1152 : i32
    %dma_start3A_82 = tpu.memref_slice %arg8[%dma_start3A_81] : memref<1600xi32, #tpu.memory_space<vmem>> -> memref<128xi32, #tpu.memory_space<vmem>>
    %dma_start3A_83 = arith.constant 0 : i32
    %dma_start3A_84 = arith.constant 0 : i32
    %dma_start3A_85 = tpu.memref_slice %arg5[%dma_start3A_83, %dma_start3A_84] : memref<1015808x32xf32, #tpu.memory_space<hbm>> -> memref<1015808x32xf32, #tpu.memory_space<hbm>>
    tpu.enqueue_indirect_dma source(%dma_start3A_85 : memref<1015808x32xf32, #tpu.memory_space<hbm>>) target(%dma_start3A_80 : memref<128x32xf32, #tpu.memory_space<vmem>>) offsets(%dma_start3A_82 : memref<128xi32, #tpu.memory_space<vmem>>) semaphore(%arg18 : memref<!tpu.dma_semaphore, #tpu.memory_space<semaphore_mem>>)
    %dma_start3A_86 = arith.constant 1280 : i32
    %dma_start3A_87 = arith.constant 0 : i32
    %dma_start3A_88 = tpu.memref_slice %arg10[%dma_start3A_86, %dma_start3A_87] : memref<1600x32xf32, #tpu.memory_space<vmem>> -> memref<128x32xf32, #tpu.memory_space<vmem>>
    %dma_start3A_89 = arith.constant 1280 : i32
    %dma_start3A_90 = tpu.memref_slice %arg8[%dma_start3A_89] : memref<1600xi32, #tpu.memory_space<vmem>> -> memref<128xi32, #tpu.memory_space<vmem>>
    %dma_start3A_91 = arith.constant 0 : i32
    %dma_start3A_92 = arith.constant 0 : i32
    %dma_start3A_93 = tpu.memref_slice %arg5[%dma_start3A_91, %dma_start3A_92] : memref<1015808x32xf32, #tpu.memory_space<hbm>> -> memref<1015808x32xf32, #tpu.memory_space<hbm>>
    tpu.enqueue_indirect_dma source(%dma_start3A_93 : memref<1015808x32xf32, #tpu.memory_space<hbm>>) target(%dma_start3A_88 : memref<128x32xf32, #tpu.memory_space<vmem>>) offsets(%dma_start3A_90 : memref<128xi32, #tpu.memory_space<vmem>>) semaphore(%arg18 : memref<!tpu.dma_semaphore, #tpu.memory_space<semaphore_mem>>)
    %dma_start3A_94 = arith.constant 1408 : i32
    %dma_start3A_95 = arith.constant 0 : i32
    %dma_start3A_96 = tpu.memref_slice %arg10[%dma_start3A_94, %dma_start3A_95] : memref<1600x32xf32, #tpu.memory_space<vmem>> -> memref<128x32xf32, #tpu.memory_space<vmem>>
    %dma_start3A_97 = arith.constant 1408 : i32
    %dma_start3A_98 = tpu.memref_slice %arg8[%dma_start3A_97] : memref<1600xi32, #tpu.memory_space<vmem>> -> memref<128xi32, #tpu.memory_space<vmem>>
    %dma_start3A_99 = arith.constant 0 : i32
    %dma_start3A_100 = arith.constant 0 : i32
    %dma_start3A_101 = tpu.memref_slice %arg5[%dma_start3A_99, %dma_start3A_100] : memref<1015808x32xf32, #tpu.memory_space<hbm>> -> memref<1015808x32xf32, #tpu.memory_space<hbm>>
    tpu.enqueue_indirect_dma source(%dma_start3A_101 : memref<1015808x32xf32, #tpu.memory_space<hbm>>) target(%dma_start3A_96 : memref<128x32xf32, #tpu.memory_space<vmem>>) offsets(%dma_start3A_98 : memref<128xi32, #tpu.memory_space<vmem>>) semaphore(%arg18 : memref<!tpu.dma_semaphore, #tpu.memory_space<semaphore_mem>>)
    %dma_start3A_102 = arith.constant 1536 : i32
    %dma_start3A_103 = arith.constant 0 : i32
    %dma_start3A_104 = tpu.memref_slice %arg10[%dma_start3A_102, %dma_start3A_103] : memref<1600x32xf32, #tpu.memory_space<vmem>> -> memref<64x32xf32, #tpu.memory_space<vmem>>
    %dma_start3A_105 = arith.constant 1536 : i32
    %dma_start3A_106 = tpu.memref_slice %arg8[%dma_start3A_105] : memref<1600xi32, #tpu.memory_space<vmem>> -> memref<64xi32, #tpu.memory_space<vmem>>
    %dma_start3A_107 = arith.constant 0 : i32
    %dma_start3A_108 = arith.constant 0 : i32
    %dma_start3A_109 = tpu.memref_slice %arg5[%dma_start3A_107, %dma_start3A_108] : memref<1015808x32xf32, #tpu.memory_space<hbm>> -> memref<1015808x32xf32, #tpu.memory_space<hbm>>
    tpu.enqueue_indirect_dma source(%dma_start3A_109 : memref<1015808x32xf32, #tpu.memory_space<hbm>>) target(%dma_start3A_104 : memref<64x32xf32, #tpu.memory_space<vmem>>) offsets(%dma_start3A_106 : memref<64xi32, #tpu.memory_space<vmem>>) semaphore(%arg18 : memref<!tpu.dma_semaphore, #tpu.memory_space<semaphore_mem>>)
    %dma_start3A_110 = arith.constant 0 : i32
    %dma_start3A_111 = tpu.memref_slice %arg16[%dma_start3A_110] : memref<512xi32, #tpu.memory_space<vmem>> -> memref<32xi32, #tpu.memory_space<vmem>>
    %dma_start3A_112 = arith.constant 0 : i32
    %dma_start3A_113 = arith.constant 0 : i32
    %dma_start3A_114 = tpu.memref_slice %arg4[%dma_start3A_112, %dma_start3A_113] : memref<114688x32xf32, #tpu.memory_space<hbm>> -> memref<114688x32xf32, #tpu.memory_space<hbm>>
    tpu.enqueue_indirect_dma source(%dma_start3A_114 : memref<114688x32xf32, #tpu.memory_space<hbm>>) target(%arg12 : memref<32x32xf32, #tpu.memory_space<vmem>>) offsets(%dma_start3A_111 : memref<32xi32, #tpu.memory_space<vmem>>) semaphore(%arg18 : memref<!tpu.dma_semaphore, #tpu.memory_space<semaphore_mem>>)
    %mul3A_115 = arith.constant 50 : i32
    %mul3A_116 = arith.muli %mul3A_2, %mul3A_115 : i32
    %add3A_117 = arith.constant 1600 : i32
    %add3A_118 = arith.addi %mul3A_116, %add3A_117 : i32
    "tpu.region"() ({
      %run_scoped3A = tpu.sem_alloc : memref<!tpu.dma_semaphore, #tpu.memory_space<semaphore_mem>>
      %dma_start3A_244 = tpu.memref_slice %arg3[%add3A_118] : memref<819200xi32, #tpu.memory_space<hbm>> -> memref<1600xi32, #tpu.memory_space<hbm>>
      %dma_start3A_245 = tpu.memref_slice %arg3[%add3A_118] : memref<819200xi32, #tpu.memory_space<hbm>> -> memref<1600xi32, #tpu.memory_space<hbm>>
      tpu.enqueue_dma source(%dma_start3A_245 : memref<1600xi32, #tpu.memory_space<hbm>>) target(%arg9 : memref<1600xi32, #tpu.memory_space<vmem>>) target_semaphore(%run_scoped3A : memref<!tpu.dma_semaphore, #tpu.memory_space<semaphore_mem>>)
      %dma_wait3A_246 = tpu.memref_slice %arg3[%add3A_118] : memref<819200xi32, #tpu.memory_space<hbm>> -> memref<1600xi32, #tpu.memory_space<hbm>>
      %dma_wait3A_247 = tpu.memref_slice %arg3[%add3A_118] : memref<819200xi32, #tpu.memory_space<hbm>> -> memref<1600xi32, #tpu.memory_space<hbm>>
      tpu.wait_dma2 semaphore(%run_scoped3A : memref<!tpu.dma_semaphore, #tpu.memory_space<semaphore_mem>>) src(%dma_wait3A_247 : memref<1600xi32, #tpu.memory_space<hbm>>) dst(%arg9 : memref<1600xi32, #tpu.memory_space<vmem>>)
      tpu.yield
    }) : () -> ()
    %dma_start3A_119 = arith.constant 0 : i32
    %dma_start3A_120 = arith.constant 0 : i32
    %dma_start3A_121 = tpu.memref_slice %arg11[%dma_start3A_119, %dma_start3A_120] : memref<1600x32xf32, #tpu.memory_space<vmem>> -> memref<128x32xf32, #tpu.memory_space<vmem>>
    %dma_start3A_122 = arith.constant 0 : i32
    %dma_start3A_123 = tpu.memref_slice %arg9[%dma_start3A_122] : memref<1600xi32, #tpu.memory_space<vmem>> -> memref<128xi32, #tpu.memory_space<vmem>>
    %dma_start3A_124 = arith.constant 0 : i32
    %dma_start3A_125 = arith.constant 0 : i32
    %dma_start3A_126 = tpu.memref_slice %arg5[%dma_start3A_124, %dma_start3A_125] : memref<1015808x32xf32, #tpu.memory_space<hbm>> -> memref<1015808x32xf32, #tpu.memory_space<hbm>>
    tpu.enqueue_indirect_dma source(%dma_start3A_126 : memref<1015808x32xf32, #tpu.memory_space<hbm>>) target(%dma_start3A_121 : memref<128x32xf32, #tpu.memory_space<vmem>>) offsets(%dma_start3A_123 : memref<128xi32, #tpu.memory_space<vmem>>) semaphore(%arg19 : memref<!tpu.dma_semaphore, #tpu.memory_space<semaphore_mem>>)
    %dma_start3A_127 = arith.constant 128 : i32
    %dma_start3A_128 = arith.constant 0 : i32
    %dma_start3A_129 = tpu.memref_slice %arg11[%dma_start3A_127, %dma_start3A_128] : memref<1600x32xf32, #tpu.memory_space<vmem>> -> memref<128x32xf32, #tpu.memory_space<vmem>>
    %dma_start3A_130 = arith.constant 128 : i32
    %dma_start3A_131 = tpu.memref_slice %arg9[%dma_start3A_130] : memref<1600xi32, #tpu.memory_space<vmem>> -> memref<128xi32, #tpu.memory_space<vmem>>
    %dma_start3A_132 = arith.constant 0 : i32
    %dma_start3A_133 = arith.constant 0 : i32
    %dma_start3A_134 = tpu.memref_slice %arg5[%dma_start3A_132, %dma_start3A_133] : memref<1015808x32xf32, #tpu.memory_space<hbm>> -> memref<1015808x32xf32, #tpu.memory_space<hbm>>
    tpu.enqueue_indirect_dma source(%dma_start3A_134 : memref<1015808x32xf32, #tpu.memory_space<hbm>>) target(%dma_start3A_129 : memref<128x32xf32, #tpu.memory_space<vmem>>) offsets(%dma_start3A_131 : memref<128xi32, #tpu.memory_space<vmem>>) semaphore(%arg19 : memref<!tpu.dma_semaphore, #tpu.memory_space<semaphore_mem>>)
    %dma_start3A_135 = arith.constant 256 : i32
    %dma_start3A_136 = arith.constant 0 : i32
    %dma_start3A_137 = tpu.memref_slice %arg11[%dma_start3A_135, %dma_start3A_136] : memref<1600x32xf32, #tpu.memory_space<vmem>> -> memref<128x32xf32, #tpu.memory_space<vmem>>
    %dma_start3A_138 = arith.constant 256 : i32
    %dma_start3A_139 = tpu.memref_slice %arg9[%dma_start3A_138] : memref<1600xi32, #tpu.memory_space<vmem>> -> memref<128xi32, #tpu.memory_space<vmem>>
    %dma_start3A_140 = arith.constant 0 : i32
    %dma_start3A_141 = arith.constant 0 : i32
    %dma_start3A_142 = tpu.memref_slice %arg5[%dma_start3A_140, %dma_start3A_141] : memref<1015808x32xf32, #tpu.memory_space<hbm>> -> memref<1015808x32xf32, #tpu.memory_space<hbm>>
    tpu.enqueue_indirect_dma source(%dma_start3A_142 : memref<1015808x32xf32, #tpu.memory_space<hbm>>) target(%dma_start3A_137 : memref<128x32xf32, #tpu.memory_space<vmem>>) offsets(%dma_start3A_139 : memref<128xi32, #tpu.memory_space<vmem>>) semaphore(%arg19 : memref<!tpu.dma_semaphore, #tpu.memory_space<semaphore_mem>>)
    %dma_start3A_143 = arith.constant 384 : i32
    %dma_start3A_144 = arith.constant 0 : i32
    %dma_start3A_145 = tpu.memref_slice %arg11[%dma_start3A_143, %dma_start3A_144] : memref<1600x32xf32, #tpu.memory_space<vmem>> -> memref<128x32xf32, #tpu.memory_space<vmem>>
    %dma_start3A_146 = arith.constant 384 : i32
    %dma_start3A_147 = tpu.memref_slice %arg9[%dma_start3A_146] : memref<1600xi32, #tpu.memory_space<vmem>> -> memref<128xi32, #tpu.memory_space<vmem>>
    %dma_start3A_148 = arith.constant 0 : i32
    %dma_start3A_149 = arith.constant 0 : i32
    %dma_start3A_150 = tpu.memref_slice %arg5[%dma_start3A_148, %dma_start3A_149] : memref<1015808x32xf32, #tpu.memory_space<hbm>> -> memref<1015808x32xf32, #tpu.memory_space<hbm>>
    tpu.enqueue_indirect_dma source(%dma_start3A_150 : memref<1015808x32xf32, #tpu.memory_space<hbm>>) target(%dma_start3A_145 : memref<128x32xf32, #tpu.memory_space<vmem>>) offsets(%dma_start3A_147 : memref<128xi32, #tpu.memory_space<vmem>>) semaphore(%arg19 : memref<!tpu.dma_semaphore, #tpu.memory_space<semaphore_mem>>)
    %dma_start3A_151 = arith.constant 512 : i32
    %dma_start3A_152 = arith.constant 0 : i32
    %dma_start3A_153 = tpu.memref_slice %arg11[%dma_start3A_151, %dma_start3A_152] : memref<1600x32xf32, #tpu.memory_space<vmem>> -> memref<128x32xf32, #tpu.memory_space<vmem>>
    %dma_start3A_154 = arith.constant 512 : i32
    %dma_start3A_155 = tpu.memref_slice %arg9[%dma_start3A_154] : memref<1600xi32, #tpu.memory_space<vmem>> -> memref<128xi32, #tpu.memory_space<vmem>>
    %dma_start3A_156 = arith.constant 0 : i32
    %dma_start3A_157 = arith.constant 0 : i32
    %dma_start3A_158 = tpu.memref_slice %arg5[%dma_start3A_156, %dma_start3A_157] : memref<1015808x32xf32, #tpu.memory_space<hbm>> -> memref<1015808x32xf32, #tpu.memory_space<hbm>>
    tpu.enqueue_indirect_dma source(%dma_start3A_158 : memref<1015808x32xf32, #tpu.memory_space<hbm>>) target(%dma_start3A_153 : memref<128x32xf32, #tpu.memory_space<vmem>>) offsets(%dma_start3A_155 : memref<128xi32, #tpu.memory_space<vmem>>) semaphore(%arg19 : memref<!tpu.dma_semaphore, #tpu.memory_space<semaphore_mem>>)
    %dma_start3A_159 = arith.constant 640 : i32
    %dma_start3A_160 = arith.constant 0 : i32
    %dma_start3A_161 = tpu.memref_slice %arg11[%dma_start3A_159, %dma_start3A_160] : memref<1600x32xf32, #tpu.memory_space<vmem>> -> memref<128x32xf32, #tpu.memory_space<vmem>>
    %dma_start3A_162 = arith.constant 640 : i32
    %dma_start3A_163 = tpu.memref_slice %arg9[%dma_start3A_162] : memref<1600xi32, #tpu.memory_space<vmem>> -> memref<128xi32, #tpu.memory_space<vmem>>
    %dma_start3A_164 = arith.constant 0 : i32
    %dma_start3A_165 = arith.constant 0 : i32
    %dma_start3A_166 = tpu.memref_slice %arg5[%dma_start3A_164, %dma_start3A_165] : memref<1015808x32xf32, #tpu.memory_space<hbm>> -> memref<1015808x32xf32, #tpu.memory_space<hbm>>
    tpu.enqueue_indirect_dma source(%dma_start3A_166 : memref<1015808x32xf32, #tpu.memory_space<hbm>>) target(%dma_start3A_161 : memref<128x32xf32, #tpu.memory_space<vmem>>) offsets(%dma_start3A_163 : memref<128xi32, #tpu.memory_space<vmem>>) semaphore(%arg19 : memref<!tpu.dma_semaphore, #tpu.memory_space<semaphore_mem>>)
    %dma_start3A_167 = arith.constant 768 : i32
    %dma_start3A_168 = arith.constant 0 : i32
    %dma_start3A_169 = tpu.memref_slice %arg11[%dma_start3A_167, %dma_start3A_168] : memref<1600x32xf32, #tpu.memory_space<vmem>> -> memref<128x32xf32, #tpu.memory_space<vmem>>
    %dma_start3A_170 = arith.constant 768 : i32
    %dma_start3A_171 = tpu.memref_slice %arg9[%dma_start3A_170] : memref<1600xi32, #tpu.memory_space<vmem>> -> memref<128xi32, #tpu.memory_space<vmem>>
    %dma_start3A_172 = arith.constant 0 : i32
    %dma_start3A_173 = arith.constant 0 : i32
    %dma_start3A_174 = tpu.memref_slice %arg5[%dma_start3A_172, %dma_start3A_173] : memref<1015808x32xf32, #tpu.memory_space<hbm>> -> memref<1015808x32xf32, #tpu.memory_space<hbm>>
    tpu.enqueue_indirect_dma source(%dma_start3A_174 : memref<1015808x32xf32, #tpu.memory_space<hbm>>) target(%dma_start3A_169 : memref<128x32xf32, #tpu.memory_space<vmem>>) offsets(%dma_start3A_171 : memref<128xi32, #tpu.memory_space<vmem>>) semaphore(%arg19 : memref<!tpu.dma_semaphore, #tpu.memory_space<semaphore_mem>>)
    %dma_start3A_175 = arith.constant 896 : i32
    %dma_start3A_176 = arith.constant 0 : i32
    %dma_start3A_177 = tpu.memref_slice %arg11[%dma_start3A_175, %dma_start3A_176] : memref<1600x32xf32, #tpu.memory_space<vmem>> -> memref<128x32xf32, #tpu.memory_space<vmem>>
    %dma_start3A_178 = arith.constant 896 : i32
    %dma_start3A_179 = tpu.memref_slice %arg9[%dma_start3A_178] : memref<1600xi32, #tpu.memory_space<vmem>> -> memref<128xi32, #tpu.memory_space<vmem>>
    %dma_start3A_180 = arith.constant 0 : i32
    %dma_start3A_181 = arith.constant 0 : i32
    %dma_start3A_182 = tpu.memref_slice %arg5[%dma_start3A_180, %dma_start3A_181] : memref<1015808x32xf32, #tpu.memory_space<hbm>> -> memref<1015808x32xf32, #tpu.memory_space<hbm>>
    tpu.enqueue_indirect_dma source(%dma_start3A_182 : memref<1015808x32xf32, #tpu.memory_space<hbm>>) target(%dma_start3A_177 : memref<128x32xf32, #tpu.memory_space<vmem>>) offsets(%dma_start3A_179 : memref<128xi32, #tpu.memory_space<vmem>>) semaphore(%arg19 : memref<!tpu.dma_semaphore, #tpu.memory_space<semaphore_mem>>)
    %dma_start3A_183 = arith.constant 1024 : i32
    %dma_start3A_184 = arith.constant 0 : i32
    %dma_start3A_185 = tpu.memref_slice %arg11[%dma_start3A_183, %dma_start3A_184] : memref<1600x32xf32, #tpu.memory_space<vmem>> -> memref<128x32xf32, #tpu.memory_space<vmem>>
    %dma_start3A_186 = arith.constant 1024 : i32
    %dma_start3A_187 = tpu.memref_slice %arg9[%dma_start3A_186] : memref<1600xi32, #tpu.memory_space<vmem>> -> memref<128xi32, #tpu.memory_space<vmem>>
    %dma_start3A_188 = arith.constant 0 : i32
    %dma_start3A_189 = arith.constant 0 : i32
    %dma_start3A_190 = tpu.memref_slice %arg5[%dma_start3A_188, %dma_start3A_189] : memref<1015808x32xf32, #tpu.memory_space<hbm>> -> memref<1015808x32xf32, #tpu.memory_space<hbm>>
    tpu.enqueue_indirect_dma source(%dma_start3A_190 : memref<1015808x32xf32, #tpu.memory_space<hbm>>) target(%dma_start3A_185 : memref<128x32xf32, #tpu.memory_space<vmem>>) offsets(%dma_start3A_187 : memref<128xi32, #tpu.memory_space<vmem>>) semaphore(%arg19 : memref<!tpu.dma_semaphore, #tpu.memory_space<semaphore_mem>>)
    %dma_start3A_191 = arith.constant 1152 : i32
    %dma_start3A_192 = arith.constant 0 : i32
    %dma_start3A_193 = tpu.memref_slice %arg11[%dma_start3A_191, %dma_start3A_192] : memref<1600x32xf32, #tpu.memory_space<vmem>> -> memref<128x32xf32, #tpu.memory_space<vmem>>
    %dma_start3A_194 = arith.constant 1152 : i32
    %dma_start3A_195 = tpu.memref_slice %arg9[%dma_start3A_194] : memref<1600xi32, #tpu.memory_space<vmem>> -> memref<128xi32, #tpu.memory_space<vmem>>
    %dma_start3A_196 = arith.constant 0 : i32
    %dma_start3A_197 = arith.constant 0 : i32
    %dma_start3A_198 = tpu.memref_slice %arg5[%dma_start3A_196, %dma_start3A_197] : memref<1015808x32xf32, #tpu.memory_space<hbm>> -> memref<1015808x32xf32, #tpu.memory_space<hbm>>
    tpu.enqueue_indirect_dma source(%dma_start3A_198 : memref<1015808x32xf32, #tpu.memory_space<hbm>>) target(%dma_start3A_193 : memref<128x32xf32, #tpu.memory_space<vmem>>) offsets(%dma_start3A_195 : memref<128xi32, #tpu.memory_space<vmem>>) semaphore(%arg19 : memref<!tpu.dma_semaphore, #tpu.memory_space<semaphore_mem>>)
    %dma_start3A_199 = arith.constant 1280 : i32
    %dma_start3A_200 = arith.constant 0 : i32
    %dma_start3A_201 = tpu.memref_slice %arg11[%dma_start3A_199, %dma_start3A_200] : memref<1600x32xf32, #tpu.memory_space<vmem>> -> memref<128x32xf32, #tpu.memory_space<vmem>>
    %dma_start3A_202 = arith.constant 1280 : i32
    %dma_start3A_203 = tpu.memref_slice %arg9[%dma_start3A_202] : memref<1600xi32, #tpu.memory_space<vmem>> -> memref<128xi32, #tpu.memory_space<vmem>>
    %dma_start3A_204 = arith.constant 0 : i32
    %dma_start3A_205 = arith.constant 0 : i32
    %dma_start3A_206 = tpu.memref_slice %arg5[%dma_start3A_204, %dma_start3A_205] : memref<1015808x32xf32, #tpu.memory_space<hbm>> -> memref<1015808x32xf32, #tpu.memory_space<hbm>>
    tpu.enqueue_indirect_dma source(%dma_start3A_206 : memref<1015808x32xf32, #tpu.memory_space<hbm>>) target(%dma_start3A_201 : memref<128x32xf32, #tpu.memory_space<vmem>>) offsets(%dma_start3A_203 : memref<128xi32, #tpu.memory_space<vmem>>) semaphore(%arg19 : memref<!tpu.dma_semaphore, #tpu.memory_space<semaphore_mem>>)
    %dma_start3A_207 = arith.constant 1408 : i32
    %dma_start3A_208 = arith.constant 0 : i32
    %dma_start3A_209 = tpu.memref_slice %arg11[%dma_start3A_207, %dma_start3A_208] : memref<1600x32xf32, #tpu.memory_space<vmem>> -> memref<128x32xf32, #tpu.memory_space<vmem>>
    %dma_start3A_210 = arith.constant 1408 : i32
    %dma_start3A_211 = tpu.memref_slice %arg9[%dma_start3A_210] : memref<1600xi32, #tpu.memory_space<vmem>> -> memref<128xi32, #tpu.memory_space<vmem>>
    %dma_start3A_212 = arith.constant 0 : i32
    %dma_start3A_213 = arith.constant 0 : i32
    %dma_start3A_214 = tpu.memref_slice %arg5[%dma_start3A_212, %dma_start3A_213] : memref<1015808x32xf32, #tpu.memory_space<hbm>> -> memref<1015808x32xf32, #tpu.memory_space<hbm>>
    tpu.enqueue_indirect_dma source(%dma_start3A_214 : memref<1015808x32xf32, #tpu.memory_space<hbm>>) target(%dma_start3A_209 : memref<128x32xf32, #tpu.memory_space<vmem>>) offsets(%dma_start3A_211 : memref<128xi32, #tpu.memory_space<vmem>>) semaphore(%arg19 : memref<!tpu.dma_semaphore, #tpu.memory_space<semaphore_mem>>)
    %dma_start3A_215 = arith.constant 1536 : i32
    %dma_start3A_216 = arith.constant 0 : i32
    %dma_start3A_217 = tpu.memref_slice %arg11[%dma_start3A_215, %dma_start3A_216] : memref<1600x32xf32, #tpu.memory_space<vmem>> -> memref<64x32xf32, #tpu.memory_space<vmem>>
    %dma_start3A_218 = arith.constant 1536 : i32
    %dma_start3A_219 = tpu.memref_slice %arg9[%dma_start3A_218] : memref<1600xi32, #tpu.memory_space<vmem>> -> memref<64xi32, #tpu.memory_space<vmem>>
    %dma_start3A_220 = arith.constant 0 : i32
    %dma_start3A_221 = arith.constant 0 : i32
    %dma_start3A_222 = tpu.memref_slice %arg5[%dma_start3A_220, %dma_start3A_221] : memref<1015808x32xf32, #tpu.memory_space<hbm>> -> memref<1015808x32xf32, #tpu.memory_space<hbm>>
    tpu.enqueue_indirect_dma source(%dma_start3A_222 : memref<1015808x32xf32, #tpu.memory_space<hbm>>) target(%dma_start3A_217 : memref<64x32xf32, #tpu.memory_space<vmem>>) offsets(%dma_start3A_219 : memref<64xi32, #tpu.memory_space<vmem>>) semaphore(%arg19 : memref<!tpu.dma_semaphore, #tpu.memory_space<semaphore_mem>>)
    %dma_start3A_223 = arith.constant 32 : i32
    %dma_start3A_224 = tpu.memref_slice %arg16[%dma_start3A_223] : memref<512xi32, #tpu.memory_space<vmem>> -> memref<32xi32, #tpu.memory_space<vmem>>
    %dma_start3A_225 = arith.constant 0 : i32
    %dma_start3A_226 = arith.constant 0 : i32
    %dma_start3A_227 = tpu.memref_slice %arg4[%dma_start3A_225, %dma_start3A_226] : memref<114688x32xf32, #tpu.memory_space<hbm>> -> memref<114688x32xf32, #tpu.memory_space<hbm>>
    tpu.enqueue_indirect_dma source(%dma_start3A_227 : memref<114688x32xf32, #tpu.memory_space<hbm>>) target(%arg13 : memref<32x32xf32, #tpu.memory_space<vmem>>) offsets(%dma_start3A_224 : memref<32xi32, #tpu.memory_space<vmem>>) semaphore(%arg19 : memref<!tpu.dma_semaphore, #tpu.memory_space<semaphore_mem>>)
    %scan3A = arith.constant 0 : i32
    %scan3A_228 = arith.constant 0 : i32
    %scan3A_229 = arith.constant 8 : i32
    %scan3A_230 = arith.addi %scan3A_228, %scan3A_229 : i32
    %scan3A_231 = arith.constant 1 : i32
    scf.for %scan3A_244 = %scan3A_228 to %scan3A_230 step %scan3A_231  : i32 {
      %mul3A_245 = arith.constant 2 : i32
      %mul3A_246 = arith.muli %mul3A_245, %scan3A_244 : i32
      %add3A_247 = arith.constant 0 : i32
      %add3A_248 = arith.addi %mul3A_246, %add3A_247 : i32
      %ge3A = arith.constant 2 : i32
      %ge3A_249 = arith.cmpi sge, %add3A_248, %ge3A : i32
      %convert_element_type3A = arith.extui %ge3A_249 : i1 to i32
      %cond3A = arith.constant 0 : i32
      %cond3A_250 = arith.cmpi ne, %convert_element_type3A, %cond3A : i32
      scf.if %cond3A_250 {
        %sub3A = arith.constant 2 : i32
        %sub3A_548 = arith.subi %add3A_248, %sub3A : i32
        %mul3A_549 = arith.constant 32 : i32
        %mul3A_550 = arith.muli %sub3A_548, %mul3A_549 : i32
        %add3A_551 = arith.addi %mul3A_2, %mul3A_550 : i32
        %dma_wait3A_552 = arith.constant 0 : i32
        %dma_wait3A_553 = tpu.memref_slice %arg7[%add3A_551, %dma_wait3A_552] : memref<16384x96xf32, #tpu.memory_space<hbm>> -> memref<32x96xf32, #tpu.memory_space<hbm>>
        %dma_wait3A_554 = arith.constant 0 : i32
        %dma_wait3A_555 = tpu.memref_slice %arg7[%add3A_551, %dma_wait3A_554] : memref<16384x96xf32, #tpu.memory_space<hbm>> -> memref<32x96xf32, #tpu.memory_space<hbm>>
        tpu.wait_dma2 semaphore(%arg20 : memref<!tpu.dma_semaphore, #tpu.memory_space<semaphore_mem>>) src(%arg14 : memref<32x96xf32, #tpu.memory_space<vmem>>) dst(%dma_wait3A_555 : memref<32x96xf32, #tpu.memory_space<hbm>>)
      } else {
      }
      %mul3A_251 = arith.constant 32 : i32
      %mul3A_252 = arith.muli %add3A_248, %mul3A_251 : i32
      %dma_wait3A_253 = arith.constant 0 : i32
      %dma_wait3A_254 = arith.constant 0 : i32
      %dma_wait3A_255 = tpu.memref_slice %arg10[%dma_wait3A_253, %dma_wait3A_254] : memref<1600x32xf32, #tpu.memory_space<vmem>> -> memref<128x32xf32, #tpu.memory_space<vmem>>
      %dma_wait3A_256 = arith.constant 0 : i32
      %dma_wait3A_257 = tpu.memref_slice %arg8[%dma_wait3A_256] : memref<1600xi32, #tpu.memory_space<vmem>> -> memref<128xi32, #tpu.memory_space<vmem>>
      %dma_wait3A_258 = arith.constant 0 : i32
      %dma_wait3A_259 = arith.constant 0 : i32
      %dma_wait3A_260 = tpu.memref_slice %arg5[%dma_wait3A_258, %dma_wait3A_259] : memref<1015808x32xf32, #tpu.memory_space<hbm>> -> memref<1015808x32xf32, #tpu.memory_space<hbm>>
      tpu.wait_indirect_dma semaphore(%arg18 : memref<!tpu.dma_semaphore, #tpu.memory_space<semaphore_mem>>) src(%dma_wait3A_260 : memref<1015808x32xf32, #tpu.memory_space<hbm>>) dst(%dma_wait3A_255 : memref<128x32xf32, #tpu.memory_space<vmem>>)
      %dma_wait3A_261 = arith.constant 128 : i32
      %dma_wait3A_262 = arith.constant 0 : i32
      %dma_wait3A_263 = tpu.memref_slice %arg10[%dma_wait3A_261, %dma_wait3A_262] : memref<1600x32xf32, #tpu.memory_space<vmem>> -> memref<128x32xf32, #tpu.memory_space<vmem>>
      %dma_wait3A_264 = arith.constant 128 : i32
      %dma_wait3A_265 = tpu.memref_slice %arg8[%dma_wait3A_264] : memref<1600xi32, #tpu.memory_space<vmem>> -> memref<128xi32, #tpu.memory_space<vmem>>
      %dma_wait3A_266 = arith.constant 0 : i32
      %dma_wait3A_267 = arith.constant 0 : i32
      %dma_wait3A_268 = tpu.memref_slice %arg5[%dma_wait3A_266, %dma_wait3A_267] : memref<1015808x32xf32, #tpu.memory_space<hbm>> -> memref<1015808x32xf32, #tpu.memory_space<hbm>>
      tpu.wait_indirect_dma semaphore(%arg18 : memref<!tpu.dma_semaphore, #tpu.memory_space<semaphore_mem>>) src(%dma_wait3A_268 : memref<1015808x32xf32, #tpu.memory_space<hbm>>) dst(%dma_wait3A_263 : memref<128x32xf32, #tpu.memory_space<vmem>>)
      %dma_wait3A_269 = arith.constant 256 : i32
      %dma_wait3A_270 = arith.constant 0 : i32
      %dma_wait3A_271 = tpu.memref_slice %arg10[%dma_wait3A_269, %dma_wait3A_270] : memref<1600x32xf32, #tpu.memory_space<vmem>> -> memref<128x32xf32, #tpu.memory_space<vmem>>
      %dma_wait3A_272 = arith.constant 256 : i32
      %dma_wait3A_273 = tpu.memref_slice %arg8[%dma_wait3A_272] : memref<1600xi32, #tpu.memory_space<vmem>> -> memref<128xi32, #tpu.memory_space<vmem>>
      %dma_wait3A_274 = arith.constant 0 : i32
      %dma_wait3A_275 = arith.constant 0 : i32
      %dma_wait3A_276 = tpu.memref_slice %arg5[%dma_wait3A_274, %dma_wait3A_275] : memref<1015808x32xf32, #tpu.memory_space<hbm>> -> memref<1015808x32xf32, #tpu.memory_space<hbm>>
      tpu.wait_indirect_dma semaphore(%arg18 : memref<!tpu.dma_semaphore, #tpu.memory_space<semaphore_mem>>) src(%dma_wait3A_276 : memref<1015808x32xf32, #tpu.memory_space<hbm>>) dst(%dma_wait3A_271 : memref<128x32xf32, #tpu.memory_space<vmem>>)
      %dma_wait3A_277 = arith.constant 384 : i32
      %dma_wait3A_278 = arith.constant 0 : i32
      %dma_wait3A_279 = tpu.memref_slice %arg10[%dma_wait3A_277, %dma_wait3A_278] : memref<1600x32xf32, #tpu.memory_space<vmem>> -> memref<128x32xf32, #tpu.memory_space<vmem>>
      %dma_wait3A_280 = arith.constant 384 : i32
      %dma_wait3A_281 = tpu.memref_slice %arg8[%dma_wait3A_280] : memref<1600xi32, #tpu.memory_space<vmem>> -> memref<128xi32, #tpu.memory_space<vmem>>
      %dma_wait3A_282 = arith.constant 0 : i32
      %dma_wait3A_283 = arith.constant 0 : i32
      %dma_wait3A_284 = tpu.memref_slice %arg5[%dma_wait3A_282, %dma_wait3A_283] : memref<1015808x32xf32, #tpu.memory_space<hbm>> -> memref<1015808x32xf32, #tpu.memory_space<hbm>>
      tpu.wait_indirect_dma semaphore(%arg18 : memref<!tpu.dma_semaphore, #tpu.memory_space<semaphore_mem>>) src(%dma_wait3A_284 : memref<1015808x32xf32, #tpu.memory_space<hbm>>) dst(%dma_wait3A_279 : memref<128x32xf32, #tpu.memory_space<vmem>>)
      %dma_wait3A_285 = arith.constant 512 : i32
      %dma_wait3A_286 = arith.constant 0 : i32
      %dma_wait3A_287 = tpu.memref_slice %arg10[%dma_wait3A_285, %dma_wait3A_286] : memref<1600x32xf32, #tpu.memory_space<vmem>> -> memref<128x32xf32, #tpu.memory_space<vmem>>
      %dma_wait3A_288 = arith.constant 512 : i32
      %dma_wait3A_289 = tpu.memref_slice %arg8[%dma_wait3A_288] : memref<1600xi32, #tpu.memory_space<vmem>> -> memref<128xi32, #tpu.memory_space<vmem>>
      %dma_wait3A_290 = arith.constant 0 : i32
      %dma_wait3A_291 = arith.constant 0 : i32
      %dma_wait3A_292 = tpu.memref_slice %arg5[%dma_wait3A_290, %dma_wait3A_291] : memref<1015808x32xf32, #tpu.memory_space<hbm>> -> memref<1015808x32xf32, #tpu.memory_space<hbm>>
      tpu.wait_indirect_dma semaphore(%arg18 : memref<!tpu.dma_semaphore, #tpu.memory_space<semaphore_mem>>) src(%dma_wait3A_292 : memref<1015808x32xf32, #tpu.memory_space<hbm>>) dst(%dma_wait3A_287 : memref<128x32xf32, #tpu.memory_space<vmem>>)
      %dma_wait3A_293 = arith.constant 640 : i32
      %dma_wait3A_294 = arith.constant 0 : i32
      %dma_wait3A_295 = tpu.memref_slice %arg10[%dma_wait3A_293, %dma_wait3A_294] : memref<1600x32xf32, #tpu.memory_space<vmem>> -> memref<128x32xf32, #tpu.memory_space<vmem>>
      %dma_wait3A_296 = arith.constant 640 : i32
      %dma_wait3A_297 = tpu.memref_slice %arg8[%dma_wait3A_296] : memref<1600xi32, #tpu.memory_space<vmem>> -> memref<128xi32, #tpu.memory_space<vmem>>
      %dma_wait3A_298 = arith.constant 0 : i32
      %dma_wait3A_299 = arith.constant 0 : i32
      %dma_wait3A_300 = tpu.memref_slice %arg5[%dma_wait3A_298, %dma_wait3A_299] : memref<1015808x32xf32, #tpu.memory_space<hbm>> -> memref<1015808x32xf32, #tpu.memory_space<hbm>>
      tpu.wait_indirect_dma semaphore(%arg18 : memref<!tpu.dma_semaphore, #tpu.memory_space<semaphore_mem>>) src(%dma_wait3A_300 : memref<1015808x32xf32, #tpu.memory_space<hbm>>) dst(%dma_wait3A_295 : memref<128x32xf32, #tpu.memory_space<vmem>>)
      %dma_wait3A_301 = arith.constant 768 : i32
      %dma_wait3A_302 = arith.constant 0 : i32
      %dma_wait3A_303 = tpu.memref_slice %arg10[%dma_wait3A_301, %dma_wait3A_302] : memref<1600x32xf32, #tpu.memory_space<vmem>> -> memref<128x32xf32, #tpu.memory_space<vmem>>
      %dma_wait3A_304 = arith.constant 768 : i32
      %dma_wait3A_305 = tpu.memref_slice %arg8[%dma_wait3A_304] : memref<1600xi32, #tpu.memory_space<vmem>> -> memref<128xi32, #tpu.memory_space<vmem>>
      %dma_wait3A_306 = arith.constant 0 : i32
      %dma_wait3A_307 = arith.constant 0 : i32
      %dma_wait3A_308 = tpu.memref_slice %arg5[%dma_wait3A_306, %dma_wait3A_307] : memref<1015808x32xf32, #tpu.memory_space<hbm>> -> memref<1015808x32xf32, #tpu.memory_space<hbm>>
      tpu.wait_indirect_dma semaphore(%arg18 : memref<!tpu.dma_semaphore, #tpu.memory_space<semaphore_mem>>) src(%dma_wait3A_308 : memref<1015808x32xf32, #tpu.memory_space<hbm>>) dst(%dma_wait3A_303 : memref<128x32xf32, #tpu.memory_space<vmem>>)
      %dma_wait3A_309 = arith.constant 896 : i32
      %dma_wait3A_310 = arith.constant 0 : i32
      %dma_wait3A_311 = tpu.memref_slice %arg10[%dma_wait3A_309, %dma_wait3A_310] : memref<1600x32xf32, #tpu.memory_space<vmem>> -> memref<128x32xf32, #tpu.memory_space<vmem>>
      %dma_wait3A_312 = arith.constant 896 : i32
      %dma_wait3A_313 = tpu.memref_slice %arg8[%dma_wait3A_312] : memref<1600xi32, #tpu.memory_space<vmem>> -> memref<128xi32, #tpu.memory_space<vmem>>
      %dma_wait3A_314 = arith.constant 0 : i32
      %dma_wait3A_315 = arith.constant 0 : i32
      %dma_wait3A_316 = tpu.memref_slice %arg5[%dma_wait3A_314, %dma_wait3A_315] : memref<1015808x32xf32, #tpu.memory_space<hbm>> -> memref<1015808x32xf32, #tpu.memory_space<hbm>>
      tpu.wait_indirect_dma semaphore(%arg18 : memref<!tpu.dma_semaphore, #tpu.memory_space<semaphore_mem>>) src(%dma_wait3A_316 : memref<1015808x32xf32, #tpu.memory_space<hbm>>) dst(%dma_wait3A_311 : memref<128x32xf32, #tpu.memory_space<vmem>>)
      %dma_wait3A_317 = arith.constant 1024 : i32
      %dma_wait3A_318 = arith.constant 0 : i32
      %dma_wait3A_319 = tpu.memref_slice %arg10[%dma_wait3A_317, %dma_wait3A_318] : memref<1600x32xf32, #tpu.memory_space<vmem>> -> memref<128x32xf32, #tpu.memory_space<vmem>>
      %dma_wait3A_320 = arith.constant 1024 : i32
      %dma_wait3A_321 = tpu.memref_slice %arg8[%dma_wait3A_320] : memref<1600xi32, #tpu.memory_space<vmem>> -> memref<128xi32, #tpu.memory_space<vmem>>
      %dma_wait3A_322 = arith.constant 0 : i32
      %dma_wait3A_323 = arith.constant 0 : i32
      %dma_wait3A_324 = tpu.memref_slice %arg5[%dma_wait3A_322, %dma_wait3A_323] : memref<1015808x32xf32, #tpu.memory_space<hbm>> -> memref<1015808x32xf32, #tpu.memory_space<hbm>>
      tpu.wait_indirect_dma semaphore(%arg18 : memref<!tpu.dma_semaphore, #tpu.memory_space<semaphore_mem>>) src(%dma_wait3A_324 : memref<1015808x32xf32, #tpu.memory_space<hbm>>) dst(%dma_wait3A_319 : memref<128x32xf32, #tpu.memory_space<vmem>>)
      %dma_wait3A_325 = arith.constant 1152 : i32
      %dma_wait3A_326 = arith.constant 0 : i32
      %dma_wait3A_327 = tpu.memref_slice %arg10[%dma_wait3A_325, %dma_wait3A_326] : memref<1600x32xf32, #tpu.memory_space<vmem>> -> memref<128x32xf32, #tpu.memory_space<vmem>>
      %dma_wait3A_328 = arith.constant 1152 : i32
      %dma_wait3A_329 = tpu.memref_slice %arg8[%dma_wait3A_328] : memref<1600xi32, #tpu.memory_space<vmem>> -> memref<128xi32, #tpu.memory_space<vmem>>
      %dma_wait3A_330 = arith.constant 0 : i32
      %dma_wait3A_331 = arith.constant 0 : i32
      %dma_wait3A_332 = tpu.memref_slice %arg5[%dma_wait3A_330, %dma_wait3A_331] : memref<1015808x32xf32, #tpu.memory_space<hbm>> -> memref<1015808x32xf32, #tpu.memory_space<hbm>>
      tpu.wait_indirect_dma semaphore(%arg18 : memref<!tpu.dma_semaphore, #tpu.memory_space<semaphore_mem>>) src(%dma_wait3A_332 : memref<1015808x32xf32, #tpu.memory_space<hbm>>) dst(%dma_wait3A_327 : memref<128x32xf32, #tpu.memory_space<vmem>>)
      %dma_wait3A_333 = arith.constant 1280 : i32
      %dma_wait3A_334 = arith.constant 0 : i32
      %dma_wait3A_335 = tpu.memref_slice %arg10[%dma_wait3A_333, %dma_wait3A_334] : memref<1600x32xf32, #tpu.memory_space<vmem>> -> memref<128x32xf32, #tpu.memory_space<vmem>>
      %dma_wait3A_336 = arith.constant 1280 : i32
      %dma_wait3A_337 = tpu.memref_slice %arg8[%dma_wait3A_336] : memref<1600xi32, #tpu.memory_space<vmem>> -> memref<128xi32, #tpu.memory_space<vmem>>
      %dma_wait3A_338 = arith.constant 0 : i32
      %dma_wait3A_339 = arith.constant 0 : i32
      %dma_wait3A_340 = tpu.memref_slice %arg5[%dma_wait3A_338, %dma_wait3A_339] : memref<1015808x32xf32, #tpu.memory_space<hbm>> -> memref<1015808x32xf32, #tpu.memory_space<hbm>>
      tpu.wait_indirect_dma semaphore(%arg18 : memref<!tpu.dma_semaphore, #tpu.memory_space<semaphore_mem>>) src(%dma_wait3A_340 : memref<1015808x32xf32, #tpu.memory_space<hbm>>) dst(%dma_wait3A_335 : memref<128x32xf32, #tpu.memory_space<vmem>>)
      %dma_wait3A_341 = arith.constant 1408 : i32
      %dma_wait3A_342 = arith.constant 0 : i32
      %dma_wait3A_343 = tpu.memref_slice %arg10[%dma_wait3A_341, %dma_wait3A_342] : memref<1600x32xf32, #tpu.memory_space<vmem>> -> memref<128x32xf32, #tpu.memory_space<vmem>>
      %dma_wait3A_344 = arith.constant 1408 : i32
      %dma_wait3A_345 = tpu.memref_slice %arg8[%dma_wait3A_344] : memref<1600xi32, #tpu.memory_space<vmem>> -> memref<128xi32, #tpu.memory_space<vmem>>
      %dma_wait3A_346 = arith.constant 0 : i32
      %dma_wait3A_347 = arith.constant 0 : i32
      %dma_wait3A_348 = tpu.memref_slice %arg5[%dma_wait3A_346, %dma_wait3A_347] : memref<1015808x32xf32, #tpu.memory_space<hbm>> -> memref<1015808x32xf32, #tpu.memory_space<hbm>>
      tpu.wait_indirect_dma semaphore(%arg18 : memref<!tpu.dma_semaphore, #tpu.memory_space<semaphore_mem>>) src(%dma_wait3A_348 : memref<1015808x32xf32, #tpu.memory_space<hbm>>) dst(%dma_wait3A_343 : memref<128x32xf32, #tpu.memory_space<vmem>>)
      %dma_wait3A_349 = arith.constant 1536 : i32
      %dma_wait3A_350 = arith.constant 0 : i32
      %dma_wait3A_351 = tpu.memref_slice %arg10[%dma_wait3A_349, %dma_wait3A_350] : memref<1600x32xf32, #tpu.memory_space<vmem>> -> memref<64x32xf32, #tpu.memory_space<vmem>>
      %dma_wait3A_352 = arith.constant 1536 : i32
      %dma_wait3A_353 = tpu.memref_slice %arg8[%dma_wait3A_352] : memref<1600xi32, #tpu.memory_space<vmem>> -> memref<64xi32, #tpu.memory_space<vmem>>
      %dma_wait3A_354 = arith.constant 0 : i32
      %dma_wait3A_355 = arith.constant 0 : i32
      %dma_wait3A_356 = tpu.memref_slice %arg5[%dma_wait3A_354, %dma_wait3A_355] : memref<1015808x32xf32, #tpu.memory_space<hbm>> -> memref<1015808x32xf32, #tpu.memory_space<hbm>>
      tpu.wait_indirect_dma semaphore(%arg18 : memref<!tpu.dma_semaphore, #tpu.memory_space<semaphore_mem>>) src(%dma_wait3A_356 : memref<1015808x32xf32, #tpu.memory_space<hbm>>) dst(%dma_wait3A_351 : memref<64x32xf32, #tpu.memory_space<vmem>>)
      %dma_wait3A_357 = tpu.memref_slice %arg16[%mul3A_252] : memref<512xi32, #tpu.memory_space<vmem>> -> memref<32xi32, #tpu.memory_space<vmem>>
      %dma_wait3A_358 = arith.constant 0 : i32
      %dma_wait3A_359 = arith.constant 0 : i32
      %dma_wait3A_360 = tpu.memref_slice %arg4[%dma_wait3A_358, %dma_wait3A_359] : memref<114688x32xf32, #tpu.memory_space<hbm>> -> memref<114688x32xf32, #tpu.memory_space<hbm>>
      tpu.wait_indirect_dma semaphore(%arg18 : memref<!tpu.dma_semaphore, #tpu.memory_space<semaphore_mem>>) src(%dma_wait3A_360 : memref<114688x32xf32, #tpu.memory_space<hbm>>) dst(%arg12 : memref<32x32xf32, #tpu.memory_space<vmem>>)
      %get3A = arith.constant 0 : index
      %get3A_361 = tpu.vector_load %arg17[%get3A] {strides = array<i32>} : memref<64xf32, #tpu.memory_space<vmem>>, vector<16xf32>,
      %get3A_362 = vector.shape_cast %get3A_361 : vector<16xf32> to vector<16xf32>
      %get3A_363 = arith.constant 16 : index
      %get3A_364 = tpu.vector_load %arg17[%get3A_363] {strides = array<i32>} : memref<64xf32, #tpu.memory_space<vmem>>, vector<16xf32>,
      %get3A_365 = vector.shape_cast %get3A_364 : vector<16xf32> to vector<16xf32>
      %get3A_366 = arith.constant 32 : index
      %get3A_367 = tpu.vector_load %arg17[%get3A_366] {strides = array<i32>} : memref<64xf32, #tpu.memory_space<vmem>>, vector<16xf32>,
      %get3A_368 = vector.shape_cast %get3A_367 : vector<16xf32> to vector<16xf32>
      %get3A_369 = arith.constant 48 : index
      %get3A_370 = tpu.vector_load %arg17[%get3A_369] {strides = array<i32>} : memref<64xf32, #tpu.memory_space<vmem>>, vector<16xf32>,
      %get3A_371 = vector.shape_cast %get3A_370 : vector<16xf32> to vector<16xf32>
      %broadcast_in_dim3A = arith.constant 2 : i32
      %broadcast_in_dim3A_372 = vector.broadcast %broadcast_in_dim3A : i32 to vector<16x1xi32>
      %gather3A = vector.shape_cast %broadcast_in_dim3A_372 : vector<16x1xi32> to vector<16xi32>
      %gather3A_373 = tpu.dynamic_gather %get3A_371[%gather3A] in [0] : vector<16xf32>, vector<16xi32> -> vector<16xf32>
      %scan3A_374 = arith.constant 0 : i32
      %scan3A_375 = arith.constant 0 : i32
      %scan3A_376 = arith.constant 32 : i32
      %scan3A_377 = arith.addi %scan3A_375, %scan3A_376 : i32
      %scan3A_378 = arith.constant 1 : i32
      scf.for %scan3A_548 = %scan3A_375 to %scan3A_377 step %scan3A_378  : i32 {
        %mul3A_549 = arith.constant 50 : i32
        %mul3A_550 = arith.muli %scan3A_548, %mul3A_549 : i32
        %broadcast_in_dim3A_551 = arith.constant 0.000000e+00 : f32
        %broadcast_in_dim3A_552 = vector.broadcast %broadcast_in_dim3A_551 : f32 to vector<16xf32>
        %broadcast_in_dim3A_553 = arith.constant 0.000000e+00 : f32
        %broadcast_in_dim3A_554 = vector.broadcast %broadcast_in_dim3A_553 : f32 to vector<16xf32>
        %broadcast_in_dim3A_555 = arith.constant 0.000000e+00 : f32
        %broadcast_in_dim3A_556 = vector.broadcast %broadcast_in_dim3A_555 : f32 to vector<16xf32>
        %broadcast_in_dim3A_557 = arith.constant 0.000000e+00 : f32
        %broadcast_in_dim3A_558 = vector.broadcast %broadcast_in_dim3A_557 : f32 to vector<16xf32>
        %broadcast_in_dim3A_559 = arith.constant 0.000000e+00 : f32
        %broadcast_in_dim3A_560 = vector.broadcast %broadcast_in_dim3A_559 : f32 to vector<16xf32>
        %broadcast_in_dim3A_561 = arith.constant 0.000000e+00 : f32
        %broadcast_in_dim3A_562 = vector.broadcast %broadcast_in_dim3A_561 : f32 to vector<16xf32>
        %broadcast_in_dim3A_563 = arith.constant 0.000000e+00 : f32
        %broadcast_in_dim3A_564 = vector.broadcast %broadcast_in_dim3A_563 : f32 to vector<16xf32>
        %broadcast_in_dim3A_565 = arith.constant 0.000000e+00 : f32
        %broadcast_in_dim3A_566 = vector.broadcast %broadcast_in_dim3A_565 : f32 to vector<16xf32>
        %broadcast_in_dim3A_567 = arith.constant 0 : i32
        %broadcast_in_dim3A_568 = vector.broadcast %broadcast_in_dim3A_567 : i32 to vector<16x1xi32>
        %gather3A_569 = vector.shape_cast %broadcast_in_dim3A_568 : vector<16x1xi32> to vector<16xi32>
        %gather3A_570 = tpu.dynamic_gather %get3A_362[%gather3A_569] in [0] : vector<16xf32>, vector<16xi32> -> vector<16xf32>
        %add3A_571 = arith.constant 0 : i32
        %add3A_572 = arith.addi %mul3A_550, %add3A_571 : i32
        %get3A_573 = arith.index_cast %add3A_572 : i32 to index
        %get3A_574 = arith.constant 0 : index
        %get3A_575 = tpu.vector_load %arg10[%get3A_573, %get3A_574] {strides = array<i32>} : memref<1600x32xf32, #tpu.memory_space<vmem>>, vector<1x16xf32>,
        %get3A_576 = vector.shape_cast %get3A_575 : vector<1x16xf32> to vector<16xf32>
        %add3A_577 = arith.constant 0 : i32
        %add3A_578 = arith.addi %mul3A_550, %add3A_577 : i32
        %get3A_579 = arith.index_cast %add3A_578 : i32 to index
        %get3A_580 = arith.constant 16 : index
        %get3A_581 = tpu.vector_load %arg10[%get3A_579, %get3A_580] {strides = array<i32>} : memref<1600x32xf32, #tpu.memory_space<vmem>>, vector<1x16xf32>,
        %get3A_582 = vector.shape_cast %get3A_581 : vector<1x16xf32> to vector<16xf32>
        %mul3A_583 = arith.mulf %gather3A_570, %get3A_576 : vector<16xf32>
        %add3A_584 = arith.addf %broadcast_in_dim3A_552, %mul3A_583 : vector<16xf32>
        %mul3A_585 = arith.mulf %gather3A_570, %get3A_582 : vector<16xf32>
        %add3A_586 = arith.addf %broadcast_in_dim3A_560, %mul3A_585 : vector<16xf32>
        %broadcast_in_dim3A_587 = arith.constant 1 : i32
        %broadcast_in_dim3A_588 = vector.broadcast %broadcast_in_dim3A_587 : i32 to vector<16x1xi32>
        %gather3A_589 = vector.shape_cast %broadcast_in_dim3A_588 : vector<16x1xi32> to vector<16xi32>
        %gather3A_590 = tpu.dynamic_gather %get3A_362[%gather3A_589] in [0] : vector<16xf32>, vector<16xi32> -> vector<16xf32>
        %add3A_591 = arith.constant 1 : i32
        %add3A_592 = arith.addi %mul3A_550, %add3A_591 : i32
        %get3A_593 = arith.index_cast %add3A_592 : i32 to index
        %get3A_594 = arith.constant 0 : index
        %get3A_595 = tpu.vector_load %arg10[%get3A_593, %get3A_594] {strides = array<i32>} : memref<1600x32xf32, #tpu.memory_space<vmem>>, vector<1x16xf32>,
        %get3A_596 = vector.shape_cast %get3A_595 : vector<1x16xf32> to vector<16xf32>
        %add3A_597 = arith.constant 1 : i32
        %add3A_598 = arith.addi %mul3A_550, %add3A_597 : i32
        %get3A_599 = arith.index_cast %add3A_598 : i32 to index
        %get3A_600 = arith.constant 16 : index
        %get3A_601 = tpu.vector_load %arg10[%get3A_599, %get3A_600] {strides = array<i32>} : memref<1600x32xf32, #tpu.memory_space<vmem>>, vector<1x16xf32>,
        %get3A_602 = vector.shape_cast %get3A_601 : vector<1x16xf32> to vector<16xf32>
        %mul3A_603 = arith.mulf %gather3A_590, %get3A_596 : vector<16xf32>
        %add3A_604 = arith.addf %broadcast_in_dim3A_554, %mul3A_603 : vector<16xf32>
        %mul3A_605 = arith.mulf %gather3A_590, %get3A_602 : vector<16xf32>
        %add3A_606 = arith.addf %broadcast_in_dim3A_562, %mul3A_605 : vector<16xf32>
        %broadcast_in_dim3A_607 = arith.constant 2 : i32
        %broadcast_in_dim3A_608 = vector.broadcast %broadcast_in_dim3A_607 : i32 to vector<16x1xi32>
        %gather3A_609 = vector.shape_cast %broadcast_in_dim3A_608 : vector<16x1xi32> to vector<16xi32>
        %gather3A_610 = tpu.dynamic_gather %get3A_362[%gather3A_609] in [0] : vector<16xf32>, vector<16xi32> -> vector<16xf32>
        %add3A_611 = arith.constant 2 : i32
        %add3A_612 = arith.addi %mul3A_550, %add3A_611 : i32
        %get3A_613 = arith.index_cast %add3A_612 : i32 to index
        %get3A_614 = arith.constant 0 : index
        %get3A_615 = tpu.vector_load %arg10[%get3A_613, %get3A_614] {strides = array<i32>} : memref<1600x32xf32, #tpu.memory_space<vmem>>, vector<1x16xf32>,
        %get3A_616 = vector.shape_cast %get3A_615 : vector<1x16xf32> to vector<16xf32>
        %add3A_617 = arith.constant 2 : i32
        %add3A_618 = arith.addi %mul3A_550, %add3A_617 : i32
        %get3A_619 = arith.index_cast %add3A_618 : i32 to index
        %get3A_620 = arith.constant 16 : index
        %get3A_621 = tpu.vector_load %arg10[%get3A_619, %get3A_620] {strides = array<i32>} : memref<1600x32xf32, #tpu.memory_space<vmem>>, vector<1x16xf32>,
        %get3A_622 = vector.shape_cast %get3A_621 : vector<1x16xf32> to vector<16xf32>
        %mul3A_623 = arith.mulf %gather3A_610, %get3A_616 : vector<16xf32>
        %add3A_624 = arith.addf %broadcast_in_dim3A_556, %mul3A_623 : vector<16xf32>
        %mul3A_625 = arith.mulf %gather3A_610, %get3A_622 : vector<16xf32>
        %add3A_626 = arith.addf %broadcast_in_dim3A_564, %mul3A_625 : vector<16xf32>
        %broadcast_in_dim3A_627 = arith.constant 3 : i32
        %broadcast_in_dim3A_628 = vector.broadcast %broadcast_in_dim3A_627 : i32 to vector<16x1xi32>
        %gather3A_629 = vector.shape_cast %broadcast_in_dim3A_628 : vector<16x1xi32> to vector<16xi32>
        %gather3A_630 = tpu.dynamic_gather %get3A_362[%gather3A_629] in [0] : vector<16xf32>, vector<16xi32> -> vector<16xf32>
        %add3A_631 = arith.constant 3 : i32
        %add3A_632 = arith.addi %mul3A_550, %add3A_631 : i32
        %get3A_633 = arith.index_cast %add3A_632 : i32 to index
        %get3A_634 = arith.constant 0 : index
        %get3A_635 = tpu.vector_load %arg10[%get3A_633, %get3A_634] {strides = array<i32>} : memref<1600x32xf32, #tpu.memory_space<vmem>>, vector<1x16xf32>,
        %get3A_636 = vector.shape_cast %get3A_635 : vector<1x16xf32> to vector<16xf32>
        %add3A_637 = arith.constant 3 : i32
        %add3A_638 = arith.addi %mul3A_550, %add3A_637 : i32
        %get3A_639 = arith.index_cast %add3A_638 : i32 to index
        %get3A_640 = arith.constant 16 : index
        %get3A_641 = tpu.vector_load %arg10[%get3A_639, %get3A_640] {strides = array<i32>} : memref<1600x32xf32, #tpu.memory_space<vmem>>, vector<1x16xf32>,
        %get3A_642 = vector.shape_cast %get3A_641 : vector<1x16xf32> to vector<16xf32>
        %mul3A_643 = arith.mulf %gather3A_630, %get3A_636 : vector<16xf32>
        %add3A_644 = arith.addf %broadcast_in_dim3A_558, %mul3A_643 : vector<16xf32>
        %mul3A_645 = arith.mulf %gather3A_630, %get3A_642 : vector<16xf32>
        %add3A_646 = arith.addf %broadcast_in_dim3A_566, %mul3A_645 : vector<16xf32>
        %broadcast_in_dim3A_647 = arith.constant 4 : i32
        %broadcast_in_dim3A_648 = vector.broadcast %broadcast_in_dim3A_647 : i32 to vector<16x1xi32>
        %gather3A_649 = vector.shape_cast %broadcast_in_dim3A_648 : vector<16x1xi32> to vector<16xi32>
        %gather3A_650 = tpu.dynamic_gather %get3A_362[%gather3A_649] in [0] : vector<16xf32>, vector<16xi32> -> vector<16xf32>
        %add3A_651 = arith.constant 4 : i32
        %add3A_652 = arith.addi %mul3A_550, %add3A_651 : i32
        %get3A_653 = arith.index_cast %add3A_652 : i32 to index
        %get3A_654 = arith.constant 0 : index
        %get3A_655 = tpu.vector_load %arg10[%get3A_653, %get3A_654] {strides = array<i32>} : memref<1600x32xf32, #tpu.memory_space<vmem>>, vector<1x16xf32>,
        %get3A_656 = vector.shape_cast %get3A_655 : vector<1x16xf32> to vector<16xf32>
        %add3A_657 = arith.constant 4 : i32
        %add3A_658 = arith.addi %mul3A_550, %add3A_657 : i32
        %get3A_659 = arith.index_cast %add3A_658 : i32 to index
        %get3A_660 = arith.constant 16 : index
        %get3A_661 = tpu.vector_load %arg10[%get3A_659, %get3A_660] {strides = array<i32>} : memref<1600x32xf32, #tpu.memory_space<vmem>>, vector<1x16xf32>,
        %get3A_662 = vector.shape_cast %get3A_661 : vector<1x16xf32> to vector<16xf32>
        %mul3A_663 = arith.mulf %gather3A_650, %get3A_656 : vector<16xf32>
        %add3A_664 = arith.addf %add3A_584, %mul3A_663 : vector<16xf32>
        %mul3A_665 = arith.mulf %gather3A_650, %get3A_662 : vector<16xf32>
        %add3A_666 = arith.addf %add3A_586, %mul3A_665 : vector<16xf32>
        %broadcast_in_dim3A_667 = arith.constant 5 : i32
        %broadcast_in_dim3A_668 = vector.broadcast %broadcast_in_dim3A_667 : i32 to vector<16x1xi32>
        %gather3A_669 = vector.shape_cast %broadcast_in_dim3A_668 : vector<16x1xi32> to vector<16xi32>
        %gather3A_670 = tpu.dynamic_gather %get3A_362[%gather3A_669] in [0] : vector<16xf32>, vector<16xi32> -> vector<16xf32>
        %add3A_671 = arith.constant 5 : i32
        %add3A_672 = arith.addi %mul3A_550, %add3A_671 : i32
        %get3A_673 = arith.index_cast %add3A_672 : i32 to index
        %get3A_674 = arith.constant 0 : index
        %get3A_675 = tpu.vector_load %arg10[%get3A_673, %get3A_674] {strides = array<i32>} : memref<1600x32xf32, #tpu.memory_space<vmem>>, vector<1x16xf32>,
        %get3A_676 = vector.shape_cast %get3A_675 : vector<1x16xf32> to vector<16xf32>
        %add3A_677 = arith.constant 5 : i32
        %add3A_678 = arith.addi %mul3A_550, %add3A_677 : i32
        %get3A_679 = arith.index_cast %add3A_678 : i32 to index
        %get3A_680 = arith.constant 16 : index
        %get3A_681 = tpu.vector_load %arg10[%get3A_679, %get3A_680] {strides = array<i32>} : memref<1600x32xf32, #tpu.memory_space<vmem>>, vector<1x16xf32>,
        %get3A_682 = vector.shape_cast %get3A_681 : vector<1x16xf32> to vector<16xf32>
        %mul3A_683 = arith.mulf %gather3A_670, %get3A_676 : vector<16xf32>
        %add3A_684 = arith.addf %add3A_604, %mul3A_683 : vector<16xf32>
        %mul3A_685 = arith.mulf %gather3A_670, %get3A_682 : vector<16xf32>
        %add3A_686 = arith.addf %add3A_606, %mul3A_685 : vector<16xf32>
        %broadcast_in_dim3A_687 = arith.constant 6 : i32
        %broadcast_in_dim3A_688 = vector.broadcast %broadcast_in_dim3A_687 : i32 to vector<16x1xi32>
        %gather3A_689 = vector.shape_cast %broadcast_in_dim3A_688 : vector<16x1xi32> to vector<16xi32>
        %gather3A_690 = tpu.dynamic_gather %get3A_362[%gather3A_689] in [0] : vector<16xf32>, vector<16xi32> -> vector<16xf32>
        %add3A_691 = arith.constant 6 : i32
        %add3A_692 = arith.addi %mul3A_550, %add3A_691 : i32
        %get3A_693 = arith.index_cast %add3A_692 : i32 to index
        %get3A_694 = arith.constant 0 : index
        %get3A_695 = tpu.vector_load %arg10[%get3A_693, %get3A_694] {strides = array<i32>} : memref<1600x32xf32, #tpu.memory_space<vmem>>, vector<1x16xf32>,
        %get3A_696 = vector.shape_cast %get3A_695 : vector<1x16xf32> to vector<16xf32>
        %add3A_697 = arith.constant 6 : i32
        %add3A_698 = arith.addi %mul3A_550, %add3A_697 : i32
        %get3A_699 = arith.index_cast %add3A_698 : i32 to index
        %get3A_700 = arith.constant 16 : index
        %get3A_701 = tpu.vector_load %arg10[%get3A_699, %get3A_700] {strides = array<i32>} : memref<1600x32xf32, #tpu.memory_space<vmem>>, vector<1x16xf32>,
        %get3A_702 = vector.shape_cast %get3A_701 : vector<1x16xf32> to vector<16xf32>
        %mul3A_703 = arith.mulf %gather3A_690, %get3A_696 : vector<16xf32>
        %add3A_704 = arith.addf %add3A_624, %mul3A_703 : vector<16xf32>
        %mul3A_705 = arith.mulf %gather3A_690, %get3A_702 : vector<16xf32>
        %add3A_706 = arith.addf %add3A_626, %mul3A_705 : vector<16xf32>
        %broadcast_in_dim3A_707 = arith.constant 7 : i32
        %broadcast_in_dim3A_708 = vector.broadcast %broadcast_in_dim3A_707 : i32 to vector<16x1xi32>
        %gather3A_709 = vector.shape_cast %broadcast_in_dim3A_708 : vector<16x1xi32> to vector<16xi32>
        %gather3A_710 = tpu.dynamic_gather %get3A_362[%gather3A_709] in [0] : vector<16xf32>, vector<16xi32> -> vector<16xf32>
        %add3A_711 = arith.constant 7 : i32
        %add3A_712 = arith.addi %mul3A_550, %add3A_711 : i32
        %get3A_713 = arith.index_cast %add3A_712 : i32 to index
        %get3A_714 = arith.constant 0 : index
        %get3A_715 = tpu.vector_load %arg10[%get3A_713, %get3A_714] {strides = array<i32>} : memref<1600x32xf32, #tpu.memory_space<vmem>>, vector<1x16xf32>,
        %get3A_716 = vector.shape_cast %get3A_715 : vector<1x16xf32> to vector<16xf32>
        %add3A_717 = arith.constant 7 : i32
        %add3A_718 = arith.addi %mul3A_550, %add3A_717 : i32
        %get3A_719 = arith.index_cast %add3A_718 : i32 to index
        %get3A_720 = arith.constant 16 : index
        %get3A_721 = tpu.vector_load %arg10[%get3A_719, %get3A_720] {strides = array<i32>} : memref<1600x32xf32, #tpu.memory_space<vmem>>, vector<1x16xf32>,
        %get3A_722 = vector.shape_cast %get3A_721 : vector<1x16xf32> to vector<16xf32>
        %mul3A_723 = arith.mulf %gather3A_710, %get3A_716 : vector<16xf32>
        %add3A_724 = arith.addf %add3A_644, %mul3A_723 : vector<16xf32>
        %mul3A_725 = arith.mulf %gather3A_710, %get3A_722 : vector<16xf32>
        %add3A_726 = arith.addf %add3A_646, %mul3A_725 : vector<16xf32>
        %broadcast_in_dim3A_727 = arith.constant 8 : i32
        %broadcast_in_dim3A_728 = vector.broadcast %broadcast_in_dim3A_727 : i32 to vector<16x1xi32>
        %gather3A_729 = vector.shape_cast %broadcast_in_dim3A_728 : vector<16x1xi32> to vector<16xi32>
        %gather3A_730 = tpu.dynamic_gather %get3A_362[%gather3A_729] in [0] : vector<16xf32>, vector<16xi32> -> vector<16xf32>
        %add3A_731 = arith.constant 8 : i32
        %add3A_732 = arith.addi %mul3A_550, %add3A_731 : i32
        %get3A_733 = arith.index_cast %add3A_732 : i32 to index
        %get3A_734 = arith.constant 0 : index
        %get3A_735 = tpu.vector_load %arg10[%get3A_733, %get3A_734] {strides = array<i32>} : memref<1600x32xf32, #tpu.memory_space<vmem>>, vector<1x16xf32>,
        %get3A_736 = vector.shape_cast %get3A_735 : vector<1x16xf32> to vector<16xf32>
        %add3A_737 = arith.constant 8 : i32
        %add3A_738 = arith.addi %mul3A_550, %add3A_737 : i32
        %get3A_739 = arith.index_cast %add3A_738 : i32 to index
        %get3A_740 = arith.constant 16 : index
        %get3A_741 = tpu.vector_load %arg10[%get3A_739, %get3A_740] {strides = array<i32>} : memref<1600x32xf32, #tpu.memory_space<vmem>>, vector<1x16xf32>,
        %get3A_742 = vector.shape_cast %get3A_741 : vector<1x16xf32> to vector<16xf32>
        %mul3A_743 = arith.mulf %gather3A_730, %get3A_736 : vector<16xf32>
        %add3A_744 = arith.addf %add3A_664, %mul3A_743 : vector<16xf32>
        %mul3A_745 = arith.mulf %gather3A_730, %get3A_742 : vector<16xf32>
        %add3A_746 = arith.addf %add3A_666, %mul3A_745 : vector<16xf32>
        %broadcast_in_dim3A_747 = arith.constant 9 : i32
        %broadcast_in_dim3A_748 = vector.broadcast %broadcast_in_dim3A_747 : i32 to vector<16x1xi32>
        %gather3A_749 = vector.shape_cast %broadcast_in_dim3A_748 : vector<16x1xi32> to vector<16xi32>
        %gather3A_750 = tpu.dynamic_gather %get3A_362[%gather3A_749] in [0] : vector<16xf32>, vector<16xi32> -> vector<16xf32>
        %add3A_751 = arith.constant 9 : i32
        %add3A_752 = arith.addi %mul3A_550, %add3A_751 : i32
        %get3A_753 = arith.index_cast %add3A_752 : i32 to index
        %get3A_754 = arith.constant 0 : index
        %get3A_755 = tpu.vector_load %arg10[%get3A_753, %get3A_754] {strides = array<i32>} : memref<1600x32xf32, #tpu.memory_space<vmem>>, vector<1x16xf32>,
        %get3A_756 = vector.shape_cast %get3A_755 : vector<1x16xf32> to vector<16xf32>
        %add3A_757 = arith.constant 9 : i32
        %add3A_758 = arith.addi %mul3A_550, %add3A_757 : i32
        %get3A_759 = arith.index_cast %add3A_758 : i32 to index
        %get3A_760 = arith.constant 16 : index
        %get3A_761 = tpu.vector_load %arg10[%get3A_759, %get3A_760] {strides = array<i32>} : memref<1600x32xf32, #tpu.memory_space<vmem>>, vector<1x16xf32>,
        %get3A_762 = vector.shape_cast %get3A_761 : vector<1x16xf32> to vector<16xf32>
        %mul3A_763 = arith.mulf %gather3A_750, %get3A_756 : vector<16xf32>
        %add3A_764 = arith.addf %add3A_684, %mul3A_763 : vector<16xf32>
        %mul3A_765 = arith.mulf %gather3A_750, %get3A_762 : vector<16xf32>
        %add3A_766 = arith.addf %add3A_686, %mul3A_765 : vector<16xf32>
        %broadcast_in_dim3A_767 = arith.constant 10 : i32
        %broadcast_in_dim3A_768 = vector.broadcast %broadcast_in_dim3A_767 : i32 to vector<16x1xi32>
        %gather3A_769 = vector.shape_cast %broadcast_in_dim3A_768 : vector<16x1xi32> to vector<16xi32>
        %gather3A_770 = tpu.dynamic_gather %get3A_362[%gather3A_769] in [0] : vector<16xf32>, vector<16xi32> -> vector<16xf32>
        %add3A_771 = arith.constant 10 : i32
        %add3A_772 = arith.addi %mul3A_550, %add3A_771 : i32
        %get3A_773 = arith.index_cast %add3A_772 : i32 to index
        %get3A_774 = arith.constant 0 : index
        %get3A_775 = tpu.vector_load %arg10[%get3A_773, %get3A_774] {strides = array<i32>} : memref<1600x32xf32, #tpu.memory_space<vmem>>, vector<1x16xf32>,
        %get3A_776 = vector.shape_cast %get3A_775 : vector<1x16xf32> to vector<16xf32>
        %add3A_777 = arith.constant 10 : i32
        %add3A_778 = arith.addi %mul3A_550, %add3A_777 : i32
        %get3A_779 = arith.index_cast %add3A_778 : i32 to index
        %get3A_780 = arith.constant 16 : index
        %get3A_781 = tpu.vector_load %arg10[%get3A_779, %get3A_780] {strides = array<i32>} : memref<1600x32xf32, #tpu.memory_space<vmem>>, vector<1x16xf32>,
        %get3A_782 = vector.shape_cast %get3A_781 : vector<1x16xf32> to vector<16xf32>
        %mul3A_783 = arith.mulf %gather3A_770, %get3A_776 : vector<16xf32>
        %add3A_784 = arith.addf %add3A_704, %mul3A_783 : vector<16xf32>
        %mul3A_785 = arith.mulf %gather3A_770, %get3A_782 : vector<16xf32>
        %add3A_786 = arith.addf %add3A_706, %mul3A_785 : vector<16xf32>
        %broadcast_in_dim3A_787 = arith.constant 11 : i32
        %broadcast_in_dim3A_788 = vector.broadcast %broadcast_in_dim3A_787 : i32 to vector<16x1xi32>
        %gather3A_789 = vector.shape_cast %broadcast_in_dim3A_788 : vector<16x1xi32> to vector<16xi32>
        %gather3A_790 = tpu.dynamic_gather %get3A_362[%gather3A_789] in [0] : vector<16xf32>, vector<16xi32> -> vector<16xf32>
        %add3A_791 = arith.constant 11 : i32
        %add3A_792 = arith.addi %mul3A_550, %add3A_791 : i32
        %get3A_793 = arith.index_cast %add3A_792 : i32 to index
        %get3A_794 = arith.constant 0 : index
        %get3A_795 = tpu.vector_load %arg10[%get3A_793, %get3A_794] {strides = array<i32>} : memref<1600x32xf32, #tpu.memory_space<vmem>>, vector<1x16xf32>,
        %get3A_796 = vector.shape_cast %get3A_795 : vector<1x16xf32> to vector<16xf32>
        %add3A_797 = arith.constant 11 : i32
        %add3A_798 = arith.addi %mul3A_550, %add3A_797 : i32
        %get3A_799 = arith.index_cast %add3A_798 : i32 to index
        %get3A_800 = arith.constant 16 : index
        %get3A_801 = tpu.vector_load %arg10[%get3A_799, %get3A_800] {strides = array<i32>} : memref<1600x32xf32, #tpu.memory_space<vmem>>, vector<1x16xf32>,
        %get3A_802 = vector.shape_cast %get3A_801 : vector<1x16xf32> to vector<16xf32>
        %mul3A_803 = arith.mulf %gather3A_790, %get3A_796 : vector<16xf32>
        %add3A_804 = arith.addf %add3A_724, %mul3A_803 : vector<16xf32>
        %mul3A_805 = arith.mulf %gather3A_790, %get3A_802 : vector<16xf32>
        %add3A_806 = arith.addf %add3A_726, %mul3A_805 : vector<16xf32>
        %broadcast_in_dim3A_807 = arith.constant 12 : i32
        %broadcast_in_dim3A_808 = vector.broadcast %broadcast_in_dim3A_807 : i32 to vector<16x1xi32>
        %gather3A_809 = vector.shape_cast %broadcast_in_dim3A_808 : vector<16x1xi32> to vector<16xi32>
        %gather3A_810 = tpu.dynamic_gather %get3A_362[%gather3A_809] in [0] : vector<16xf32>, vector<16xi32> -> vector<16xf32>
        %add3A_811 = arith.constant 12 : i32
        %add3A_812 = arith.addi %mul3A_550, %add3A_811 : i32
        %get3A_813 = arith.index_cast %add3A_812 : i32 to index
        %get3A_814 = arith.constant 0 : index
        %get3A_815 = tpu.vector_load %arg10[%get3A_813, %get3A_814] {strides = array<i32>} : memref<1600x32xf32, #tpu.memory_space<vmem>>, vector<1x16xf32>,
        %get3A_816 = vector.shape_cast %get3A_815 : vector<1x16xf32> to vector<16xf32>
        %add3A_817 = arith.constant 12 : i32
        %add3A_818 = arith.addi %mul3A_550, %add3A_817 : i32
        %get3A_819 = arith.index_cast %add3A_818 : i32 to index
        %get3A_820 = arith.constant 16 : index
        %get3A_821 = tpu.vector_load %arg10[%get3A_819, %get3A_820] {strides = array<i32>} : memref<1600x32xf32, #tpu.memory_space<vmem>>, vector<1x16xf32>,
        %get3A_822 = vector.shape_cast %get3A_821 : vector<1x16xf32> to vector<16xf32>
        %mul3A_823 = arith.mulf %gather3A_810, %get3A_816 : vector<16xf32>
        %add3A_824 = arith.addf %add3A_744, %mul3A_823 : vector<16xf32>
        %mul3A_825 = arith.mulf %gather3A_810, %get3A_822 : vector<16xf32>
        %add3A_826 = arith.addf %add3A_746, %mul3A_825 : vector<16xf32>
        %broadcast_in_dim3A_827 = arith.constant 13 : i32
        %broadcast_in_dim3A_828 = vector.broadcast %broadcast_in_dim3A_827 : i32 to vector<16x1xi32>
        %gather3A_829 = vector.shape_cast %broadcast_in_dim3A_828 : vector<16x1xi32> to vector<16xi32>
        %gather3A_830 = tpu.dynamic_gather %get3A_362[%gather3A_829] in [0] : vector<16xf32>, vector<16xi32> -> vector<16xf32>
        %add3A_831 = arith.constant 13 : i32
        %add3A_832 = arith.addi %mul3A_550, %add3A_831 : i32
        %get3A_833 = arith.index_cast %add3A_832 : i32 to index
        %get3A_834 = arith.constant 0 : index
        %get3A_835 = tpu.vector_load %arg10[%get3A_833, %get3A_834] {strides = array<i32>} : memref<1600x32xf32, #tpu.memory_space<vmem>>, vector<1x16xf32>,
        %get3A_836 = vector.shape_cast %get3A_835 : vector<1x16xf32> to vector<16xf32>
        %add3A_837 = arith.constant 13 : i32
        %add3A_838 = arith.addi %mul3A_550, %add3A_837 : i32
        %get3A_839 = arith.index_cast %add3A_838 : i32 to index
        %get3A_840 = arith.constant 16 : index
        %get3A_841 = tpu.vector_load %arg10[%get3A_839, %get3A_840] {strides = array<i32>} : memref<1600x32xf32, #tpu.memory_space<vmem>>, vector<1x16xf32>,
        %get3A_842 = vector.shape_cast %get3A_841 : vector<1x16xf32> to vector<16xf32>
        %mul3A_843 = arith.mulf %gather3A_830, %get3A_836 : vector<16xf32>
        %add3A_844 = arith.addf %add3A_764, %mul3A_843 : vector<16xf32>
        %mul3A_845 = arith.mulf %gather3A_830, %get3A_842 : vector<16xf32>
        %add3A_846 = arith.addf %add3A_766, %mul3A_845 : vector<16xf32>
        %broadcast_in_dim3A_847 = arith.constant 14 : i32
        %broadcast_in_dim3A_848 = vector.broadcast %broadcast_in_dim3A_847 : i32 to vector<16x1xi32>
        %gather3A_849 = vector.shape_cast %broadcast_in_dim3A_848 : vector<16x1xi32> to vector<16xi32>
        %gather3A_850 = tpu.dynamic_gather %get3A_362[%gather3A_849] in [0] : vector<16xf32>, vector<16xi32> -> vector<16xf32>
        %add3A_851 = arith.constant 14 : i32
        %add3A_852 = arith.addi %mul3A_550, %add3A_851 : i32
        %get3A_853 = arith.index_cast %add3A_852 : i32 to index
        %get3A_854 = arith.constant 0 : index
        %get3A_855 = tpu.vector_load %arg10[%get3A_853, %get3A_854] {strides = array<i32>} : memref<1600x32xf32, #tpu.memory_space<vmem>>, vector<1x16xf32>,
        %get3A_856 = vector.shape_cast %get3A_855 : vector<1x16xf32> to vector<16xf32>
        %add3A_857 = arith.constant 14 : i32
        %add3A_858 = arith.addi %mul3A_550, %add3A_857 : i32
        %get3A_859 = arith.index_cast %add3A_858 : i32 to index
        %get3A_860 = arith.constant 16 : index
        %get3A_861 = tpu.vector_load %arg10[%get3A_859, %get3A_860] {strides = array<i32>} : memref<1600x32xf32, #tpu.memory_space<vmem>>, vector<1x16xf32>,
        %get3A_862 = vector.shape_cast %get3A_861 : vector<1x16xf32> to vector<16xf32>
        %mul3A_863 = arith.mulf %gather3A_850, %get3A_856 : vector<16xf32>
        %add3A_864 = arith.addf %add3A_784, %mul3A_863 : vector<16xf32>
        %mul3A_865 = arith.mulf %gather3A_850, %get3A_862 : vector<16xf32>
        %add3A_866 = arith.addf %add3A_786, %mul3A_865 : vector<16xf32>
        %broadcast_in_dim3A_867 = arith.constant 15 : i32
        %broadcast_in_dim3A_868 = vector.broadcast %broadcast_in_dim3A_867 : i32 to vector<16x1xi32>
        %gather3A_869 = vector.shape_cast %broadcast_in_dim3A_868 : vector<16x1xi32> to vector<16xi32>
        %gather3A_870 = tpu.dynamic_gather %get3A_362[%gather3A_869] in [0] : vector<16xf32>, vector<16xi32> -> vector<16xf32>
        %add3A_871 = arith.constant 15 : i32
        %add3A_872 = arith.addi %mul3A_550, %add3A_871 : i32
        %get3A_873 = arith.index_cast %add3A_872 : i32 to index
        %get3A_874 = arith.constant 0 : index
        %get3A_875 = tpu.vector_load %arg10[%get3A_873, %get3A_874] {strides = array<i32>} : memref<1600x32xf32, #tpu.memory_space<vmem>>, vector<1x16xf32>,
        %get3A_876 = vector.shape_cast %get3A_875 : vector<1x16xf32> to vector<16xf32>
        %add3A_877 = arith.constant 15 : i32
        %add3A_878 = arith.addi %mul3A_550, %add3A_877 : i32
        %get3A_879 = arith.index_cast %add3A_878 : i32 to index
        %get3A_880 = arith.constant 16 : index
        %get3A_881 = tpu.vector_load %arg10[%get3A_879, %get3A_880] {strides = array<i32>} : memref<1600x32xf32, #tpu.memory_space<vmem>>, vector<1x16xf32>,
        %get3A_882 = vector.shape_cast %get3A_881 : vector<1x16xf32> to vector<16xf32>
        %mul3A_883 = arith.mulf %gather3A_870, %get3A_876 : vector<16xf32>
        %add3A_884 = arith.addf %add3A_804, %mul3A_883 : vector<16xf32>
        %mul3A_885 = arith.mulf %gather3A_870, %get3A_882 : vector<16xf32>
        %add3A_886 = arith.addf %add3A_806, %mul3A_885 : vector<16xf32>
        %broadcast_in_dim3A_887 = arith.constant 0 : i32
        %broadcast_in_dim3A_888 = vector.broadcast %broadcast_in_dim3A_887 : i32 to vector<16x1xi32>
        %gather3A_889 = vector.shape_cast %broadcast_in_dim3A_888 : vector<16x1xi32> to vector<16xi32>
        %gather3A_890 = tpu.dynamic_gather %get3A_365[%gather3A_889] in [0] : vector<16xf32>, vector<16xi32> -> vector<16xf32>
        %add3A_891 = arith.constant 16 : i32
        %add3A_892 = arith.addi %mul3A_550, %add3A_891 : i32
        %get3A_893 = arith.index_cast %add3A_892 : i32 to index
        %get3A_894 = arith.constant 0 : index
        %get3A_895 = tpu.vector_load %arg10[%get3A_893, %get3A_894] {strides = array<i32>} : memref<1600x32xf32, #tpu.memory_space<vmem>>, vector<1x16xf32>,
        %get3A_896 = vector.shape_cast %get3A_895 : vector<1x16xf32> to vector<16xf32>
        %add3A_897 = arith.constant 16 : i32
        %add3A_898 = arith.addi %mul3A_550, %add3A_897 : i32
        %get3A_899 = arith.index_cast %add3A_898 : i32 to index
        %get3A_900 = arith.constant 16 : index
        %get3A_901 = tpu.vector_load %arg10[%get3A_899, %get3A_900] {strides = array<i32>} : memref<1600x32xf32, #tpu.memory_space<vmem>>, vector<1x16xf32>,
        %get3A_902 = vector.shape_cast %get3A_901 : vector<1x16xf32> to vector<16xf32>
        %mul3A_903 = arith.mulf %gather3A_890, %get3A_896 : vector<16xf32>
        %add3A_904 = arith.addf %add3A_824, %mul3A_903 : vector<16xf32>
        %mul3A_905 = arith.mulf %gather3A_890, %get3A_902 : vector<16xf32>
        %add3A_906 = arith.addf %add3A_826, %mul3A_905 : vector<16xf32>
        %broadcast_in_dim3A_907 = arith.constant 1 : i32
        %broadcast_in_dim3A_908 = vector.broadcast %broadcast_in_dim3A_907 : i32 to vector<16x1xi32>
        %gather3A_909 = vector.shape_cast %broadcast_in_dim3A_908 : vector<16x1xi32> to vector<16xi32>
        %gather3A_910 = tpu.dynamic_gather %get3A_365[%gather3A_909] in [0] : vector<16xf32>, vector<16xi32> -> vector<16xf32>
        %add3A_911 = arith.constant 17 : i32
        %add3A_912 = arith.addi %mul3A_550, %add3A_911 : i32
        %get3A_913 = arith.index_cast %add3A_912 : i32 to index
        %get3A_914 = arith.constant 0 : index
        %get3A_915 = tpu.vector_load %arg10[%get3A_913, %get3A_914] {strides = array<i32>} : memref<1600x32xf32, #tpu.memory_space<vmem>>, vector<1x16xf32>,
        %get3A_916 = vector.shape_cast %get3A_915 : vector<1x16xf32> to vector<16xf32>
        %add3A_917 = arith.constant 17 : i32
        %add3A_918 = arith.addi %mul3A_550, %add3A_917 : i32
        %get3A_919 = arith.index_cast %add3A_918 : i32 to index
        %get3A_920 = arith.constant 16 : index
        %get3A_921 = tpu.vector_load %arg10[%get3A_919, %get3A_920] {strides = array<i32>} : memref<1600x32xf32, #tpu.memory_space<vmem>>, vector<1x16xf32>,
        %get3A_922 = vector.shape_cast %get3A_921 : vector<1x16xf32> to vector<16xf32>
        %mul3A_923 = arith.mulf %gather3A_910, %get3A_916 : vector<16xf32>
        %add3A_924 = arith.addf %add3A_844, %mul3A_923 : vector<16xf32>
        %mul3A_925 = arith.mulf %gather3A_910, %get3A_922 : vector<16xf32>
        %add3A_926 = arith.addf %add3A_846, %mul3A_925 : vector<16xf32>
        %broadcast_in_dim3A_927 = arith.constant 2 : i32
        %broadcast_in_dim3A_928 = vector.broadcast %broadcast_in_dim3A_927 : i32 to vector<16x1xi32>
        %gather3A_929 = vector.shape_cast %broadcast_in_dim3A_928 : vector<16x1xi32> to vector<16xi32>
        %gather3A_930 = tpu.dynamic_gather %get3A_365[%gather3A_929] in [0] : vector<16xf32>, vector<16xi32> -> vector<16xf32>
        %add3A_931 = arith.constant 18 : i32
        %add3A_932 = arith.addi %mul3A_550, %add3A_931 : i32
        %get3A_933 = arith.index_cast %add3A_932 : i32 to index
        %get3A_934 = arith.constant 0 : index
        %get3A_935 = tpu.vector_load %arg10[%get3A_933, %get3A_934] {strides = array<i32>} : memref<1600x32xf32, #tpu.memory_space<vmem>>, vector<1x16xf32>,
        %get3A_936 = vector.shape_cast %get3A_935 : vector<1x16xf32> to vector<16xf32>
        %add3A_937 = arith.constant 18 : i32
        %add3A_938 = arith.addi %mul3A_550, %add3A_937 : i32
        %get3A_939 = arith.index_cast %add3A_938 : i32 to index
        %get3A_940 = arith.constant 16 : index
        %get3A_941 = tpu.vector_load %arg10[%get3A_939, %get3A_940] {strides = array<i32>} : memref<1600x32xf32, #tpu.memory_space<vmem>>, vector<1x16xf32>,
        %get3A_942 = vector.shape_cast %get3A_941 : vector<1x16xf32> to vector<16xf32>
        %mul3A_943 = arith.mulf %gather3A_930, %get3A_936 : vector<16xf32>
        %add3A_944 = arith.addf %add3A_864, %mul3A_943 : vector<16xf32>
        %mul3A_945 = arith.mulf %gather3A_930, %get3A_942 : vector<16xf32>
        %add3A_946 = arith.addf %add3A_866, %mul3A_945 : vector<16xf32>
        %broadcast_in_dim3A_947 = arith.constant 3 : i32
        %broadcast_in_dim3A_948 = vector.broadcast %broadcast_in_dim3A_947 : i32 to vector<16x1xi32>
        %gather3A_949 = vector.shape_cast %broadcast_in_dim3A_948 : vector<16x1xi32> to vector<16xi32>
        %gather3A_950 = tpu.dynamic_gather %get3A_365[%gather3A_949] in [0] : vector<16xf32>, vector<16xi32> -> vector<16xf32>
        %add3A_951 = arith.constant 19 : i32
        %add3A_952 = arith.addi %mul3A_550, %add3A_951 : i32
        %get3A_953 = arith.index_cast %add3A_952 : i32 to index
        %get3A_954 = arith.constant 0 : index
        %get3A_955 = tpu.vector_load %arg10[%get3A_953, %get3A_954] {strides = array<i32>} : memref<1600x32xf32, #tpu.memory_space<vmem>>, vector<1x16xf32>,
        %get3A_956 = vector.shape_cast %get3A_955 : vector<1x16xf32> to vector<16xf32>
        %add3A_957 = arith.constant 19 : i32
        %add3A_958 = arith.addi %mul3A_550, %add3A_957 : i32
        %get3A_959 = arith.index_cast %add3A_958 : i32 to index
        %get3A_960 = arith.constant 16 : index
        %get3A_961 = tpu.vector_load %arg10[%get3A_959, %get3A_960] {strides = array<i32>} : memref<1600x32xf32, #tpu.memory_space<vmem>>, vector<1x16xf32>,
        %get3A_962 = vector.shape_cast %get3A_961 : vector<1x16xf32> to vector<16xf32>
        %mul3A_963 = arith.mulf %gather3A_950, %get3A_956 : vector<16xf32>
        %add3A_964 = arith.addf %add3A_884, %mul3A_963 : vector<16xf32>
        %mul3A_965 = arith.mulf %gather3A_950, %get3A_962 : vector<16xf32>
        %add3A_966 = arith.addf %add3A_886, %mul3A_965 : vector<16xf32>
        %broadcast_in_dim3A_967 = arith.constant 4 : i32
        %broadcast_in_dim3A_968 = vector.broadcast %broadcast_in_dim3A_967 : i32 to vector<16x1xi32>
        %gather3A_969 = vector.shape_cast %broadcast_in_dim3A_968 : vector<16x1xi32> to vector<16xi32>
        %gather3A_970 = tpu.dynamic_gather %get3A_365[%gather3A_969] in [0] : vector<16xf32>, vector<16xi32> -> vector<16xf32>
        %add3A_971 = arith.constant 20 : i32
        %add3A_972 = arith.addi %mul3A_550, %add3A_971 : i32
        %get3A_973 = arith.index_cast %add3A_972 : i32 to index
        %get3A_974 = arith.constant 0 : index
        %get3A_975 = tpu.vector_load %arg10[%get3A_973, %get3A_974] {strides = array<i32>} : memref<1600x32xf32, #tpu.memory_space<vmem>>, vector<1x16xf32>,
        %get3A_976 = vector.shape_cast %get3A_975 : vector<1x16xf32> to vector<16xf32>
        %add3A_977 = arith.constant 20 : i32
        %add3A_978 = arith.addi %mul3A_550, %add3A_977 : i32
        %get3A_979 = arith.index_cast %add3A_978 : i32 to index
        %get3A_980 = arith.constant 16 : index
        %get3A_981 = tpu.vector_load %arg10[%get3A_979, %get3A_980] {strides = array<i32>} : memref<1600x32xf32, #tpu.memory_space<vmem>>, vector<1x16xf32>,
        %get3A_982 = vector.shape_cast %get3A_981 : vector<1x16xf32> to vector<16xf32>
        %mul3A_983 = arith.mulf %gather3A_970, %get3A_976 : vector<16xf32>
        %add3A_984 = arith.addf %add3A_904, %mul3A_983 : vector<16xf32>
        %mul3A_985 = arith.mulf %gather3A_970, %get3A_982 : vector<16xf32>
        %add3A_986 = arith.addf %add3A_906, %mul3A_985 : vector<16xf32>
        %broadcast_in_dim3A_987 = arith.constant 5 : i32
        %broadcast_in_dim3A_988 = vector.broadcast %broadcast_in_dim3A_987 : i32 to vector<16x1xi32>
        %gather3A_989 = vector.shape_cast %broadcast_in_dim3A_988 : vector<16x1xi32> to vector<16xi32>
        %gather3A_990 = tpu.dynamic_gather %get3A_365[%gather3A_989] in [0] : vector<16xf32>, vector<16xi32> -> vector<16xf32>
        %add3A_991 = arith.constant 21 : i32
        %add3A_992 = arith.addi %mul3A_550, %add3A_991 : i32
        %get3A_993 = arith.index_cast %add3A_992 : i32 to index
        %get3A_994 = arith.constant 0 : index
        %get3A_995 = tpu.vector_load %arg10[%get3A_993, %get3A_994] {strides = array<i32>} : memref<1600x32xf32, #tpu.memory_space<vmem>>, vector<1x16xf32>,
        %get3A_996 = vector.shape_cast %get3A_995 : vector<1x16xf32> to vector<16xf32>
        %add3A_997 = arith.constant 21 : i32
        %add3A_998 = arith.addi %mul3A_550, %add3A_997 : i32
        %get3A_999 = arith.index_cast %add3A_998 : i32 to index
        %get3A_1000 = arith.constant 16 : index
        %get3A_1001 = tpu.vector_load %arg10[%get3A_999, %get3A_1000] {strides = array<i32>} : memref<1600x32xf32, #tpu.memory_space<vmem>>, vector<1x16xf32>,
        %get3A_1002 = vector.shape_cast %get3A_1001 : vector<1x16xf32> to vector<16xf32>
        %mul3A_1003 = arith.mulf %gather3A_990, %get3A_996 : vector<16xf32>
        %add3A_1004 = arith.addf %add3A_924, %mul3A_1003 : vector<16xf32>
        %mul3A_1005 = arith.mulf %gather3A_990, %get3A_1002 : vector<16xf32>
        %add3A_1006 = arith.addf %add3A_926, %mul3A_1005 : vector<16xf32>
        %broadcast_in_dim3A_1007 = arith.constant 6 : i32
        %broadcast_in_dim3A_1008 = vector.broadcast %broadcast_in_dim3A_1007 : i32 to vector<16x1xi32>
        %gather3A_1009 = vector.shape_cast %broadcast_in_dim3A_1008 : vector<16x1xi32> to vector<16xi32>
        %gather3A_1010 = tpu.dynamic_gather %get3A_365[%gather3A_1009] in [0] : vector<16xf32>, vector<16xi32> -> vector<16xf32>
        %add3A_1011 = arith.constant 22 : i32
        %add3A_1012 = arith.addi %mul3A_550, %add3A_1011 : i32
        %get3A_1013 = arith.index_cast %add3A_1012 : i32 to index
        %get3A_1014 = arith.constant 0 : index
        %get3A_1015 = tpu.vector_load %arg10[%get3A_1013, %get3A_1014] {strides = array<i32>} : memref<1600x32xf32, #tpu.memory_space<vmem>>, vector<1x16xf32>,
        %get3A_1016 = vector.shape_cast %get3A_1015 : vector<1x16xf32> to vector<16xf32>
        %add3A_1017 = arith.constant 22 : i32
        %add3A_1018 = arith.addi %mul3A_550, %add3A_1017 : i32
        %get3A_1019 = arith.index_cast %add3A_1018 : i32 to index
        %get3A_1020 = arith.constant 16 : index
        %get3A_1021 = tpu.vector_load %arg10[%get3A_1019, %get3A_1020] {strides = array<i32>} : memref<1600x32xf32, #tpu.memory_space<vmem>>, vector<1x16xf32>,
        %get3A_1022 = vector.shape_cast %get3A_1021 : vector<1x16xf32> to vector<16xf32>
        %mul3A_1023 = arith.mulf %gather3A_1010, %get3A_1016 : vector<16xf32>
        %add3A_1024 = arith.addf %add3A_944, %mul3A_1023 : vector<16xf32>
        %mul3A_1025 = arith.mulf %gather3A_1010, %get3A_1022 : vector<16xf32>
        %add3A_1026 = arith.addf %add3A_946, %mul3A_1025 : vector<16xf32>
        %broadcast_in_dim3A_1027 = arith.constant 7 : i32
        %broadcast_in_dim3A_1028 = vector.broadcast %broadcast_in_dim3A_1027 : i32 to vector<16x1xi32>
        %gather3A_1029 = vector.shape_cast %broadcast_in_dim3A_1028 : vector<16x1xi32> to vector<16xi32>
        %gather3A_1030 = tpu.dynamic_gather %get3A_365[%gather3A_1029] in [0] : vector<16xf32>, vector<16xi32> -> vector<16xf32>
        %add3A_1031 = arith.constant 23 : i32
        %add3A_1032 = arith.addi %mul3A_550, %add3A_1031 : i32
        %get3A_1033 = arith.index_cast %add3A_1032 : i32 to index
        %get3A_1034 = arith.constant 0 : index
        %get3A_1035 = tpu.vector_load %arg10[%get3A_1033, %get3A_1034] {strides = array<i32>} : memref<1600x32xf32, #tpu.memory_space<vmem>>, vector<1x16xf32>,
        %get3A_1036 = vector.shape_cast %get3A_1035 : vector<1x16xf32> to vector<16xf32>
        %add3A_1037 = arith.constant 23 : i32
        %add3A_1038 = arith.addi %mul3A_550, %add3A_1037 : i32
        %get3A_1039 = arith.index_cast %add3A_1038 : i32 to index
        %get3A_1040 = arith.constant 16 : index
        %get3A_1041 = tpu.vector_load %arg10[%get3A_1039, %get3A_1040] {strides = array<i32>} : memref<1600x32xf32, #tpu.memory_space<vmem>>, vector<1x16xf32>,
        %get3A_1042 = vector.shape_cast %get3A_1041 : vector<1x16xf32> to vector<16xf32>
        %mul3A_1043 = arith.mulf %gather3A_1030, %get3A_1036 : vector<16xf32>
        %add3A_1044 = arith.addf %add3A_964, %mul3A_1043 : vector<16xf32>
        %mul3A_1045 = arith.mulf %gather3A_1030, %get3A_1042 : vector<16xf32>
        %add3A_1046 = arith.addf %add3A_966, %mul3A_1045 : vector<16xf32>
        %broadcast_in_dim3A_1047 = arith.constant 8 : i32
        %broadcast_in_dim3A_1048 = vector.broadcast %broadcast_in_dim3A_1047 : i32 to vector<16x1xi32>
        %gather3A_1049 = vector.shape_cast %broadcast_in_dim3A_1048 : vector<16x1xi32> to vector<16xi32>
        %gather3A_1050 = tpu.dynamic_gather %get3A_365[%gather3A_1049] in [0] : vector<16xf32>, vector<16xi32> -> vector<16xf32>
        %add3A_1051 = arith.constant 24 : i32
        %add3A_1052 = arith.addi %mul3A_550, %add3A_1051 : i32
        %get3A_1053 = arith.index_cast %add3A_1052 : i32 to index
        %get3A_1054 = arith.constant 0 : index
        %get3A_1055 = tpu.vector_load %arg10[%get3A_1053, %get3A_1054] {strides = array<i32>} : memref<1600x32xf32, #tpu.memory_space<vmem>>, vector<1x16xf32>,
        %get3A_1056 = vector.shape_cast %get3A_1055 : vector<1x16xf32> to vector<16xf32>
        %add3A_1057 = arith.constant 24 : i32
        %add3A_1058 = arith.addi %mul3A_550, %add3A_1057 : i32
        %get3A_1059 = arith.index_cast %add3A_1058 : i32 to index
        %get3A_1060 = arith.constant 16 : index
        %get3A_1061 = tpu.vector_load %arg10[%get3A_1059, %get3A_1060] {strides = array<i32>} : memref<1600x32xf32, #tpu.memory_space<vmem>>, vector<1x16xf32>,
        %get3A_1062 = vector.shape_cast %get3A_1061 : vector<1x16xf32> to vector<16xf32>
        %mul3A_1063 = arith.mulf %gather3A_1050, %get3A_1056 : vector<16xf32>
        %add3A_1064 = arith.addf %add3A_984, %mul3A_1063 : vector<16xf32>
        %mul3A_1065 = arith.mulf %gather3A_1050, %get3A_1062 : vector<16xf32>
        %add3A_1066 = arith.addf %add3A_986, %mul3A_1065 : vector<16xf32>
        %broadcast_in_dim3A_1067 = arith.constant 9 : i32
        %broadcast_in_dim3A_1068 = vector.broadcast %broadcast_in_dim3A_1067 : i32 to vector<16x1xi32>
        %gather3A_1069 = vector.shape_cast %broadcast_in_dim3A_1068 : vector<16x1xi32> to vector<16xi32>
        %gather3A_1070 = tpu.dynamic_gather %get3A_365[%gather3A_1069] in [0] : vector<16xf32>, vector<16xi32> -> vector<16xf32>
        %add3A_1071 = arith.constant 25 : i32
        %add3A_1072 = arith.addi %mul3A_550, %add3A_1071 : i32
        %get3A_1073 = arith.index_cast %add3A_1072 : i32 to index
        %get3A_1074 = arith.constant 0 : index
        %get3A_1075 = tpu.vector_load %arg10[%get3A_1073, %get3A_1074] {strides = array<i32>} : memref<1600x32xf32, #tpu.memory_space<vmem>>, vector<1x16xf32>,
        %get3A_1076 = vector.shape_cast %get3A_1075 : vector<1x16xf32> to vector<16xf32>
        %add3A_1077 = arith.constant 25 : i32
        %add3A_1078 = arith.addi %mul3A_550, %add3A_1077 : i32
        %get3A_1079 = arith.index_cast %add3A_1078 : i32 to index
        %get3A_1080 = arith.constant 16 : index
        %get3A_1081 = tpu.vector_load %arg10[%get3A_1079, %get3A_1080] {strides = array<i32>} : memref<1600x32xf32, #tpu.memory_space<vmem>>, vector<1x16xf32>,
        %get3A_1082 = vector.shape_cast %get3A_1081 : vector<1x16xf32> to vector<16xf32>
        %mul3A_1083 = arith.mulf %gather3A_1070, %get3A_1076 : vector<16xf32>
        %add3A_1084 = arith.addf %add3A_1004, %mul3A_1083 : vector<16xf32>
        %mul3A_1085 = arith.mulf %gather3A_1070, %get3A_1082 : vector<16xf32>
        %add3A_1086 = arith.addf %add3A_1006, %mul3A_1085 : vector<16xf32>
        %broadcast_in_dim3A_1087 = arith.constant 10 : i32
        %broadcast_in_dim3A_1088 = vector.broadcast %broadcast_in_dim3A_1087 : i32 to vector<16x1xi32>
        %gather3A_1089 = vector.shape_cast %broadcast_in_dim3A_1088 : vector<16x1xi32> to vector<16xi32>
        %gather3A_1090 = tpu.dynamic_gather %get3A_365[%gather3A_1089] in [0] : vector<16xf32>, vector<16xi32> -> vector<16xf32>
        %add3A_1091 = arith.constant 26 : i32
        %add3A_1092 = arith.addi %mul3A_550, %add3A_1091 : i32
        %get3A_1093 = arith.index_cast %add3A_1092 : i32 to index
        %get3A_1094 = arith.constant 0 : index
        %get3A_1095 = tpu.vector_load %arg10[%get3A_1093, %get3A_1094] {strides = array<i32>} : memref<1600x32xf32, #tpu.memory_space<vmem>>, vector<1x16xf32>,
        %get3A_1096 = vector.shape_cast %get3A_1095 : vector<1x16xf32> to vector<16xf32>
        %add3A_1097 = arith.constant 26 : i32
        %add3A_1098 = arith.addi %mul3A_550, %add3A_1097 : i32
        %get3A_1099 = arith.index_cast %add3A_1098 : i32 to index
        %get3A_1100 = arith.constant 16 : index
        %get3A_1101 = tpu.vector_load %arg10[%get3A_1099, %get3A_1100] {strides = array<i32>} : memref<1600x32xf32, #tpu.memory_space<vmem>>, vector<1x16xf32>,
        %get3A_1102 = vector.shape_cast %get3A_1101 : vector<1x16xf32> to vector<16xf32>
        %mul3A_1103 = arith.mulf %gather3A_1090, %get3A_1096 : vector<16xf32>
        %add3A_1104 = arith.addf %add3A_1024, %mul3A_1103 : vector<16xf32>
        %mul3A_1105 = arith.mulf %gather3A_1090, %get3A_1102 : vector<16xf32>
        %add3A_1106 = arith.addf %add3A_1026, %mul3A_1105 : vector<16xf32>
        %broadcast_in_dim3A_1107 = arith.constant 11 : i32
        %broadcast_in_dim3A_1108 = vector.broadcast %broadcast_in_dim3A_1107 : i32 to vector<16x1xi32>
        %gather3A_1109 = vector.shape_cast %broadcast_in_dim3A_1108 : vector<16x1xi32> to vector<16xi32>
        %gather3A_1110 = tpu.dynamic_gather %get3A_365[%gather3A_1109] in [0] : vector<16xf32>, vector<16xi32> -> vector<16xf32>
        %add3A_1111 = arith.constant 27 : i32
        %add3A_1112 = arith.addi %mul3A_550, %add3A_1111 : i32
        %get3A_1113 = arith.index_cast %add3A_1112 : i32 to index
        %get3A_1114 = arith.constant 0 : index
        %get3A_1115 = tpu.vector_load %arg10[%get3A_1113, %get3A_1114] {strides = array<i32>} : memref<1600x32xf32, #tpu.memory_space<vmem>>, vector<1x16xf32>,
        %get3A_1116 = vector.shape_cast %get3A_1115 : vector<1x16xf32> to vector<16xf32>
        %add3A_1117 = arith.constant 27 : i32
        %add3A_1118 = arith.addi %mul3A_550, %add3A_1117 : i32
        %get3A_1119 = arith.index_cast %add3A_1118 : i32 to index
        %get3A_1120 = arith.constant 16 : index
        %get3A_1121 = tpu.vector_load %arg10[%get3A_1119, %get3A_1120] {strides = array<i32>} : memref<1600x32xf32, #tpu.memory_space<vmem>>, vector<1x16xf32>,
        %get3A_1122 = vector.shape_cast %get3A_1121 : vector<1x16xf32> to vector<16xf32>
        %mul3A_1123 = arith.mulf %gather3A_1110, %get3A_1116 : vector<16xf32>
        %add3A_1124 = arith.addf %add3A_1044, %mul3A_1123 : vector<16xf32>
        %mul3A_1125 = arith.mulf %gather3A_1110, %get3A_1122 : vector<16xf32>
        %add3A_1126 = arith.addf %add3A_1046, %mul3A_1125 : vector<16xf32>
        %broadcast_in_dim3A_1127 = arith.constant 12 : i32
        %broadcast_in_dim3A_1128 = vector.broadcast %broadcast_in_dim3A_1127 : i32 to vector<16x1xi32>
        %gather3A_1129 = vector.shape_cast %broadcast_in_dim3A_1128 : vector<16x1xi32> to vector<16xi32>
        %gather3A_1130 = tpu.dynamic_gather %get3A_365[%gather3A_1129] in [0] : vector<16xf32>, vector<16xi32> -> vector<16xf32>
        %add3A_1131 = arith.constant 28 : i32
        %add3A_1132 = arith.addi %mul3A_550, %add3A_1131 : i32
        %get3A_1133 = arith.index_cast %add3A_1132 : i32 to index
        %get3A_1134 = arith.constant 0 : index
        %get3A_1135 = tpu.vector_load %arg10[%get3A_1133, %get3A_1134] {strides = array<i32>} : memref<1600x32xf32, #tpu.memory_space<vmem>>, vector<1x16xf32>,
        %get3A_1136 = vector.shape_cast %get3A_1135 : vector<1x16xf32> to vector<16xf32>
        %add3A_1137 = arith.constant 28 : i32
        %add3A_1138 = arith.addi %mul3A_550, %add3A_1137 : i32
        %get3A_1139 = arith.index_cast %add3A_1138 : i32 to index
        %get3A_1140 = arith.constant 16 : index
        %get3A_1141 = tpu.vector_load %arg10[%get3A_1139, %get3A_1140] {strides = array<i32>} : memref<1600x32xf32, #tpu.memory_space<vmem>>, vector<1x16xf32>,
        %get3A_1142 = vector.shape_cast %get3A_1141 : vector<1x16xf32> to vector<16xf32>
        %mul3A_1143 = arith.mulf %gather3A_1130, %get3A_1136 : vector<16xf32>
        %add3A_1144 = arith.addf %add3A_1064, %mul3A_1143 : vector<16xf32>
        %mul3A_1145 = arith.mulf %gather3A_1130, %get3A_1142 : vector<16xf32>
        %add3A_1146 = arith.addf %add3A_1066, %mul3A_1145 : vector<16xf32>
        %broadcast_in_dim3A_1147 = arith.constant 13 : i32
        %broadcast_in_dim3A_1148 = vector.broadcast %broadcast_in_dim3A_1147 : i32 to vector<16x1xi32>
        %gather3A_1149 = vector.shape_cast %broadcast_in_dim3A_1148 : vector<16x1xi32> to vector<16xi32>
        %gather3A_1150 = tpu.dynamic_gather %get3A_365[%gather3A_1149] in [0] : vector<16xf32>, vector<16xi32> -> vector<16xf32>
        %add3A_1151 = arith.constant 29 : i32
        %add3A_1152 = arith.addi %mul3A_550, %add3A_1151 : i32
        %get3A_1153 = arith.index_cast %add3A_1152 : i32 to index
        %get3A_1154 = arith.constant 0 : index
        %get3A_1155 = tpu.vector_load %arg10[%get3A_1153, %get3A_1154] {strides = array<i32>} : memref<1600x32xf32, #tpu.memory_space<vmem>>, vector<1x16xf32>,
        %get3A_1156 = vector.shape_cast %get3A_1155 : vector<1x16xf32> to vector<16xf32>
        %add3A_1157 = arith.constant 29 : i32
        %add3A_1158 = arith.addi %mul3A_550, %add3A_1157 : i32
        %get3A_1159 = arith.index_cast %add3A_1158 : i32 to index
        %get3A_1160 = arith.constant 16 : index
        %get3A_1161 = tpu.vector_load %arg10[%get3A_1159, %get3A_1160] {strides = array<i32>} : memref<1600x32xf32, #tpu.memory_space<vmem>>, vector<1x16xf32>,
        %get3A_1162 = vector.shape_cast %get3A_1161 : vector<1x16xf32> to vector<16xf32>
        %mul3A_1163 = arith.mulf %gather3A_1150, %get3A_1156 : vector<16xf32>
        %add3A_1164 = arith.addf %add3A_1084, %mul3A_1163 : vector<16xf32>
        %mul3A_1165 = arith.mulf %gather3A_1150, %get3A_1162 : vector<16xf32>
        %add3A_1166 = arith.addf %add3A_1086, %mul3A_1165 : vector<16xf32>
        %broadcast_in_dim3A_1167 = arith.constant 14 : i32
        %broadcast_in_dim3A_1168 = vector.broadcast %broadcast_in_dim3A_1167 : i32 to vector<16x1xi32>
        %gather3A_1169 = vector.shape_cast %broadcast_in_dim3A_1168 : vector<16x1xi32> to vector<16xi32>
        %gather3A_1170 = tpu.dynamic_gather %get3A_365[%gather3A_1169] in [0] : vector<16xf32>, vector<16xi32> -> vector<16xf32>
        %add3A_1171 = arith.constant 30 : i32
        %add3A_1172 = arith.addi %mul3A_550, %add3A_1171 : i32
        %get3A_1173 = arith.index_cast %add3A_1172 : i32 to index
        %get3A_1174 = arith.constant 0 : index
        %get3A_1175 = tpu.vector_load %arg10[%get3A_1173, %get3A_1174] {strides = array<i32>} : memref<1600x32xf32, #tpu.memory_space<vmem>>, vector<1x16xf32>,
        %get3A_1176 = vector.shape_cast %get3A_1175 : vector<1x16xf32> to vector<16xf32>
        %add3A_1177 = arith.constant 30 : i32
        %add3A_1178 = arith.addi %mul3A_550, %add3A_1177 : i32
        %get3A_1179 = arith.index_cast %add3A_1178 : i32 to index
        %get3A_1180 = arith.constant 16 : index
        %get3A_1181 = tpu.vector_load %arg10[%get3A_1179, %get3A_1180] {strides = array<i32>} : memref<1600x32xf32, #tpu.memory_space<vmem>>, vector<1x16xf32>,
        %get3A_1182 = vector.shape_cast %get3A_1181 : vector<1x16xf32> to vector<16xf32>
        %mul3A_1183 = arith.mulf %gather3A_1170, %get3A_1176 : vector<16xf32>
        %add3A_1184 = arith.addf %add3A_1104, %mul3A_1183 : vector<16xf32>
        %mul3A_1185 = arith.mulf %gather3A_1170, %get3A_1182 : vector<16xf32>
        %add3A_1186 = arith.addf %add3A_1106, %mul3A_1185 : vector<16xf32>
        %broadcast_in_dim3A_1187 = arith.constant 15 : i32
        %broadcast_in_dim3A_1188 = vector.broadcast %broadcast_in_dim3A_1187 : i32 to vector<16x1xi32>
        %gather3A_1189 = vector.shape_cast %broadcast_in_dim3A_1188 : vector<16x1xi32> to vector<16xi32>
        %gather3A_1190 = tpu.dynamic_gather %get3A_365[%gather3A_1189] in [0] : vector<16xf32>, vector<16xi32> -> vector<16xf32>
        %add3A_1191 = arith.constant 31 : i32
        %add3A_1192 = arith.addi %mul3A_550, %add3A_1191 : i32
        %get3A_1193 = arith.index_cast %add3A_1192 : i32 to index
        %get3A_1194 = arith.constant 0 : index
        %get3A_1195 = tpu.vector_load %arg10[%get3A_1193, %get3A_1194] {strides = array<i32>} : memref<1600x32xf32, #tpu.memory_space<vmem>>, vector<1x16xf32>,
        %get3A_1196 = vector.shape_cast %get3A_1195 : vector<1x16xf32> to vector<16xf32>
        %add3A_1197 = arith.constant 31 : i32
        %add3A_1198 = arith.addi %mul3A_550, %add3A_1197 : i32
        %get3A_1199 = arith.index_cast %add3A_1198 : i32 to index
        %get3A_1200 = arith.constant 16 : index
        %get3A_1201 = tpu.vector_load %arg10[%get3A_1199, %get3A_1200] {strides = array<i32>} : memref<1600x32xf32, #tpu.memory_space<vmem>>, vector<1x16xf32>,
        %get3A_1202 = vector.shape_cast %get3A_1201 : vector<1x16xf32> to vector<16xf32>
        %mul3A_1203 = arith.mulf %gather3A_1190, %get3A_1196 : vector<16xf32>
        %add3A_1204 = arith.addf %add3A_1124, %mul3A_1203 : vector<16xf32>
        %mul3A_1205 = arith.mulf %gather3A_1190, %get3A_1202 : vector<16xf32>
        %add3A_1206 = arith.addf %add3A_1126, %mul3A_1205 : vector<16xf32>
        %broadcast_in_dim3A_1207 = arith.constant 0 : i32
        %broadcast_in_dim3A_1208 = vector.broadcast %broadcast_in_dim3A_1207 : i32 to vector<16x1xi32>
        %gather3A_1209 = vector.shape_cast %broadcast_in_dim3A_1208 : vector<16x1xi32> to vector<16xi32>
        %gather3A_1210 = tpu.dynamic_gather %get3A_368[%gather3A_1209] in [0] : vector<16xf32>, vector<16xi32> -> vector<16xf32>
        %add3A_1211 = arith.constant 32 : i32
        %add3A_1212 = arith.addi %mul3A_550, %add3A_1211 : i32
        %get3A_1213 = arith.index_cast %add3A_1212 : i32 to index
        %get3A_1214 = arith.constant 0 : index
        %get3A_1215 = tpu.vector_load %arg10[%get3A_1213, %get3A_1214] {strides = array<i32>} : memref<1600x32xf32, #tpu.memory_space<vmem>>, vector<1x16xf32>,
        %get3A_1216 = vector.shape_cast %get3A_1215 : vector<1x16xf32> to vector<16xf32>
        %add3A_1217 = arith.constant 32 : i32
        %add3A_1218 = arith.addi %mul3A_550, %add3A_1217 : i32
        %get3A_1219 = arith.index_cast %add3A_1218 : i32 to index
        %get3A_1220 = arith.constant 16 : index
        %get3A_1221 = tpu.vector_load %arg10[%get3A_1219, %get3A_1220] {strides = array<i32>} : memref<1600x32xf32, #tpu.memory_space<vmem>>, vector<1x16xf32>,
        %get3A_1222 = vector.shape_cast %get3A_1221 : vector<1x16xf32> to vector<16xf32>
        %mul3A_1223 = arith.mulf %gather3A_1210, %get3A_1216 : vector<16xf32>
        %add3A_1224 = arith.addf %add3A_1144, %mul3A_1223 : vector<16xf32>
        %mul3A_1225 = arith.mulf %gather3A_1210, %get3A_1222 : vector<16xf32>
        %add3A_1226 = arith.addf %add3A_1146, %mul3A_1225 : vector<16xf32>
        %broadcast_in_dim3A_1227 = arith.constant 1 : i32
        %broadcast_in_dim3A_1228 = vector.broadcast %broadcast_in_dim3A_1227 : i32 to vector<16x1xi32>
        %gather3A_1229 = vector.shape_cast %broadcast_in_dim3A_1228 : vector<16x1xi32> to vector<16xi32>
        %gather3A_1230 = tpu.dynamic_gather %get3A_368[%gather3A_1229] in [0] : vector<16xf32>, vector<16xi32> -> vector<16xf32>
        %add3A_1231 = arith.constant 33 : i32
        %add3A_1232 = arith.addi %mul3A_550, %add3A_1231 : i32
        %get3A_1233 = arith.index_cast %add3A_1232 : i32 to index
        %get3A_1234 = arith.constant 0 : index
        %get3A_1235 = tpu.vector_load %arg10[%get3A_1233, %get3A_1234] {strides = array<i32>} : memref<1600x32xf32, #tpu.memory_space<vmem>>, vector<1x16xf32>,
        %get3A_1236 = vector.shape_cast %get3A_1235 : vector<1x16xf32> to vector<16xf32>
        %add3A_1237 = arith.constant 33 : i32
        %add3A_1238 = arith.addi %mul3A_550, %add3A_1237 : i32
        %get3A_1239 = arith.index_cast %add3A_1238 : i32 to index
        %get3A_1240 = arith.constant 16 : index
        %get3A_1241 = tpu.vector_load %arg10[%get3A_1239, %get3A_1240] {strides = array<i32>} : memref<1600x32xf32, #tpu.memory_space<vmem>>, vector<1x16xf32>,
        %get3A_1242 = vector.shape_cast %get3A_1241 : vector<1x16xf32> to vector<16xf32>
        %mul3A_1243 = arith.mulf %gather3A_1230, %get3A_1236 : vector<16xf32>
        %add3A_1244 = arith.addf %add3A_1164, %mul3A_1243 : vector<16xf32>
        %mul3A_1245 = arith.mulf %gather3A_1230, %get3A_1242 : vector<16xf32>
        %add3A_1246 = arith.addf %add3A_1166, %mul3A_1245 : vector<16xf32>
        %broadcast_in_dim3A_1247 = arith.constant 2 : i32
        %broadcast_in_dim3A_1248 = vector.broadcast %broadcast_in_dim3A_1247 : i32 to vector<16x1xi32>
        %gather3A_1249 = vector.shape_cast %broadcast_in_dim3A_1248 : vector<16x1xi32> to vector<16xi32>
        %gather3A_1250 = tpu.dynamic_gather %get3A_368[%gather3A_1249] in [0] : vector<16xf32>, vector<16xi32> -> vector<16xf32>
        %add3A_1251 = arith.constant 34 : i32
        %add3A_1252 = arith.addi %mul3A_550, %add3A_1251 : i32
        %get3A_1253 = arith.index_cast %add3A_1252 : i32 to index
        %get3A_1254 = arith.constant 0 : index
        %get3A_1255 = tpu.vector_load %arg10[%get3A_1253, %get3A_1254] {strides = array<i32>} : memref<1600x32xf32, #tpu.memory_space<vmem>>, vector<1x16xf32>,
        %get3A_1256 = vector.shape_cast %get3A_1255 : vector<1x16xf32> to vector<16xf32>
        %add3A_1257 = arith.constant 34 : i32
        %add3A_1258 = arith.addi %mul3A_550, %add3A_1257 : i32
        %get3A_1259 = arith.index_cast %add3A_1258 : i32 to index
        %get3A_1260 = arith.constant 16 : index
        %get3A_1261 = tpu.vector_load %arg10[%get3A_1259, %get3A_1260] {strides = array<i32>} : memref<1600x32xf32, #tpu.memory_space<vmem>>, vector<1x16xf32>,
        %get3A_1262 = vector.shape_cast %get3A_1261 : vector<1x16xf32> to vector<16xf32>
        %mul3A_1263 = arith.mulf %gather3A_1250, %get3A_1256 : vector<16xf32>
        %add3A_1264 = arith.addf %add3A_1184, %mul3A_1263 : vector<16xf32>
        %mul3A_1265 = arith.mulf %gather3A_1250, %get3A_1262 : vector<16xf32>
        %add3A_1266 = arith.addf %add3A_1186, %mul3A_1265 : vector<16xf32>
        %broadcast_in_dim3A_1267 = arith.constant 3 : i32
        %broadcast_in_dim3A_1268 = vector.broadcast %broadcast_in_dim3A_1267 : i32 to vector<16x1xi32>
        %gather3A_1269 = vector.shape_cast %broadcast_in_dim3A_1268 : vector<16x1xi32> to vector<16xi32>
        %gather3A_1270 = tpu.dynamic_gather %get3A_368[%gather3A_1269] in [0] : vector<16xf32>, vector<16xi32> -> vector<16xf32>
        %add3A_1271 = arith.constant 35 : i32
        %add3A_1272 = arith.addi %mul3A_550, %add3A_1271 : i32
        %get3A_1273 = arith.index_cast %add3A_1272 : i32 to index
        %get3A_1274 = arith.constant 0 : index
        %get3A_1275 = tpu.vector_load %arg10[%get3A_1273, %get3A_1274] {strides = array<i32>} : memref<1600x32xf32, #tpu.memory_space<vmem>>, vector<1x16xf32>,
        %get3A_1276 = vector.shape_cast %get3A_1275 : vector<1x16xf32> to vector<16xf32>
        %add3A_1277 = arith.constant 35 : i32
        %add3A_1278 = arith.addi %mul3A_550, %add3A_1277 : i32
        %get3A_1279 = arith.index_cast %add3A_1278 : i32 to index
        %get3A_1280 = arith.constant 16 : index
        %get3A_1281 = tpu.vector_load %arg10[%get3A_1279, %get3A_1280] {strides = array<i32>} : memref<1600x32xf32, #tpu.memory_space<vmem>>, vector<1x16xf32>,
        %get3A_1282 = vector.shape_cast %get3A_1281 : vector<1x16xf32> to vector<16xf32>
        %mul3A_1283 = arith.mulf %gather3A_1270, %get3A_1276 : vector<16xf32>
        %add3A_1284 = arith.addf %add3A_1204, %mul3A_1283 : vector<16xf32>
        %mul3A_1285 = arith.mulf %gather3A_1270, %get3A_1282 : vector<16xf32>
        %add3A_1286 = arith.addf %add3A_1206, %mul3A_1285 : vector<16xf32>
        %broadcast_in_dim3A_1287 = arith.constant 4 : i32
        %broadcast_in_dim3A_1288 = vector.broadcast %broadcast_in_dim3A_1287 : i32 to vector<16x1xi32>
        %gather3A_1289 = vector.shape_cast %broadcast_in_dim3A_1288 : vector<16x1xi32> to vector<16xi32>
        %gather3A_1290 = tpu.dynamic_gather %get3A_368[%gather3A_1289] in [0] : vector<16xf32>, vector<16xi32> -> vector<16xf32>
        %add3A_1291 = arith.constant 36 : i32
        %add3A_1292 = arith.addi %mul3A_550, %add3A_1291 : i32
        %get3A_1293 = arith.index_cast %add3A_1292 : i32 to index
        %get3A_1294 = arith.constant 0 : index
        %get3A_1295 = tpu.vector_load %arg10[%get3A_1293, %get3A_1294] {strides = array<i32>} : memref<1600x32xf32, #tpu.memory_space<vmem>>, vector<1x16xf32>,
        %get3A_1296 = vector.shape_cast %get3A_1295 : vector<1x16xf32> to vector<16xf32>
        %add3A_1297 = arith.constant 36 : i32
        %add3A_1298 = arith.addi %mul3A_550, %add3A_1297 : i32
        %get3A_1299 = arith.index_cast %add3A_1298 : i32 to index
        %get3A_1300 = arith.constant 16 : index
        %get3A_1301 = tpu.vector_load %arg10[%get3A_1299, %get3A_1300] {strides = array<i32>} : memref<1600x32xf32, #tpu.memory_space<vmem>>, vector<1x16xf32>,
        %get3A_1302 = vector.shape_cast %get3A_1301 : vector<1x16xf32> to vector<16xf32>
        %mul3A_1303 = arith.mulf %gather3A_1290, %get3A_1296 : vector<16xf32>
        %add3A_1304 = arith.addf %add3A_1224, %mul3A_1303 : vector<16xf32>
        %mul3A_1305 = arith.mulf %gather3A_1290, %get3A_1302 : vector<16xf32>
        %add3A_1306 = arith.addf %add3A_1226, %mul3A_1305 : vector<16xf32>
        %broadcast_in_dim3A_1307 = arith.constant 5 : i32
        %broadcast_in_dim3A_1308 = vector.broadcast %broadcast_in_dim3A_1307 : i32 to vector<16x1xi32>
        %gather3A_1309 = vector.shape_cast %broadcast_in_dim3A_1308 : vector<16x1xi32> to vector<16xi32>
        %gather3A_1310 = tpu.dynamic_gather %get3A_368[%gather3A_1309] in [0] : vector<16xf32>, vector<16xi32> -> vector<16xf32>
        %add3A_1311 = arith.constant 37 : i32
        %add3A_1312 = arith.addi %mul3A_550, %add3A_1311 : i32
        %get3A_1313 = arith.index_cast %add3A_1312 : i32 to index
        %get3A_1314 = arith.constant 0 : index
        %get3A_1315 = tpu.vector_load %arg10[%get3A_1313, %get3A_1314] {strides = array<i32>} : memref<1600x32xf32, #tpu.memory_space<vmem>>, vector<1x16xf32>,
        %get3A_1316 = vector.shape_cast %get3A_1315 : vector<1x16xf32> to vector<16xf32>
        %add3A_1317 = arith.constant 37 : i32
        %add3A_1318 = arith.addi %mul3A_550, %add3A_1317 : i32
        %get3A_1319 = arith.index_cast %add3A_1318 : i32 to index
        %get3A_1320 = arith.constant 16 : index
        %get3A_1321 = tpu.vector_load %arg10[%get3A_1319, %get3A_1320] {strides = array<i32>} : memref<1600x32xf32, #tpu.memory_space<vmem>>, vector<1x16xf32>,
        %get3A_1322 = vector.shape_cast %get3A_1321 : vector<1x16xf32> to vector<16xf32>
        %mul3A_1323 = arith.mulf %gather3A_1310, %get3A_1316 : vector<16xf32>
        %add3A_1324 = arith.addf %add3A_1244, %mul3A_1323 : vector<16xf32>
        %mul3A_1325 = arith.mulf %gather3A_1310, %get3A_1322 : vector<16xf32>
        %add3A_1326 = arith.addf %add3A_1246, %mul3A_1325 : vector<16xf32>
        %broadcast_in_dim3A_1327 = arith.constant 6 : i32
        %broadcast_in_dim3A_1328 = vector.broadcast %broadcast_in_dim3A_1327 : i32 to vector<16x1xi32>
        %gather3A_1329 = vector.shape_cast %broadcast_in_dim3A_1328 : vector<16x1xi32> to vector<16xi32>
        %gather3A_1330 = tpu.dynamic_gather %get3A_368[%gather3A_1329] in [0] : vector<16xf32>, vector<16xi32> -> vector<16xf32>
        %add3A_1331 = arith.constant 38 : i32
        %add3A_1332 = arith.addi %mul3A_550, %add3A_1331 : i32
        %get3A_1333 = arith.index_cast %add3A_1332 : i32 to index
        %get3A_1334 = arith.constant 0 : index
        %get3A_1335 = tpu.vector_load %arg10[%get3A_1333, %get3A_1334] {strides = array<i32>} : memref<1600x32xf32, #tpu.memory_space<vmem>>, vector<1x16xf32>,
        %get3A_1336 = vector.shape_cast %get3A_1335 : vector<1x16xf32> to vector<16xf32>
        %add3A_1337 = arith.constant 38 : i32
        %add3A_1338 = arith.addi %mul3A_550, %add3A_1337 : i32
        %get3A_1339 = arith.index_cast %add3A_1338 : i32 to index
        %get3A_1340 = arith.constant 16 : index
        %get3A_1341 = tpu.vector_load %arg10[%get3A_1339, %get3A_1340] {strides = array<i32>} : memref<1600x32xf32, #tpu.memory_space<vmem>>, vector<1x16xf32>,
        %get3A_1342 = vector.shape_cast %get3A_1341 : vector<1x16xf32> to vector<16xf32>
        %mul3A_1343 = arith.mulf %gather3A_1330, %get3A_1336 : vector<16xf32>
        %add3A_1344 = arith.addf %add3A_1264, %mul3A_1343 : vector<16xf32>
        %mul3A_1345 = arith.mulf %gather3A_1330, %get3A_1342 : vector<16xf32>
        %add3A_1346 = arith.addf %add3A_1266, %mul3A_1345 : vector<16xf32>
        %broadcast_in_dim3A_1347 = arith.constant 7 : i32
        %broadcast_in_dim3A_1348 = vector.broadcast %broadcast_in_dim3A_1347 : i32 to vector<16x1xi32>
        %gather3A_1349 = vector.shape_cast %broadcast_in_dim3A_1348 : vector<16x1xi32> to vector<16xi32>
        %gather3A_1350 = tpu.dynamic_gather %get3A_368[%gather3A_1349] in [0] : vector<16xf32>, vector<16xi32> -> vector<16xf32>
        %add3A_1351 = arith.constant 39 : i32
        %add3A_1352 = arith.addi %mul3A_550, %add3A_1351 : i32
        %get3A_1353 = arith.index_cast %add3A_1352 : i32 to index
        %get3A_1354 = arith.constant 0 : index
        %get3A_1355 = tpu.vector_load %arg10[%get3A_1353, %get3A_1354] {strides = array<i32>} : memref<1600x32xf32, #tpu.memory_space<vmem>>, vector<1x16xf32>,
        %get3A_1356 = vector.shape_cast %get3A_1355 : vector<1x16xf32> to vector<16xf32>
        %add3A_1357 = arith.constant 39 : i32
        %add3A_1358 = arith.addi %mul3A_550, %add3A_1357 : i32
        %get3A_1359 = arith.index_cast %add3A_1358 : i32 to index
        %get3A_1360 = arith.constant 16 : index
        %get3A_1361 = tpu.vector_load %arg10[%get3A_1359, %get3A_1360] {strides = array<i32>} : memref<1600x32xf32, #tpu.memory_space<vmem>>, vector<1x16xf32>,
        %get3A_1362 = vector.shape_cast %get3A_1361 : vector<1x16xf32> to vector<16xf32>
        %mul3A_1363 = arith.mulf %gather3A_1350, %get3A_1356 : vector<16xf32>
        %add3A_1364 = arith.addf %add3A_1284, %mul3A_1363 : vector<16xf32>
        %mul3A_1365 = arith.mulf %gather3A_1350, %get3A_1362 : vector<16xf32>
        %add3A_1366 = arith.addf %add3A_1286, %mul3A_1365 : vector<16xf32>
        %broadcast_in_dim3A_1367 = arith.constant 8 : i32
        %broadcast_in_dim3A_1368 = vector.broadcast %broadcast_in_dim3A_1367 : i32 to vector<16x1xi32>
        %gather3A_1369 = vector.shape_cast %broadcast_in_dim3A_1368 : vector<16x1xi32> to vector<16xi32>
        %gather3A_1370 = tpu.dynamic_gather %get3A_368[%gather3A_1369] in [0] : vector<16xf32>, vector<16xi32> -> vector<16xf32>
        %add3A_1371 = arith.constant 40 : i32
        %add3A_1372 = arith.addi %mul3A_550, %add3A_1371 : i32
        %get3A_1373 = arith.index_cast %add3A_1372 : i32 to index
        %get3A_1374 = arith.constant 0 : index
        %get3A_1375 = tpu.vector_load %arg10[%get3A_1373, %get3A_1374] {strides = array<i32>} : memref<1600x32xf32, #tpu.memory_space<vmem>>, vector<1x16xf32>,
        %get3A_1376 = vector.shape_cast %get3A_1375 : vector<1x16xf32> to vector<16xf32>
        %add3A_1377 = arith.constant 40 : i32
        %add3A_1378 = arith.addi %mul3A_550, %add3A_1377 : i32
        %get3A_1379 = arith.index_cast %add3A_1378 : i32 to index
        %get3A_1380 = arith.constant 16 : index
        %get3A_1381 = tpu.vector_load %arg10[%get3A_1379, %get3A_1380] {strides = array<i32>} : memref<1600x32xf32, #tpu.memory_space<vmem>>, vector<1x16xf32>,
        %get3A_1382 = vector.shape_cast %get3A_1381 : vector<1x16xf32> to vector<16xf32>
        %mul3A_1383 = arith.mulf %gather3A_1370, %get3A_1376 : vector<16xf32>
        %add3A_1384 = arith.addf %add3A_1304, %mul3A_1383 : vector<16xf32>
        %mul3A_1385 = arith.mulf %gather3A_1370, %get3A_1382 : vector<16xf32>
        %add3A_1386 = arith.addf %add3A_1306, %mul3A_1385 : vector<16xf32>
        %broadcast_in_dim3A_1387 = arith.constant 9 : i32
        %broadcast_in_dim3A_1388 = vector.broadcast %broadcast_in_dim3A_1387 : i32 to vector<16x1xi32>
        %gather3A_1389 = vector.shape_cast %broadcast_in_dim3A_1388 : vector<16x1xi32> to vector<16xi32>
        %gather3A_1390 = tpu.dynamic_gather %get3A_368[%gather3A_1389] in [0] : vector<16xf32>, vector<16xi32> -> vector<16xf32>
        %add3A_1391 = arith.constant 41 : i32
        %add3A_1392 = arith.addi %mul3A_550, %add3A_1391 : i32
        %get3A_1393 = arith.index_cast %add3A_1392 : i32 to index
        %get3A_1394 = arith.constant 0 : index
        %get3A_1395 = tpu.vector_load %arg10[%get3A_1393, %get3A_1394] {strides = array<i32>} : memref<1600x32xf32, #tpu.memory_space<vmem>>, vector<1x16xf32>,
        %get3A_1396 = vector.shape_cast %get3A_1395 : vector<1x16xf32> to vector<16xf32>
        %add3A_1397 = arith.constant 41 : i32
        %add3A_1398 = arith.addi %mul3A_550, %add3A_1397 : i32
        %get3A_1399 = arith.index_cast %add3A_1398 : i32 to index
        %get3A_1400 = arith.constant 16 : index
        %get3A_1401 = tpu.vector_load %arg10[%get3A_1399, %get3A_1400] {strides = array<i32>} : memref<1600x32xf32, #tpu.memory_space<vmem>>, vector<1x16xf32>,
        %get3A_1402 = vector.shape_cast %get3A_1401 : vector<1x16xf32> to vector<16xf32>
        %mul3A_1403 = arith.mulf %gather3A_1390, %get3A_1396 : vector<16xf32>
        %add3A_1404 = arith.addf %add3A_1324, %mul3A_1403 : vector<16xf32>
        %mul3A_1405 = arith.mulf %gather3A_1390, %get3A_1402 : vector<16xf32>
        %add3A_1406 = arith.addf %add3A_1326, %mul3A_1405 : vector<16xf32>
        %broadcast_in_dim3A_1407 = arith.constant 10 : i32
        %broadcast_in_dim3A_1408 = vector.broadcast %broadcast_in_dim3A_1407 : i32 to vector<16x1xi32>
        %gather3A_1409 = vector.shape_cast %broadcast_in_dim3A_1408 : vector<16x1xi32> to vector<16xi32>
        %gather3A_1410 = tpu.dynamic_gather %get3A_368[%gather3A_1409] in [0] : vector<16xf32>, vector<16xi32> -> vector<16xf32>
        %add3A_1411 = arith.constant 42 : i32
        %add3A_1412 = arith.addi %mul3A_550, %add3A_1411 : i32
        %get3A_1413 = arith.index_cast %add3A_1412 : i32 to index
        %get3A_1414 = arith.constant 0 : index
        %get3A_1415 = tpu.vector_load %arg10[%get3A_1413, %get3A_1414] {strides = array<i32>} : memref<1600x32xf32, #tpu.memory_space<vmem>>, vector<1x16xf32>,
        %get3A_1416 = vector.shape_cast %get3A_1415 : vector<1x16xf32> to vector<16xf32>
        %add3A_1417 = arith.constant 42 : i32
        %add3A_1418 = arith.addi %mul3A_550, %add3A_1417 : i32
        %get3A_1419 = arith.index_cast %add3A_1418 : i32 to index
        %get3A_1420 = arith.constant 16 : index
        %get3A_1421 = tpu.vector_load %arg10[%get3A_1419, %get3A_1420] {strides = array<i32>} : memref<1600x32xf32, #tpu.memory_space<vmem>>, vector<1x16xf32>,
        %get3A_1422 = vector.shape_cast %get3A_1421 : vector<1x16xf32> to vector<16xf32>
        %mul3A_1423 = arith.mulf %gather3A_1410, %get3A_1416 : vector<16xf32>
        %add3A_1424 = arith.addf %add3A_1344, %mul3A_1423 : vector<16xf32>
        %mul3A_1425 = arith.mulf %gather3A_1410, %get3A_1422 : vector<16xf32>
        %add3A_1426 = arith.addf %add3A_1346, %mul3A_1425 : vector<16xf32>
        %broadcast_in_dim3A_1427 = arith.constant 11 : i32
        %broadcast_in_dim3A_1428 = vector.broadcast %broadcast_in_dim3A_1427 : i32 to vector<16x1xi32>
        %gather3A_1429 = vector.shape_cast %broadcast_in_dim3A_1428 : vector<16x1xi32> to vector<16xi32>
        %gather3A_1430 = tpu.dynamic_gather %get3A_368[%gather3A_1429] in [0] : vector<16xf32>, vector<16xi32> -> vector<16xf32>
        %add3A_1431 = arith.constant 43 : i32
        %add3A_1432 = arith.addi %mul3A_550, %add3A_1431 : i32
        %get3A_1433 = arith.index_cast %add3A_1432 : i32 to index
        %get3A_1434 = arith.constant 0 : index
        %get3A_1435 = tpu.vector_load %arg10[%get3A_1433, %get3A_1434] {strides = array<i32>} : memref<1600x32xf32, #tpu.memory_space<vmem>>, vector<1x16xf32>,
        %get3A_1436 = vector.shape_cast %get3A_1435 : vector<1x16xf32> to vector<16xf32>
        %add3A_1437 = arith.constant 43 : i32
        %add3A_1438 = arith.addi %mul3A_550, %add3A_1437 : i32
        %get3A_1439 = arith.index_cast %add3A_1438 : i32 to index
        %get3A_1440 = arith.constant 16 : index
        %get3A_1441 = tpu.vector_load %arg10[%get3A_1439, %get3A_1440] {strides = array<i32>} : memref<1600x32xf32, #tpu.memory_space<vmem>>, vector<1x16xf32>,
        %get3A_1442 = vector.shape_cast %get3A_1441 : vector<1x16xf32> to vector<16xf32>
        %mul3A_1443 = arith.mulf %gather3A_1430, %get3A_1436 : vector<16xf32>
        %add3A_1444 = arith.addf %add3A_1364, %mul3A_1443 : vector<16xf32>
        %mul3A_1445 = arith.mulf %gather3A_1430, %get3A_1442 : vector<16xf32>
        %add3A_1446 = arith.addf %add3A_1366, %mul3A_1445 : vector<16xf32>
        %broadcast_in_dim3A_1447 = arith.constant 12 : i32
        %broadcast_in_dim3A_1448 = vector.broadcast %broadcast_in_dim3A_1447 : i32 to vector<16x1xi32>
        %gather3A_1449 = vector.shape_cast %broadcast_in_dim3A_1448 : vector<16x1xi32> to vector<16xi32>
        %gather3A_1450 = tpu.dynamic_gather %get3A_368[%gather3A_1449] in [0] : vector<16xf32>, vector<16xi32> -> vector<16xf32>
        %add3A_1451 = arith.constant 44 : i32
        %add3A_1452 = arith.addi %mul3A_550, %add3A_1451 : i32
        %get3A_1453 = arith.index_cast %add3A_1452 : i32 to index
        %get3A_1454 = arith.constant 0 : index
        %get3A_1455 = tpu.vector_load %arg10[%get3A_1453, %get3A_1454] {strides = array<i32>} : memref<1600x32xf32, #tpu.memory_space<vmem>>, vector<1x16xf32>,
        %get3A_1456 = vector.shape_cast %get3A_1455 : vector<1x16xf32> to vector<16xf32>
        %add3A_1457 = arith.constant 44 : i32
        %add3A_1458 = arith.addi %mul3A_550, %add3A_1457 : i32
        %get3A_1459 = arith.index_cast %add3A_1458 : i32 to index
        %get3A_1460 = arith.constant 16 : index
        %get3A_1461 = tpu.vector_load %arg10[%get3A_1459, %get3A_1460] {strides = array<i32>} : memref<1600x32xf32, #tpu.memory_space<vmem>>, vector<1x16xf32>,
        %get3A_1462 = vector.shape_cast %get3A_1461 : vector<1x16xf32> to vector<16xf32>
        %mul3A_1463 = arith.mulf %gather3A_1450, %get3A_1456 : vector<16xf32>
        %add3A_1464 = arith.addf %add3A_1384, %mul3A_1463 : vector<16xf32>
        %mul3A_1465 = arith.mulf %gather3A_1450, %get3A_1462 : vector<16xf32>
        %add3A_1466 = arith.addf %add3A_1386, %mul3A_1465 : vector<16xf32>
        %broadcast_in_dim3A_1467 = arith.constant 13 : i32
        %broadcast_in_dim3A_1468 = vector.broadcast %broadcast_in_dim3A_1467 : i32 to vector<16x1xi32>
        %gather3A_1469 = vector.shape_cast %broadcast_in_dim3A_1468 : vector<16x1xi32> to vector<16xi32>
        %gather3A_1470 = tpu.dynamic_gather %get3A_368[%gather3A_1469] in [0] : vector<16xf32>, vector<16xi32> -> vector<16xf32>
        %add3A_1471 = arith.constant 45 : i32
        %add3A_1472 = arith.addi %mul3A_550, %add3A_1471 : i32
        %get3A_1473 = arith.index_cast %add3A_1472 : i32 to index
        %get3A_1474 = arith.constant 0 : index
        %get3A_1475 = tpu.vector_load %arg10[%get3A_1473, %get3A_1474] {strides = array<i32>} : memref<1600x32xf32, #tpu.memory_space<vmem>>, vector<1x16xf32>,
        %get3A_1476 = vector.shape_cast %get3A_1475 : vector<1x16xf32> to vector<16xf32>
        %add3A_1477 = arith.constant 45 : i32
        %add3A_1478 = arith.addi %mul3A_550, %add3A_1477 : i32
        %get3A_1479 = arith.index_cast %add3A_1478 : i32 to index
        %get3A_1480 = arith.constant 16 : index
        %get3A_1481 = tpu.vector_load %arg10[%get3A_1479, %get3A_1480] {strides = array<i32>} : memref<1600x32xf32, #tpu.memory_space<vmem>>, vector<1x16xf32>,
        %get3A_1482 = vector.shape_cast %get3A_1481 : vector<1x16xf32> to vector<16xf32>
        %mul3A_1483 = arith.mulf %gather3A_1470, %get3A_1476 : vector<16xf32>
        %add3A_1484 = arith.addf %add3A_1404, %mul3A_1483 : vector<16xf32>
        %mul3A_1485 = arith.mulf %gather3A_1470, %get3A_1482 : vector<16xf32>
        %add3A_1486 = arith.addf %add3A_1406, %mul3A_1485 : vector<16xf32>
        %broadcast_in_dim3A_1487 = arith.constant 14 : i32
        %broadcast_in_dim3A_1488 = vector.broadcast %broadcast_in_dim3A_1487 : i32 to vector<16x1xi32>
        %gather3A_1489 = vector.shape_cast %broadcast_in_dim3A_1488 : vector<16x1xi32> to vector<16xi32>
        %gather3A_1490 = tpu.dynamic_gather %get3A_368[%gather3A_1489] in [0] : vector<16xf32>, vector<16xi32> -> vector<16xf32>
        %add3A_1491 = arith.constant 46 : i32
        %add3A_1492 = arith.addi %mul3A_550, %add3A_1491 : i32
        %get3A_1493 = arith.index_cast %add3A_1492 : i32 to index
        %get3A_1494 = arith.constant 0 : index
        %get3A_1495 = tpu.vector_load %arg10[%get3A_1493, %get3A_1494] {strides = array<i32>} : memref<1600x32xf32, #tpu.memory_space<vmem>>, vector<1x16xf32>,
        %get3A_1496 = vector.shape_cast %get3A_1495 : vector<1x16xf32> to vector<16xf32>
        %add3A_1497 = arith.constant 46 : i32
        %add3A_1498 = arith.addi %mul3A_550, %add3A_1497 : i32
        %get3A_1499 = arith.index_cast %add3A_1498 : i32 to index
        %get3A_1500 = arith.constant 16 : index
        %get3A_1501 = tpu.vector_load %arg10[%get3A_1499, %get3A_1500] {strides = array<i32>} : memref<1600x32xf32, #tpu.memory_space<vmem>>, vector<1x16xf32>,
        %get3A_1502 = vector.shape_cast %get3A_1501 : vector<1x16xf32> to vector<16xf32>
        %mul3A_1503 = arith.mulf %gather3A_1490, %get3A_1496 : vector<16xf32>
        %add3A_1504 = arith.addf %add3A_1424, %mul3A_1503 : vector<16xf32>
        %mul3A_1505 = arith.mulf %gather3A_1490, %get3A_1502 : vector<16xf32>
        %add3A_1506 = arith.addf %add3A_1426, %mul3A_1505 : vector<16xf32>
        %broadcast_in_dim3A_1507 = arith.constant 15 : i32
        %broadcast_in_dim3A_1508 = vector.broadcast %broadcast_in_dim3A_1507 : i32 to vector<16x1xi32>
        %gather3A_1509 = vector.shape_cast %broadcast_in_dim3A_1508 : vector<16x1xi32> to vector<16xi32>
        %gather3A_1510 = tpu.dynamic_gather %get3A_368[%gather3A_1509] in [0] : vector<16xf32>, vector<16xi32> -> vector<16xf32>
        %add3A_1511 = arith.constant 47 : i32
        %add3A_1512 = arith.addi %mul3A_550, %add3A_1511 : i32
        %get3A_1513 = arith.index_cast %add3A_1512 : i32 to index
        %get3A_1514 = arith.constant 0 : index
        %get3A_1515 = tpu.vector_load %arg10[%get3A_1513, %get3A_1514] {strides = array<i32>} : memref<1600x32xf32, #tpu.memory_space<vmem>>, vector<1x16xf32>,
        %get3A_1516 = vector.shape_cast %get3A_1515 : vector<1x16xf32> to vector<16xf32>
        %add3A_1517 = arith.constant 47 : i32
        %add3A_1518 = arith.addi %mul3A_550, %add3A_1517 : i32
        %get3A_1519 = arith.index_cast %add3A_1518 : i32 to index
        %get3A_1520 = arith.constant 16 : index
        %get3A_1521 = tpu.vector_load %arg10[%get3A_1519, %get3A_1520] {strides = array<i32>} : memref<1600x32xf32, #tpu.memory_space<vmem>>, vector<1x16xf32>,
        %get3A_1522 = vector.shape_cast %get3A_1521 : vector<1x16xf32> to vector<16xf32>
        %mul3A_1523 = arith.mulf %gather3A_1510, %get3A_1516 : vector<16xf32>
        %add3A_1524 = arith.addf %add3A_1444, %mul3A_1523 : vector<16xf32>
        %mul3A_1525 = arith.mulf %gather3A_1510, %get3A_1522 : vector<16xf32>
        %add3A_1526 = arith.addf %add3A_1446, %mul3A_1525 : vector<16xf32>
        %broadcast_in_dim3A_1527 = arith.constant 0 : i32
        %broadcast_in_dim3A_1528 = vector.broadcast %broadcast_in_dim3A_1527 : i32 to vector<16x1xi32>
        %gather3A_1529 = vector.shape_cast %broadcast_in_dim3A_1528 : vector<16x1xi32> to vector<16xi32>
        %gather3A_1530 = tpu.dynamic_gather %get3A_371[%gather3A_1529] in [0] : vector<16xf32>, vector<16xi32> -> vector<16xf32>
        %add3A_1531 = arith.constant 48 : i32
        %add3A_1532 = arith.addi %mul3A_550, %add3A_1531 : i32
        %get3A_1533 = arith.index_cast %add3A_1532 : i32 to index
        %get3A_1534 = arith.constant 0 : index
        %get3A_1535 = tpu.vector_load %arg10[%get3A_1533, %get3A_1534] {strides = array<i32>} : memref<1600x32xf32, #tpu.memory_space<vmem>>, vector<1x16xf32>,
        %get3A_1536 = vector.shape_cast %get3A_1535 : vector<1x16xf32> to vector<16xf32>
        %add3A_1537 = arith.constant 48 : i32
        %add3A_1538 = arith.addi %mul3A_550, %add3A_1537 : i32
        %get3A_1539 = arith.index_cast %add3A_1538 : i32 to index
        %get3A_1540 = arith.constant 16 : index
        %get3A_1541 = tpu.vector_load %arg10[%get3A_1539, %get3A_1540] {strides = array<i32>} : memref<1600x32xf32, #tpu.memory_space<vmem>>, vector<1x16xf32>,
        %get3A_1542 = vector.shape_cast %get3A_1541 : vector<1x16xf32> to vector<16xf32>
        %mul3A_1543 = arith.mulf %gather3A_1530, %get3A_1536 : vector<16xf32>
        %add3A_1544 = arith.addf %add3A_1464, %mul3A_1543 : vector<16xf32>
        %mul3A_1545 = arith.mulf %gather3A_1530, %get3A_1542 : vector<16xf32>
        %add3A_1546 = arith.addf %add3A_1466, %mul3A_1545 : vector<16xf32>
        %broadcast_in_dim3A_1547 = arith.constant 1 : i32
        %broadcast_in_dim3A_1548 = vector.broadcast %broadcast_in_dim3A_1547 : i32 to vector<16x1xi32>
        %gather3A_1549 = vector.shape_cast %broadcast_in_dim3A_1548 : vector<16x1xi32> to vector<16xi32>
        %gather3A_1550 = tpu.dynamic_gather %get3A_371[%gather3A_1549] in [0] : vector<16xf32>, vector<16xi32> -> vector<16xf32>
        %add3A_1551 = arith.constant 49 : i32
        %add3A_1552 = arith.addi %mul3A_550, %add3A_1551 : i32
        %get3A_1553 = arith.index_cast %add3A_1552 : i32 to index
        %get3A_1554 = arith.constant 0 : index
        %get3A_1555 = tpu.vector_load %arg10[%get3A_1553, %get3A_1554] {strides = array<i32>} : memref<1600x32xf32, #tpu.memory_space<vmem>>, vector<1x16xf32>,
        %get3A_1556 = vector.shape_cast %get3A_1555 : vector<1x16xf32> to vector<16xf32>
        %add3A_1557 = arith.constant 49 : i32
        %add3A_1558 = arith.addi %mul3A_550, %add3A_1557 : i32
        %get3A_1559 = arith.index_cast %add3A_1558 : i32 to index
        %get3A_1560 = arith.constant 16 : index
        %get3A_1561 = tpu.vector_load %arg10[%get3A_1559, %get3A_1560] {strides = array<i32>} : memref<1600x32xf32, #tpu.memory_space<vmem>>, vector<1x16xf32>,
        %get3A_1562 = vector.shape_cast %get3A_1561 : vector<1x16xf32> to vector<16xf32>
        %mul3A_1563 = arith.mulf %gather3A_1550, %get3A_1556 : vector<16xf32>
        %add3A_1564 = arith.addf %add3A_1484, %mul3A_1563 : vector<16xf32>
        %mul3A_1565 = arith.mulf %gather3A_1550, %get3A_1562 : vector<16xf32>
        %add3A_1566 = arith.addf %add3A_1486, %mul3A_1565 : vector<16xf32>
        %add3A_1567 = arith.addf %add3A_1544, %add3A_1564 : vector<16xf32>
        %add3A_1568 = arith.addf %add3A_1504, %add3A_1524 : vector<16xf32>
        %add3A_1569 = arith.addf %add3A_1567, %add3A_1568 : vector<16xf32>
        %add3A_1570 = arith.addf %add3A_1569, %gather3A_373 : vector<16xf32>
        %add3A_1571 = arith.addf %add3A_1546, %add3A_1566 : vector<16xf32>
        %add3A_1572 = arith.addf %add3A_1506, %add3A_1526 : vector<16xf32>
        %add3A_1573 = arith.addf %add3A_1571, %add3A_1572 : vector<16xf32>
        %add3A_1574 = arith.addf %add3A_1573, %gather3A_373 : vector<16xf32>
        %get3A_1575 = arith.index_cast %scan3A_548 : i32 to index
        %get3A_1576 = arith.constant 0 : index
        %get3A_1577 = tpu.vector_load %arg12[%get3A_1575, %get3A_1576] {strides = array<i32>} : memref<32x32xf32, #tpu.memory_space<vmem>>, vector<1x16xf32>,
        %get3A_1578 = vector.shape_cast %get3A_1577 : vector<1x16xf32> to vector<16xf32>
        %get3A_1579 = arith.index_cast %scan3A_548 : i32 to index
        %get3A_1580 = arith.constant 16 : index
        %get3A_1581 = tpu.vector_load %arg12[%get3A_1579, %get3A_1580] {strides = array<i32>} : memref<32x32xf32, #tpu.memory_space<vmem>>, vector<1x16xf32>,
        %get3A_1582 = vector.shape_cast %get3A_1581 : vector<1x16xf32> to vector<16xf32>
        %swap3A = arith.index_cast %scan3A_548 : i32 to index
        %swap3A_1583 = arith.constant 0 : index
        %swap3A_1584 = tpu.vector_load %arg14[%swap3A, %swap3A_1583] {strides = array<i32>} : memref<32x96xf32, #tpu.memory_space<vmem>>, vector<1x16xf32>,
        %swap3A_1585 = vector.shape_cast %swap3A_1584 : vector<1x16xf32> to vector<16xf32>
        %swap3A_1586 = vector.shape_cast %get3A_1578 : vector<16xf32> to vector<1x16xf32>
        tpu.vector_store %arg14[%swap3A, %swap3A_1583], %swap3A_1586 {strides = array<i32>} : memref<32x96xf32, #tpu.memory_space<vmem>>, vector<1x16xf32>,
        %swap3A_1587 = arith.index_cast %scan3A_548 : i32 to index
        %swap3A_1588 = arith.constant 16 : index
        %swap3A_1589 = tpu.vector_load %arg14[%swap3A_1587, %swap3A_1588] {strides = array<i32>} : memref<32x96xf32, #tpu.memory_space<vmem>>, vector<1x16xf32>,
        %swap3A_1590 = vector.shape_cast %swap3A_1589 : vector<1x16xf32> to vector<16xf32>
        %swap3A_1591 = vector.shape_cast %get3A_1582 : vector<16xf32> to vector<1x16xf32>
        tpu.vector_store %arg14[%swap3A_1587, %swap3A_1588], %swap3A_1591 {strides = array<i32>} : memref<32x96xf32, #tpu.memory_space<vmem>>, vector<1x16xf32>,
        %mul3A_1592 = arith.mulf %get3A_1578, %add3A_1570 : vector<16xf32>
        %swap3A_1593 = arith.index_cast %scan3A_548 : i32 to index
        %swap3A_1594 = arith.constant 32 : index
        %swap3A_1595 = tpu.vector_load %arg14[%swap3A_1593, %swap3A_1594] {strides = array<i32>} : memref<32x96xf32, #tpu.memory_space<vmem>>, vector<1x16xf32>,
        %swap3A_1596 = vector.shape_cast %swap3A_1595 : vector<1x16xf32> to vector<16xf32>
        %swap3A_1597 = vector.shape_cast %mul3A_1592 : vector<16xf32> to vector<1x16xf32>
        tpu.vector_store %arg14[%swap3A_1593, %swap3A_1594], %swap3A_1597 {strides = array<i32>} : memref<32x96xf32, #tpu.memory_space<vmem>>, vector<1x16xf32>,
        %mul3A_1598 = arith.mulf %get3A_1582, %add3A_1574 : vector<16xf32>
        %swap3A_1599 = arith.index_cast %scan3A_548 : i32 to index
        %swap3A_1600 = arith.constant 48 : index
        %swap3A_1601 = tpu.vector_load %arg14[%swap3A_1599, %swap3A_1600] {strides = array<i32>} : memref<32x96xf32, #tpu.memory_space<vmem>>, vector<1x16xf32>,
        %swap3A_1602 = vector.shape_cast %swap3A_1601 : vector<1x16xf32> to vector<16xf32>
        %swap3A_1603 = vector.shape_cast %mul3A_1598 : vector<16xf32> to vector<1x16xf32>
        tpu.vector_store %arg14[%swap3A_1599, %swap3A_1600], %swap3A_1603 {strides = array<i32>} : memref<32x96xf32, #tpu.memory_space<vmem>>, vector<1x16xf32>,
        %swap3A_1604 = arith.index_cast %scan3A_548 : i32 to index
        %swap3A_1605 = arith.constant 64 : index
        %swap3A_1606 = tpu.vector_load %arg14[%swap3A_1604, %swap3A_1605] {strides = array<i32>} : memref<32x96xf32, #tpu.memory_space<vmem>>, vector<1x16xf32>,
        %swap3A_1607 = vector.shape_cast %swap3A_1606 : vector<1x16xf32> to vector<16xf32>
        %swap3A_1608 = vector.shape_cast %add3A_1570 : vector<16xf32> to vector<1x16xf32>
        tpu.vector_store %arg14[%swap3A_1604, %swap3A_1605], %swap3A_1608 {strides = array<i32>} : memref<32x96xf32, #tpu.memory_space<vmem>>, vector<1x16xf32>,
        %swap3A_1609 = arith.index_cast %scan3A_548 : i32 to index
        %swap3A_1610 = arith.constant 80 : index
        %swap3A_1611 = tpu.vector_load %arg14[%swap3A_1609, %swap3A_1610] {strides = array<i32>} : memref<32x96xf32, #tpu.memory_space<vmem>>, vector<1x16xf32>,
        %swap3A_1612 = vector.shape_cast %swap3A_1611 : vector<1x16xf32> to vector<16xf32>
        %swap3A_1613 = vector.shape_cast %add3A_1574 : vector<16xf32> to vector<1x16xf32>
        tpu.vector_store %arg14[%swap3A_1609, %swap3A_1610], %swap3A_1613 {strides = array<i32>} : memref<32x96xf32, #tpu.memory_space<vmem>>, vector<1x16xf32>,
      }
      %scan3A_379 = arith.constant 32 : i32
      %mul3A_380 = arith.constant 32 : i32
      %mul3A_381 = arith.muli %add3A_248, %mul3A_380 : i32
      %add3A_382 = arith.addi %mul3A_2, %mul3A_381 : i32
      %dma_start3A_383 = arith.constant 0 : i32
      %dma_start3A_384 = tpu.memref_slice %arg7[%add3A_382, %dma_start3A_383] : memref<16384x96xf32, #tpu.memory_space<hbm>> -> memref<32x96xf32, #tpu.memory_space<hbm>>
      %dma_start3A_385 = arith.constant 0 : i32
      %dma_start3A_386 = tpu.memref_slice %arg7[%add3A_382, %dma_start3A_385] : memref<16384x96xf32, #tpu.memory_space<hbm>> -> memref<32x96xf32, #tpu.memory_space<hbm>>
      tpu.enqueue_dma source(%arg14 : memref<32x96xf32, #tpu.memory_space<vmem>>) target(%dma_start3A_386 : memref<32x96xf32, #tpu.memory_space<hbm>>) target_semaphore(%arg20 : memref<!tpu.dma_semaphore, #tpu.memory_space<semaphore_mem>>)
      %add3A_387 = arith.constant 2 : i32
      %add3A_388 = arith.addi %add3A_248, %add3A_387 : i32
      %lt3A = arith.constant 16 : i32
      %lt3A_389 = arith.cmpi slt, %add3A_388, %lt3A : i32
      %convert_element_type3A_390 = arith.extui %lt3A_389 : i1 to i32
      %cond3A_391 = arith.constant 0 : i32
      %cond3A_392 = arith.cmpi ne, %convert_element_type3A_390, %cond3A_391 : i32
      scf.if %cond3A_392 {
        %add3A_548 = arith.constant 2 : i32
        %add3A_549 = arith.addi %add3A_248, %add3A_548 : i32
        %mul3A_550 = arith.constant 50 : i32
        %mul3A_551 = arith.muli %mul3A_2, %mul3A_550 : i32
        %mul3A_552 = arith.constant 1600 : i32
        %mul3A_553 = arith.muli %add3A_549, %mul3A_552 : i32
        %add3A_554 = arith.addi %mul3A_551, %mul3A_553 : i32
        "tpu.region"() ({
          %run_scoped3A = tpu.sem_alloc : memref<!tpu.dma_semaphore, #tpu.memory_space<semaphore_mem>>
          %dma_start3A_665 = tpu.memref_slice %arg3[%add3A_554] : memref<819200xi32, #tpu.memory_space<hbm>> -> memref<1600xi32, #tpu.memory_space<hbm>>
          %dma_start3A_666 = tpu.memref_slice %arg3[%add3A_554] : memref<819200xi32, #tpu.memory_space<hbm>> -> memref<1600xi32, #tpu.memory_space<hbm>>
          tpu.enqueue_dma source(%dma_start3A_666 : memref<1600xi32, #tpu.memory_space<hbm>>) target(%arg8 : memref<1600xi32, #tpu.memory_space<vmem>>) target_semaphore(%run_scoped3A : memref<!tpu.dma_semaphore, #tpu.memory_space<semaphore_mem>>)
          %dma_wait3A_667 = tpu.memref_slice %arg3[%add3A_554] : memref<819200xi32, #tpu.memory_space<hbm>> -> memref<1600xi32, #tpu.memory_space<hbm>>
          %dma_wait3A_668 = tpu.memref_slice %arg3[%add3A_554] : memref<819200xi32, #tpu.memory_space<hbm>> -> memref<1600xi32, #tpu.memory_space<hbm>>
          tpu.wait_dma2 semaphore(%run_scoped3A : memref<!tpu.dma_semaphore, #tpu.memory_space<semaphore_mem>>) src(%dma_wait3A_668 : memref<1600xi32, #tpu.memory_space<hbm>>) dst(%arg8 : memref<1600xi32, #tpu.memory_space<vmem>>)
          tpu.yield
        }) : () -> ()
        %mul3A_555 = arith.constant 32 : i32
        %mul3A_556 = arith.muli %add3A_549, %mul3A_555 : i32
        %dma_start3A_557 = arith.constant 0 : i32
        %dma_start3A_558 = arith.constant 0 : i32
        %dma_start3A_559 = tpu.memref_slice %arg10[%dma_start3A_557, %dma_start3A_558] : memref<1600x32xf32, #tpu.memory_space<vmem>> -> memref<128x32xf32, #tpu.memory_space<vmem>>
        %dma_start3A_560 = arith.constant 0 : i32
        %dma_start3A_561 = tpu.memref_slice %arg8[%dma_start3A_560] : memref<1600xi32, #tpu.memory_space<vmem>> -> memref<128xi32, #tpu.memory_space<vmem>>
        %dma_start3A_562 = arith.constant 0 : i32
        %dma_start3A_563 = arith.constant 0 : i32
        %dma_start3A_564 = tpu.memref_slice %arg5[%dma_start3A_562, %dma_start3A_563] : memref<1015808x32xf32, #tpu.memory_space<hbm>> -> memref<1015808x32xf32, #tpu.memory_space<hbm>>
        tpu.enqueue_indirect_dma source(%dma_start3A_564 : memref<1015808x32xf32, #tpu.memory_space<hbm>>) target(%dma_start3A_559 : memref<128x32xf32, #tpu.memory_space<vmem>>) offsets(%dma_start3A_561 : memref<128xi32, #tpu.memory_space<vmem>>) semaphore(%arg18 : memref<!tpu.dma_semaphore, #tpu.memory_space<semaphore_mem>>)
        %dma_start3A_565 = arith.constant 128 : i32
        %dma_start3A_566 = arith.constant 0 : i32
        %dma_start3A_567 = tpu.memref_slice %arg10[%dma_start3A_565, %dma_start3A_566] : memref<1600x32xf32, #tpu.memory_space<vmem>> -> memref<128x32xf32, #tpu.memory_space<vmem>>
        %dma_start3A_568 = arith.constant 128 : i32
        %dma_start3A_569 = tpu.memref_slice %arg8[%dma_start3A_568] : memref<1600xi32, #tpu.memory_space<vmem>> -> memref<128xi32, #tpu.memory_space<vmem>>
        %dma_start3A_570 = arith.constant 0 : i32
        %dma_start3A_571 = arith.constant 0 : i32
        %dma_start3A_572 = tpu.memref_slice %arg5[%dma_start3A_570, %dma_start3A_571] : memref<1015808x32xf32, #tpu.memory_space<hbm>> -> memref<1015808x32xf32, #tpu.memory_space<hbm>>
        tpu.enqueue_indirect_dma source(%dma_start3A_572 : memref<1015808x32xf32, #tpu.memory_space<hbm>>) target(%dma_start3A_567 : memref<128x32xf32, #tpu.memory_space<vmem>>) offsets(%dma_start3A_569 : memref<128xi32, #tpu.memory_space<vmem>>) semaphore(%arg18 : memref<!tpu.dma_semaphore, #tpu.memory_space<semaphore_mem>>)
        %dma_start3A_573 = arith.constant 256 : i32
        %dma_start3A_574 = arith.constant 0 : i32
        %dma_start3A_575 = tpu.memref_slice %arg10[%dma_start3A_573, %dma_start3A_574] : memref<1600x32xf32, #tpu.memory_space<vmem>> -> memref<128x32xf32, #tpu.memory_space<vmem>>
        %dma_start3A_576 = arith.constant 256 : i32
        %dma_start3A_577 = tpu.memref_slice %arg8[%dma_start3A_576] : memref<1600xi32, #tpu.memory_space<vmem>> -> memref<128xi32, #tpu.memory_space<vmem>>
        %dma_start3A_578 = arith.constant 0 : i32
        %dma_start3A_579 = arith.constant 0 : i32
        %dma_start3A_580 = tpu.memref_slice %arg5[%dma_start3A_578, %dma_start3A_579] : memref<1015808x32xf32, #tpu.memory_space<hbm>> -> memref<1015808x32xf32, #tpu.memory_space<hbm>>
        tpu.enqueue_indirect_dma source(%dma_start3A_580 : memref<1015808x32xf32, #tpu.memory_space<hbm>>) target(%dma_start3A_575 : memref<128x32xf32, #tpu.memory_space<vmem>>) offsets(%dma_start3A_577 : memref<128xi32, #tpu.memory_space<vmem>>) semaphore(%arg18 : memref<!tpu.dma_semaphore, #tpu.memory_space<semaphore_mem>>)
        %dma_start3A_581 = arith.constant 384 : i32
        %dma_start3A_582 = arith.constant 0 : i32
        %dma_start3A_583 = tpu.memref_slice %arg10[%dma_start3A_581, %dma_start3A_582] : memref<1600x32xf32, #tpu.memory_space<vmem>> -> memref<128x32xf32, #tpu.memory_space<vmem>>
        %dma_start3A_584 = arith.constant 384 : i32
        %dma_start3A_585 = tpu.memref_slice %arg8[%dma_start3A_584] : memref<1600xi32, #tpu.memory_space<vmem>> -> memref<128xi32, #tpu.memory_space<vmem>>
        %dma_start3A_586 = arith.constant 0 : i32
        %dma_start3A_587 = arith.constant 0 : i32
        %dma_start3A_588 = tpu.memref_slice %arg5[%dma_start3A_586, %dma_start3A_587] : memref<1015808x32xf32, #tpu.memory_space<hbm>> -> memref<1015808x32xf32, #tpu.memory_space<hbm>>
        tpu.enqueue_indirect_dma source(%dma_start3A_588 : memref<1015808x32xf32, #tpu.memory_space<hbm>>) target(%dma_start3A_583 : memref<128x32xf32, #tpu.memory_space<vmem>>) offsets(%dma_start3A_585 : memref<128xi32, #tpu.memory_space<vmem>>) semaphore(%arg18 : memref<!tpu.dma_semaphore, #tpu.memory_space<semaphore_mem>>)
        %dma_start3A_589 = arith.constant 512 : i32
        %dma_start3A_590 = arith.constant 0 : i32
        %dma_start3A_591 = tpu.memref_slice %arg10[%dma_start3A_589, %dma_start3A_590] : memref<1600x32xf32, #tpu.memory_space<vmem>> -> memref<128x32xf32, #tpu.memory_space<vmem>>
        %dma_start3A_592 = arith.constant 512 : i32
        %dma_start3A_593 = tpu.memref_slice %arg8[%dma_start3A_592] : memref<1600xi32, #tpu.memory_space<vmem>> -> memref<128xi32, #tpu.memory_space<vmem>>
        %dma_start3A_594 = arith.constant 0 : i32
        %dma_start3A_595 = arith.constant 0 : i32
        %dma_start3A_596 = tpu.memref_slice %arg5[%dma_start3A_594, %dma_start3A_595] : memref<1015808x32xf32, #tpu.memory_space<hbm>> -> memref<1015808x32xf32, #tpu.memory_space<hbm>>
        tpu.enqueue_indirect_dma source(%dma_start3A_596 : memref<1015808x32xf32, #tpu.memory_space<hbm>>) target(%dma_start3A_591 : memref<128x32xf32, #tpu.memory_space<vmem>>) offsets(%dma_start3A_593 : memref<128xi32, #tpu.memory_space<vmem>>) semaphore(%arg18 : memref<!tpu.dma_semaphore, #tpu.memory_space<semaphore_mem>>)
        %dma_start3A_597 = arith.constant 640 : i32
        %dma_start3A_598 = arith.constant 0 : i32
        %dma_start3A_599 = tpu.memref_slice %arg10[%dma_start3A_597, %dma_start3A_598] : memref<1600x32xf32, #tpu.memory_space<vmem>> -> memref<128x32xf32, #tpu.memory_space<vmem>>
        %dma_start3A_600 = arith.constant 640 : i32
        %dma_start3A_601 = tpu.memref_slice %arg8[%dma_start3A_600] : memref<1600xi32, #tpu.memory_space<vmem>> -> memref<128xi32, #tpu.memory_space<vmem>>
        %dma_start3A_602 = arith.constant 0 : i32
        %dma_start3A_603 = arith.constant 0 : i32
        %dma_start3A_604 = tpu.memref_slice %arg5[%dma_start3A_602, %dma_start3A_603] : memref<1015808x32xf32, #tpu.memory_space<hbm>> -> memref<1015808x32xf32, #tpu.memory_space<hbm>>
        tpu.enqueue_indirect_dma source(%dma_start3A_604 : memref<1015808x32xf32, #tpu.memory_space<hbm>>) target(%dma_start3A_599 : memref<128x32xf32, #tpu.memory_space<vmem>>) offsets(%dma_start3A_601 : memref<128xi32, #tpu.memory_space<vmem>>) semaphore(%arg18 : memref<!tpu.dma_semaphore, #tpu.memory_space<semaphore_mem>>)
        %dma_start3A_605 = arith.constant 768 : i32
        %dma_start3A_606 = arith.constant 0 : i32
        %dma_start3A_607 = tpu.memref_slice %arg10[%dma_start3A_605, %dma_start3A_606] : memref<1600x32xf32, #tpu.memory_space<vmem>> -> memref<128x32xf32, #tpu.memory_space<vmem>>
        %dma_start3A_608 = arith.constant 768 : i32
        %dma_start3A_609 = tpu.memref_slice %arg8[%dma_start3A_608] : memref<1600xi32, #tpu.memory_space<vmem>> -> memref<128xi32, #tpu.memory_space<vmem>>
        %dma_start3A_610 = arith.constant 0 : i32
        %dma_start3A_611 = arith.constant 0 : i32
        %dma_start3A_612 = tpu.memref_slice %arg5[%dma_start3A_610, %dma_start3A_611] : memref<1015808x32xf32, #tpu.memory_space<hbm>> -> memref<1015808x32xf32, #tpu.memory_space<hbm>>
        tpu.enqueue_indirect_dma source(%dma_start3A_612 : memref<1015808x32xf32, #tpu.memory_space<hbm>>) target(%dma_start3A_607 : memref<128x32xf32, #tpu.memory_space<vmem>>) offsets(%dma_start3A_609 : memref<128xi32, #tpu.memory_space<vmem>>) semaphore(%arg18 : memref<!tpu.dma_semaphore, #tpu.memory_space<semaphore_mem>>)
        %dma_start3A_613 = arith.constant 896 : i32
        %dma_start3A_614 = arith.constant 0 : i32
        %dma_start3A_615 = tpu.memref_slice %arg10[%dma_start3A_613, %dma_start3A_614] : memref<1600x32xf32, #tpu.memory_space<vmem>> -> memref<128x32xf32, #tpu.memory_space<vmem>>
        %dma_start3A_616 = arith.constant 896 : i32
        %dma_start3A_617 = tpu.memref_slice %arg8[%dma_start3A_616] : memref<1600xi32, #tpu.memory_space<vmem>> -> memref<128xi32, #tpu.memory_space<vmem>>
        %dma_start3A_618 = arith.constant 0 : i32
        %dma_start3A_619 = arith.constant 0 : i32
        %dma_start3A_620 = tpu.memref_slice %arg5[%dma_start3A_618, %dma_start3A_619] : memref<1015808x32xf32, #tpu.memory_space<hbm>> -> memref<1015808x32xf32, #tpu.memory_space<hbm>>
        tpu.enqueue_indirect_dma source(%dma_start3A_620 : memref<1015808x32xf32, #tpu.memory_space<hbm>>) target(%dma_start3A_615 : memref<128x32xf32, #tpu.memory_space<vmem>>) offsets(%dma_start3A_617 : memref<128xi32, #tpu.memory_space<vmem>>) semaphore(%arg18 : memref<!tpu.dma_semaphore, #tpu.memory_space<semaphore_mem>>)
        %dma_start3A_621 = arith.constant 1024 : i32
        %dma_start3A_622 = arith.constant 0 : i32
        %dma_start3A_623 = tpu.memref_slice %arg10[%dma_start3A_621, %dma_start3A_622] : memref<1600x32xf32, #tpu.memory_space<vmem>> -> memref<128x32xf32, #tpu.memory_space<vmem>>
        %dma_start3A_624 = arith.constant 1024 : i32
        %dma_start3A_625 = tpu.memref_slice %arg8[%dma_start3A_624] : memref<1600xi32, #tpu.memory_space<vmem>> -> memref<128xi32, #tpu.memory_space<vmem>>
        %dma_start3A_626 = arith.constant 0 : i32
        %dma_start3A_627 = arith.constant 0 : i32
        %dma_start3A_628 = tpu.memref_slice %arg5[%dma_start3A_626, %dma_start3A_627] : memref<1015808x32xf32, #tpu.memory_space<hbm>> -> memref<1015808x32xf32, #tpu.memory_space<hbm>>
        tpu.enqueue_indirect_dma source(%dma_start3A_628 : memref<1015808x32xf32, #tpu.memory_space<hbm>>) target(%dma_start3A_623 : memref<128x32xf32, #tpu.memory_space<vmem>>) offsets(%dma_start3A_625 : memref<128xi32, #tpu.memory_space<vmem>>) semaphore(%arg18 : memref<!tpu.dma_semaphore, #tpu.memory_space<semaphore_mem>>)
        %dma_start3A_629 = arith.constant 1152 : i32
        %dma_start3A_630 = arith.constant 0 : i32
        %dma_start3A_631 = tpu.memref_slice %arg10[%dma_start3A_629, %dma_start3A_630] : memref<1600x32xf32, #tpu.memory_space<vmem>> -> memref<128x32xf32, #tpu.memory_space<vmem>>
        %dma_start3A_632 = arith.constant 1152 : i32
        %dma_start3A_633 = tpu.memref_slice %arg8[%dma_start3A_632] : memref<1600xi32, #tpu.memory_space<vmem>> -> memref<128xi32, #tpu.memory_space<vmem>>
        %dma_start3A_634 = arith.constant 0 : i32
        %dma_start3A_635 = arith.constant 0 : i32
        %dma_start3A_636 = tpu.memref_slice %arg5[%dma_start3A_634, %dma_start3A_635] : memref<1015808x32xf32, #tpu.memory_space<hbm>> -> memref<1015808x32xf32, #tpu.memory_space<hbm>>
        tpu.enqueue_indirect_dma source(%dma_start3A_636 : memref<1015808x32xf32, #tpu.memory_space<hbm>>) target(%dma_start3A_631 : memref<128x32xf32, #tpu.memory_space<vmem>>) offsets(%dma_start3A_633 : memref<128xi32, #tpu.memory_space<vmem>>) semaphore(%arg18 : memref<!tpu.dma_semaphore, #tpu.memory_space<semaphore_mem>>)
        %dma_start3A_637 = arith.constant 1280 : i32
        %dma_start3A_638 = arith.constant 0 : i32
        %dma_start3A_639 = tpu.memref_slice %arg10[%dma_start3A_637, %dma_start3A_638] : memref<1600x32xf32, #tpu.memory_space<vmem>> -> memref<128x32xf32, #tpu.memory_space<vmem>>
        %dma_start3A_640 = arith.constant 1280 : i32
        %dma_start3A_641 = tpu.memref_slice %arg8[%dma_start3A_640] : memref<1600xi32, #tpu.memory_space<vmem>> -> memref<128xi32, #tpu.memory_space<vmem>>
        %dma_start3A_642 = arith.constant 0 : i32
        %dma_start3A_643 = arith.constant 0 : i32
        %dma_start3A_644 = tpu.memref_slice %arg5[%dma_start3A_642, %dma_start3A_643] : memref<1015808x32xf32, #tpu.memory_space<hbm>> -> memref<1015808x32xf32, #tpu.memory_space<hbm>>
        tpu.enqueue_indirect_dma source(%dma_start3A_644 : memref<1015808x32xf32, #tpu.memory_space<hbm>>) target(%dma_start3A_639 : memref<128x32xf32, #tpu.memory_space<vmem>>) offsets(%dma_start3A_641 : memref<128xi32, #tpu.memory_space<vmem>>) semaphore(%arg18 : memref<!tpu.dma_semaphore, #tpu.memory_space<semaphore_mem>>)
        %dma_start3A_645 = arith.constant 1408 : i32
        %dma_start3A_646 = arith.constant 0 : i32
        %dma_start3A_647 = tpu.memref_slice %arg10[%dma_start3A_645, %dma_start3A_646] : memref<1600x32xf32, #tpu.memory_space<vmem>> -> memref<128x32xf32, #tpu.memory_space<vmem>>
        %dma_start3A_648 = arith.constant 1408 : i32
        %dma_start3A_649 = tpu.memref_slice %arg8[%dma_start3A_648] : memref<1600xi32, #tpu.memory_space<vmem>> -> memref<128xi32, #tpu.memory_space<vmem>>
        %dma_start3A_650 = arith.constant 0 : i32
        %dma_start3A_651 = arith.constant 0 : i32
        %dma_start3A_652 = tpu.memref_slice %arg5[%dma_start3A_650, %dma_start3A_651] : memref<1015808x32xf32, #tpu.memory_space<hbm>> -> memref<1015808x32xf32, #tpu.memory_space<hbm>>
        tpu.enqueue_indirect_dma source(%dma_start3A_652 : memref<1015808x32xf32, #tpu.memory_space<hbm>>) target(%dma_start3A_647 : memref<128x32xf32, #tpu.memory_space<vmem>>) offsets(%dma_start3A_649 : memref<128xi32, #tpu.memory_space<vmem>>) semaphore(%arg18 : memref<!tpu.dma_semaphore, #tpu.memory_space<semaphore_mem>>)
        %dma_start3A_653 = arith.constant 1536 : i32
        %dma_start3A_654 = arith.constant 0 : i32
        %dma_start3A_655 = tpu.memref_slice %arg10[%dma_start3A_653, %dma_start3A_654] : memref<1600x32xf32, #tpu.memory_space<vmem>> -> memref<64x32xf32, #tpu.memory_space<vmem>>
        %dma_start3A_656 = arith.constant 1536 : i32
        %dma_start3A_657 = tpu.memref_slice %arg8[%dma_start3A_656] : memref<1600xi32, #tpu.memory_space<vmem>> -> memref<64xi32, #tpu.memory_space<vmem>>
        %dma_start3A_658 = arith.constant 0 : i32
        %dma_start3A_659 = arith.constant 0 : i32
        %dma_start3A_660 = tpu.memref_slice %arg5[%dma_start3A_658, %dma_start3A_659] : memref<1015808x32xf32, #tpu.memory_space<hbm>> -> memref<1015808x32xf32, #tpu.memory_space<hbm>>
        tpu.enqueue_indirect_dma source(%dma_start3A_660 : memref<1015808x32xf32, #tpu.memory_space<hbm>>) target(%dma_start3A_655 : memref<64x32xf32, #tpu.memory_space<vmem>>) offsets(%dma_start3A_657 : memref<64xi32, #tpu.memory_space<vmem>>) semaphore(%arg18 : memref<!tpu.dma_semaphore, #tpu.memory_space<semaphore_mem>>)
        %dma_start3A_661 = tpu.memref_slice %arg16[%mul3A_556] : memref<512xi32, #tpu.memory_space<vmem>> -> memref<32xi32, #tpu.memory_space<vmem>>
        %dma_start3A_662 = arith.constant 0 : i32
        %dma_start3A_663 = arith.constant 0 : i32
        %dma_start3A_664 = tpu.memref_slice %arg4[%dma_start3A_662, %dma_start3A_663] : memref<114688x32xf32, #tpu.memory_space<hbm>> -> memref<114688x32xf32, #tpu.memory_space<hbm>>
        tpu.enqueue_indirect_dma source(%dma_start3A_664 : memref<114688x32xf32, #tpu.memory_space<hbm>>) target(%arg12 : memref<32x32xf32, #tpu.memory_space<vmem>>) offsets(%dma_start3A_661 : memref<32xi32, #tpu.memory_space<vmem>>) semaphore(%arg18 : memref<!tpu.dma_semaphore, #tpu.memory_space<semaphore_mem>>)
      } else {
      }
      %mul3A_393 = arith.constant 2 : i32
      %mul3A_394 = arith.muli %mul3A_393, %scan3A_244 : i32
      %add3A_395 = arith.constant 1 : i32
      %add3A_396 = arith.addi %mul3A_394, %add3A_395 : i32
      %ge3A_397 = arith.constant 2 : i32
      %ge3A_398 = arith.cmpi sge, %add3A_396, %ge3A_397 : i32
      %convert_element_type3A_399 = arith.extui %ge3A_398 : i1 to i32
      %cond3A_400 = arith.constant 0 : i32
      %cond3A_401 = arith.cmpi ne, %convert_element_type3A_399, %cond3A_400 : i32
      scf.if %cond3A_401 {
        %sub3A = arith.constant 2 : i32
        %sub3A_548 = arith.subi %add3A_396, %sub3A : i32
        %mul3A_549 = arith.constant 32 : i32
        %mul3A_550 = arith.muli %sub3A_548, %mul3A_549 : i32
        %add3A_551 = arith.addi %mul3A_2, %mul3A_550 : i32
        %dma_wait3A_552 = arith.constant 0 : i32
        %dma_wait3A_553 = tpu.memref_slice %arg7[%add3A_551, %dma_wait3A_552] : memref<16384x96xf32, #tpu.memory_space<hbm>> -> memref<32x96xf32, #tpu.memory_space<hbm>>
        %dma_wait3A_554 = arith.constant 0 : i32
        %dma_wait3A_555 = tpu.memref_slice %arg7[%add3A_551, %dma_wait3A_554] : memref<16384x96xf32, #tpu.memory_space<hbm>> -> memref<32x96xf32, #tpu.memory_space<hbm>>
        tpu.wait_dma2 semaphore(%arg21 : memref<!tpu.dma_semaphore, #tpu.memory_space<semaphore_mem>>) src(%arg15 : memref<32x96xf32, #tpu.memory_space<vmem>>) dst(%dma_wait3A_555 : memref<32x96xf32, #tpu.memory_space<hbm>>)
      } else {
      }
      %mul3A_402 = arith.constant 32 : i32
      %mul3A_403 = arith.muli %add3A_396, %mul3A_402 : i32
      %dma_wait3A_404 = arith.constant 0 : i32
      %dma_wait3A_405 = arith.constant 0 : i32
      %dma_wait3A_406 = tpu.memref_slice %arg11[%dma_wait3A_404, %dma_wait3A_405] : memref<1600x32xf32, #tpu.memory_space<vmem>> -> memref<128x32xf32, #tpu.memory_space<vmem>>
      %dma_wait3A_407 = arith.constant 0 : i32
      %dma_wait3A_408 = tpu.memref_slice %arg9[%dma_wait3A_407] : memref<1600xi32, #tpu.memory_space<vmem>> -> memref<128xi32, #tpu.memory_space<vmem>>
      %dma_wait3A_409 = arith.constant 0 : i32
      %dma_wait3A_410 = arith.constant 0 : i32
      %dma_wait3A_411 = tpu.memref_slice %arg5[%dma_wait3A_409, %dma_wait3A_410] : memref<1015808x32xf32, #tpu.memory_space<hbm>> -> memref<1015808x32xf32, #tpu.memory_space<hbm>>
      tpu.wait_indirect_dma semaphore(%arg19 : memref<!tpu.dma_semaphore, #tpu.memory_space<semaphore_mem>>) src(%dma_wait3A_411 : memref<1015808x32xf32, #tpu.memory_space<hbm>>) dst(%dma_wait3A_406 : memref<128x32xf32, #tpu.memory_space<vmem>>)
      %dma_wait3A_412 = arith.constant 128 : i32
      %dma_wait3A_413 = arith.constant 0 : i32
      %dma_wait3A_414 = tpu.memref_slice %arg11[%dma_wait3A_412, %dma_wait3A_413] : memref<1600x32xf32, #tpu.memory_space<vmem>> -> memref<128x32xf32, #tpu.memory_space<vmem>>
      %dma_wait3A_415 = arith.constant 128 : i32
      %dma_wait3A_416 = tpu.memref_slice %arg9[%dma_wait3A_415] : memref<1600xi32, #tpu.memory_space<vmem>> -> memref<128xi32, #tpu.memory_space<vmem>>
      %dma_wait3A_417 = arith.constant 0 : i32
      %dma_wait3A_418 = arith.constant 0 : i32
      %dma_wait3A_419 = tpu.memref_slice %arg5[%dma_wait3A_417, %dma_wait3A_418] : memref<1015808x32xf32, #tpu.memory_space<hbm>> -> memref<1015808x32xf32, #tpu.memory_space<hbm>>
      tpu.wait_indirect_dma semaphore(%arg19 : memref<!tpu.dma_semaphore, #tpu.memory_space<semaphore_mem>>) src(%dma_wait3A_419 : memref<1015808x32xf32, #tpu.memory_space<hbm>>) dst(%dma_wait3A_414 : memref<128x32xf32, #tpu.memory_space<vmem>>)
      %dma_wait3A_420 = arith.constant 256 : i32
      %dma_wait3A_421 = arith.constant 0 : i32
      %dma_wait3A_422 = tpu.memref_slice %arg11[%dma_wait3A_420, %dma_wait3A_421] : memref<1600x32xf32, #tpu.memory_space<vmem>> -> memref<128x32xf32, #tpu.memory_space<vmem>>
      %dma_wait3A_423 = arith.constant 256 : i32
      %dma_wait3A_424 = tpu.memref_slice %arg9[%dma_wait3A_423] : memref<1600xi32, #tpu.memory_space<vmem>> -> memref<128xi32, #tpu.memory_space<vmem>>
      %dma_wait3A_425 = arith.constant 0 : i32
      %dma_wait3A_426 = arith.constant 0 : i32
      %dma_wait3A_427 = tpu.memref_slice %arg5[%dma_wait3A_425, %dma_wait3A_426] : memref<1015808x32xf32, #tpu.memory_space<hbm>> -> memref<1015808x32xf32, #tpu.memory_space<hbm>>
      tpu.wait_indirect_dma semaphore(%arg19 : memref<!tpu.dma_semaphore, #tpu.memory_space<semaphore_mem>>) src(%dma_wait3A_427 : memref<1015808x32xf32, #tpu.memory_space<hbm>>) dst(%dma_wait3A_422 : memref<128x32xf32, #tpu.memory_space<vmem>>)
      %dma_wait3A_428 = arith.constant 384 : i32
      %dma_wait3A_429 = arith.constant 0 : i32
      %dma_wait3A_430 = tpu.memref_slice %arg11[%dma_wait3A_428, %dma_wait3A_429] : memref<1600x32xf32, #tpu.memory_space<vmem>> -> memref<128x32xf32, #tpu.memory_space<vmem>>
      %dma_wait3A_431 = arith.constant 384 : i32
      %dma_wait3A_432 = tpu.memref_slice %arg9[%dma_wait3A_431] : memref<1600xi32, #tpu.memory_space<vmem>> -> memref<128xi32, #tpu.memory_space<vmem>>
      %dma_wait3A_433 = arith.constant 0 : i32
      %dma_wait3A_434 = arith.constant 0 : i32
      %dma_wait3A_435 = tpu.memref_slice %arg5[%dma_wait3A_433, %dma_wait3A_434] : memref<1015808x32xf32, #tpu.memory_space<hbm>> -> memref<1015808x32xf32, #tpu.memory_space<hbm>>
      tpu.wait_indirect_dma semaphore(%arg19 : memref<!tpu.dma_semaphore, #tpu.memory_space<semaphore_mem>>) src(%dma_wait3A_435 : memref<1015808x32xf32, #tpu.memory_space<hbm>>) dst(%dma_wait3A_430 : memref<128x32xf32, #tpu.memory_space<vmem>>)
      %dma_wait3A_436 = arith.constant 512 : i32
      %dma_wait3A_437 = arith.constant 0 : i32
      %dma_wait3A_438 = tpu.memref_slice %arg11[%dma_wait3A_436, %dma_wait3A_437] : memref<1600x32xf32, #tpu.memory_space<vmem>> -> memref<128x32xf32, #tpu.memory_space<vmem>>
      %dma_wait3A_439 = arith.constant 512 : i32
      %dma_wait3A_440 = tpu.memref_slice %arg9[%dma_wait3A_439] : memref<1600xi32, #tpu.memory_space<vmem>> -> memref<128xi32, #tpu.memory_space<vmem>>
      %dma_wait3A_441 = arith.constant 0 : i32
      %dma_wait3A_442 = arith.constant 0 : i32
      %dma_wait3A_443 = tpu.memref_slice %arg5[%dma_wait3A_441, %dma_wait3A_442] : memref<1015808x32xf32, #tpu.memory_space<hbm>> -> memref<1015808x32xf32, #tpu.memory_space<hbm>>
      tpu.wait_indirect_dma semaphore(%arg19 : memref<!tpu.dma_semaphore, #tpu.memory_space<semaphore_mem>>) src(%dma_wait3A_443 : memref<1015808x32xf32, #tpu.memory_space<hbm>>) dst(%dma_wait3A_438 : memref<128x32xf32, #tpu.memory_space<vmem>>)
      %dma_wait3A_444 = arith.constant 640 : i32
      %dma_wait3A_445 = arith.constant 0 : i32
      %dma_wait3A_446 = tpu.memref_slice %arg11[%dma_wait3A_444, %dma_wait3A_445] : memref<1600x32xf32, #tpu.memory_space<vmem>> -> memref<128x32xf32, #tpu.memory_space<vmem>>
      %dma_wait3A_447 = arith.constant 640 : i32
      %dma_wait3A_448 = tpu.memref_slice %arg9[%dma_wait3A_447] : memref<1600xi32, #tpu.memory_space<vmem>> -> memref<128xi32, #tpu.memory_space<vmem>>
      %dma_wait3A_449 = arith.constant 0 : i32
      %dma_wait3A_450 = arith.constant 0 : i32
      %dma_wait3A_451 = tpu.memref_slice %arg5[%dma_wait3A_449, %dma_wait3A_450] : memref<1015808x32xf32, #tpu.memory_space<hbm>> -> memref<1015808x32xf32, #tpu.memory_space<hbm>>
      tpu.wait_indirect_dma semaphore(%arg19 : memref<!tpu.dma_semaphore, #tpu.memory_space<semaphore_mem>>) src(%dma_wait3A_451 : memref<1015808x32xf32, #tpu.memory_space<hbm>>) dst(%dma_wait3A_446 : memref<128x32xf32, #tpu.memory_space<vmem>>)
      %dma_wait3A_452 = arith.constant 768 : i32
      %dma_wait3A_453 = arith.constant 0 : i32
      %dma_wait3A_454 = tpu.memref_slice %arg11[%dma_wait3A_452, %dma_wait3A_453] : memref<1600x32xf32, #tpu.memory_space<vmem>> -> memref<128x32xf32, #tpu.memory_space<vmem>>
      %dma_wait3A_455 = arith.constant 768 : i32
      %dma_wait3A_456 = tpu.memref_slice %arg9[%dma_wait3A_455] : memref<1600xi32, #tpu.memory_space<vmem>> -> memref<128xi32, #tpu.memory_space<vmem>>
      %dma_wait3A_457 = arith.constant 0 : i32
      %dma_wait3A_458 = arith.constant 0 : i32
      %dma_wait3A_459 = tpu.memref_slice %arg5[%dma_wait3A_457, %dma_wait3A_458] : memref<1015808x32xf32, #tpu.memory_space<hbm>> -> memref<1015808x32xf32, #tpu.memory_space<hbm>>
      tpu.wait_indirect_dma semaphore(%arg19 : memref<!tpu.dma_semaphore, #tpu.memory_space<semaphore_mem>>) src(%dma_wait3A_459 : memref<1015808x32xf32, #tpu.memory_space<hbm>>) dst(%dma_wait3A_454 : memref<128x32xf32, #tpu.memory_space<vmem>>)
      %dma_wait3A_460 = arith.constant 896 : i32
      %dma_wait3A_461 = arith.constant 0 : i32
      %dma_wait3A_462 = tpu.memref_slice %arg11[%dma_wait3A_460, %dma_wait3A_461] : memref<1600x32xf32, #tpu.memory_space<vmem>> -> memref<128x32xf32, #tpu.memory_space<vmem>>
      %dma_wait3A_463 = arith.constant 896 : i32
      %dma_wait3A_464 = tpu.memref_slice %arg9[%dma_wait3A_463] : memref<1600xi32, #tpu.memory_space<vmem>> -> memref<128xi32, #tpu.memory_space<vmem>>
      %dma_wait3A_465 = arith.constant 0 : i32
      %dma_wait3A_466 = arith.constant 0 : i32
      %dma_wait3A_467 = tpu.memref_slice %arg5[%dma_wait3A_465, %dma_wait3A_466] : memref<1015808x32xf32, #tpu.memory_space<hbm>> -> memref<1015808x32xf32, #tpu.memory_space<hbm>>
      tpu.wait_indirect_dma semaphore(%arg19 : memref<!tpu.dma_semaphore, #tpu.memory_space<semaphore_mem>>) src(%dma_wait3A_467 : memref<1015808x32xf32, #tpu.memory_space<hbm>>) dst(%dma_wait3A_462 : memref<128x32xf32, #tpu.memory_space<vmem>>)
      %dma_wait3A_468 = arith.constant 1024 : i32
      %dma_wait3A_469 = arith.constant 0 : i32
      %dma_wait3A_470 = tpu.memref_slice %arg11[%dma_wait3A_468, %dma_wait3A_469] : memref<1600x32xf32, #tpu.memory_space<vmem>> -> memref<128x32xf32, #tpu.memory_space<vmem>>
      %dma_wait3A_471 = arith.constant 1024 : i32
      %dma_wait3A_472 = tpu.memref_slice %arg9[%dma_wait3A_471] : memref<1600xi32, #tpu.memory_space<vmem>> -> memref<128xi32, #tpu.memory_space<vmem>>
      %dma_wait3A_473 = arith.constant 0 : i32
      %dma_wait3A_474 = arith.constant 0 : i32
      %dma_wait3A_475 = tpu.memref_slice %arg5[%dma_wait3A_473, %dma_wait3A_474] : memref<1015808x32xf32, #tpu.memory_space<hbm>> -> memref<1015808x32xf32, #tpu.memory_space<hbm>>
      tpu.wait_indirect_dma semaphore(%arg19 : memref<!tpu.dma_semaphore, #tpu.memory_space<semaphore_mem>>) src(%dma_wait3A_475 : memref<1015808x32xf32, #tpu.memory_space<hbm>>) dst(%dma_wait3A_470 : memref<128x32xf32, #tpu.memory_space<vmem>>)
      %dma_wait3A_476 = arith.constant 1152 : i32
      %dma_wait3A_477 = arith.constant 0 : i32
      %dma_wait3A_478 = tpu.memref_slice %arg11[%dma_wait3A_476, %dma_wait3A_477] : memref<1600x32xf32, #tpu.memory_space<vmem>> -> memref<128x32xf32, #tpu.memory_space<vmem>>
      %dma_wait3A_479 = arith.constant 1152 : i32
      %dma_wait3A_480 = tpu.memref_slice %arg9[%dma_wait3A_479] : memref<1600xi32, #tpu.memory_space<vmem>> -> memref<128xi32, #tpu.memory_space<vmem>>
      %dma_wait3A_481 = arith.constant 0 : i32
      %dma_wait3A_482 = arith.constant 0 : i32
      %dma_wait3A_483 = tpu.memref_slice %arg5[%dma_wait3A_481, %dma_wait3A_482] : memref<1015808x32xf32, #tpu.memory_space<hbm>> -> memref<1015808x32xf32, #tpu.memory_space<hbm>>
      tpu.wait_indirect_dma semaphore(%arg19 : memref<!tpu.dma_semaphore, #tpu.memory_space<semaphore_mem>>) src(%dma_wait3A_483 : memref<1015808x32xf32, #tpu.memory_space<hbm>>) dst(%dma_wait3A_478 : memref<128x32xf32, #tpu.memory_space<vmem>>)
      %dma_wait3A_484 = arith.constant 1280 : i32
      %dma_wait3A_485 = arith.constant 0 : i32
      %dma_wait3A_486 = tpu.memref_slice %arg11[%dma_wait3A_484, %dma_wait3A_485] : memref<1600x32xf32, #tpu.memory_space<vmem>> -> memref<128x32xf32, #tpu.memory_space<vmem>>
      %dma_wait3A_487 = arith.constant 1280 : i32
      %dma_wait3A_488 = tpu.memref_slice %arg9[%dma_wait3A_487] : memref<1600xi32, #tpu.memory_space<vmem>> -> memref<128xi32, #tpu.memory_space<vmem>>
      %dma_wait3A_489 = arith.constant 0 : i32
      %dma_wait3A_490 = arith.constant 0 : i32
      %dma_wait3A_491 = tpu.memref_slice %arg5[%dma_wait3A_489, %dma_wait3A_490] : memref<1015808x32xf32, #tpu.memory_space<hbm>> -> memref<1015808x32xf32, #tpu.memory_space<hbm>>
      tpu.wait_indirect_dma semaphore(%arg19 : memref<!tpu.dma_semaphore, #tpu.memory_space<semaphore_mem>>) src(%dma_wait3A_491 : memref<1015808x32xf32, #tpu.memory_space<hbm>>) dst(%dma_wait3A_486 : memref<128x32xf32, #tpu.memory_space<vmem>>)
      %dma_wait3A_492 = arith.constant 1408 : i32
      %dma_wait3A_493 = arith.constant 0 : i32
      %dma_wait3A_494 = tpu.memref_slice %arg11[%dma_wait3A_492, %dma_wait3A_493] : memref<1600x32xf32, #tpu.memory_space<vmem>> -> memref<128x32xf32, #tpu.memory_space<vmem>>
      %dma_wait3A_495 = arith.constant 1408 : i32
      %dma_wait3A_496 = tpu.memref_slice %arg9[%dma_wait3A_495] : memref<1600xi32, #tpu.memory_space<vmem>> -> memref<128xi32, #tpu.memory_space<vmem>>
      %dma_wait3A_497 = arith.constant 0 : i32
      %dma_wait3A_498 = arith.constant 0 : i32
      %dma_wait3A_499 = tpu.memref_slice %arg5[%dma_wait3A_497, %dma_wait3A_498] : memref<1015808x32xf32, #tpu.memory_space<hbm>> -> memref<1015808x32xf32, #tpu.memory_space<hbm>>
      tpu.wait_indirect_dma semaphore(%arg19 : memref<!tpu.dma_semaphore, #tpu.memory_space<semaphore_mem>>) src(%dma_wait3A_499 : memref<1015808x32xf32, #tpu.memory_space<hbm>>) dst(%dma_wait3A_494 : memref<128x32xf32, #tpu.memory_space<vmem>>)
      %dma_wait3A_500 = arith.constant 1536 : i32
      %dma_wait3A_501 = arith.constant 0 : i32
      %dma_wait3A_502 = tpu.memref_slice %arg11[%dma_wait3A_500, %dma_wait3A_501] : memref<1600x32xf32, #tpu.memory_space<vmem>> -> memref<64x32xf32, #tpu.memory_space<vmem>>
      %dma_wait3A_503 = arith.constant 1536 : i32
      %dma_wait3A_504 = tpu.memref_slice %arg9[%dma_wait3A_503] : memref<1600xi32, #tpu.memory_space<vmem>> -> memref<64xi32, #tpu.memory_space<vmem>>
      %dma_wait3A_505 = arith.constant 0 : i32
      %dma_wait3A_506 = arith.constant 0 : i32
      %dma_wait3A_507 = tpu.memref_slice %arg5[%dma_wait3A_505, %dma_wait3A_506] : memref<1015808x32xf32, #tpu.memory_space<hbm>> -> memref<1015808x32xf32, #tpu.memory_space<hbm>>
      tpu.wait_indirect_dma semaphore(%arg19 : memref<!tpu.dma_semaphore, #tpu.memory_space<semaphore_mem>>) src(%dma_wait3A_507 : memref<1015808x32xf32, #tpu.memory_space<hbm>>) dst(%dma_wait3A_502 : memref<64x32xf32, #tpu.memory_space<vmem>>)
      %dma_wait3A_508 = tpu.memref_slice %arg16[%mul3A_403] : memref<512xi32, #tpu.memory_space<vmem>> -> memref<32xi32, #tpu.memory_space<vmem>>
      %dma_wait3A_509 = arith.constant 0 : i32
      %dma_wait3A_510 = arith.constant 0 : i32
      %dma_wait3A_511 = tpu.memref_slice %arg4[%dma_wait3A_509, %dma_wait3A_510] : memref<114688x32xf32, #tpu.memory_space<hbm>> -> memref<114688x32xf32, #tpu.memory_space<hbm>>
      tpu.wait_indirect_dma semaphore(%arg19 : memref<!tpu.dma_semaphore, #tpu.memory_space<semaphore_mem>>) src(%dma_wait3A_511 : memref<114688x32xf32, #tpu.memory_space<hbm>>) dst(%arg13 : memref<32x32xf32, #tpu.memory_space<vmem>>)
      %get3A_512 = arith.constant 0 : index
      %get3A_513 = tpu.vector_load %arg17[%get3A_512] {strides = array<i32>} : memref<64xf32, #tpu.memory_space<vmem>>, vector<16xf32>,
      %get3A_514 = vector.shape_cast %get3A_513 : vector<16xf32> to vector<16xf32>
      %get3A_515 = arith.constant 16 : index
      %get3A_516 = tpu.vector_load %arg17[%get3A_515] {strides = array<i32>} : memref<64xf32, #tpu.memory_space<vmem>>, vector<16xf32>,
      %get3A_517 = vector.shape_cast %get3A_516 : vector<16xf32> to vector<16xf32>
      %get3A_518 = arith.constant 32 : index
      %get3A_519 = tpu.vector_load %arg17[%get3A_518] {strides = array<i32>} : memref<64xf32, #tpu.memory_space<vmem>>, vector<16xf32>,
      %get3A_520 = vector.shape_cast %get3A_519 : vector<16xf32> to vector<16xf32>
      %get3A_521 = arith.constant 48 : index
      %get3A_522 = tpu.vector_load %arg17[%get3A_521] {strides = array<i32>} : memref<64xf32, #tpu.memory_space<vmem>>, vector<16xf32>,
      %get3A_523 = vector.shape_cast %get3A_522 : vector<16xf32> to vector<16xf32>
      %broadcast_in_dim3A_524 = arith.constant 2 : i32
      %broadcast_in_dim3A_525 = vector.broadcast %broadcast_in_dim3A_524 : i32 to vector<16x1xi32>
      %gather3A_526 = vector.shape_cast %broadcast_in_dim3A_525 : vector<16x1xi32> to vector<16xi32>
      %gather3A_527 = tpu.dynamic_gather %get3A_523[%gather3A_526] in [0] : vector<16xf32>, vector<16xi32> -> vector<16xf32>
      %scan3A_528 = arith.constant 0 : i32
      %scan3A_529 = arith.constant 0 : i32
      %scan3A_530 = arith.constant 32 : i32
      %scan3A_531 = arith.addi %scan3A_529, %scan3A_530 : i32
      %scan3A_532 = arith.constant 1 : i32
      scf.for %scan3A_548 = %scan3A_529 to %scan3A_531 step %scan3A_532  : i32 {
        %mul3A_549 = arith.constant 50 : i32
        %mul3A_550 = arith.muli %scan3A_548, %mul3A_549 : i32
        %broadcast_in_dim3A_551 = arith.constant 0.000000e+00 : f32
        %broadcast_in_dim3A_552 = vector.broadcast %broadcast_in_dim3A_551 : f32 to vector<16xf32>
        %broadcast_in_dim3A_553 = arith.constant 0.000000e+00 : f32
        %broadcast_in_dim3A_554 = vector.broadcast %broadcast_in_dim3A_553 : f32 to vector<16xf32>
        %broadcast_in_dim3A_555 = arith.constant 0.000000e+00 : f32
        %broadcast_in_dim3A_556 = vector.broadcast %broadcast_in_dim3A_555 : f32 to vector<16xf32>
        %broadcast_in_dim3A_557 = arith.constant 0.000000e+00 : f32
        %broadcast_in_dim3A_558 = vector.broadcast %broadcast_in_dim3A_557 : f32 to vector<16xf32>
        %broadcast_in_dim3A_559 = arith.constant 0.000000e+00 : f32
        %broadcast_in_dim3A_560 = vector.broadcast %broadcast_in_dim3A_559 : f32 to vector<16xf32>
        %broadcast_in_dim3A_561 = arith.constant 0.000000e+00 : f32
        %broadcast_in_dim3A_562 = vector.broadcast %broadcast_in_dim3A_561 : f32 to vector<16xf32>
        %broadcast_in_dim3A_563 = arith.constant 0.000000e+00 : f32
        %broadcast_in_dim3A_564 = vector.broadcast %broadcast_in_dim3A_563 : f32 to vector<16xf32>
        %broadcast_in_dim3A_565 = arith.constant 0.000000e+00 : f32
        %broadcast_in_dim3A_566 = vector.broadcast %broadcast_in_dim3A_565 : f32 to vector<16xf32>
        %broadcast_in_dim3A_567 = arith.constant 0 : i32
        %broadcast_in_dim3A_568 = vector.broadcast %broadcast_in_dim3A_567 : i32 to vector<16x1xi32>
        %gather3A_569 = vector.shape_cast %broadcast_in_dim3A_568 : vector<16x1xi32> to vector<16xi32>
        %gather3A_570 = tpu.dynamic_gather %get3A_514[%gather3A_569] in [0] : vector<16xf32>, vector<16xi32> -> vector<16xf32>
        %add3A_571 = arith.constant 0 : i32
        %add3A_572 = arith.addi %mul3A_550, %add3A_571 : i32
        %get3A_573 = arith.index_cast %add3A_572 : i32 to index
        %get3A_574 = arith.constant 0 : index
        %get3A_575 = tpu.vector_load %arg11[%get3A_573, %get3A_574] {strides = array<i32>} : memref<1600x32xf32, #tpu.memory_space<vmem>>, vector<1x16xf32>,
        %get3A_576 = vector.shape_cast %get3A_575 : vector<1x16xf32> to vector<16xf32>
        %add3A_577 = arith.constant 0 : i32
        %add3A_578 = arith.addi %mul3A_550, %add3A_577 : i32
        %get3A_579 = arith.index_cast %add3A_578 : i32 to index
        %get3A_580 = arith.constant 16 : index
        %get3A_581 = tpu.vector_load %arg11[%get3A_579, %get3A_580] {strides = array<i32>} : memref<1600x32xf32, #tpu.memory_space<vmem>>, vector<1x16xf32>,
        %get3A_582 = vector.shape_cast %get3A_581 : vector<1x16xf32> to vector<16xf32>
        %mul3A_583 = arith.mulf %gather3A_570, %get3A_576 : vector<16xf32>
        %add3A_584 = arith.addf %broadcast_in_dim3A_552, %mul3A_583 : vector<16xf32>
        %mul3A_585 = arith.mulf %gather3A_570, %get3A_582 : vector<16xf32>
        %add3A_586 = arith.addf %broadcast_in_dim3A_560, %mul3A_585 : vector<16xf32>
        %broadcast_in_dim3A_587 = arith.constant 1 : i32
        %broadcast_in_dim3A_588 = vector.broadcast %broadcast_in_dim3A_587 : i32 to vector<16x1xi32>
        %gather3A_589 = vector.shape_cast %broadcast_in_dim3A_588 : vector<16x1xi32> to vector<16xi32>
        %gather3A_590 = tpu.dynamic_gather %get3A_514[%gather3A_589] in [0] : vector<16xf32>, vector<16xi32> -> vector<16xf32>
        %add3A_591 = arith.constant 1 : i32
        %add3A_592 = arith.addi %mul3A_550, %add3A_591 : i32
        %get3A_593 = arith.index_cast %add3A_592 : i32 to index
        %get3A_594 = arith.constant 0 : index
        %get3A_595 = tpu.vector_load %arg11[%get3A_593, %get3A_594] {strides = array<i32>} : memref<1600x32xf32, #tpu.memory_space<vmem>>, vector<1x16xf32>,
        %get3A_596 = vector.shape_cast %get3A_595 : vector<1x16xf32> to vector<16xf32>
        %add3A_597 = arith.constant 1 : i32
        %add3A_598 = arith.addi %mul3A_550, %add3A_597 : i32
        %get3A_599 = arith.index_cast %add3A_598 : i32 to index
        %get3A_600 = arith.constant 16 : index
        %get3A_601 = tpu.vector_load %arg11[%get3A_599, %get3A_600] {strides = array<i32>} : memref<1600x32xf32, #tpu.memory_space<vmem>>, vector<1x16xf32>,
        %get3A_602 = vector.shape_cast %get3A_601 : vector<1x16xf32> to vector<16xf32>
        %mul3A_603 = arith.mulf %gather3A_590, %get3A_596 : vector<16xf32>
        %add3A_604 = arith.addf %broadcast_in_dim3A_554, %mul3A_603 : vector<16xf32>
        %mul3A_605 = arith.mulf %gather3A_590, %get3A_602 : vector<16xf32>
        %add3A_606 = arith.addf %broadcast_in_dim3A_562, %mul3A_605 : vector<16xf32>
        %broadcast_in_dim3A_607 = arith.constant 2 : i32
        %broadcast_in_dim3A_608 = vector.broadcast %broadcast_in_dim3A_607 : i32 to vector<16x1xi32>
        %gather3A_609 = vector.shape_cast %broadcast_in_dim3A_608 : vector<16x1xi32> to vector<16xi32>
        %gather3A_610 = tpu.dynamic_gather %get3A_514[%gather3A_609] in [0] : vector<16xf32>, vector<16xi32> -> vector<16xf32>
        %add3A_611 = arith.constant 2 : i32
        %add3A_612 = arith.addi %mul3A_550, %add3A_611 : i32
        %get3A_613 = arith.index_cast %add3A_612 : i32 to index
        %get3A_614 = arith.constant 0 : index
        %get3A_615 = tpu.vector_load %arg11[%get3A_613, %get3A_614] {strides = array<i32>} : memref<1600x32xf32, #tpu.memory_space<vmem>>, vector<1x16xf32>,
        %get3A_616 = vector.shape_cast %get3A_615 : vector<1x16xf32> to vector<16xf32>
        %add3A_617 = arith.constant 2 : i32
        %add3A_618 = arith.addi %mul3A_550, %add3A_617 : i32
        %get3A_619 = arith.index_cast %add3A_618 : i32 to index
        %get3A_620 = arith.constant 16 : index
        %get3A_621 = tpu.vector_load %arg11[%get3A_619, %get3A_620] {strides = array<i32>} : memref<1600x32xf32, #tpu.memory_space<vmem>>, vector<1x16xf32>,
        %get3A_622 = vector.shape_cast %get3A_621 : vector<1x16xf32> to vector<16xf32>
        %mul3A_623 = arith.mulf %gather3A_610, %get3A_616 : vector<16xf32>
        %add3A_624 = arith.addf %broadcast_in_dim3A_556, %mul3A_623 : vector<16xf32>
        %mul3A_625 = arith.mulf %gather3A_610, %get3A_622 : vector<16xf32>
        %add3A_626 = arith.addf %broadcast_in_dim3A_564, %mul3A_625 : vector<16xf32>
        %broadcast_in_dim3A_627 = arith.constant 3 : i32
        %broadcast_in_dim3A_628 = vector.broadcast %broadcast_in_dim3A_627 : i32 to vector<16x1xi32>
        %gather3A_629 = vector.shape_cast %broadcast_in_dim3A_628 : vector<16x1xi32> to vector<16xi32>
        %gather3A_630 = tpu.dynamic_gather %get3A_514[%gather3A_629] in [0] : vector<16xf32>, vector<16xi32> -> vector<16xf32>
        %add3A_631 = arith.constant 3 : i32
        %add3A_632 = arith.addi %mul3A_550, %add3A_631 : i32
        %get3A_633 = arith.index_cast %add3A_632 : i32 to index
        %get3A_634 = arith.constant 0 : index
        %get3A_635 = tpu.vector_load %arg11[%get3A_633, %get3A_634] {strides = array<i32>} : memref<1600x32xf32, #tpu.memory_space<vmem>>, vector<1x16xf32>,
        %get3A_636 = vector.shape_cast %get3A_635 : vector<1x16xf32> to vector<16xf32>
        %add3A_637 = arith.constant 3 : i32
        %add3A_638 = arith.addi %mul3A_550, %add3A_637 : i32
        %get3A_639 = arith.index_cast %add3A_638 : i32 to index
        %get3A_640 = arith.constant 16 : index
        %get3A_641 = tpu.vector_load %arg11[%get3A_639, %get3A_640] {strides = array<i32>} : memref<1600x32xf32, #tpu.memory_space<vmem>>, vector<1x16xf32>,
        %get3A_642 = vector.shape_cast %get3A_641 : vector<1x16xf32> to vector<16xf32>
        %mul3A_643 = arith.mulf %gather3A_630, %get3A_636 : vector<16xf32>
        %add3A_644 = arith.addf %broadcast_in_dim3A_558, %mul3A_643 : vector<16xf32>
        %mul3A_645 = arith.mulf %gather3A_630, %get3A_642 : vector<16xf32>
        %add3A_646 = arith.addf %broadcast_in_dim3A_566, %mul3A_645 : vector<16xf32>
        %broadcast_in_dim3A_647 = arith.constant 4 : i32
        %broadcast_in_dim3A_648 = vector.broadcast %broadcast_in_dim3A_647 : i32 to vector<16x1xi32>
        %gather3A_649 = vector.shape_cast %broadcast_in_dim3A_648 : vector<16x1xi32> to vector<16xi32>
        %gather3A_650 = tpu.dynamic_gather %get3A_514[%gather3A_649] in [0] : vector<16xf32>, vector<16xi32> -> vector<16xf32>
        %add3A_651 = arith.constant 4 : i32
        %add3A_652 = arith.addi %mul3A_550, %add3A_651 : i32
        %get3A_653 = arith.index_cast %add3A_652 : i32 to index
        %get3A_654 = arith.constant 0 : index
        %get3A_655 = tpu.vector_load %arg11[%get3A_653, %get3A_654] {strides = array<i32>} : memref<1600x32xf32, #tpu.memory_space<vmem>>, vector<1x16xf32>,
        %get3A_656 = vector.shape_cast %get3A_655 : vector<1x16xf32> to vector<16xf32>
        %add3A_657 = arith.constant 4 : i32
        %add3A_658 = arith.addi %mul3A_550, %add3A_657 : i32
        %get3A_659 = arith.index_cast %add3A_658 : i32 to index
        %get3A_660 = arith.constant 16 : index
        %get3A_661 = tpu.vector_load %arg11[%get3A_659, %get3A_660] {strides = array<i32>} : memref<1600x32xf32, #tpu.memory_space<vmem>>, vector<1x16xf32>,
        %get3A_662 = vector.shape_cast %get3A_661 : vector<1x16xf32> to vector<16xf32>
        %mul3A_663 = arith.mulf %gather3A_650, %get3A_656 : vector<16xf32>
        %add3A_664 = arith.addf %add3A_584, %mul3A_663 : vector<16xf32>
        %mul3A_665 = arith.mulf %gather3A_650, %get3A_662 : vector<16xf32>
        %add3A_666 = arith.addf %add3A_586, %mul3A_665 : vector<16xf32>
        %broadcast_in_dim3A_667 = arith.constant 5 : i32
        %broadcast_in_dim3A_668 = vector.broadcast %broadcast_in_dim3A_667 : i32 to vector<16x1xi32>
        %gather3A_669 = vector.shape_cast %broadcast_in_dim3A_668 : vector<16x1xi32> to vector<16xi32>
        %gather3A_670 = tpu.dynamic_gather %get3A_514[%gather3A_669] in [0] : vector<16xf32>, vector<16xi32> -> vector<16xf32>
        %add3A_671 = arith.constant 5 : i32
        %add3A_672 = arith.addi %mul3A_550, %add3A_671 : i32
        %get3A_673 = arith.index_cast %add3A_672 : i32 to index
        %get3A_674 = arith.constant 0 : index
        %get3A_675 = tpu.vector_load %arg11[%get3A_673, %get3A_674] {strides = array<i32>} : memref<1600x32xf32, #tpu.memory_space<vmem>>, vector<1x16xf32>,
        %get3A_676 = vector.shape_cast %get3A_675 : vector<1x16xf32> to vector<16xf32>
        %add3A_677 = arith.constant 5 : i32
        %add3A_678 = arith.addi %mul3A_550, %add3A_677 : i32
        %get3A_679 = arith.index_cast %add3A_678 : i32 to index
        %get3A_680 = arith.constant 16 : index
        %get3A_681 = tpu.vector_load %arg11[%get3A_679, %get3A_680] {strides = array<i32>} : memref<1600x32xf32, #tpu.memory_space<vmem>>, vector<1x16xf32>,
        %get3A_682 = vector.shape_cast %get3A_681 : vector<1x16xf32> to vector<16xf32>
        %mul3A_683 = arith.mulf %gather3A_670, %get3A_676 : vector<16xf32>
        %add3A_684 = arith.addf %add3A_604, %mul3A_683 : vector<16xf32>
        %mul3A_685 = arith.mulf %gather3A_670, %get3A_682 : vector<16xf32>
        %add3A_686 = arith.addf %add3A_606, %mul3A_685 : vector<16xf32>
        %broadcast_in_dim3A_687 = arith.constant 6 : i32
        %broadcast_in_dim3A_688 = vector.broadcast %broadcast_in_dim3A_687 : i32 to vector<16x1xi32>
        %gather3A_689 = vector.shape_cast %broadcast_in_dim3A_688 : vector<16x1xi32> to vector<16xi32>
        %gather3A_690 = tpu.dynamic_gather %get3A_514[%gather3A_689] in [0] : vector<16xf32>, vector<16xi32> -> vector<16xf32>
        %add3A_691 = arith.constant 6 : i32
        %add3A_692 = arith.addi %mul3A_550, %add3A_691 : i32
        %get3A_693 = arith.index_cast %add3A_692 : i32 to index
        %get3A_694 = arith.constant 0 : index
        %get3A_695 = tpu.vector_load %arg11[%get3A_693, %get3A_694] {strides = array<i32>} : memref<1600x32xf32, #tpu.memory_space<vmem>>, vector<1x16xf32>,
        %get3A_696 = vector.shape_cast %get3A_695 : vector<1x16xf32> to vector<16xf32>
        %add3A_697 = arith.constant 6 : i32
        %add3A_698 = arith.addi %mul3A_550, %add3A_697 : i32
        %get3A_699 = arith.index_cast %add3A_698 : i32 to index
        %get3A_700 = arith.constant 16 : index
        %get3A_701 = tpu.vector_load %arg11[%get3A_699, %get3A_700] {strides = array<i32>} : memref<1600x32xf32, #tpu.memory_space<vmem>>, vector<1x16xf32>,
        %get3A_702 = vector.shape_cast %get3A_701 : vector<1x16xf32> to vector<16xf32>
        %mul3A_703 = arith.mulf %gather3A_690, %get3A_696 : vector<16xf32>
        %add3A_704 = arith.addf %add3A_624, %mul3A_703 : vector<16xf32>
        %mul3A_705 = arith.mulf %gather3A_690, %get3A_702 : vector<16xf32>
        %add3A_706 = arith.addf %add3A_626, %mul3A_705 : vector<16xf32>
        %broadcast_in_dim3A_707 = arith.constant 7 : i32
        %broadcast_in_dim3A_708 = vector.broadcast %broadcast_in_dim3A_707 : i32 to vector<16x1xi32>
        %gather3A_709 = vector.shape_cast %broadcast_in_dim3A_708 : vector<16x1xi32> to vector<16xi32>
        %gather3A_710 = tpu.dynamic_gather %get3A_514[%gather3A_709] in [0] : vector<16xf32>, vector<16xi32> -> vector<16xf32>
        %add3A_711 = arith.constant 7 : i32
        %add3A_712 = arith.addi %mul3A_550, %add3A_711 : i32
        %get3A_713 = arith.index_cast %add3A_712 : i32 to index
        %get3A_714 = arith.constant 0 : index
        %get3A_715 = tpu.vector_load %arg11[%get3A_713, %get3A_714] {strides = array<i32>} : memref<1600x32xf32, #tpu.memory_space<vmem>>, vector<1x16xf32>,
        %get3A_716 = vector.shape_cast %get3A_715 : vector<1x16xf32> to vector<16xf32>
        %add3A_717 = arith.constant 7 : i32
        %add3A_718 = arith.addi %mul3A_550, %add3A_717 : i32
        %get3A_719 = arith.index_cast %add3A_718 : i32 to index
        %get3A_720 = arith.constant 16 : index
        %get3A_721 = tpu.vector_load %arg11[%get3A_719, %get3A_720] {strides = array<i32>} : memref<1600x32xf32, #tpu.memory_space<vmem>>, vector<1x16xf32>,
        %get3A_722 = vector.shape_cast %get3A_721 : vector<1x16xf32> to vector<16xf32>
        %mul3A_723 = arith.mulf %gather3A_710, %get3A_716 : vector<16xf32>
        %add3A_724 = arith.addf %add3A_644, %mul3A_723 : vector<16xf32>
        %mul3A_725 = arith.mulf %gather3A_710, %get3A_722 : vector<16xf32>
        %add3A_726 = arith.addf %add3A_646, %mul3A_725 : vector<16xf32>
        %broadcast_in_dim3A_727 = arith.constant 8 : i32
        %broadcast_in_dim3A_728 = vector.broadcast %broadcast_in_dim3A_727 : i32 to vector<16x1xi32>
        %gather3A_729 = vector.shape_cast %broadcast_in_dim3A_728 : vector<16x1xi32> to vector<16xi32>
        %gather3A_730 = tpu.dynamic_gather %get3A_514[%gather3A_729] in [0] : vector<16xf32>, vector<16xi32> -> vector<16xf32>
        %add3A_731 = arith.constant 8 : i32
        %add3A_732 = arith.addi %mul3A_550, %add3A_731 : i32
        %get3A_733 = arith.index_cast %add3A_732 : i32 to index
        %get3A_734 = arith.constant 0 : index
        %get3A_735 = tpu.vector_load %arg11[%get3A_733, %get3A_734] {strides = array<i32>} : memref<1600x32xf32, #tpu.memory_space<vmem>>, vector<1x16xf32>,
        %get3A_736 = vector.shape_cast %get3A_735 : vector<1x16xf32> to vector<16xf32>
        %add3A_737 = arith.constant 8 : i32
        %add3A_738 = arith.addi %mul3A_550, %add3A_737 : i32
        %get3A_739 = arith.index_cast %add3A_738 : i32 to index
        %get3A_740 = arith.constant 16 : index
        %get3A_741 = tpu.vector_load %arg11[%get3A_739, %get3A_740] {strides = array<i32>} : memref<1600x32xf32, #tpu.memory_space<vmem>>, vector<1x16xf32>,
        %get3A_742 = vector.shape_cast %get3A_741 : vector<1x16xf32> to vector<16xf32>
        %mul3A_743 = arith.mulf %gather3A_730, %get3A_736 : vector<16xf32>
        %add3A_744 = arith.addf %add3A_664, %mul3A_743 : vector<16xf32>
        %mul3A_745 = arith.mulf %gather3A_730, %get3A_742 : vector<16xf32>
        %add3A_746 = arith.addf %add3A_666, %mul3A_745 : vector<16xf32>
        %broadcast_in_dim3A_747 = arith.constant 9 : i32
        %broadcast_in_dim3A_748 = vector.broadcast %broadcast_in_dim3A_747 : i32 to vector<16x1xi32>
        %gather3A_749 = vector.shape_cast %broadcast_in_dim3A_748 : vector<16x1xi32> to vector<16xi32>
        %gather3A_750 = tpu.dynamic_gather %get3A_514[%gather3A_749] in [0] : vector<16xf32>, vector<16xi32> -> vector<16xf32>
        %add3A_751 = arith.constant 9 : i32
        %add3A_752 = arith.addi %mul3A_550, %add3A_751 : i32
        %get3A_753 = arith.index_cast %add3A_752 : i32 to index
        %get3A_754 = arith.constant 0 : index
        %get3A_755 = tpu.vector_load %arg11[%get3A_753, %get3A_754] {strides = array<i32>} : memref<1600x32xf32, #tpu.memory_space<vmem>>, vector<1x16xf32>,
        %get3A_756 = vector.shape_cast %get3A_755 : vector<1x16xf32> to vector<16xf32>
        %add3A_757 = arith.constant 9 : i32
        %add3A_758 = arith.addi %mul3A_550, %add3A_757 : i32
        %get3A_759 = arith.index_cast %add3A_758 : i32 to index
        %get3A_760 = arith.constant 16 : index
        %get3A_761 = tpu.vector_load %arg11[%get3A_759, %get3A_760] {strides = array<i32>} : memref<1600x32xf32, #tpu.memory_space<vmem>>, vector<1x16xf32>,
        %get3A_762 = vector.shape_cast %get3A_761 : vector<1x16xf32> to vector<16xf32>
        %mul3A_763 = arith.mulf %gather3A_750, %get3A_756 : vector<16xf32>
        %add3A_764 = arith.addf %add3A_684, %mul3A_763 : vector<16xf32>
        %mul3A_765 = arith.mulf %gather3A_750, %get3A_762 : vector<16xf32>
        %add3A_766 = arith.addf %add3A_686, %mul3A_765 : vector<16xf32>
        %broadcast_in_dim3A_767 = arith.constant 10 : i32
        %broadcast_in_dim3A_768 = vector.broadcast %broadcast_in_dim3A_767 : i32 to vector<16x1xi32>
        %gather3A_769 = vector.shape_cast %broadcast_in_dim3A_768 : vector<16x1xi32> to vector<16xi32>
        %gather3A_770 = tpu.dynamic_gather %get3A_514[%gather3A_769] in [0] : vector<16xf32>, vector<16xi32> -> vector<16xf32>
        %add3A_771 = arith.constant 10 : i32
        %add3A_772 = arith.addi %mul3A_550, %add3A_771 : i32
        %get3A_773 = arith.index_cast %add3A_772 : i32 to index
        %get3A_774 = arith.constant 0 : index
        %get3A_775 = tpu.vector_load %arg11[%get3A_773, %get3A_774] {strides = array<i32>} : memref<1600x32xf32, #tpu.memory_space<vmem>>, vector<1x16xf32>,
        %get3A_776 = vector.shape_cast %get3A_775 : vector<1x16xf32> to vector<16xf32>
        %add3A_777 = arith.constant 10 : i32
        %add3A_778 = arith.addi %mul3A_550, %add3A_777 : i32
        %get3A_779 = arith.index_cast %add3A_778 : i32 to index
        %get3A_780 = arith.constant 16 : index
        %get3A_781 = tpu.vector_load %arg11[%get3A_779, %get3A_780] {strides = array<i32>} : memref<1600x32xf32, #tpu.memory_space<vmem>>, vector<1x16xf32>,
        %get3A_782 = vector.shape_cast %get3A_781 : vector<1x16xf32> to vector<16xf32>
        %mul3A_783 = arith.mulf %gather3A_770, %get3A_776 : vector<16xf32>
        %add3A_784 = arith.addf %add3A_704, %mul3A_783 : vector<16xf32>
        %mul3A_785 = arith.mulf %gather3A_770, %get3A_782 : vector<16xf32>
        %add3A_786 = arith.addf %add3A_706, %mul3A_785 : vector<16xf32>
        %broadcast_in_dim3A_787 = arith.constant 11 : i32
        %broadcast_in_dim3A_788 = vector.broadcast %broadcast_in_dim3A_787 : i32 to vector<16x1xi32>
        %gather3A_789 = vector.shape_cast %broadcast_in_dim3A_788 : vector<16x1xi32> to vector<16xi32>
        %gather3A_790 = tpu.dynamic_gather %get3A_514[%gather3A_789] in [0] : vector<16xf32>, vector<16xi32> -> vector<16xf32>
        %add3A_791 = arith.constant 11 : i32
        %add3A_792 = arith.addi %mul3A_550, %add3A_791 : i32
        %get3A_793 = arith.index_cast %add3A_792 : i32 to index
        %get3A_794 = arith.constant 0 : index
        %get3A_795 = tpu.vector_load %arg11[%get3A_793, %get3A_794] {strides = array<i32>} : memref<1600x32xf32, #tpu.memory_space<vmem>>, vector<1x16xf32>,
        %get3A_796 = vector.shape_cast %get3A_795 : vector<1x16xf32> to vector<16xf32>
        %add3A_797 = arith.constant 11 : i32
        %add3A_798 = arith.addi %mul3A_550, %add3A_797 : i32
        %get3A_799 = arith.index_cast %add3A_798 : i32 to index
        %get3A_800 = arith.constant 16 : index
        %get3A_801 = tpu.vector_load %arg11[%get3A_799, %get3A_800] {strides = array<i32>} : memref<1600x32xf32, #tpu.memory_space<vmem>>, vector<1x16xf32>,
        %get3A_802 = vector.shape_cast %get3A_801 : vector<1x16xf32> to vector<16xf32>
        %mul3A_803 = arith.mulf %gather3A_790, %get3A_796 : vector<16xf32>
        %add3A_804 = arith.addf %add3A_724, %mul3A_803 : vector<16xf32>
        %mul3A_805 = arith.mulf %gather3A_790, %get3A_802 : vector<16xf32>
        %add3A_806 = arith.addf %add3A_726, %mul3A_805 : vector<16xf32>
        %broadcast_in_dim3A_807 = arith.constant 12 : i32
        %broadcast_in_dim3A_808 = vector.broadcast %broadcast_in_dim3A_807 : i32 to vector<16x1xi32>
        %gather3A_809 = vector.shape_cast %broadcast_in_dim3A_808 : vector<16x1xi32> to vector<16xi32>
        %gather3A_810 = tpu.dynamic_gather %get3A_514[%gather3A_809] in [0] : vector<16xf32>, vector<16xi32> -> vector<16xf32>
        %add3A_811 = arith.constant 12 : i32
        %add3A_812 = arith.addi %mul3A_550, %add3A_811 : i32
        %get3A_813 = arith.index_cast %add3A_812 : i32 to index
        %get3A_814 = arith.constant 0 : index
        %get3A_815 = tpu.vector_load %arg11[%get3A_813, %get3A_814] {strides = array<i32>} : memref<1600x32xf32, #tpu.memory_space<vmem>>, vector<1x16xf32>,
        %get3A_816 = vector.shape_cast %get3A_815 : vector<1x16xf32> to vector<16xf32>
        %add3A_817 = arith.constant 12 : i32
        %add3A_818 = arith.addi %mul3A_550, %add3A_817 : i32
        %get3A_819 = arith.index_cast %add3A_818 : i32 to index
        %get3A_820 = arith.constant 16 : index
        %get3A_821 = tpu.vector_load %arg11[%get3A_819, %get3A_820] {strides = array<i32>} : memref<1600x32xf32, #tpu.memory_space<vmem>>, vector<1x16xf32>,
        %get3A_822 = vector.shape_cast %get3A_821 : vector<1x16xf32> to vector<16xf32>
        %mul3A_823 = arith.mulf %gather3A_810, %get3A_816 : vector<16xf32>
        %add3A_824 = arith.addf %add3A_744, %mul3A_823 : vector<16xf32>
        %mul3A_825 = arith.mulf %gather3A_810, %get3A_822 : vector<16xf32>
        %add3A_826 = arith.addf %add3A_746, %mul3A_825 : vector<16xf32>
        %broadcast_in_dim3A_827 = arith.constant 13 : i32
        %broadcast_in_dim3A_828 = vector.broadcast %broadcast_in_dim3A_827 : i32 to vector<16x1xi32>
        %gather3A_829 = vector.shape_cast %broadcast_in_dim3A_828 : vector<16x1xi32> to vector<16xi32>
        %gather3A_830 = tpu.dynamic_gather %get3A_514[%gather3A_829] in [0] : vector<16xf32>, vector<16xi32> -> vector<16xf32>
        %add3A_831 = arith.constant 13 : i32
        %add3A_832 = arith.addi %mul3A_550, %add3A_831 : i32
        %get3A_833 = arith.index_cast %add3A_832 : i32 to index
        %get3A_834 = arith.constant 0 : index
        %get3A_835 = tpu.vector_load %arg11[%get3A_833, %get3A_834] {strides = array<i32>} : memref<1600x32xf32, #tpu.memory_space<vmem>>, vector<1x16xf32>,
        %get3A_836 = vector.shape_cast %get3A_835 : vector<1x16xf32> to vector<16xf32>
        %add3A_837 = arith.constant 13 : i32
        %add3A_838 = arith.addi %mul3A_550, %add3A_837 : i32
        %get3A_839 = arith.index_cast %add3A_838 : i32 to index
        %get3A_840 = arith.constant 16 : index
        %get3A_841 = tpu.vector_load %arg11[%get3A_839, %get3A_840] {strides = array<i32>} : memref<1600x32xf32, #tpu.memory_space<vmem>>, vector<1x16xf32>,
        %get3A_842 = vector.shape_cast %get3A_841 : vector<1x16xf32> to vector<16xf32>
        %mul3A_843 = arith.mulf %gather3A_830, %get3A_836 : vector<16xf32>
        %add3A_844 = arith.addf %add3A_764, %mul3A_843 : vector<16xf32>
        %mul3A_845 = arith.mulf %gather3A_830, %get3A_842 : vector<16xf32>
        %add3A_846 = arith.addf %add3A_766, %mul3A_845 : vector<16xf32>
        %broadcast_in_dim3A_847 = arith.constant 14 : i32
        %broadcast_in_dim3A_848 = vector.broadcast %broadcast_in_dim3A_847 : i32 to vector<16x1xi32>
        %gather3A_849 = vector.shape_cast %broadcast_in_dim3A_848 : vector<16x1xi32> to vector<16xi32>
        %gather3A_850 = tpu.dynamic_gather %get3A_514[%gather3A_849] in [0] : vector<16xf32>, vector<16xi32> -> vector<16xf32>
        %add3A_851 = arith.constant 14 : i32
        %add3A_852 = arith.addi %mul3A_550, %add3A_851 : i32
        %get3A_853 = arith.index_cast %add3A_852 : i32 to index
        %get3A_854 = arith.constant 0 : index
        %get3A_855 = tpu.vector_load %arg11[%get3A_853, %get3A_854] {strides = array<i32>} : memref<1600x32xf32, #tpu.memory_space<vmem>>, vector<1x16xf32>,
        %get3A_856 = vector.shape_cast %get3A_855 : vector<1x16xf32> to vector<16xf32>
        %add3A_857 = arith.constant 14 : i32
        %add3A_858 = arith.addi %mul3A_550, %add3A_857 : i32
        %get3A_859 = arith.index_cast %add3A_858 : i32 to index
        %get3A_860 = arith.constant 16 : index
        %get3A_861 = tpu.vector_load %arg11[%get3A_859, %get3A_860] {strides = array<i32>} : memref<1600x32xf32, #tpu.memory_space<vmem>>, vector<1x16xf32>,
        %get3A_862 = vector.shape_cast %get3A_861 : vector<1x16xf32> to vector<16xf32>
        %mul3A_863 = arith.mulf %gather3A_850, %get3A_856 : vector<16xf32>
        %add3A_864 = arith.addf %add3A_784, %mul3A_863 : vector<16xf32>
        %mul3A_865 = arith.mulf %gather3A_850, %get3A_862 : vector<16xf32>
        %add3A_866 = arith.addf %add3A_786, %mul3A_865 : vector<16xf32>
        %broadcast_in_dim3A_867 = arith.constant 15 : i32
        %broadcast_in_dim3A_868 = vector.broadcast %broadcast_in_dim3A_867 : i32 to vector<16x1xi32>
        %gather3A_869 = vector.shape_cast %broadcast_in_dim3A_868 : vector<16x1xi32> to vector<16xi32>
        %gather3A_870 = tpu.dynamic_gather %get3A_514[%gather3A_869] in [0] : vector<16xf32>, vector<16xi32> -> vector<16xf32>
        %add3A_871 = arith.constant 15 : i32
        %add3A_872 = arith.addi %mul3A_550, %add3A_871 : i32
        %get3A_873 = arith.index_cast %add3A_872 : i32 to index
        %get3A_874 = arith.constant 0 : index
        %get3A_875 = tpu.vector_load %arg11[%get3A_873, %get3A_874] {strides = array<i32>} : memref<1600x32xf32, #tpu.memory_space<vmem>>, vector<1x16xf32>,
        %get3A_876 = vector.shape_cast %get3A_875 : vector<1x16xf32> to vector<16xf32>
        %add3A_877 = arith.constant 15 : i32
        %add3A_878 = arith.addi %mul3A_550, %add3A_877 : i32
        %get3A_879 = arith.index_cast %add3A_878 : i32 to index
        %get3A_880 = arith.constant 16 : index
        %get3A_881 = tpu.vector_load %arg11[%get3A_879, %get3A_880] {strides = array<i32>} : memref<1600x32xf32, #tpu.memory_space<vmem>>, vector<1x16xf32>,
        %get3A_882 = vector.shape_cast %get3A_881 : vector<1x16xf32> to vector<16xf32>
        %mul3A_883 = arith.mulf %gather3A_870, %get3A_876 : vector<16xf32>
        %add3A_884 = arith.addf %add3A_804, %mul3A_883 : vector<16xf32>
        %mul3A_885 = arith.mulf %gather3A_870, %get3A_882 : vector<16xf32>
        %add3A_886 = arith.addf %add3A_806, %mul3A_885 : vector<16xf32>
        %broadcast_in_dim3A_887 = arith.constant 0 : i32
        %broadcast_in_dim3A_888 = vector.broadcast %broadcast_in_dim3A_887 : i32 to vector<16x1xi32>
        %gather3A_889 = vector.shape_cast %broadcast_in_dim3A_888 : vector<16x1xi32> to vector<16xi32>
        %gather3A_890 = tpu.dynamic_gather %get3A_517[%gather3A_889] in [0] : vector<16xf32>, vector<16xi32> -> vector<16xf32>
        %add3A_891 = arith.constant 16 : i32
        %add3A_892 = arith.addi %mul3A_550, %add3A_891 : i32
        %get3A_893 = arith.index_cast %add3A_892 : i32 to index
        %get3A_894 = arith.constant 0 : index
        %get3A_895 = tpu.vector_load %arg11[%get3A_893, %get3A_894] {strides = array<i32>} : memref<1600x32xf32, #tpu.memory_space<vmem>>, vector<1x16xf32>,
        %get3A_896 = vector.shape_cast %get3A_895 : vector<1x16xf32> to vector<16xf32>
        %add3A_897 = arith.constant 16 : i32
        %add3A_898 = arith.addi %mul3A_550, %add3A_897 : i32
        %get3A_899 = arith.index_cast %add3A_898 : i32 to index
        %get3A_900 = arith.constant 16 : index
        %get3A_901 = tpu.vector_load %arg11[%get3A_899, %get3A_900] {strides = array<i32>} : memref<1600x32xf32, #tpu.memory_space<vmem>>, vector<1x16xf32>,
        %get3A_902 = vector.shape_cast %get3A_901 : vector<1x16xf32> to vector<16xf32>
        %mul3A_903 = arith.mulf %gather3A_890, %get3A_896 : vector<16xf32>
        %add3A_904 = arith.addf %add3A_824, %mul3A_903 : vector<16xf32>
        %mul3A_905 = arith.mulf %gather3A_890, %get3A_902 : vector<16xf32>
        %add3A_906 = arith.addf %add3A_826, %mul3A_905 : vector<16xf32>
        %broadcast_in_dim3A_907 = arith.constant 1 : i32
        %broadcast_in_dim3A_908 = vector.broadcast %broadcast_in_dim3A_907 : i32 to vector<16x1xi32>
        %gather3A_909 = vector.shape_cast %broadcast_in_dim3A_908 : vector<16x1xi32> to vector<16xi32>
        %gather3A_910 = tpu.dynamic_gather %get3A_517[%gather3A_909] in [0] : vector<16xf32>, vector<16xi32> -> vector<16xf32>
        %add3A_911 = arith.constant 17 : i32
        %add3A_912 = arith.addi %mul3A_550, %add3A_911 : i32
        %get3A_913 = arith.index_cast %add3A_912 : i32 to index
        %get3A_914 = arith.constant 0 : index
        %get3A_915 = tpu.vector_load %arg11[%get3A_913, %get3A_914] {strides = array<i32>} : memref<1600x32xf32, #tpu.memory_space<vmem>>, vector<1x16xf32>,
        %get3A_916 = vector.shape_cast %get3A_915 : vector<1x16xf32> to vector<16xf32>
        %add3A_917 = arith.constant 17 : i32
        %add3A_918 = arith.addi %mul3A_550, %add3A_917 : i32
        %get3A_919 = arith.index_cast %add3A_918 : i32 to index
        %get3A_920 = arith.constant 16 : index
        %get3A_921 = tpu.vector_load %arg11[%get3A_919, %get3A_920] {strides = array<i32>} : memref<1600x32xf32, #tpu.memory_space<vmem>>, vector<1x16xf32>,
        %get3A_922 = vector.shape_cast %get3A_921 : vector<1x16xf32> to vector<16xf32>
        %mul3A_923 = arith.mulf %gather3A_910, %get3A_916 : vector<16xf32>
        %add3A_924 = arith.addf %add3A_844, %mul3A_923 : vector<16xf32>
        %mul3A_925 = arith.mulf %gather3A_910, %get3A_922 : vector<16xf32>
        %add3A_926 = arith.addf %add3A_846, %mul3A_925 : vector<16xf32>
        %broadcast_in_dim3A_927 = arith.constant 2 : i32
        %broadcast_in_dim3A_928 = vector.broadcast %broadcast_in_dim3A_927 : i32 to vector<16x1xi32>
        %gather3A_929 = vector.shape_cast %broadcast_in_dim3A_928 : vector<16x1xi32> to vector<16xi32>
        %gather3A_930 = tpu.dynamic_gather %get3A_517[%gather3A_929] in [0] : vector<16xf32>, vector<16xi32> -> vector<16xf32>
        %add3A_931 = arith.constant 18 : i32
        %add3A_932 = arith.addi %mul3A_550, %add3A_931 : i32
        %get3A_933 = arith.index_cast %add3A_932 : i32 to index
        %get3A_934 = arith.constant 0 : index
        %get3A_935 = tpu.vector_load %arg11[%get3A_933, %get3A_934] {strides = array<i32>} : memref<1600x32xf32, #tpu.memory_space<vmem>>, vector<1x16xf32>,
        %get3A_936 = vector.shape_cast %get3A_935 : vector<1x16xf32> to vector<16xf32>
        %add3A_937 = arith.constant 18 : i32
        %add3A_938 = arith.addi %mul3A_550, %add3A_937 : i32
        %get3A_939 = arith.index_cast %add3A_938 : i32 to index
        %get3A_940 = arith.constant 16 : index
        %get3A_941 = tpu.vector_load %arg11[%get3A_939, %get3A_940] {strides = array<i32>} : memref<1600x32xf32, #tpu.memory_space<vmem>>, vector<1x16xf32>,
        %get3A_942 = vector.shape_cast %get3A_941 : vector<1x16xf32> to vector<16xf32>
        %mul3A_943 = arith.mulf %gather3A_930, %get3A_936 : vector<16xf32>
        %add3A_944 = arith.addf %add3A_864, %mul3A_943 : vector<16xf32>
        %mul3A_945 = arith.mulf %gather3A_930, %get3A_942 : vector<16xf32>
        %add3A_946 = arith.addf %add3A_866, %mul3A_945 : vector<16xf32>
        %broadcast_in_dim3A_947 = arith.constant 3 : i32
        %broadcast_in_dim3A_948 = vector.broadcast %broadcast_in_dim3A_947 : i32 to vector<16x1xi32>
        %gather3A_949 = vector.shape_cast %broadcast_in_dim3A_948 : vector<16x1xi32> to vector<16xi32>
        %gather3A_950 = tpu.dynamic_gather %get3A_517[%gather3A_949] in [0] : vector<16xf32>, vector<16xi32> -> vector<16xf32>
        %add3A_951 = arith.constant 19 : i32
        %add3A_952 = arith.addi %mul3A_550, %add3A_951 : i32
        %get3A_953 = arith.index_cast %add3A_952 : i32 to index
        %get3A_954 = arith.constant 0 : index
        %get3A_955 = tpu.vector_load %arg11[%get3A_953, %get3A_954] {strides = array<i32>} : memref<1600x32xf32, #tpu.memory_space<vmem>>, vector<1x16xf32>,
        %get3A_956 = vector.shape_cast %get3A_955 : vector<1x16xf32> to vector<16xf32>
        %add3A_957 = arith.constant 19 : i32
        %add3A_958 = arith.addi %mul3A_550, %add3A_957 : i32
        %get3A_959 = arith.index_cast %add3A_958 : i32 to index
        %get3A_960 = arith.constant 16 : index
        %get3A_961 = tpu.vector_load %arg11[%get3A_959, %get3A_960] {strides = array<i32>} : memref<1600x32xf32, #tpu.memory_space<vmem>>, vector<1x16xf32>,
        %get3A_962 = vector.shape_cast %get3A_961 : vector<1x16xf32> to vector<16xf32>
        %mul3A_963 = arith.mulf %gather3A_950, %get3A_956 : vector<16xf32>
        %add3A_964 = arith.addf %add3A_884, %mul3A_963 : vector<16xf32>
        %mul3A_965 = arith.mulf %gather3A_950, %get3A_962 : vector<16xf32>
        %add3A_966 = arith.addf %add3A_886, %mul3A_965 : vector<16xf32>
        %broadcast_in_dim3A_967 = arith.constant 4 : i32
        %broadcast_in_dim3A_968 = vector.broadcast %broadcast_in_dim3A_967 : i32 to vector<16x1xi32>
        %gather3A_969 = vector.shape_cast %broadcast_in_dim3A_968 : vector<16x1xi32> to vector<16xi32>
        %gather3A_970 = tpu.dynamic_gather %get3A_517[%gather3A_969] in [0] : vector<16xf32>, vector<16xi32> -> vector<16xf32>
        %add3A_971 = arith.constant 20 : i32
        %add3A_972 = arith.addi %mul3A_550, %add3A_971 : i32
        %get3A_973 = arith.index_cast %add3A_972 : i32 to index
        %get3A_974 = arith.constant 0 : index
        %get3A_975 = tpu.vector_load %arg11[%get3A_973, %get3A_974] {strides = array<i32>} : memref<1600x32xf32, #tpu.memory_space<vmem>>, vector<1x16xf32>,
        %get3A_976 = vector.shape_cast %get3A_975 : vector<1x16xf32> to vector<16xf32>
        %add3A_977 = arith.constant 20 : i32
        %add3A_978 = arith.addi %mul3A_550, %add3A_977 : i32
        %get3A_979 = arith.index_cast %add3A_978 : i32 to index
        %get3A_980 = arith.constant 16 : index
        %get3A_981 = tpu.vector_load %arg11[%get3A_979, %get3A_980] {strides = array<i32>} : memref<1600x32xf32, #tpu.memory_space<vmem>>, vector<1x16xf32>,
        %get3A_982 = vector.shape_cast %get3A_981 : vector<1x16xf32> to vector<16xf32>
        %mul3A_983 = arith.mulf %gather3A_970, %get3A_976 : vector<16xf32>
        %add3A_984 = arith.addf %add3A_904, %mul3A_983 : vector<16xf32>
        %mul3A_985 = arith.mulf %gather3A_970, %get3A_982 : vector<16xf32>
        %add3A_986 = arith.addf %add3A_906, %mul3A_985 : vector<16xf32>
        %broadcast_in_dim3A_987 = arith.constant 5 : i32
        %broadcast_in_dim3A_988 = vector.broadcast %broadcast_in_dim3A_987 : i32 to vector<16x1xi32>
        %gather3A_989 = vector.shape_cast %broadcast_in_dim3A_988 : vector<16x1xi32> to vector<16xi32>
        %gather3A_990 = tpu.dynamic_gather %get3A_517[%gather3A_989] in [0] : vector<16xf32>, vector<16xi32> -> vector<16xf32>
        %add3A_991 = arith.constant 21 : i32
        %add3A_992 = arith.addi %mul3A_550, %add3A_991 : i32
        %get3A_993 = arith.index_cast %add3A_992 : i32 to index
        %get3A_994 = arith.constant 0 : index
        %get3A_995 = tpu.vector_load %arg11[%get3A_993, %get3A_994] {strides = array<i32>} : memref<1600x32xf32, #tpu.memory_space<vmem>>, vector<1x16xf32>,
        %get3A_996 = vector.shape_cast %get3A_995 : vector<1x16xf32> to vector<16xf32>
        %add3A_997 = arith.constant 21 : i32
        %add3A_998 = arith.addi %mul3A_550, %add3A_997 : i32
        %get3A_999 = arith.index_cast %add3A_998 : i32 to index
        %get3A_1000 = arith.constant 16 : index
        %get3A_1001 = tpu.vector_load %arg11[%get3A_999, %get3A_1000] {strides = array<i32>} : memref<1600x32xf32, #tpu.memory_space<vmem>>, vector<1x16xf32>,
        %get3A_1002 = vector.shape_cast %get3A_1001 : vector<1x16xf32> to vector<16xf32>
        %mul3A_1003 = arith.mulf %gather3A_990, %get3A_996 : vector<16xf32>
        %add3A_1004 = arith.addf %add3A_924, %mul3A_1003 : vector<16xf32>
        %mul3A_1005 = arith.mulf %gather3A_990, %get3A_1002 : vector<16xf32>
        %add3A_1006 = arith.addf %add3A_926, %mul3A_1005 : vector<16xf32>
        %broadcast_in_dim3A_1007 = arith.constant 6 : i32
        %broadcast_in_dim3A_1008 = vector.broadcast %broadcast_in_dim3A_1007 : i32 to vector<16x1xi32>
        %gather3A_1009 = vector.shape_cast %broadcast_in_dim3A_1008 : vector<16x1xi32> to vector<16xi32>
        %gather3A_1010 = tpu.dynamic_gather %get3A_517[%gather3A_1009] in [0] : vector<16xf32>, vector<16xi32> -> vector<16xf32>
        %add3A_1011 = arith.constant 22 : i32
        %add3A_1012 = arith.addi %mul3A_550, %add3A_1011 : i32
        %get3A_1013 = arith.index_cast %add3A_1012 : i32 to index
        %get3A_1014 = arith.constant 0 : index
        %get3A_1015 = tpu.vector_load %arg11[%get3A_1013, %get3A_1014] {strides = array<i32>} : memref<1600x32xf32, #tpu.memory_space<vmem>>, vector<1x16xf32>,
        %get3A_1016 = vector.shape_cast %get3A_1015 : vector<1x16xf32> to vector<16xf32>
        %add3A_1017 = arith.constant 22 : i32
        %add3A_1018 = arith.addi %mul3A_550, %add3A_1017 : i32
        %get3A_1019 = arith.index_cast %add3A_1018 : i32 to index
        %get3A_1020 = arith.constant 16 : index
        %get3A_1021 = tpu.vector_load %arg11[%get3A_1019, %get3A_1020] {strides = array<i32>} : memref<1600x32xf32, #tpu.memory_space<vmem>>, vector<1x16xf32>,
        %get3A_1022 = vector.shape_cast %get3A_1021 : vector<1x16xf32> to vector<16xf32>
        %mul3A_1023 = arith.mulf %gather3A_1010, %get3A_1016 : vector<16xf32>
        %add3A_1024 = arith.addf %add3A_944, %mul3A_1023 : vector<16xf32>
        %mul3A_1025 = arith.mulf %gather3A_1010, %get3A_1022 : vector<16xf32>
        %add3A_1026 = arith.addf %add3A_946, %mul3A_1025 : vector<16xf32>
        %broadcast_in_dim3A_1027 = arith.constant 7 : i32
        %broadcast_in_dim3A_1028 = vector.broadcast %broadcast_in_dim3A_1027 : i32 to vector<16x1xi32>
        %gather3A_1029 = vector.shape_cast %broadcast_in_dim3A_1028 : vector<16x1xi32> to vector<16xi32>
        %gather3A_1030 = tpu.dynamic_gather %get3A_517[%gather3A_1029] in [0] : vector<16xf32>, vector<16xi32> -> vector<16xf32>
        %add3A_1031 = arith.constant 23 : i32
        %add3A_1032 = arith.addi %mul3A_550, %add3A_1031 : i32
        %get3A_1033 = arith.index_cast %add3A_1032 : i32 to index
        %get3A_1034 = arith.constant 0 : index
        %get3A_1035 = tpu.vector_load %arg11[%get3A_1033, %get3A_1034] {strides = array<i32>} : memref<1600x32xf32, #tpu.memory_space<vmem>>, vector<1x16xf32>,
        %get3A_1036 = vector.shape_cast %get3A_1035 : vector<1x16xf32> to vector<16xf32>
        %add3A_1037 = arith.constant 23 : i32
        %add3A_1038 = arith.addi %mul3A_550, %add3A_1037 : i32
        %get3A_1039 = arith.index_cast %add3A_1038 : i32 to index
        %get3A_1040 = arith.constant 16 : index
        %get3A_1041 = tpu.vector_load %arg11[%get3A_1039, %get3A_1040] {strides = array<i32>} : memref<1600x32xf32, #tpu.memory_space<vmem>>, vector<1x16xf32>,
        %get3A_1042 = vector.shape_cast %get3A_1041 : vector<1x16xf32> to vector<16xf32>
        %mul3A_1043 = arith.mulf %gather3A_1030, %get3A_1036 : vector<16xf32>
        %add3A_1044 = arith.addf %add3A_964, %mul3A_1043 : vector<16xf32>
        %mul3A_1045 = arith.mulf %gather3A_1030, %get3A_1042 : vector<16xf32>
        %add3A_1046 = arith.addf %add3A_966, %mul3A_1045 : vector<16xf32>
        %broadcast_in_dim3A_1047 = arith.constant 8 : i32
        %broadcast_in_dim3A_1048 = vector.broadcast %broadcast_in_dim3A_1047 : i32 to vector<16x1xi32>
        %gather3A_1049 = vector.shape_cast %broadcast_in_dim3A_1048 : vector<16x1xi32> to vector<16xi32>
        %gather3A_1050 = tpu.dynamic_gather %get3A_517[%gather3A_1049] in [0] : vector<16xf32>, vector<16xi32> -> vector<16xf32>
        %add3A_1051 = arith.constant 24 : i32
        %add3A_1052 = arith.addi %mul3A_550, %add3A_1051 : i32
        %get3A_1053 = arith.index_cast %add3A_1052 : i32 to index
        %get3A_1054 = arith.constant 0 : index
        %get3A_1055 = tpu.vector_load %arg11[%get3A_1053, %get3A_1054] {strides = array<i32>} : memref<1600x32xf32, #tpu.memory_space<vmem>>, vector<1x16xf32>,
        %get3A_1056 = vector.shape_cast %get3A_1055 : vector<1x16xf32> to vector<16xf32>
        %add3A_1057 = arith.constant 24 : i32
        %add3A_1058 = arith.addi %mul3A_550, %add3A_1057 : i32
        %get3A_1059 = arith.index_cast %add3A_1058 : i32 to index
        %get3A_1060 = arith.constant 16 : index
        %get3A_1061 = tpu.vector_load %arg11[%get3A_1059, %get3A_1060] {strides = array<i32>} : memref<1600x32xf32, #tpu.memory_space<vmem>>, vector<1x16xf32>,
        %get3A_1062 = vector.shape_cast %get3A_1061 : vector<1x16xf32> to vector<16xf32>
        %mul3A_1063 = arith.mulf %gather3A_1050, %get3A_1056 : vector<16xf32>
        %add3A_1064 = arith.addf %add3A_984, %mul3A_1063 : vector<16xf32>
        %mul3A_1065 = arith.mulf %gather3A_1050, %get3A_1062 : vector<16xf32>
        %add3A_1066 = arith.addf %add3A_986, %mul3A_1065 : vector<16xf32>
        %broadcast_in_dim3A_1067 = arith.constant 9 : i32
        %broadcast_in_dim3A_1068 = vector.broadcast %broadcast_in_dim3A_1067 : i32 to vector<16x1xi32>
        %gather3A_1069 = vector.shape_cast %broadcast_in_dim3A_1068 : vector<16x1xi32> to vector<16xi32>
        %gather3A_1070 = tpu.dynamic_gather %get3A_517[%gather3A_1069] in [0] : vector<16xf32>, vector<16xi32> -> vector<16xf32>
        %add3A_1071 = arith.constant 25 : i32
        %add3A_1072 = arith.addi %mul3A_550, %add3A_1071 : i32
        %get3A_1073 = arith.index_cast %add3A_1072 : i32 to index
        %get3A_1074 = arith.constant 0 : index
        %get3A_1075 = tpu.vector_load %arg11[%get3A_1073, %get3A_1074] {strides = array<i32>} : memref<1600x32xf32, #tpu.memory_space<vmem>>, vector<1x16xf32>,
        %get3A_1076 = vector.shape_cast %get3A_1075 : vector<1x16xf32> to vector<16xf32>
        %add3A_1077 = arith.constant 25 : i32
        %add3A_1078 = arith.addi %mul3A_550, %add3A_1077 : i32
        %get3A_1079 = arith.index_cast %add3A_1078 : i32 to index
        %get3A_1080 = arith.constant 16 : index
        %get3A_1081 = tpu.vector_load %arg11[%get3A_1079, %get3A_1080] {strides = array<i32>} : memref<1600x32xf32, #tpu.memory_space<vmem>>, vector<1x16xf32>,
        %get3A_1082 = vector.shape_cast %get3A_1081 : vector<1x16xf32> to vector<16xf32>
        %mul3A_1083 = arith.mulf %gather3A_1070, %get3A_1076 : vector<16xf32>
        %add3A_1084 = arith.addf %add3A_1004, %mul3A_1083 : vector<16xf32>
        %mul3A_1085 = arith.mulf %gather3A_1070, %get3A_1082 : vector<16xf32>
        %add3A_1086 = arith.addf %add3A_1006, %mul3A_1085 : vector<16xf32>
        %broadcast_in_dim3A_1087 = arith.constant 10 : i32
        %broadcast_in_dim3A_1088 = vector.broadcast %broadcast_in_dim3A_1087 : i32 to vector<16x1xi32>
        %gather3A_1089 = vector.shape_cast %broadcast_in_dim3A_1088 : vector<16x1xi32> to vector<16xi32>
        %gather3A_1090 = tpu.dynamic_gather %get3A_517[%gather3A_1089] in [0] : vector<16xf32>, vector<16xi32> -> vector<16xf32>
        %add3A_1091 = arith.constant 26 : i32
        %add3A_1092 = arith.addi %mul3A_550, %add3A_1091 : i32
        %get3A_1093 = arith.index_cast %add3A_1092 : i32 to index
        %get3A_1094 = arith.constant 0 : index
        %get3A_1095 = tpu.vector_load %arg11[%get3A_1093, %get3A_1094] {strides = array<i32>} : memref<1600x32xf32, #tpu.memory_space<vmem>>, vector<1x16xf32>,
        %get3A_1096 = vector.shape_cast %get3A_1095 : vector<1x16xf32> to vector<16xf32>
        %add3A_1097 = arith.constant 26 : i32
        %add3A_1098 = arith.addi %mul3A_550, %add3A_1097 : i32
        %get3A_1099 = arith.index_cast %add3A_1098 : i32 to index
        %get3A_1100 = arith.constant 16 : index
        %get3A_1101 = tpu.vector_load %arg11[%get3A_1099, %get3A_1100] {strides = array<i32>} : memref<1600x32xf32, #tpu.memory_space<vmem>>, vector<1x16xf32>,
        %get3A_1102 = vector.shape_cast %get3A_1101 : vector<1x16xf32> to vector<16xf32>
        %mul3A_1103 = arith.mulf %gather3A_1090, %get3A_1096 : vector<16xf32>
        %add3A_1104 = arith.addf %add3A_1024, %mul3A_1103 : vector<16xf32>
        %mul3A_1105 = arith.mulf %gather3A_1090, %get3A_1102 : vector<16xf32>
        %add3A_1106 = arith.addf %add3A_1026, %mul3A_1105 : vector<16xf32>
        %broadcast_in_dim3A_1107 = arith.constant 11 : i32
        %broadcast_in_dim3A_1108 = vector.broadcast %broadcast_in_dim3A_1107 : i32 to vector<16x1xi32>
        %gather3A_1109 = vector.shape_cast %broadcast_in_dim3A_1108 : vector<16x1xi32> to vector<16xi32>
        %gather3A_1110 = tpu.dynamic_gather %get3A_517[%gather3A_1109] in [0] : vector<16xf32>, vector<16xi32> -> vector<16xf32>
        %add3A_1111 = arith.constant 27 : i32
        %add3A_1112 = arith.addi %mul3A_550, %add3A_1111 : i32
        %get3A_1113 = arith.index_cast %add3A_1112 : i32 to index
        %get3A_1114 = arith.constant 0 : index
        %get3A_1115 = tpu.vector_load %arg11[%get3A_1113, %get3A_1114] {strides = array<i32>} : memref<1600x32xf32, #tpu.memory_space<vmem>>, vector<1x16xf32>,
        %get3A_1116 = vector.shape_cast %get3A_1115 : vector<1x16xf32> to vector<16xf32>
        %add3A_1117 = arith.constant 27 : i32
        %add3A_1118 = arith.addi %mul3A_550, %add3A_1117 : i32
        %get3A_1119 = arith.index_cast %add3A_1118 : i32 to index
        %get3A_1120 = arith.constant 16 : index
        %get3A_1121 = tpu.vector_load %arg11[%get3A_1119, %get3A_1120] {strides = array<i32>} : memref<1600x32xf32, #tpu.memory_space<vmem>>, vector<1x16xf32>,
        %get3A_1122 = vector.shape_cast %get3A_1121 : vector<1x16xf32> to vector<16xf32>
        %mul3A_1123 = arith.mulf %gather3A_1110, %get3A_1116 : vector<16xf32>
        %add3A_1124 = arith.addf %add3A_1044, %mul3A_1123 : vector<16xf32>
        %mul3A_1125 = arith.mulf %gather3A_1110, %get3A_1122 : vector<16xf32>
        %add3A_1126 = arith.addf %add3A_1046, %mul3A_1125 : vector<16xf32>
        %broadcast_in_dim3A_1127 = arith.constant 12 : i32
        %broadcast_in_dim3A_1128 = vector.broadcast %broadcast_in_dim3A_1127 : i32 to vector<16x1xi32>
        %gather3A_1129 = vector.shape_cast %broadcast_in_dim3A_1128 : vector<16x1xi32> to vector<16xi32>
        %gather3A_1130 = tpu.dynamic_gather %get3A_517[%gather3A_1129] in [0] : vector<16xf32>, vector<16xi32> -> vector<16xf32>
        %add3A_1131 = arith.constant 28 : i32
        %add3A_1132 = arith.addi %mul3A_550, %add3A_1131 : i32
        %get3A_1133 = arith.index_cast %add3A_1132 : i32 to index
        %get3A_1134 = arith.constant 0 : index
        %get3A_1135 = tpu.vector_load %arg11[%get3A_1133, %get3A_1134] {strides = array<i32>} : memref<1600x32xf32, #tpu.memory_space<vmem>>, vector<1x16xf32>,
        %get3A_1136 = vector.shape_cast %get3A_1135 : vector<1x16xf32> to vector<16xf32>
        %add3A_1137 = arith.constant 28 : i32
        %add3A_1138 = arith.addi %mul3A_550, %add3A_1137 : i32
        %get3A_1139 = arith.index_cast %add3A_1138 : i32 to index
        %get3A_1140 = arith.constant 16 : index
        %get3A_1141 = tpu.vector_load %arg11[%get3A_1139, %get3A_1140] {strides = array<i32>} : memref<1600x32xf32, #tpu.memory_space<vmem>>, vector<1x16xf32>,
        %get3A_1142 = vector.shape_cast %get3A_1141 : vector<1x16xf32> to vector<16xf32>
        %mul3A_1143 = arith.mulf %gather3A_1130, %get3A_1136 : vector<16xf32>
        %add3A_1144 = arith.addf %add3A_1064, %mul3A_1143 : vector<16xf32>
        %mul3A_1145 = arith.mulf %gather3A_1130, %get3A_1142 : vector<16xf32>
        %add3A_1146 = arith.addf %add3A_1066, %mul3A_1145 : vector<16xf32>
        %broadcast_in_dim3A_1147 = arith.constant 13 : i32
        %broadcast_in_dim3A_1148 = vector.broadcast %broadcast_in_dim3A_1147 : i32 to vector<16x1xi32>
        %gather3A_1149 = vector.shape_cast %broadcast_in_dim3A_1148 : vector<16x1xi32> to vector<16xi32>
        %gather3A_1150 = tpu.dynamic_gather %get3A_517[%gather3A_1149] in [0] : vector<16xf32>, vector<16xi32> -> vector<16xf32>
        %add3A_1151 = arith.constant 29 : i32
        %add3A_1152 = arith.addi %mul3A_550, %add3A_1151 : i32
        %get3A_1153 = arith.index_cast %add3A_1152 : i32 to index
        %get3A_1154 = arith.constant 0 : index
        %get3A_1155 = tpu.vector_load %arg11[%get3A_1153, %get3A_1154] {strides = array<i32>} : memref<1600x32xf32, #tpu.memory_space<vmem>>, vector<1x16xf32>,
        %get3A_1156 = vector.shape_cast %get3A_1155 : vector<1x16xf32> to vector<16xf32>
        %add3A_1157 = arith.constant 29 : i32
        %add3A_1158 = arith.addi %mul3A_550, %add3A_1157 : i32
        %get3A_1159 = arith.index_cast %add3A_1158 : i32 to index
        %get3A_1160 = arith.constant 16 : index
        %get3A_1161 = tpu.vector_load %arg11[%get3A_1159, %get3A_1160] {strides = array<i32>} : memref<1600x32xf32, #tpu.memory_space<vmem>>, vector<1x16xf32>,
        %get3A_1162 = vector.shape_cast %get3A_1161 : vector<1x16xf32> to vector<16xf32>
        %mul3A_1163 = arith.mulf %gather3A_1150, %get3A_1156 : vector<16xf32>
        %add3A_1164 = arith.addf %add3A_1084, %mul3A_1163 : vector<16xf32>
        %mul3A_1165 = arith.mulf %gather3A_1150, %get3A_1162 : vector<16xf32>
        %add3A_1166 = arith.addf %add3A_1086, %mul3A_1165 : vector<16xf32>
        %broadcast_in_dim3A_1167 = arith.constant 14 : i32
        %broadcast_in_dim3A_1168 = vector.broadcast %broadcast_in_dim3A_1167 : i32 to vector<16x1xi32>
        %gather3A_1169 = vector.shape_cast %broadcast_in_dim3A_1168 : vector<16x1xi32> to vector<16xi32>
        %gather3A_1170 = tpu.dynamic_gather %get3A_517[%gather3A_1169] in [0] : vector<16xf32>, vector<16xi32> -> vector<16xf32>
        %add3A_1171 = arith.constant 30 : i32
        %add3A_1172 = arith.addi %mul3A_550, %add3A_1171 : i32
        %get3A_1173 = arith.index_cast %add3A_1172 : i32 to index
        %get3A_1174 = arith.constant 0 : index
        %get3A_1175 = tpu.vector_load %arg11[%get3A_1173, %get3A_1174] {strides = array<i32>} : memref<1600x32xf32, #tpu.memory_space<vmem>>, vector<1x16xf32>,
        %get3A_1176 = vector.shape_cast %get3A_1175 : vector<1x16xf32> to vector<16xf32>
        %add3A_1177 = arith.constant 30 : i32
        %add3A_1178 = arith.addi %mul3A_550, %add3A_1177 : i32
        %get3A_1179 = arith.index_cast %add3A_1178 : i32 to index
        %get3A_1180 = arith.constant 16 : index
        %get3A_1181 = tpu.vector_load %arg11[%get3A_1179, %get3A_1180] {strides = array<i32>} : memref<1600x32xf32, #tpu.memory_space<vmem>>, vector<1x16xf32>,
        %get3A_1182 = vector.shape_cast %get3A_1181 : vector<1x16xf32> to vector<16xf32>
        %mul3A_1183 = arith.mulf %gather3A_1170, %get3A_1176 : vector<16xf32>
        %add3A_1184 = arith.addf %add3A_1104, %mul3A_1183 : vector<16xf32>
        %mul3A_1185 = arith.mulf %gather3A_1170, %get3A_1182 : vector<16xf32>
        %add3A_1186 = arith.addf %add3A_1106, %mul3A_1185 : vector<16xf32>
        %broadcast_in_dim3A_1187 = arith.constant 15 : i32
        %broadcast_in_dim3A_1188 = vector.broadcast %broadcast_in_dim3A_1187 : i32 to vector<16x1xi32>
        %gather3A_1189 = vector.shape_cast %broadcast_in_dim3A_1188 : vector<16x1xi32> to vector<16xi32>
        %gather3A_1190 = tpu.dynamic_gather %get3A_517[%gather3A_1189] in [0] : vector<16xf32>, vector<16xi32> -> vector<16xf32>
        %add3A_1191 = arith.constant 31 : i32
        %add3A_1192 = arith.addi %mul3A_550, %add3A_1191 : i32
        %get3A_1193 = arith.index_cast %add3A_1192 : i32 to index
        %get3A_1194 = arith.constant 0 : index
        %get3A_1195 = tpu.vector_load %arg11[%get3A_1193, %get3A_1194] {strides = array<i32>} : memref<1600x32xf32, #tpu.memory_space<vmem>>, vector<1x16xf32>,
        %get3A_1196 = vector.shape_cast %get3A_1195 : vector<1x16xf32> to vector<16xf32>
        %add3A_1197 = arith.constant 31 : i32
        %add3A_1198 = arith.addi %mul3A_550, %add3A_1197 : i32
        %get3A_1199 = arith.index_cast %add3A_1198 : i32 to index
        %get3A_1200 = arith.constant 16 : index
        %get3A_1201 = tpu.vector_load %arg11[%get3A_1199, %get3A_1200] {strides = array<i32>} : memref<1600x32xf32, #tpu.memory_space<vmem>>, vector<1x16xf32>,
        %get3A_1202 = vector.shape_cast %get3A_1201 : vector<1x16xf32> to vector<16xf32>
        %mul3A_1203 = arith.mulf %gather3A_1190, %get3A_1196 : vector<16xf32>
        %add3A_1204 = arith.addf %add3A_1124, %mul3A_1203 : vector<16xf32>
        %mul3A_1205 = arith.mulf %gather3A_1190, %get3A_1202 : vector<16xf32>
        %add3A_1206 = arith.addf %add3A_1126, %mul3A_1205 : vector<16xf32>
        %broadcast_in_dim3A_1207 = arith.constant 0 : i32
        %broadcast_in_dim3A_1208 = vector.broadcast %broadcast_in_dim3A_1207 : i32 to vector<16x1xi32>
        %gather3A_1209 = vector.shape_cast %broadcast_in_dim3A_1208 : vector<16x1xi32> to vector<16xi32>
        %gather3A_1210 = tpu.dynamic_gather %get3A_520[%gather3A_1209] in [0] : vector<16xf32>, vector<16xi32> -> vector<16xf32>
        %add3A_1211 = arith.constant 32 : i32
        %add3A_1212 = arith.addi %mul3A_550, %add3A_1211 : i32
        %get3A_1213 = arith.index_cast %add3A_1212 : i32 to index
        %get3A_1214 = arith.constant 0 : index
        %get3A_1215 = tpu.vector_load %arg11[%get3A_1213, %get3A_1214] {strides = array<i32>} : memref<1600x32xf32, #tpu.memory_space<vmem>>, vector<1x16xf32>,
        %get3A_1216 = vector.shape_cast %get3A_1215 : vector<1x16xf32> to vector<16xf32>
        %add3A_1217 = arith.constant 32 : i32
        %add3A_1218 = arith.addi %mul3A_550, %add3A_1217 : i32
        %get3A_1219 = arith.index_cast %add3A_1218 : i32 to index
        %get3A_1220 = arith.constant 16 : index
        %get3A_1221 = tpu.vector_load %arg11[%get3A_1219, %get3A_1220] {strides = array<i32>} : memref<1600x32xf32, #tpu.memory_space<vmem>>, vector<1x16xf32>,
        %get3A_1222 = vector.shape_cast %get3A_1221 : vector<1x16xf32> to vector<16xf32>
        %mul3A_1223 = arith.mulf %gather3A_1210, %get3A_1216 : vector<16xf32>
        %add3A_1224 = arith.addf %add3A_1144, %mul3A_1223 : vector<16xf32>
        %mul3A_1225 = arith.mulf %gather3A_1210, %get3A_1222 : vector<16xf32>
        %add3A_1226 = arith.addf %add3A_1146, %mul3A_1225 : vector<16xf32>
        %broadcast_in_dim3A_1227 = arith.constant 1 : i32
        %broadcast_in_dim3A_1228 = vector.broadcast %broadcast_in_dim3A_1227 : i32 to vector<16x1xi32>
        %gather3A_1229 = vector.shape_cast %broadcast_in_dim3A_1228 : vector<16x1xi32> to vector<16xi32>
        %gather3A_1230 = tpu.dynamic_gather %get3A_520[%gather3A_1229] in [0] : vector<16xf32>, vector<16xi32> -> vector<16xf32>
        %add3A_1231 = arith.constant 33 : i32
        %add3A_1232 = arith.addi %mul3A_550, %add3A_1231 : i32
        %get3A_1233 = arith.index_cast %add3A_1232 : i32 to index
        %get3A_1234 = arith.constant 0 : index
        %get3A_1235 = tpu.vector_load %arg11[%get3A_1233, %get3A_1234] {strides = array<i32>} : memref<1600x32xf32, #tpu.memory_space<vmem>>, vector<1x16xf32>,
        %get3A_1236 = vector.shape_cast %get3A_1235 : vector<1x16xf32> to vector<16xf32>
        %add3A_1237 = arith.constant 33 : i32
        %add3A_1238 = arith.addi %mul3A_550, %add3A_1237 : i32
        %get3A_1239 = arith.index_cast %add3A_1238 : i32 to index
        %get3A_1240 = arith.constant 16 : index
        %get3A_1241 = tpu.vector_load %arg11[%get3A_1239, %get3A_1240] {strides = array<i32>} : memref<1600x32xf32, #tpu.memory_space<vmem>>, vector<1x16xf32>,
        %get3A_1242 = vector.shape_cast %get3A_1241 : vector<1x16xf32> to vector<16xf32>
        %mul3A_1243 = arith.mulf %gather3A_1230, %get3A_1236 : vector<16xf32>
        %add3A_1244 = arith.addf %add3A_1164, %mul3A_1243 : vector<16xf32>
        %mul3A_1245 = arith.mulf %gather3A_1230, %get3A_1242 : vector<16xf32>
        %add3A_1246 = arith.addf %add3A_1166, %mul3A_1245 : vector<16xf32>
        %broadcast_in_dim3A_1247 = arith.constant 2 : i32
        %broadcast_in_dim3A_1248 = vector.broadcast %broadcast_in_dim3A_1247 : i32 to vector<16x1xi32>
        %gather3A_1249 = vector.shape_cast %broadcast_in_dim3A_1248 : vector<16x1xi32> to vector<16xi32>
        %gather3A_1250 = tpu.dynamic_gather %get3A_520[%gather3A_1249] in [0] : vector<16xf32>, vector<16xi32> -> vector<16xf32>
        %add3A_1251 = arith.constant 34 : i32
        %add3A_1252 = arith.addi %mul3A_550, %add3A_1251 : i32
        %get3A_1253 = arith.index_cast %add3A_1252 : i32 to index
        %get3A_1254 = arith.constant 0 : index
        %get3A_1255 = tpu.vector_load %arg11[%get3A_1253, %get3A_1254] {strides = array<i32>} : memref<1600x32xf32, #tpu.memory_space<vmem>>, vector<1x16xf32>,
        %get3A_1256 = vector.shape_cast %get3A_1255 : vector<1x16xf32> to vector<16xf32>
        %add3A_1257 = arith.constant 34 : i32
        %add3A_1258 = arith.addi %mul3A_550, %add3A_1257 : i32
        %get3A_1259 = arith.index_cast %add3A_1258 : i32 to index
        %get3A_1260 = arith.constant 16 : index
        %get3A_1261 = tpu.vector_load %arg11[%get3A_1259, %get3A_1260] {strides = array<i32>} : memref<1600x32xf32, #tpu.memory_space<vmem>>, vector<1x16xf32>,
        %get3A_1262 = vector.shape_cast %get3A_1261 : vector<1x16xf32> to vector<16xf32>
        %mul3A_1263 = arith.mulf %gather3A_1250, %get3A_1256 : vector<16xf32>
        %add3A_1264 = arith.addf %add3A_1184, %mul3A_1263 : vector<16xf32>
        %mul3A_1265 = arith.mulf %gather3A_1250, %get3A_1262 : vector<16xf32>
        %add3A_1266 = arith.addf %add3A_1186, %mul3A_1265 : vector<16xf32>
        %broadcast_in_dim3A_1267 = arith.constant 3 : i32
        %broadcast_in_dim3A_1268 = vector.broadcast %broadcast_in_dim3A_1267 : i32 to vector<16x1xi32>
        %gather3A_1269 = vector.shape_cast %broadcast_in_dim3A_1268 : vector<16x1xi32> to vector<16xi32>
        %gather3A_1270 = tpu.dynamic_gather %get3A_520[%gather3A_1269] in [0] : vector<16xf32>, vector<16xi32> -> vector<16xf32>
        %add3A_1271 = arith.constant 35 : i32
        %add3A_1272 = arith.addi %mul3A_550, %add3A_1271 : i32
        %get3A_1273 = arith.index_cast %add3A_1272 : i32 to index
        %get3A_1274 = arith.constant 0 : index
        %get3A_1275 = tpu.vector_load %arg11[%get3A_1273, %get3A_1274] {strides = array<i32>} : memref<1600x32xf32, #tpu.memory_space<vmem>>, vector<1x16xf32>,
        %get3A_1276 = vector.shape_cast %get3A_1275 : vector<1x16xf32> to vector<16xf32>
        %add3A_1277 = arith.constant 35 : i32
        %add3A_1278 = arith.addi %mul3A_550, %add3A_1277 : i32
        %get3A_1279 = arith.index_cast %add3A_1278 : i32 to index
        %get3A_1280 = arith.constant 16 : index
        %get3A_1281 = tpu.vector_load %arg11[%get3A_1279, %get3A_1280] {strides = array<i32>} : memref<1600x32xf32, #tpu.memory_space<vmem>>, vector<1x16xf32>,
        %get3A_1282 = vector.shape_cast %get3A_1281 : vector<1x16xf32> to vector<16xf32>
        %mul3A_1283 = arith.mulf %gather3A_1270, %get3A_1276 : vector<16xf32>
        %add3A_1284 = arith.addf %add3A_1204, %mul3A_1283 : vector<16xf32>
        %mul3A_1285 = arith.mulf %gather3A_1270, %get3A_1282 : vector<16xf32>
        %add3A_1286 = arith.addf %add3A_1206, %mul3A_1285 : vector<16xf32>
        %broadcast_in_dim3A_1287 = arith.constant 4 : i32
        %broadcast_in_dim3A_1288 = vector.broadcast %broadcast_in_dim3A_1287 : i32 to vector<16x1xi32>
        %gather3A_1289 = vector.shape_cast %broadcast_in_dim3A_1288 : vector<16x1xi32> to vector<16xi32>
        %gather3A_1290 = tpu.dynamic_gather %get3A_520[%gather3A_1289] in [0] : vector<16xf32>, vector<16xi32> -> vector<16xf32>
        %add3A_1291 = arith.constant 36 : i32
        %add3A_1292 = arith.addi %mul3A_550, %add3A_1291 : i32
        %get3A_1293 = arith.index_cast %add3A_1292 : i32 to index
        %get3A_1294 = arith.constant 0 : index
        %get3A_1295 = tpu.vector_load %arg11[%get3A_1293, %get3A_1294] {strides = array<i32>} : memref<1600x32xf32, #tpu.memory_space<vmem>>, vector<1x16xf32>,
        %get3A_1296 = vector.shape_cast %get3A_1295 : vector<1x16xf32> to vector<16xf32>
        %add3A_1297 = arith.constant 36 : i32
        %add3A_1298 = arith.addi %mul3A_550, %add3A_1297 : i32
        %get3A_1299 = arith.index_cast %add3A_1298 : i32 to index
        %get3A_1300 = arith.constant 16 : index
        %get3A_1301 = tpu.vector_load %arg11[%get3A_1299, %get3A_1300] {strides = array<i32>} : memref<1600x32xf32, #tpu.memory_space<vmem>>, vector<1x16xf32>,
        %get3A_1302 = vector.shape_cast %get3A_1301 : vector<1x16xf32> to vector<16xf32>
        %mul3A_1303 = arith.mulf %gather3A_1290, %get3A_1296 : vector<16xf32>
        %add3A_1304 = arith.addf %add3A_1224, %mul3A_1303 : vector<16xf32>
        %mul3A_1305 = arith.mulf %gather3A_1290, %get3A_1302 : vector<16xf32>
        %add3A_1306 = arith.addf %add3A_1226, %mul3A_1305 : vector<16xf32>
        %broadcast_in_dim3A_1307 = arith.constant 5 : i32
        %broadcast_in_dim3A_1308 = vector.broadcast %broadcast_in_dim3A_1307 : i32 to vector<16x1xi32>
        %gather3A_1309 = vector.shape_cast %broadcast_in_dim3A_1308 : vector<16x1xi32> to vector<16xi32>
        %gather3A_1310 = tpu.dynamic_gather %get3A_520[%gather3A_1309] in [0] : vector<16xf32>, vector<16xi32> -> vector<16xf32>
        %add3A_1311 = arith.constant 37 : i32
        %add3A_1312 = arith.addi %mul3A_550, %add3A_1311 : i32
        %get3A_1313 = arith.index_cast %add3A_1312 : i32 to index
        %get3A_1314 = arith.constant 0 : index
        %get3A_1315 = tpu.vector_load %arg11[%get3A_1313, %get3A_1314] {strides = array<i32>} : memref<1600x32xf32, #tpu.memory_space<vmem>>, vector<1x16xf32>,
        %get3A_1316 = vector.shape_cast %get3A_1315 : vector<1x16xf32> to vector<16xf32>
        %add3A_1317 = arith.constant 37 : i32
        %add3A_1318 = arith.addi %mul3A_550, %add3A_1317 : i32
        %get3A_1319 = arith.index_cast %add3A_1318 : i32 to index
        %get3A_1320 = arith.constant 16 : index
        %get3A_1321 = tpu.vector_load %arg11[%get3A_1319, %get3A_1320] {strides = array<i32>} : memref<1600x32xf32, #tpu.memory_space<vmem>>, vector<1x16xf32>,
        %get3A_1322 = vector.shape_cast %get3A_1321 : vector<1x16xf32> to vector<16xf32>
        %mul3A_1323 = arith.mulf %gather3A_1310, %get3A_1316 : vector<16xf32>
        %add3A_1324 = arith.addf %add3A_1244, %mul3A_1323 : vector<16xf32>
        %mul3A_1325 = arith.mulf %gather3A_1310, %get3A_1322 : vector<16xf32>
        %add3A_1326 = arith.addf %add3A_1246, %mul3A_1325 : vector<16xf32>
        %broadcast_in_dim3A_1327 = arith.constant 6 : i32
        %broadcast_in_dim3A_1328 = vector.broadcast %broadcast_in_dim3A_1327 : i32 to vector<16x1xi32>
        %gather3A_1329 = vector.shape_cast %broadcast_in_dim3A_1328 : vector<16x1xi32> to vector<16xi32>
        %gather3A_1330 = tpu.dynamic_gather %get3A_520[%gather3A_1329] in [0] : vector<16xf32>, vector<16xi32> -> vector<16xf32>
        %add3A_1331 = arith.constant 38 : i32
        %add3A_1332 = arith.addi %mul3A_550, %add3A_1331 : i32
        %get3A_1333 = arith.index_cast %add3A_1332 : i32 to index
        %get3A_1334 = arith.constant 0 : index
        %get3A_1335 = tpu.vector_load %arg11[%get3A_1333, %get3A_1334] {strides = array<i32>} : memref<1600x32xf32, #tpu.memory_space<vmem>>, vector<1x16xf32>,
        %get3A_1336 = vector.shape_cast %get3A_1335 : vector<1x16xf32> to vector<16xf32>
        %add3A_1337 = arith.constant 38 : i32
        %add3A_1338 = arith.addi %mul3A_550, %add3A_1337 : i32
        %get3A_1339 = arith.index_cast %add3A_1338 : i32 to index
        %get3A_1340 = arith.constant 16 : index
        %get3A_1341 = tpu.vector_load %arg11[%get3A_1339, %get3A_1340] {strides = array<i32>} : memref<1600x32xf32, #tpu.memory_space<vmem>>, vector<1x16xf32>,
        %get3A_1342 = vector.shape_cast %get3A_1341 : vector<1x16xf32> to vector<16xf32>
        %mul3A_1343 = arith.mulf %gather3A_1330, %get3A_1336 : vector<16xf32>
        %add3A_1344 = arith.addf %add3A_1264, %mul3A_1343 : vector<16xf32>
        %mul3A_1345 = arith.mulf %gather3A_1330, %get3A_1342 : vector<16xf32>
        %add3A_1346 = arith.addf %add3A_1266, %mul3A_1345 : vector<16xf32>
        %broadcast_in_dim3A_1347 = arith.constant 7 : i32
        %broadcast_in_dim3A_1348 = vector.broadcast %broadcast_in_dim3A_1347 : i32 to vector<16x1xi32>
        %gather3A_1349 = vector.shape_cast %broadcast_in_dim3A_1348 : vector<16x1xi32> to vector<16xi32>
        %gather3A_1350 = tpu.dynamic_gather %get3A_520[%gather3A_1349] in [0] : vector<16xf32>, vector<16xi32> -> vector<16xf32>
        %add3A_1351 = arith.constant 39 : i32
        %add3A_1352 = arith.addi %mul3A_550, %add3A_1351 : i32
        %get3A_1353 = arith.index_cast %add3A_1352 : i32 to index
        %get3A_1354 = arith.constant 0 : index
        %get3A_1355 = tpu.vector_load %arg11[%get3A_1353, %get3A_1354] {strides = array<i32>} : memref<1600x32xf32, #tpu.memory_space<vmem>>, vector<1x16xf32>,
        %get3A_1356 = vector.shape_cast %get3A_1355 : vector<1x16xf32> to vector<16xf32>
        %add3A_1357 = arith.constant 39 : i32
        %add3A_1358 = arith.addi %mul3A_550, %add3A_1357 : i32
        %get3A_1359 = arith.index_cast %add3A_1358 : i32 to index
        %get3A_1360 = arith.constant 16 : index
        %get3A_1361 = tpu.vector_load %arg11[%get3A_1359, %get3A_1360] {strides = array<i32>} : memref<1600x32xf32, #tpu.memory_space<vmem>>, vector<1x16xf32>,
        %get3A_1362 = vector.shape_cast %get3A_1361 : vector<1x16xf32> to vector<16xf32>
        %mul3A_1363 = arith.mulf %gather3A_1350, %get3A_1356 : vector<16xf32>
        %add3A_1364 = arith.addf %add3A_1284, %mul3A_1363 : vector<16xf32>
        %mul3A_1365 = arith.mulf %gather3A_1350, %get3A_1362 : vector<16xf32>
        %add3A_1366 = arith.addf %add3A_1286, %mul3A_1365 : vector<16xf32>
        %broadcast_in_dim3A_1367 = arith.constant 8 : i32
        %broadcast_in_dim3A_1368 = vector.broadcast %broadcast_in_dim3A_1367 : i32 to vector<16x1xi32>
        %gather3A_1369 = vector.shape_cast %broadcast_in_dim3A_1368 : vector<16x1xi32> to vector<16xi32>
        %gather3A_1370 = tpu.dynamic_gather %get3A_520[%gather3A_1369] in [0] : vector<16xf32>, vector<16xi32> -> vector<16xf32>
        %add3A_1371 = arith.constant 40 : i32
        %add3A_1372 = arith.addi %mul3A_550, %add3A_1371 : i32
        %get3A_1373 = arith.index_cast %add3A_1372 : i32 to index
        %get3A_1374 = arith.constant 0 : index
        %get3A_1375 = tpu.vector_load %arg11[%get3A_1373, %get3A_1374] {strides = array<i32>} : memref<1600x32xf32, #tpu.memory_space<vmem>>, vector<1x16xf32>,
        %get3A_1376 = vector.shape_cast %get3A_1375 : vector<1x16xf32> to vector<16xf32>
        %add3A_1377 = arith.constant 40 : i32
        %add3A_1378 = arith.addi %mul3A_550, %add3A_1377 : i32
        %get3A_1379 = arith.index_cast %add3A_1378 : i32 to index
        %get3A_1380 = arith.constant 16 : index
        %get3A_1381 = tpu.vector_load %arg11[%get3A_1379, %get3A_1380] {strides = array<i32>} : memref<1600x32xf32, #tpu.memory_space<vmem>>, vector<1x16xf32>,
        %get3A_1382 = vector.shape_cast %get3A_1381 : vector<1x16xf32> to vector<16xf32>
        %mul3A_1383 = arith.mulf %gather3A_1370, %get3A_1376 : vector<16xf32>
        %add3A_1384 = arith.addf %add3A_1304, %mul3A_1383 : vector<16xf32>
        %mul3A_1385 = arith.mulf %gather3A_1370, %get3A_1382 : vector<16xf32>
        %add3A_1386 = arith.addf %add3A_1306, %mul3A_1385 : vector<16xf32>
        %broadcast_in_dim3A_1387 = arith.constant 9 : i32
        %broadcast_in_dim3A_1388 = vector.broadcast %broadcast_in_dim3A_1387 : i32 to vector<16x1xi32>
        %gather3A_1389 = vector.shape_cast %broadcast_in_dim3A_1388 : vector<16x1xi32> to vector<16xi32>
        %gather3A_1390 = tpu.dynamic_gather %get3A_520[%gather3A_1389] in [0] : vector<16xf32>, vector<16xi32> -> vector<16xf32>
        %add3A_1391 = arith.constant 41 : i32
        %add3A_1392 = arith.addi %mul3A_550, %add3A_1391 : i32
        %get3A_1393 = arith.index_cast %add3A_1392 : i32 to index
        %get3A_1394 = arith.constant 0 : index
        %get3A_1395 = tpu.vector_load %arg11[%get3A_1393, %get3A_1394] {strides = array<i32>} : memref<1600x32xf32, #tpu.memory_space<vmem>>, vector<1x16xf32>,
        %get3A_1396 = vector.shape_cast %get3A_1395 : vector<1x16xf32> to vector<16xf32>
        %add3A_1397 = arith.constant 41 : i32
        %add3A_1398 = arith.addi %mul3A_550, %add3A_1397 : i32
        %get3A_1399 = arith.index_cast %add3A_1398 : i32 to index
        %get3A_1400 = arith.constant 16 : index
        %get3A_1401 = tpu.vector_load %arg11[%get3A_1399, %get3A_1400] {strides = array<i32>} : memref<1600x32xf32, #tpu.memory_space<vmem>>, vector<1x16xf32>,
        %get3A_1402 = vector.shape_cast %get3A_1401 : vector<1x16xf32> to vector<16xf32>
        %mul3A_1403 = arith.mulf %gather3A_1390, %get3A_1396 : vector<16xf32>
        %add3A_1404 = arith.addf %add3A_1324, %mul3A_1403 : vector<16xf32>
        %mul3A_1405 = arith.mulf %gather3A_1390, %get3A_1402 : vector<16xf32>
        %add3A_1406 = arith.addf %add3A_1326, %mul3A_1405 : vector<16xf32>
        %broadcast_in_dim3A_1407 = arith.constant 10 : i32
        %broadcast_in_dim3A_1408 = vector.broadcast %broadcast_in_dim3A_1407 : i32 to vector<16x1xi32>
        %gather3A_1409 = vector.shape_cast %broadcast_in_dim3A_1408 : vector<16x1xi32> to vector<16xi32>
        %gather3A_1410 = tpu.dynamic_gather %get3A_520[%gather3A_1409] in [0] : vector<16xf32>, vector<16xi32> -> vector<16xf32>
        %add3A_1411 = arith.constant 42 : i32
        %add3A_1412 = arith.addi %mul3A_550, %add3A_1411 : i32
        %get3A_1413 = arith.index_cast %add3A_1412 : i32 to index
        %get3A_1414 = arith.constant 0 : index
        %get3A_1415 = tpu.vector_load %arg11[%get3A_1413, %get3A_1414] {strides = array<i32>} : memref<1600x32xf32, #tpu.memory_space<vmem>>, vector<1x16xf32>,
        %get3A_1416 = vector.shape_cast %get3A_1415 : vector<1x16xf32> to vector<16xf32>
        %add3A_1417 = arith.constant 42 : i32
        %add3A_1418 = arith.addi %mul3A_550, %add3A_1417 : i32
        %get3A_1419 = arith.index_cast %add3A_1418 : i32 to index
        %get3A_1420 = arith.constant 16 : index
        %get3A_1421 = tpu.vector_load %arg11[%get3A_1419, %get3A_1420] {strides = array<i32>} : memref<1600x32xf32, #tpu.memory_space<vmem>>, vector<1x16xf32>,
        %get3A_1422 = vector.shape_cast %get3A_1421 : vector<1x16xf32> to vector<16xf32>
        %mul3A_1423 = arith.mulf %gather3A_1410, %get3A_1416 : vector<16xf32>
        %add3A_1424 = arith.addf %add3A_1344, %mul3A_1423 : vector<16xf32>
        %mul3A_1425 = arith.mulf %gather3A_1410, %get3A_1422 : vector<16xf32>
        %add3A_1426 = arith.addf %add3A_1346, %mul3A_1425 : vector<16xf32>
        %broadcast_in_dim3A_1427 = arith.constant 11 : i32
        %broadcast_in_dim3A_1428 = vector.broadcast %broadcast_in_dim3A_1427 : i32 to vector<16x1xi32>
        %gather3A_1429 = vector.shape_cast %broadcast_in_dim3A_1428 : vector<16x1xi32> to vector<16xi32>
        %gather3A_1430 = tpu.dynamic_gather %get3A_520[%gather3A_1429] in [0] : vector<16xf32>, vector<16xi32> -> vector<16xf32>
        %add3A_1431 = arith.constant 43 : i32
        %add3A_1432 = arith.addi %mul3A_550, %add3A_1431 : i32
        %get3A_1433 = arith.index_cast %add3A_1432 : i32 to index
        %get3A_1434 = arith.constant 0 : index
        %get3A_1435 = tpu.vector_load %arg11[%get3A_1433, %get3A_1434] {strides = array<i32>} : memref<1600x32xf32, #tpu.memory_space<vmem>>, vector<1x16xf32>,
        %get3A_1436 = vector.shape_cast %get3A_1435 : vector<1x16xf32> to vector<16xf32>
        %add3A_1437 = arith.constant 43 : i32
        %add3A_1438 = arith.addi %mul3A_550, %add3A_1437 : i32
        %get3A_1439 = arith.index_cast %add3A_1438 : i32 to index
        %get3A_1440 = arith.constant 16 : index
        %get3A_1441 = tpu.vector_load %arg11[%get3A_1439, %get3A_1440] {strides = array<i32>} : memref<1600x32xf32, #tpu.memory_space<vmem>>, vector<1x16xf32>,
        %get3A_1442 = vector.shape_cast %get3A_1441 : vector<1x16xf32> to vector<16xf32>
        %mul3A_1443 = arith.mulf %gather3A_1430, %get3A_1436 : vector<16xf32>
        %add3A_1444 = arith.addf %add3A_1364, %mul3A_1443 : vector<16xf32>
        %mul3A_1445 = arith.mulf %gather3A_1430, %get3A_1442 : vector<16xf32>
        %add3A_1446 = arith.addf %add3A_1366, %mul3A_1445 : vector<16xf32>
        %broadcast_in_dim3A_1447 = arith.constant 12 : i32
        %broadcast_in_dim3A_1448 = vector.broadcast %broadcast_in_dim3A_1447 : i32 to vector<16x1xi32>
        %gather3A_1449 = vector.shape_cast %broadcast_in_dim3A_1448 : vector<16x1xi32> to vector<16xi32>
        %gather3A_1450 = tpu.dynamic_gather %get3A_520[%gather3A_1449] in [0] : vector<16xf32>, vector<16xi32> -> vector<16xf32>
        %add3A_1451 = arith.constant 44 : i32
        %add3A_1452 = arith.addi %mul3A_550, %add3A_1451 : i32
        %get3A_1453 = arith.index_cast %add3A_1452 : i32 to index
        %get3A_1454 = arith.constant 0 : index
        %get3A_1455 = tpu.vector_load %arg11[%get3A_1453, %get3A_1454] {strides = array<i32>} : memref<1600x32xf32, #tpu.memory_space<vmem>>, vector<1x16xf32>,
        %get3A_1456 = vector.shape_cast %get3A_1455 : vector<1x16xf32> to vector<16xf32>
        %add3A_1457 = arith.constant 44 : i32
        %add3A_1458 = arith.addi %mul3A_550, %add3A_1457 : i32
        %get3A_1459 = arith.index_cast %add3A_1458 : i32 to index
        %get3A_1460 = arith.constant 16 : index
        %get3A_1461 = tpu.vector_load %arg11[%get3A_1459, %get3A_1460] {strides = array<i32>} : memref<1600x32xf32, #tpu.memory_space<vmem>>, vector<1x16xf32>,
        %get3A_1462 = vector.shape_cast %get3A_1461 : vector<1x16xf32> to vector<16xf32>
        %mul3A_1463 = arith.mulf %gather3A_1450, %get3A_1456 : vector<16xf32>
        %add3A_1464 = arith.addf %add3A_1384, %mul3A_1463 : vector<16xf32>
        %mul3A_1465 = arith.mulf %gather3A_1450, %get3A_1462 : vector<16xf32>
        %add3A_1466 = arith.addf %add3A_1386, %mul3A_1465 : vector<16xf32>
        %broadcast_in_dim3A_1467 = arith.constant 13 : i32
        %broadcast_in_dim3A_1468 = vector.broadcast %broadcast_in_dim3A_1467 : i32 to vector<16x1xi32>
        %gather3A_1469 = vector.shape_cast %broadcast_in_dim3A_1468 : vector<16x1xi32> to vector<16xi32>
        %gather3A_1470 = tpu.dynamic_gather %get3A_520[%gather3A_1469] in [0] : vector<16xf32>, vector<16xi32> -> vector<16xf32>
        %add3A_1471 = arith.constant 45 : i32
        %add3A_1472 = arith.addi %mul3A_550, %add3A_1471 : i32
        %get3A_1473 = arith.index_cast %add3A_1472 : i32 to index
        %get3A_1474 = arith.constant 0 : index
        %get3A_1475 = tpu.vector_load %arg11[%get3A_1473, %get3A_1474] {strides = array<i32>} : memref<1600x32xf32, #tpu.memory_space<vmem>>, vector<1x16xf32>,
        %get3A_1476 = vector.shape_cast %get3A_1475 : vector<1x16xf32> to vector<16xf32>
        %add3A_1477 = arith.constant 45 : i32
        %add3A_1478 = arith.addi %mul3A_550, %add3A_1477 : i32
        %get3A_1479 = arith.index_cast %add3A_1478 : i32 to index
        %get3A_1480 = arith.constant 16 : index
        %get3A_1481 = tpu.vector_load %arg11[%get3A_1479, %get3A_1480] {strides = array<i32>} : memref<1600x32xf32, #tpu.memory_space<vmem>>, vector<1x16xf32>,
        %get3A_1482 = vector.shape_cast %get3A_1481 : vector<1x16xf32> to vector<16xf32>
        %mul3A_1483 = arith.mulf %gather3A_1470, %get3A_1476 : vector<16xf32>
        %add3A_1484 = arith.addf %add3A_1404, %mul3A_1483 : vector<16xf32>
        %mul3A_1485 = arith.mulf %gather3A_1470, %get3A_1482 : vector<16xf32>
        %add3A_1486 = arith.addf %add3A_1406, %mul3A_1485 : vector<16xf32>
        %broadcast_in_dim3A_1487 = arith.constant 14 : i32
        %broadcast_in_dim3A_1488 = vector.broadcast %broadcast_in_dim3A_1487 : i32 to vector<16x1xi32>
        %gather3A_1489 = vector.shape_cast %broadcast_in_dim3A_1488 : vector<16x1xi32> to vector<16xi32>
        %gather3A_1490 = tpu.dynamic_gather %get3A_520[%gather3A_1489] in [0] : vector<16xf32>, vector<16xi32> -> vector<16xf32>
        %add3A_1491 = arith.constant 46 : i32
        %add3A_1492 = arith.addi %mul3A_550, %add3A_1491 : i32
        %get3A_1493 = arith.index_cast %add3A_1492 : i32 to index
        %get3A_1494 = arith.constant 0 : index
        %get3A_1495 = tpu.vector_load %arg11[%get3A_1493, %get3A_1494] {strides = array<i32>} : memref<1600x32xf32, #tpu.memory_space<vmem>>, vector<1x16xf32>,
        %get3A_1496 = vector.shape_cast %get3A_1495 : vector<1x16xf32> to vector<16xf32>
        %add3A_1497 = arith.constant 46 : i32
        %add3A_1498 = arith.addi %mul3A_550, %add3A_1497 : i32
        %get3A_1499 = arith.index_cast %add3A_1498 : i32 to index
        %get3A_1500 = arith.constant 16 : index
        %get3A_1501 = tpu.vector_load %arg11[%get3A_1499, %get3A_1500] {strides = array<i32>} : memref<1600x32xf32, #tpu.memory_space<vmem>>, vector<1x16xf32>,
        %get3A_1502 = vector.shape_cast %get3A_1501 : vector<1x16xf32> to vector<16xf32>
        %mul3A_1503 = arith.mulf %gather3A_1490, %get3A_1496 : vector<16xf32>
        %add3A_1504 = arith.addf %add3A_1424, %mul3A_1503 : vector<16xf32>
        %mul3A_1505 = arith.mulf %gather3A_1490, %get3A_1502 : vector<16xf32>
        %add3A_1506 = arith.addf %add3A_1426, %mul3A_1505 : vector<16xf32>
        %broadcast_in_dim3A_1507 = arith.constant 15 : i32
        %broadcast_in_dim3A_1508 = vector.broadcast %broadcast_in_dim3A_1507 : i32 to vector<16x1xi32>
        %gather3A_1509 = vector.shape_cast %broadcast_in_dim3A_1508 : vector<16x1xi32> to vector<16xi32>
        %gather3A_1510 = tpu.dynamic_gather %get3A_520[%gather3A_1509] in [0] : vector<16xf32>, vector<16xi32> -> vector<16xf32>
        %add3A_1511 = arith.constant 47 : i32
        %add3A_1512 = arith.addi %mul3A_550, %add3A_1511 : i32
        %get3A_1513 = arith.index_cast %add3A_1512 : i32 to index
        %get3A_1514 = arith.constant 0 : index
        %get3A_1515 = tpu.vector_load %arg11[%get3A_1513, %get3A_1514] {strides = array<i32>} : memref<1600x32xf32, #tpu.memory_space<vmem>>, vector<1x16xf32>,
        %get3A_1516 = vector.shape_cast %get3A_1515 : vector<1x16xf32> to vector<16xf32>
        %add3A_1517 = arith.constant 47 : i32
        %add3A_1518 = arith.addi %mul3A_550, %add3A_1517 : i32
        %get3A_1519 = arith.index_cast %add3A_1518 : i32 to index
        %get3A_1520 = arith.constant 16 : index
        %get3A_1521 = tpu.vector_load %arg11[%get3A_1519, %get3A_1520] {strides = array<i32>} : memref<1600x32xf32, #tpu.memory_space<vmem>>, vector<1x16xf32>,
        %get3A_1522 = vector.shape_cast %get3A_1521 : vector<1x16xf32> to vector<16xf32>
        %mul3A_1523 = arith.mulf %gather3A_1510, %get3A_1516 : vector<16xf32>
        %add3A_1524 = arith.addf %add3A_1444, %mul3A_1523 : vector<16xf32>
        %mul3A_1525 = arith.mulf %gather3A_1510, %get3A_1522 : vector<16xf32>
        %add3A_1526 = arith.addf %add3A_1446, %mul3A_1525 : vector<16xf32>
        %broadcast_in_dim3A_1527 = arith.constant 0 : i32
        %broadcast_in_dim3A_1528 = vector.broadcast %broadcast_in_dim3A_1527 : i32 to vector<16x1xi32>
        %gather3A_1529 = vector.shape_cast %broadcast_in_dim3A_1528 : vector<16x1xi32> to vector<16xi32>
        %gather3A_1530 = tpu.dynamic_gather %get3A_523[%gather3A_1529] in [0] : vector<16xf32>, vector<16xi32> -> vector<16xf32>
        %add3A_1531 = arith.constant 48 : i32
        %add3A_1532 = arith.addi %mul3A_550, %add3A_1531 : i32
        %get3A_1533 = arith.index_cast %add3A_1532 : i32 to index
        %get3A_1534 = arith.constant 0 : index
        %get3A_1535 = tpu.vector_load %arg11[%get3A_1533, %get3A_1534] {strides = array<i32>} : memref<1600x32xf32, #tpu.memory_space<vmem>>, vector<1x16xf32>,
        %get3A_1536 = vector.shape_cast %get3A_1535 : vector<1x16xf32> to vector<16xf32>
        %add3A_1537 = arith.constant 48 : i32
        %add3A_1538 = arith.addi %mul3A_550, %add3A_1537 : i32
        %get3A_1539 = arith.index_cast %add3A_1538 : i32 to index
        %get3A_1540 = arith.constant 16 : index
        %get3A_1541 = tpu.vector_load %arg11[%get3A_1539, %get3A_1540] {strides = array<i32>} : memref<1600x32xf32, #tpu.memory_space<vmem>>, vector<1x16xf32>,
        %get3A_1542 = vector.shape_cast %get3A_1541 : vector<1x16xf32> to vector<16xf32>
        %mul3A_1543 = arith.mulf %gather3A_1530, %get3A_1536 : vector<16xf32>
        %add3A_1544 = arith.addf %add3A_1464, %mul3A_1543 : vector<16xf32>
        %mul3A_1545 = arith.mulf %gather3A_1530, %get3A_1542 : vector<16xf32>
        %add3A_1546 = arith.addf %add3A_1466, %mul3A_1545 : vector<16xf32>
        %broadcast_in_dim3A_1547 = arith.constant 1 : i32
        %broadcast_in_dim3A_1548 = vector.broadcast %broadcast_in_dim3A_1547 : i32 to vector<16x1xi32>
        %gather3A_1549 = vector.shape_cast %broadcast_in_dim3A_1548 : vector<16x1xi32> to vector<16xi32>
        %gather3A_1550 = tpu.dynamic_gather %get3A_523[%gather3A_1549] in [0] : vector<16xf32>, vector<16xi32> -> vector<16xf32>
        %add3A_1551 = arith.constant 49 : i32
        %add3A_1552 = arith.addi %mul3A_550, %add3A_1551 : i32
        %get3A_1553 = arith.index_cast %add3A_1552 : i32 to index
        %get3A_1554 = arith.constant 0 : index
        %get3A_1555 = tpu.vector_load %arg11[%get3A_1553, %get3A_1554] {strides = array<i32>} : memref<1600x32xf32, #tpu.memory_space<vmem>>, vector<1x16xf32>,
        %get3A_1556 = vector.shape_cast %get3A_1555 : vector<1x16xf32> to vector<16xf32>
        %add3A_1557 = arith.constant 49 : i32
        %add3A_1558 = arith.addi %mul3A_550, %add3A_1557 : i32
        %get3A_1559 = arith.index_cast %add3A_1558 : i32 to index
        %get3A_1560 = arith.constant 16 : index
        %get3A_1561 = tpu.vector_load %arg11[%get3A_1559, %get3A_1560] {strides = array<i32>} : memref<1600x32xf32, #tpu.memory_space<vmem>>, vector<1x16xf32>,
        %get3A_1562 = vector.shape_cast %get3A_1561 : vector<1x16xf32> to vector<16xf32>
        %mul3A_1563 = arith.mulf %gather3A_1550, %get3A_1556 : vector<16xf32>
        %add3A_1564 = arith.addf %add3A_1484, %mul3A_1563 : vector<16xf32>
        %mul3A_1565 = arith.mulf %gather3A_1550, %get3A_1562 : vector<16xf32>
        %add3A_1566 = arith.addf %add3A_1486, %mul3A_1565 : vector<16xf32>
        %add3A_1567 = arith.addf %add3A_1544, %add3A_1564 : vector<16xf32>
        %add3A_1568 = arith.addf %add3A_1504, %add3A_1524 : vector<16xf32>
        %add3A_1569 = arith.addf %add3A_1567, %add3A_1568 : vector<16xf32>
        %add3A_1570 = arith.addf %add3A_1569, %gather3A_527 : vector<16xf32>
        %add3A_1571 = arith.addf %add3A_1546, %add3A_1566 : vector<16xf32>
        %add3A_1572 = arith.addf %add3A_1506, %add3A_1526 : vector<16xf32>
        %add3A_1573 = arith.addf %add3A_1571, %add3A_1572 : vector<16xf32>
        %add3A_1574 = arith.addf %add3A_1573, %gather3A_527 : vector<16xf32>
        %get3A_1575 = arith.index_cast %scan3A_548 : i32 to index
        %get3A_1576 = arith.constant 0 : index
        %get3A_1577 = tpu.vector_load %arg13[%get3A_1575, %get3A_1576] {strides = array<i32>} : memref<32x32xf32, #tpu.memory_space<vmem>>, vector<1x16xf32>,
        %get3A_1578 = vector.shape_cast %get3A_1577 : vector<1x16xf32> to vector<16xf32>
        %get3A_1579 = arith.index_cast %scan3A_548 : i32 to index
        %get3A_1580 = arith.constant 16 : index
        %get3A_1581 = tpu.vector_load %arg13[%get3A_1579, %get3A_1580] {strides = array<i32>} : memref<32x32xf32, #tpu.memory_space<vmem>>, vector<1x16xf32>,
        %get3A_1582 = vector.shape_cast %get3A_1581 : vector<1x16xf32> to vector<16xf32>
        %swap3A = arith.index_cast %scan3A_548 : i32 to index
        %swap3A_1583 = arith.constant 0 : index
        %swap3A_1584 = tpu.vector_load %arg15[%swap3A, %swap3A_1583] {strides = array<i32>} : memref<32x96xf32, #tpu.memory_space<vmem>>, vector<1x16xf32>,
        %swap3A_1585 = vector.shape_cast %swap3A_1584 : vector<1x16xf32> to vector<16xf32>
        %swap3A_1586 = vector.shape_cast %get3A_1578 : vector<16xf32> to vector<1x16xf32>
        tpu.vector_store %arg15[%swap3A, %swap3A_1583], %swap3A_1586 {strides = array<i32>} : memref<32x96xf32, #tpu.memory_space<vmem>>, vector<1x16xf32>,
        %swap3A_1587 = arith.index_cast %scan3A_548 : i32 to index
        %swap3A_1588 = arith.constant 16 : index
        %swap3A_1589 = tpu.vector_load %arg15[%swap3A_1587, %swap3A_1588] {strides = array<i32>} : memref<32x96xf32, #tpu.memory_space<vmem>>, vector<1x16xf32>,
        %swap3A_1590 = vector.shape_cast %swap3A_1589 : vector<1x16xf32> to vector<16xf32>
        %swap3A_1591 = vector.shape_cast %get3A_1582 : vector<16xf32> to vector<1x16xf32>
        tpu.vector_store %arg15[%swap3A_1587, %swap3A_1588], %swap3A_1591 {strides = array<i32>} : memref<32x96xf32, #tpu.memory_space<vmem>>, vector<1x16xf32>,
        %mul3A_1592 = arith.mulf %get3A_1578, %add3A_1570 : vector<16xf32>
        %swap3A_1593 = arith.index_cast %scan3A_548 : i32 to index
        %swap3A_1594 = arith.constant 32 : index
        %swap3A_1595 = tpu.vector_load %arg15[%swap3A_1593, %swap3A_1594] {strides = array<i32>} : memref<32x96xf32, #tpu.memory_space<vmem>>, vector<1x16xf32>,
        %swap3A_1596 = vector.shape_cast %swap3A_1595 : vector<1x16xf32> to vector<16xf32>
        %swap3A_1597 = vector.shape_cast %mul3A_1592 : vector<16xf32> to vector<1x16xf32>
        tpu.vector_store %arg15[%swap3A_1593, %swap3A_1594], %swap3A_1597 {strides = array<i32>} : memref<32x96xf32, #tpu.memory_space<vmem>>, vector<1x16xf32>,
        %mul3A_1598 = arith.mulf %get3A_1582, %add3A_1574 : vector<16xf32>
        %swap3A_1599 = arith.index_cast %scan3A_548 : i32 to index
        %swap3A_1600 = arith.constant 48 : index
        %swap3A_1601 = tpu.vector_load %arg15[%swap3A_1599, %swap3A_1600] {strides = array<i32>} : memref<32x96xf32, #tpu.memory_space<vmem>>, vector<1x16xf32>,
        %swap3A_1602 = vector.shape_cast %swap3A_1601 : vector<1x16xf32> to vector<16xf32>
        %swap3A_1603 = vector.shape_cast %mul3A_1598 : vector<16xf32> to vector<1x16xf32>
        tpu.vector_store %arg15[%swap3A_1599, %swap3A_1600], %swap3A_1603 {strides = array<i32>} : memref<32x96xf32, #tpu.memory_space<vmem>>, vector<1x16xf32>,
        %swap3A_1604 = arith.index_cast %scan3A_548 : i32 to index
        %swap3A_1605 = arith.constant 64 : index
        %swap3A_1606 = tpu.vector_load %arg15[%swap3A_1604, %swap3A_1605] {strides = array<i32>} : memref<32x96xf32, #tpu.memory_space<vmem>>, vector<1x16xf32>,
        %swap3A_1607 = vector.shape_cast %swap3A_1606 : vector<1x16xf32> to vector<16xf32>
        %swap3A_1608 = vector.shape_cast %add3A_1570 : vector<16xf32> to vector<1x16xf32>
        tpu.vector_store %arg15[%swap3A_1604, %swap3A_1605], %swap3A_1608 {strides = array<i32>} : memref<32x96xf32, #tpu.memory_space<vmem>>, vector<1x16xf32>,
        %swap3A_1609 = arith.index_cast %scan3A_548 : i32 to index
        %swap3A_1610 = arith.constant 80 : index
        %swap3A_1611 = tpu.vector_load %arg15[%swap3A_1609, %swap3A_1610] {strides = array<i32>} : memref<32x96xf32, #tpu.memory_space<vmem>>, vector<1x16xf32>,
        %swap3A_1612 = vector.shape_cast %swap3A_1611 : vector<1x16xf32> to vector<16xf32>
        %swap3A_1613 = vector.shape_cast %add3A_1574 : vector<16xf32> to vector<1x16xf32>
        tpu.vector_store %arg15[%swap3A_1609, %swap3A_1610], %swap3A_1613 {strides = array<i32>} : memref<32x96xf32, #tpu.memory_space<vmem>>, vector<1x16xf32>,
      }
      %scan3A_533 = arith.constant 32 : i32
      %mul3A_534 = arith.constant 32 : i32
      %mul3A_535 = arith.muli %add3A_396, %mul3A_534 : i32
      %add3A_536 = arith.addi %mul3A_2, %mul3A_535 : i32
      %dma_start3A_537 = arith.constant 0 : i32
      %dma_start3A_538 = tpu.memref_slice %arg7[%add3A_536, %dma_start3A_537] : memref<16384x96xf32, #tpu.memory_space<hbm>> -> memref<32x96xf32, #tpu.memory_space<hbm>>
      %dma_start3A_539 = arith.constant 0 : i32
      %dma_start3A_540 = tpu.memref_slice %arg7[%add3A_536, %dma_start3A_539] : memref<16384x96xf32, #tpu.memory_space<hbm>> -> memref<32x96xf32, #tpu.memory_space<hbm>>
      tpu.enqueue_dma source(%arg15 : memref<32x96xf32, #tpu.memory_space<vmem>>) target(%dma_start3A_540 : memref<32x96xf32, #tpu.memory_space<hbm>>) target_semaphore(%arg21 : memref<!tpu.dma_semaphore, #tpu.memory_space<semaphore_mem>>)
      %add3A_541 = arith.constant 2 : i32
      %add3A_542 = arith.addi %add3A_396, %add3A_541 : i32
      %lt3A_543 = arith.constant 16 : i32
      %lt3A_544 = arith.cmpi slt, %add3A_542, %lt3A_543 : i32
      %convert_element_type3A_545 = arith.extui %lt3A_544 : i1 to i32
      %cond3A_546 = arith.constant 0 : i32
      %cond3A_547 = arith.cmpi ne, %convert_element_type3A_545, %cond3A_546 : i32
      scf.if %cond3A_547 {
        %add3A_548 = arith.constant 2 : i32
        %add3A_549 = arith.addi %add3A_396, %add3A_548 : i32
        %mul3A_550 = arith.constant 50 : i32
        %mul3A_551 = arith.muli %mul3A_2, %mul3A_550 : i32
        %mul3A_552 = arith.constant 1600 : i32
        %mul3A_553 = arith.muli %add3A_549, %mul3A_552 : i32
        %add3A_554 = arith.addi %mul3A_551, %mul3A_553 : i32
        "tpu.region"() ({
          %run_scoped3A = tpu.sem_alloc : memref<!tpu.dma_semaphore, #tpu.memory_space<semaphore_mem>>
          %dma_start3A_665 = tpu.memref_slice %arg3[%add3A_554] : memref<819200xi32, #tpu.memory_space<hbm>> -> memref<1600xi32, #tpu.memory_space<hbm>>
          %dma_start3A_666 = tpu.memref_slice %arg3[%add3A_554] : memref<819200xi32, #tpu.memory_space<hbm>> -> memref<1600xi32, #tpu.memory_space<hbm>>
          tpu.enqueue_dma source(%dma_start3A_666 : memref<1600xi32, #tpu.memory_space<hbm>>) target(%arg9 : memref<1600xi32, #tpu.memory_space<vmem>>) target_semaphore(%run_scoped3A : memref<!tpu.dma_semaphore, #tpu.memory_space<semaphore_mem>>)
          %dma_wait3A_667 = tpu.memref_slice %arg3[%add3A_554] : memref<819200xi32, #tpu.memory_space<hbm>> -> memref<1600xi32, #tpu.memory_space<hbm>>
          %dma_wait3A_668 = tpu.memref_slice %arg3[%add3A_554] : memref<819200xi32, #tpu.memory_space<hbm>> -> memref<1600xi32, #tpu.memory_space<hbm>>
          tpu.wait_dma2 semaphore(%run_scoped3A : memref<!tpu.dma_semaphore, #tpu.memory_space<semaphore_mem>>) src(%dma_wait3A_668 : memref<1600xi32, #tpu.memory_space<hbm>>) dst(%arg9 : memref<1600xi32, #tpu.memory_space<vmem>>)
          tpu.yield
        }) : () -> ()
        %mul3A_555 = arith.constant 32 : i32
        %mul3A_556 = arith.muli %add3A_549, %mul3A_555 : i32
        %dma_start3A_557 = arith.constant 0 : i32
        %dma_start3A_558 = arith.constant 0 : i32
        %dma_start3A_559 = tpu.memref_slice %arg11[%dma_start3A_557, %dma_start3A_558] : memref<1600x32xf32, #tpu.memory_space<vmem>> -> memref<128x32xf32, #tpu.memory_space<vmem>>
        %dma_start3A_560 = arith.constant 0 : i32
        %dma_start3A_561 = tpu.memref_slice %arg9[%dma_start3A_560] : memref<1600xi32, #tpu.memory_space<vmem>> -> memref<128xi32, #tpu.memory_space<vmem>>
        %dma_start3A_562 = arith.constant 0 : i32
        %dma_start3A_563 = arith.constant 0 : i32
        %dma_start3A_564 = tpu.memref_slice %arg5[%dma_start3A_562, %dma_start3A_563] : memref<1015808x32xf32, #tpu.memory_space<hbm>> -> memref<1015808x32xf32, #tpu.memory_space<hbm>>
        tpu.enqueue_indirect_dma source(%dma_start3A_564 : memref<1015808x32xf32, #tpu.memory_space<hbm>>) target(%dma_start3A_559 : memref<128x32xf32, #tpu.memory_space<vmem>>) offsets(%dma_start3A_561 : memref<128xi32, #tpu.memory_space<vmem>>) semaphore(%arg19 : memref<!tpu.dma_semaphore, #tpu.memory_space<semaphore_mem>>)
        %dma_start3A_565 = arith.constant 128 : i32
        %dma_start3A_566 = arith.constant 0 : i32
        %dma_start3A_567 = tpu.memref_slice %arg11[%dma_start3A_565, %dma_start3A_566] : memref<1600x32xf32, #tpu.memory_space<vmem>> -> memref<128x32xf32, #tpu.memory_space<vmem>>
        %dma_start3A_568 = arith.constant 128 : i32
        %dma_start3A_569 = tpu.memref_slice %arg9[%dma_start3A_568] : memref<1600xi32, #tpu.memory_space<vmem>> -> memref<128xi32, #tpu.memory_space<vmem>>
        %dma_start3A_570 = arith.constant 0 : i32
        %dma_start3A_571 = arith.constant 0 : i32
        %dma_start3A_572 = tpu.memref_slice %arg5[%dma_start3A_570, %dma_start3A_571] : memref<1015808x32xf32, #tpu.memory_space<hbm>> -> memref<1015808x32xf32, #tpu.memory_space<hbm>>
        tpu.enqueue_indirect_dma source(%dma_start3A_572 : memref<1015808x32xf32, #tpu.memory_space<hbm>>) target(%dma_start3A_567 : memref<128x32xf32, #tpu.memory_space<vmem>>) offsets(%dma_start3A_569 : memref<128xi32, #tpu.memory_space<vmem>>) semaphore(%arg19 : memref<!tpu.dma_semaphore, #tpu.memory_space<semaphore_mem>>)
        %dma_start3A_573 = arith.constant 256 : i32
        %dma_start3A_574 = arith.constant 0 : i32
        %dma_start3A_575 = tpu.memref_slice %arg11[%dma_start3A_573, %dma_start3A_574] : memref<1600x32xf32, #tpu.memory_space<vmem>> -> memref<128x32xf32, #tpu.memory_space<vmem>>
        %dma_start3A_576 = arith.constant 256 : i32
        %dma_start3A_577 = tpu.memref_slice %arg9[%dma_start3A_576] : memref<1600xi32, #tpu.memory_space<vmem>> -> memref<128xi32, #tpu.memory_space<vmem>>
        %dma_start3A_578 = arith.constant 0 : i32
        %dma_start3A_579 = arith.constant 0 : i32
        %dma_start3A_580 = tpu.memref_slice %arg5[%dma_start3A_578, %dma_start3A_579] : memref<1015808x32xf32, #tpu.memory_space<hbm>> -> memref<1015808x32xf32, #tpu.memory_space<hbm>>
        tpu.enqueue_indirect_dma source(%dma_start3A_580 : memref<1015808x32xf32, #tpu.memory_space<hbm>>) target(%dma_start3A_575 : memref<128x32xf32, #tpu.memory_space<vmem>>) offsets(%dma_start3A_577 : memref<128xi32, #tpu.memory_space<vmem>>) semaphore(%arg19 : memref<!tpu.dma_semaphore, #tpu.memory_space<semaphore_mem>>)
        %dma_start3A_581 = arith.constant 384 : i32
        %dma_start3A_582 = arith.constant 0 : i32
        %dma_start3A_583 = tpu.memref_slice %arg11[%dma_start3A_581, %dma_start3A_582] : memref<1600x32xf32, #tpu.memory_space<vmem>> -> memref<128x32xf32, #tpu.memory_space<vmem>>
        %dma_start3A_584 = arith.constant 384 : i32
        %dma_start3A_585 = tpu.memref_slice %arg9[%dma_start3A_584] : memref<1600xi32, #tpu.memory_space<vmem>> -> memref<128xi32, #tpu.memory_space<vmem>>
        %dma_start3A_586 = arith.constant 0 : i32
        %dma_start3A_587 = arith.constant 0 : i32
        %dma_start3A_588 = tpu.memref_slice %arg5[%dma_start3A_586, %dma_start3A_587] : memref<1015808x32xf32, #tpu.memory_space<hbm>> -> memref<1015808x32xf32, #tpu.memory_space<hbm>>
        tpu.enqueue_indirect_dma source(%dma_start3A_588 : memref<1015808x32xf32, #tpu.memory_space<hbm>>) target(%dma_start3A_583 : memref<128x32xf32, #tpu.memory_space<vmem>>) offsets(%dma_start3A_585 : memref<128xi32, #tpu.memory_space<vmem>>) semaphore(%arg19 : memref<!tpu.dma_semaphore, #tpu.memory_space<semaphore_mem>>)
        %dma_start3A_589 = arith.constant 512 : i32
        %dma_start3A_590 = arith.constant 0 : i32
        %dma_start3A_591 = tpu.memref_slice %arg11[%dma_start3A_589, %dma_start3A_590] : memref<1600x32xf32, #tpu.memory_space<vmem>> -> memref<128x32xf32, #tpu.memory_space<vmem>>
        %dma_start3A_592 = arith.constant 512 : i32
        %dma_start3A_593 = tpu.memref_slice %arg9[%dma_start3A_592] : memref<1600xi32, #tpu.memory_space<vmem>> -> memref<128xi32, #tpu.memory_space<vmem>>
        %dma_start3A_594 = arith.constant 0 : i32
        %dma_start3A_595 = arith.constant 0 : i32
        %dma_start3A_596 = tpu.memref_slice %arg5[%dma_start3A_594, %dma_start3A_595] : memref<1015808x32xf32, #tpu.memory_space<hbm>> -> memref<1015808x32xf32, #tpu.memory_space<hbm>>
        tpu.enqueue_indirect_dma source(%dma_start3A_596 : memref<1015808x32xf32, #tpu.memory_space<hbm>>) target(%dma_start3A_591 : memref<128x32xf32, #tpu.memory_space<vmem>>) offsets(%dma_start3A_593 : memref<128xi32, #tpu.memory_space<vmem>>) semaphore(%arg19 : memref<!tpu.dma_semaphore, #tpu.memory_space<semaphore_mem>>)
        %dma_start3A_597 = arith.constant 640 : i32
        %dma_start3A_598 = arith.constant 0 : i32
        %dma_start3A_599 = tpu.memref_slice %arg11[%dma_start3A_597, %dma_start3A_598] : memref<1600x32xf32, #tpu.memory_space<vmem>> -> memref<128x32xf32, #tpu.memory_space<vmem>>
        %dma_start3A_600 = arith.constant 640 : i32
        %dma_start3A_601 = tpu.memref_slice %arg9[%dma_start3A_600] : memref<1600xi32, #tpu.memory_space<vmem>> -> memref<128xi32, #tpu.memory_space<vmem>>
        %dma_start3A_602 = arith.constant 0 : i32
        %dma_start3A_603 = arith.constant 0 : i32
        %dma_start3A_604 = tpu.memref_slice %arg5[%dma_start3A_602, %dma_start3A_603] : memref<1015808x32xf32, #tpu.memory_space<hbm>> -> memref<1015808x32xf32, #tpu.memory_space<hbm>>
        tpu.enqueue_indirect_dma source(%dma_start3A_604 : memref<1015808x32xf32, #tpu.memory_space<hbm>>) target(%dma_start3A_599 : memref<128x32xf32, #tpu.memory_space<vmem>>) offsets(%dma_start3A_601 : memref<128xi32, #tpu.memory_space<vmem>>) semaphore(%arg19 : memref<!tpu.dma_semaphore, #tpu.memory_space<semaphore_mem>>)
        %dma_start3A_605 = arith.constant 768 : i32
        %dma_start3A_606 = arith.constant 0 : i32
        %dma_start3A_607 = tpu.memref_slice %arg11[%dma_start3A_605, %dma_start3A_606] : memref<1600x32xf32, #tpu.memory_space<vmem>> -> memref<128x32xf32, #tpu.memory_space<vmem>>
        %dma_start3A_608 = arith.constant 768 : i32
        %dma_start3A_609 = tpu.memref_slice %arg9[%dma_start3A_608] : memref<1600xi32, #tpu.memory_space<vmem>> -> memref<128xi32, #tpu.memory_space<vmem>>
        %dma_start3A_610 = arith.constant 0 : i32
        %dma_start3A_611 = arith.constant 0 : i32
        %dma_start3A_612 = tpu.memref_slice %arg5[%dma_start3A_610, %dma_start3A_611] : memref<1015808x32xf32, #tpu.memory_space<hbm>> -> memref<1015808x32xf32, #tpu.memory_space<hbm>>
        tpu.enqueue_indirect_dma source(%dma_start3A_612 : memref<1015808x32xf32, #tpu.memory_space<hbm>>) target(%dma_start3A_607 : memref<128x32xf32, #tpu.memory_space<vmem>>) offsets(%dma_start3A_609 : memref<128xi32, #tpu.memory_space<vmem>>) semaphore(%arg19 : memref<!tpu.dma_semaphore, #tpu.memory_space<semaphore_mem>>)
        %dma_start3A_613 = arith.constant 896 : i32
        %dma_start3A_614 = arith.constant 0 : i32
        %dma_start3A_615 = tpu.memref_slice %arg11[%dma_start3A_613, %dma_start3A_614] : memref<1600x32xf32, #tpu.memory_space<vmem>> -> memref<128x32xf32, #tpu.memory_space<vmem>>
        %dma_start3A_616 = arith.constant 896 : i32
        %dma_start3A_617 = tpu.memref_slice %arg9[%dma_start3A_616] : memref<1600xi32, #tpu.memory_space<vmem>> -> memref<128xi32, #tpu.memory_space<vmem>>
        %dma_start3A_618 = arith.constant 0 : i32
        %dma_start3A_619 = arith.constant 0 : i32
        %dma_start3A_620 = tpu.memref_slice %arg5[%dma_start3A_618, %dma_start3A_619] : memref<1015808x32xf32, #tpu.memory_space<hbm>> -> memref<1015808x32xf32, #tpu.memory_space<hbm>>
        tpu.enqueue_indirect_dma source(%dma_start3A_620 : memref<1015808x32xf32, #tpu.memory_space<hbm>>) target(%dma_start3A_615 : memref<128x32xf32, #tpu.memory_space<vmem>>) offsets(%dma_start3A_617 : memref<128xi32, #tpu.memory_space<vmem>>) semaphore(%arg19 : memref<!tpu.dma_semaphore, #tpu.memory_space<semaphore_mem>>)
        %dma_start3A_621 = arith.constant 1024 : i32
        %dma_start3A_622 = arith.constant 0 : i32
        %dma_start3A_623 = tpu.memref_slice %arg11[%dma_start3A_621, %dma_start3A_622] : memref<1600x32xf32, #tpu.memory_space<vmem>> -> memref<128x32xf32, #tpu.memory_space<vmem>>
        %dma_start3A_624 = arith.constant 1024 : i32
        %dma_start3A_625 = tpu.memref_slice %arg9[%dma_start3A_624] : memref<1600xi32, #tpu.memory_space<vmem>> -> memref<128xi32, #tpu.memory_space<vmem>>
        %dma_start3A_626 = arith.constant 0 : i32
        %dma_start3A_627 = arith.constant 0 : i32
        %dma_start3A_628 = tpu.memref_slice %arg5[%dma_start3A_626, %dma_start3A_627] : memref<1015808x32xf32, #tpu.memory_space<hbm>> -> memref<1015808x32xf32, #tpu.memory_space<hbm>>
        tpu.enqueue_indirect_dma source(%dma_start3A_628 : memref<1015808x32xf32, #tpu.memory_space<hbm>>) target(%dma_start3A_623 : memref<128x32xf32, #tpu.memory_space<vmem>>) offsets(%dma_start3A_625 : memref<128xi32, #tpu.memory_space<vmem>>) semaphore(%arg19 : memref<!tpu.dma_semaphore, #tpu.memory_space<semaphore_mem>>)
        %dma_start3A_629 = arith.constant 1152 : i32
        %dma_start3A_630 = arith.constant 0 : i32
        %dma_start3A_631 = tpu.memref_slice %arg11[%dma_start3A_629, %dma_start3A_630] : memref<1600x32xf32, #tpu.memory_space<vmem>> -> memref<128x32xf32, #tpu.memory_space<vmem>>
        %dma_start3A_632 = arith.constant 1152 : i32
        %dma_start3A_633 = tpu.memref_slice %arg9[%dma_start3A_632] : memref<1600xi32, #tpu.memory_space<vmem>> -> memref<128xi32, #tpu.memory_space<vmem>>
        %dma_start3A_634 = arith.constant 0 : i32
        %dma_start3A_635 = arith.constant 0 : i32
        %dma_start3A_636 = tpu.memref_slice %arg5[%dma_start3A_634, %dma_start3A_635] : memref<1015808x32xf32, #tpu.memory_space<hbm>> -> memref<1015808x32xf32, #tpu.memory_space<hbm>>
        tpu.enqueue_indirect_dma source(%dma_start3A_636 : memref<1015808x32xf32, #tpu.memory_space<hbm>>) target(%dma_start3A_631 : memref<128x32xf32, #tpu.memory_space<vmem>>) offsets(%dma_start3A_633 : memref<128xi32, #tpu.memory_space<vmem>>) semaphore(%arg19 : memref<!tpu.dma_semaphore, #tpu.memory_space<semaphore_mem>>)
        %dma_start3A_637 = arith.constant 1280 : i32
        %dma_start3A_638 = arith.constant 0 : i32
        %dma_start3A_639 = tpu.memref_slice %arg11[%dma_start3A_637, %dma_start3A_638] : memref<1600x32xf32, #tpu.memory_space<vmem>> -> memref<128x32xf32, #tpu.memory_space<vmem>>
        %dma_start3A_640 = arith.constant 1280 : i32
        %dma_start3A_641 = tpu.memref_slice %arg9[%dma_start3A_640] : memref<1600xi32, #tpu.memory_space<vmem>> -> memref<128xi32, #tpu.memory_space<vmem>>
        %dma_start3A_642 = arith.constant 0 : i32
        %dma_start3A_643 = arith.constant 0 : i32
        %dma_start3A_644 = tpu.memref_slice %arg5[%dma_start3A_642, %dma_start3A_643] : memref<1015808x32xf32, #tpu.memory_space<hbm>> -> memref<1015808x32xf32, #tpu.memory_space<hbm>>
        tpu.enqueue_indirect_dma source(%dma_start3A_644 : memref<1015808x32xf32, #tpu.memory_space<hbm>>) target(%dma_start3A_639 : memref<128x32xf32, #tpu.memory_space<vmem>>) offsets(%dma_start3A_641 : memref<128xi32, #tpu.memory_space<vmem>>) semaphore(%arg19 : memref<!tpu.dma_semaphore, #tpu.memory_space<semaphore_mem>>)
        %dma_start3A_645 = arith.constant 1408 : i32
        %dma_start3A_646 = arith.constant 0 : i32
        %dma_start3A_647 = tpu.memref_slice %arg11[%dma_start3A_645, %dma_start3A_646] : memref<1600x32xf32, #tpu.memory_space<vmem>> -> memref<128x32xf32, #tpu.memory_space<vmem>>
        %dma_start3A_648 = arith.constant 1408 : i32
        %dma_start3A_649 = tpu.memref_slice %arg9[%dma_start3A_648] : memref<1600xi32, #tpu.memory_space<vmem>> -> memref<128xi32, #tpu.memory_space<vmem>>
        %dma_start3A_650 = arith.constant 0 : i32
        %dma_start3A_651 = arith.constant 0 : i32
        %dma_start3A_652 = tpu.memref_slice %arg5[%dma_start3A_650, %dma_start3A_651] : memref<1015808x32xf32, #tpu.memory_space<hbm>> -> memref<1015808x32xf32, #tpu.memory_space<hbm>>
        tpu.enqueue_indirect_dma source(%dma_start3A_652 : memref<1015808x32xf32, #tpu.memory_space<hbm>>) target(%dma_start3A_647 : memref<128x32xf32, #tpu.memory_space<vmem>>) offsets(%dma_start3A_649 : memref<128xi32, #tpu.memory_space<vmem>>) semaphore(%arg19 : memref<!tpu.dma_semaphore, #tpu.memory_space<semaphore_mem>>)
        %dma_start3A_653 = arith.constant 1536 : i32
        %dma_start3A_654 = arith.constant 0 : i32
        %dma_start3A_655 = tpu.memref_slice %arg11[%dma_start3A_653, %dma_start3A_654] : memref<1600x32xf32, #tpu.memory_space<vmem>> -> memref<64x32xf32, #tpu.memory_space<vmem>>
        %dma_start3A_656 = arith.constant 1536 : i32
        %dma_start3A_657 = tpu.memref_slice %arg9[%dma_start3A_656] : memref<1600xi32, #tpu.memory_space<vmem>> -> memref<64xi32, #tpu.memory_space<vmem>>
        %dma_start3A_658 = arith.constant 0 : i32
        %dma_start3A_659 = arith.constant 0 : i32
        %dma_start3A_660 = tpu.memref_slice %arg5[%dma_start3A_658, %dma_start3A_659] : memref<1015808x32xf32, #tpu.memory_space<hbm>> -> memref<1015808x32xf32, #tpu.memory_space<hbm>>
        tpu.enqueue_indirect_dma source(%dma_start3A_660 : memref<1015808x32xf32, #tpu.memory_space<hbm>>) target(%dma_start3A_655 : memref<64x32xf32, #tpu.memory_space<vmem>>) offsets(%dma_start3A_657 : memref<64xi32, #tpu.memory_space<vmem>>) semaphore(%arg19 : memref<!tpu.dma_semaphore, #tpu.memory_space<semaphore_mem>>)
        %dma_start3A_661 = tpu.memref_slice %arg16[%mul3A_556] : memref<512xi32, #tpu.memory_space<vmem>> -> memref<32xi32, #tpu.memory_space<vmem>>
        %dma_start3A_662 = arith.constant 0 : i32
        %dma_start3A_663 = arith.constant 0 : i32
        %dma_start3A_664 = tpu.memref_slice %arg4[%dma_start3A_662, %dma_start3A_663] : memref<114688x32xf32, #tpu.memory_space<hbm>> -> memref<114688x32xf32, #tpu.memory_space<hbm>>
        tpu.enqueue_indirect_dma source(%dma_start3A_664 : memref<114688x32xf32, #tpu.memory_space<hbm>>) target(%arg13 : memref<32x32xf32, #tpu.memory_space<vmem>>) offsets(%dma_start3A_661 : memref<32xi32, #tpu.memory_space<vmem>>) semaphore(%arg19 : memref<!tpu.dma_semaphore, #tpu.memory_space<semaphore_mem>>)
      } else {
      }
    }
    %scan3A_232 = arith.constant 8 : i32
    %add3A_233 = arith.constant 448 : i32
    %add3A_234 = arith.addi %mul3A_2, %add3A_233 : i32
    %dma_wait3A = arith.constant 0 : i32
    %dma_wait3A_235 = tpu.memref_slice %arg7[%add3A_234, %dma_wait3A] : memref<16384x96xf32, #tpu.memory_space<hbm>> -> memref<32x96xf32, #tpu.memory_space<hbm>>
    %dma_wait3A_236 = arith.constant 0 : i32
    %dma_wait3A_237 = tpu.memref_slice %arg7[%add3A_234, %dma_wait3A_236] : memref<16384x96xf32, #tpu.memory_space<hbm>> -> memref<32x96xf32, #tpu.memory_space<hbm>>
    tpu.wait_dma2 semaphore(%arg20 : memref<!tpu.dma_semaphore, #tpu.memory_space<semaphore_mem>>) src(%arg14 : memref<32x96xf32, #tpu.memory_space<vmem>>) dst(%dma_wait3A_237 : memref<32x96xf32, #tpu.memory_space<hbm>>)
    %add3A_238 = arith.constant 480 : i32
    %add3A_239 = arith.addi %mul3A_2, %add3A_238 : i32
    %dma_wait3A_240 = arith.constant 0 : i32
    %dma_wait3A_241 = tpu.memref_slice %arg7[%add3A_239, %dma_wait3A_240] : memref<16384x96xf32, #tpu.memory_space<hbm>> -> memref<32x96xf32, #tpu.memory_space<hbm>>
    %dma_wait3A_242 = arith.constant 0 : i32
    %dma_wait3A_243 = tpu.memref_slice %arg7[%add3A_239, %dma_wait3A_242] : memref<16384x96xf32, #tpu.memory_space<hbm>> -> memref<32x96xf32, #tpu.memory_space<hbm>>
    tpu.wait_dma2 semaphore(%arg21 : memref<!tpu.dma_semaphore, #tpu.memory_space<semaphore_mem>>) src(%arg15 : memref<32x96xf32, #tpu.memory_space<vmem>>) dst(%dma_wait3A_243 : memref<32x96xf32, #tpu.memory_space<hbm>>)
    return
  }
}

module attributes {stable_mosaic.version = 14 : i64} {
  func.func @_tr_body(%arg0: i32, %arg1: memref<32x16384xf32, #tpu.memory_space<vmem>>, %arg2: memref<524288xf32, #tpu.memory_space<vmem>>) attributes {dimension_semantics = [#tpu.dimension_semantics<arbitrary>], iteration_bounds = array<i64: 7>, scalar_prefetch = 0 : i64, scratch_operands = 0 : i64, tpu.core_type = #tpu.core_type<tc>, window_params = [{transform_indices = @transform_0, window_bounds = array<i64: 32, 16384>}, {transform_indices = @transform_1, window_bounds = array<i64: 524288>}]} {
    %get3A = arith.constant 0 : index
    %get3A_0 = arith.constant 0 : index
    %get3A_1 = vector.load %arg1[%get3A, %get3A_0] : memref<32x16384xf32, #tpu.memory_space<vmem>>, vector<32x128xf32>
    %transpose3A = tpu.transpose %get3A_1, [1, 0] : vector<32x128xf32> -> vector<128x32xf32>
    %get3A_2 = arith.constant 0 : index
    %get3A_3 = arith.constant 128 : index
    %get3A_4 = vector.load %arg1[%get3A_2, %get3A_3] : memref<32x16384xf32, #tpu.memory_space<vmem>>, vector<32x128xf32>
    %transpose3A_5 = tpu.transpose %get3A_4, [1, 0] : vector<32x128xf32> -> vector<128x32xf32>
    %get3A_6 = arith.constant 0 : index
    %get3A_7 = arith.constant 256 : index
    %get3A_8 = vector.load %arg1[%get3A_6, %get3A_7] : memref<32x16384xf32, #tpu.memory_space<vmem>>, vector<32x128xf32>
    %transpose3A_9 = tpu.transpose %get3A_8, [1, 0] : vector<32x128xf32> -> vector<128x32xf32>
    %get3A_10 = arith.constant 0 : index
    %get3A_11 = arith.constant 384 : index
    %get3A_12 = vector.load %arg1[%get3A_10, %get3A_11] : memref<32x16384xf32, #tpu.memory_space<vmem>>, vector<32x128xf32>
    %transpose3A_13 = tpu.transpose %get3A_12, [1, 0] : vector<32x128xf32> -> vector<128x32xf32>
    %concatenate3A = tpu.concatenate %transpose3A, %transpose3A_5, %transpose3A_9, %transpose3A_13 in 1 : vector<128x32xf32>, vector<128x32xf32>, vector<128x32xf32>, vector<128x32xf32> -> vector<128x128xf32>
    %reshape3A = vector.shape_cast %concatenate3A : vector<128x128xf32> to vector<16384xf32>
    %swap3A = arith.constant 0 : index
    %swap3A_14 = vector.load %arg2[%swap3A] : memref<524288xf32, #tpu.memory_space<vmem>>, vector<16384xf32>
    tpu.vector_store %arg2[%swap3A], %reshape3A {strides = array<i32>} : memref<524288xf32, #tpu.memory_space<vmem>>, vector<16384xf32>,
    %get3A_15 = arith.constant 0 : index
    %get3A_16 = arith.constant 512 : index
    %get3A_17 = vector.load %arg1[%get3A_15, %get3A_16] : memref<32x16384xf32, #tpu.memory_space<vmem>>, vector<32x128xf32>
    %transpose3A_18 = tpu.transpose %get3A_17, [1, 0] : vector<32x128xf32> -> vector<128x32xf32>
    %get3A_19 = arith.constant 0 : index
    %get3A_20 = arith.constant 640 : index
    %get3A_21 = vector.load %arg1[%get3A_19, %get3A_20] : memref<32x16384xf32, #tpu.memory_space<vmem>>, vector<32x128xf32>
    %transpose3A_22 = tpu.transpose %get3A_21, [1, 0] : vector<32x128xf32> -> vector<128x32xf32>
    %get3A_23 = arith.constant 0 : index
    %get3A_24 = arith.constant 768 : index
    %get3A_25 = vector.load %arg1[%get3A_23, %get3A_24] : memref<32x16384xf32, #tpu.memory_space<vmem>>, vector<32x128xf32>
    %transpose3A_26 = tpu.transpose %get3A_25, [1, 0] : vector<32x128xf32> -> vector<128x32xf32>
    %get3A_27 = arith.constant 0 : index
    %get3A_28 = arith.constant 896 : index
    %get3A_29 = vector.load %arg1[%get3A_27, %get3A_28] : memref<32x16384xf32, #tpu.memory_space<vmem>>, vector<32x128xf32>
    %transpose3A_30 = tpu.transpose %get3A_29, [1, 0] : vector<32x128xf32> -> vector<128x32xf32>
    %concatenate3A_31 = tpu.concatenate %transpose3A_18, %transpose3A_22, %transpose3A_26, %transpose3A_30 in 1 : vector<128x32xf32>, vector<128x32xf32>, vector<128x32xf32>, vector<128x32xf32> -> vector<128x128xf32>
    %reshape3A_32 = vector.shape_cast %concatenate3A_31 : vector<128x128xf32> to vector<16384xf32>
    %swap3A_33 = arith.constant 16384 : index
    %swap3A_34 = vector.load %arg2[%swap3A_33] : memref<524288xf32, #tpu.memory_space<vmem>>, vector<16384xf32>
    tpu.vector_store %arg2[%swap3A_33], %reshape3A_32 {strides = array<i32>} : memref<524288xf32, #tpu.memory_space<vmem>>, vector<16384xf32>,
    %get3A_35 = arith.constant 0 : index
    %get3A_36 = arith.constant 1024 : index
    %get3A_37 = vector.load %arg1[%get3A_35, %get3A_36] : memref<32x16384xf32, #tpu.memory_space<vmem>>, vector<32x128xf32>
    %transpose3A_38 = tpu.transpose %get3A_37, [1, 0] : vector<32x128xf32> -> vector<128x32xf32>
    %get3A_39 = arith.constant 0 : index
    %get3A_40 = arith.constant 1152 : index
    %get3A_41 = vector.load %arg1[%get3A_39, %get3A_40] : memref<32x16384xf32, #tpu.memory_space<vmem>>, vector<32x128xf32>
    %transpose3A_42 = tpu.transpose %get3A_41, [1, 0] : vector<32x128xf32> -> vector<128x32xf32>
    %get3A_43 = arith.constant 0 : index
    %get3A_44 = arith.constant 1280 : index
    %get3A_45 = vector.load %arg1[%get3A_43, %get3A_44] : memref<32x16384xf32, #tpu.memory_space<vmem>>, vector<32x128xf32>
    %transpose3A_46 = tpu.transpose %get3A_45, [1, 0] : vector<32x128xf32> -> vector<128x32xf32>
    %get3A_47 = arith.constant 0 : index
    %get3A_48 = arith.constant 1408 : index
    %get3A_49 = vector.load %arg1[%get3A_47, %get3A_48] : memref<32x16384xf32, #tpu.memory_space<vmem>>, vector<32x128xf32>
    %transpose3A_50 = tpu.transpose %get3A_49, [1, 0] : vector<32x128xf32> -> vector<128x32xf32>
    %concatenate3A_51 = tpu.concatenate %transpose3A_38, %transpose3A_42, %transpose3A_46, %transpose3A_50 in 1 : vector<128x32xf32>, vector<128x32xf32>, vector<128x32xf32>, vector<128x32xf32> -> vector<128x128xf32>
    %reshape3A_52 = vector.shape_cast %concatenate3A_51 : vector<128x128xf32> to vector<16384xf32>
    %swap3A_53 = arith.constant 32768 : index
    %swap3A_54 = vector.load %arg2[%swap3A_53] : memref<524288xf32, #tpu.memory_space<vmem>>, vector<16384xf32>
    tpu.vector_store %arg2[%swap3A_53], %reshape3A_52 {strides = array<i32>} : memref<524288xf32, #tpu.memory_space<vmem>>, vector<16384xf32>,
    %get3A_55 = arith.constant 0 : index
    %get3A_56 = arith.constant 1536 : index
    %get3A_57 = vector.load %arg1[%get3A_55, %get3A_56] : memref<32x16384xf32, #tpu.memory_space<vmem>>, vector<32x128xf32>
    %transpose3A_58 = tpu.transpose %get3A_57, [1, 0] : vector<32x128xf32> -> vector<128x32xf32>
    %get3A_59 = arith.constant 0 : index
    %get3A_60 = arith.constant 1664 : index
    %get3A_61 = vector.load %arg1[%get3A_59, %get3A_60] : memref<32x16384xf32, #tpu.memory_space<vmem>>, vector<32x128xf32>
    %transpose3A_62 = tpu.transpose %get3A_61, [1, 0] : vector<32x128xf32> -> vector<128x32xf32>
    %get3A_63 = arith.constant 0 : index
    %get3A_64 = arith.constant 1792 : index
    %get3A_65 = vector.load %arg1[%get3A_63, %get3A_64] : memref<32x16384xf32, #tpu.memory_space<vmem>>, vector<32x128xf32>
    %transpose3A_66 = tpu.transpose %get3A_65, [1, 0] : vector<32x128xf32> -> vector<128x32xf32>
    %get3A_67 = arith.constant 0 : index
    %get3A_68 = arith.constant 1920 : index
    %get3A_69 = vector.load %arg1[%get3A_67, %get3A_68] : memref<32x16384xf32, #tpu.memory_space<vmem>>, vector<32x128xf32>
    %transpose3A_70 = tpu.transpose %get3A_69, [1, 0] : vector<32x128xf32> -> vector<128x32xf32>
    %concatenate3A_71 = tpu.concatenate %transpose3A_58, %transpose3A_62, %transpose3A_66, %transpose3A_70 in 1 : vector<128x32xf32>, vector<128x32xf32>, vector<128x32xf32>, vector<128x32xf32> -> vector<128x128xf32>
    %reshape3A_72 = vector.shape_cast %concatenate3A_71 : vector<128x128xf32> to vector<16384xf32>
    %swap3A_73 = arith.constant 49152 : index
    %swap3A_74 = vector.load %arg2[%swap3A_73] : memref<524288xf32, #tpu.memory_space<vmem>>, vector<16384xf32>
    tpu.vector_store %arg2[%swap3A_73], %reshape3A_72 {strides = array<i32>} : memref<524288xf32, #tpu.memory_space<vmem>>, vector<16384xf32>,
    %get3A_75 = arith.constant 0 : index
    %get3A_76 = arith.constant 2048 : index
    %get3A_77 = vector.load %arg1[%get3A_75, %get3A_76] : memref<32x16384xf32, #tpu.memory_space<vmem>>, vector<32x128xf32>
    %transpose3A_78 = tpu.transpose %get3A_77, [1, 0] : vector<32x128xf32> -> vector<128x32xf32>
    %get3A_79 = arith.constant 0 : index
    %get3A_80 = arith.constant 2176 : index
    %get3A_81 = vector.load %arg1[%get3A_79, %get3A_80] : memref<32x16384xf32, #tpu.memory_space<vmem>>, vector<32x128xf32>
    %transpose3A_82 = tpu.transpose %get3A_81, [1, 0] : vector<32x128xf32> -> vector<128x32xf32>
    %get3A_83 = arith.constant 0 : index
    %get3A_84 = arith.constant 2304 : index
    %get3A_85 = vector.load %arg1[%get3A_83, %get3A_84] : memref<32x16384xf32, #tpu.memory_space<vmem>>, vector<32x128xf32>
    %transpose3A_86 = tpu.transpose %get3A_85, [1, 0] : vector<32x128xf32> -> vector<128x32xf32>
    %get3A_87 = arith.constant 0 : index
    %get3A_88 = arith.constant 2432 : index
    %get3A_89 = vector.load %arg1[%get3A_87, %get3A_88] : memref<32x16384xf32, #tpu.memory_space<vmem>>, vector<32x128xf32>
    %transpose3A_90 = tpu.transpose %get3A_89, [1, 0] : vector<32x128xf32> -> vector<128x32xf32>
    %concatenate3A_91 = tpu.concatenate %transpose3A_78, %transpose3A_82, %transpose3A_86, %transpose3A_90 in 1 : vector<128x32xf32>, vector<128x32xf32>, vector<128x32xf32>, vector<128x32xf32> -> vector<128x128xf32>
    %reshape3A_92 = vector.shape_cast %concatenate3A_91 : vector<128x128xf32> to vector<16384xf32>
    %swap3A_93 = arith.constant 65536 : index
    %swap3A_94 = vector.load %arg2[%swap3A_93] : memref<524288xf32, #tpu.memory_space<vmem>>, vector<16384xf32>
    tpu.vector_store %arg2[%swap3A_93], %reshape3A_92 {strides = array<i32>} : memref<524288xf32, #tpu.memory_space<vmem>>, vector<16384xf32>,
    %get3A_95 = arith.constant 0 : index
    %get3A_96 = arith.constant 2560 : index
    %get3A_97 = vector.load %arg1[%get3A_95, %get3A_96] : memref<32x16384xf32, #tpu.memory_space<vmem>>, vector<32x128xf32>
    %transpose3A_98 = tpu.transpose %get3A_97, [1, 0] : vector<32x128xf32> -> vector<128x32xf32>
    %get3A_99 = arith.constant 0 : index
    %get3A_100 = arith.constant 2688 : index
    %get3A_101 = vector.load %arg1[%get3A_99, %get3A_100] : memref<32x16384xf32, #tpu.memory_space<vmem>>, vector<32x128xf32>
    %transpose3A_102 = tpu.transpose %get3A_101, [1, 0] : vector<32x128xf32> -> vector<128x32xf32>
    %get3A_103 = arith.constant 0 : index
    %get3A_104 = arith.constant 2816 : index
    %get3A_105 = vector.load %arg1[%get3A_103, %get3A_104] : memref<32x16384xf32, #tpu.memory_space<vmem>>, vector<32x128xf32>
    %transpose3A_106 = tpu.transpose %get3A_105, [1, 0] : vector<32x128xf32> -> vector<128x32xf32>
    %get3A_107 = arith.constant 0 : index
    %get3A_108 = arith.constant 2944 : index
    %get3A_109 = vector.load %arg1[%get3A_107, %get3A_108] : memref<32x16384xf32, #tpu.memory_space<vmem>>, vector<32x128xf32>
    %transpose3A_110 = tpu.transpose %get3A_109, [1, 0] : vector<32x128xf32> -> vector<128x32xf32>
    %concatenate3A_111 = tpu.concatenate %transpose3A_98, %transpose3A_102, %transpose3A_106, %transpose3A_110 in 1 : vector<128x32xf32>, vector<128x32xf32>, vector<128x32xf32>, vector<128x32xf32> -> vector<128x128xf32>
    %reshape3A_112 = vector.shape_cast %concatenate3A_111 : vector<128x128xf32> to vector<16384xf32>
    %swap3A_113 = arith.constant 81920 : index
    %swap3A_114 = vector.load %arg2[%swap3A_113] : memref<524288xf32, #tpu.memory_space<vmem>>, vector<16384xf32>
    tpu.vector_store %arg2[%swap3A_113], %reshape3A_112 {strides = array<i32>} : memref<524288xf32, #tpu.memory_space<vmem>>, vector<16384xf32>,
    %get3A_115 = arith.constant 0 : index
    %get3A_116 = arith.constant 3072 : index
    %get3A_117 = vector.load %arg1[%get3A_115, %get3A_116] : memref<32x16384xf32, #tpu.memory_space<vmem>>, vector<32x128xf32>
    %transpose3A_118 = tpu.transpose %get3A_117, [1, 0] : vector<32x128xf32> -> vector<128x32xf32>
    %get3A_119 = arith.constant 0 : index
    %get3A_120 = arith.constant 3200 : index
    %get3A_121 = vector.load %arg1[%get3A_119, %get3A_120] : memref<32x16384xf32, #tpu.memory_space<vmem>>, vector<32x128xf32>
    %transpose3A_122 = tpu.transpose %get3A_121, [1, 0] : vector<32x128xf32> -> vector<128x32xf32>
    %get3A_123 = arith.constant 0 : index
    %get3A_124 = arith.constant 3328 : index
    %get3A_125 = vector.load %arg1[%get3A_123, %get3A_124] : memref<32x16384xf32, #tpu.memory_space<vmem>>, vector<32x128xf32>
    %transpose3A_126 = tpu.transpose %get3A_125, [1, 0] : vector<32x128xf32> -> vector<128x32xf32>
    %get3A_127 = arith.constant 0 : index
    %get3A_128 = arith.constant 3456 : index
    %get3A_129 = vector.load %arg1[%get3A_127, %get3A_128] : memref<32x16384xf32, #tpu.memory_space<vmem>>, vector<32x128xf32>
    %transpose3A_130 = tpu.transpose %get3A_129, [1, 0] : vector<32x128xf32> -> vector<128x32xf32>
    %concatenate3A_131 = tpu.concatenate %transpose3A_118, %transpose3A_122, %transpose3A_126, %transpose3A_130 in 1 : vector<128x32xf32>, vector<128x32xf32>, vector<128x32xf32>, vector<128x32xf32> -> vector<128x128xf32>
    %reshape3A_132 = vector.shape_cast %concatenate3A_131 : vector<128x128xf32> to vector<16384xf32>
    %swap3A_133 = arith.constant 98304 : index
    %swap3A_134 = vector.load %arg2[%swap3A_133] : memref<524288xf32, #tpu.memory_space<vmem>>, vector<16384xf32>
    tpu.vector_store %arg2[%swap3A_133], %reshape3A_132 {strides = array<i32>} : memref<524288xf32, #tpu.memory_space<vmem>>, vector<16384xf32>,
    %get3A_135 = arith.constant 0 : index
    %get3A_136 = arith.constant 3584 : index
    %get3A_137 = vector.load %arg1[%get3A_135, %get3A_136] : memref<32x16384xf32, #tpu.memory_space<vmem>>, vector<32x128xf32>
    %transpose3A_138 = tpu.transpose %get3A_137, [1, 0] : vector<32x128xf32> -> vector<128x32xf32>
    %get3A_139 = arith.constant 0 : index
    %get3A_140 = arith.constant 3712 : index
    %get3A_141 = vector.load %arg1[%get3A_139, %get3A_140] : memref<32x16384xf32, #tpu.memory_space<vmem>>, vector<32x128xf32>
    %transpose3A_142 = tpu.transpose %get3A_141, [1, 0] : vector<32x128xf32> -> vector<128x32xf32>
    %get3A_143 = arith.constant 0 : index
    %get3A_144 = arith.constant 3840 : index
    %get3A_145 = vector.load %arg1[%get3A_143, %get3A_144] : memref<32x16384xf32, #tpu.memory_space<vmem>>, vector<32x128xf32>
    %transpose3A_146 = tpu.transpose %get3A_145, [1, 0] : vector<32x128xf32> -> vector<128x32xf32>
    %get3A_147 = arith.constant 0 : index
    %get3A_148 = arith.constant 3968 : index
    %get3A_149 = vector.load %arg1[%get3A_147, %get3A_148] : memref<32x16384xf32, #tpu.memory_space<vmem>>, vector<32x128xf32>
    %transpose3A_150 = tpu.transpose %get3A_149, [1, 0] : vector<32x128xf32> -> vector<128x32xf32>
    %concatenate3A_151 = tpu.concatenate %transpose3A_138, %transpose3A_142, %transpose3A_146, %transpose3A_150 in 1 : vector<128x32xf32>, vector<128x32xf32>, vector<128x32xf32>, vector<128x32xf32> -> vector<128x128xf32>
    %reshape3A_152 = vector.shape_cast %concatenate3A_151 : vector<128x128xf32> to vector<16384xf32>
    %swap3A_153 = arith.constant 114688 : index
    %swap3A_154 = vector.load %arg2[%swap3A_153] : memref<524288xf32, #tpu.memory_space<vmem>>, vector<16384xf32>
    tpu.vector_store %arg2[%swap3A_153], %reshape3A_152 {strides = array<i32>} : memref<524288xf32, #tpu.memory_space<vmem>>, vector<16384xf32>,
    %get3A_155 = arith.constant 0 : index
    %get3A_156 = arith.constant 4096 : index
    %get3A_157 = vector.load %arg1[%get3A_155, %get3A_156] : memref<32x16384xf32, #tpu.memory_space<vmem>>, vector<32x128xf32>
    %transpose3A_158 = tpu.transpose %get3A_157, [1, 0] : vector<32x128xf32> -> vector<128x32xf32>
    %get3A_159 = arith.constant 0 : index
    %get3A_160 = arith.constant 4224 : index
    %get3A_161 = vector.load %arg1[%get3A_159, %get3A_160] : memref<32x16384xf32, #tpu.memory_space<vmem>>, vector<32x128xf32>
    %transpose3A_162 = tpu.transpose %get3A_161, [1, 0] : vector<32x128xf32> -> vector<128x32xf32>
    %get3A_163 = arith.constant 0 : index
    %get3A_164 = arith.constant 4352 : index
    %get3A_165 = vector.load %arg1[%get3A_163, %get3A_164] : memref<32x16384xf32, #tpu.memory_space<vmem>>, vector<32x128xf32>
    %transpose3A_166 = tpu.transpose %get3A_165, [1, 0] : vector<32x128xf32> -> vector<128x32xf32>
    %get3A_167 = arith.constant 0 : index
    %get3A_168 = arith.constant 4480 : index
    %get3A_169 = vector.load %arg1[%get3A_167, %get3A_168] : memref<32x16384xf32, #tpu.memory_space<vmem>>, vector<32x128xf32>
    %transpose3A_170 = tpu.transpose %get3A_169, [1, 0] : vector<32x128xf32> -> vector<128x32xf32>
    %concatenate3A_171 = tpu.concatenate %transpose3A_158, %transpose3A_162, %transpose3A_166, %transpose3A_170 in 1 : vector<128x32xf32>, vector<128x32xf32>, vector<128x32xf32>, vector<128x32xf32> -> vector<128x128xf32>
    %reshape3A_172 = vector.shape_cast %concatenate3A_171 : vector<128x128xf32> to vector<16384xf32>
    %swap3A_173 = arith.constant 131072 : index
    %swap3A_174 = vector.load %arg2[%swap3A_173] : memref<524288xf32, #tpu.memory_space<vmem>>, vector<16384xf32>
    tpu.vector_store %arg2[%swap3A_173], %reshape3A_172 {strides = array<i32>} : memref<524288xf32, #tpu.memory_space<vmem>>, vector<16384xf32>,
    %get3A_175 = arith.constant 0 : index
    %get3A_176 = arith.constant 4608 : index
    %get3A_177 = vector.load %arg1[%get3A_175, %get3A_176] : memref<32x16384xf32, #tpu.memory_space<vmem>>, vector<32x128xf32>
    %transpose3A_178 = tpu.transpose %get3A_177, [1, 0] : vector<32x128xf32> -> vector<128x32xf32>
    %get3A_179 = arith.constant 0 : index
    %get3A_180 = arith.constant 4736 : index
    %get3A_181 = vector.load %arg1[%get3A_179, %get3A_180] : memref<32x16384xf32, #tpu.memory_space<vmem>>, vector<32x128xf32>
    %transpose3A_182 = tpu.transpose %get3A_181, [1, 0] : vector<32x128xf32> -> vector<128x32xf32>
    %get3A_183 = arith.constant 0 : index
    %get3A_184 = arith.constant 4864 : index
    %get3A_185 = vector.load %arg1[%get3A_183, %get3A_184] : memref<32x16384xf32, #tpu.memory_space<vmem>>, vector<32x128xf32>
    %transpose3A_186 = tpu.transpose %get3A_185, [1, 0] : vector<32x128xf32> -> vector<128x32xf32>
    %get3A_187 = arith.constant 0 : index
    %get3A_188 = arith.constant 4992 : index
    %get3A_189 = vector.load %arg1[%get3A_187, %get3A_188] : memref<32x16384xf32, #tpu.memory_space<vmem>>, vector<32x128xf32>
    %transpose3A_190 = tpu.transpose %get3A_189, [1, 0] : vector<32x128xf32> -> vector<128x32xf32>
    %concatenate3A_191 = tpu.concatenate %transpose3A_178, %transpose3A_182, %transpose3A_186, %transpose3A_190 in 1 : vector<128x32xf32>, vector<128x32xf32>, vector<128x32xf32>, vector<128x32xf32> -> vector<128x128xf32>
    %reshape3A_192 = vector.shape_cast %concatenate3A_191 : vector<128x128xf32> to vector<16384xf32>
    %swap3A_193 = arith.constant 147456 : index
    %swap3A_194 = vector.load %arg2[%swap3A_193] : memref<524288xf32, #tpu.memory_space<vmem>>, vector<16384xf32>
    tpu.vector_store %arg2[%swap3A_193], %reshape3A_192 {strides = array<i32>} : memref<524288xf32, #tpu.memory_space<vmem>>, vector<16384xf32>,
    %get3A_195 = arith.constant 0 : index
    %get3A_196 = arith.constant 5120 : index
    %get3A_197 = vector.load %arg1[%get3A_195, %get3A_196] : memref<32x16384xf32, #tpu.memory_space<vmem>>, vector<32x128xf32>
    %transpose3A_198 = tpu.transpose %get3A_197, [1, 0] : vector<32x128xf32> -> vector<128x32xf32>
    %get3A_199 = arith.constant 0 : index
    %get3A_200 = arith.constant 5248 : index
    %get3A_201 = vector.load %arg1[%get3A_199, %get3A_200] : memref<32x16384xf32, #tpu.memory_space<vmem>>, vector<32x128xf32>
    %transpose3A_202 = tpu.transpose %get3A_201, [1, 0] : vector<32x128xf32> -> vector<128x32xf32>
    %get3A_203 = arith.constant 0 : index
    %get3A_204 = arith.constant 5376 : index
    %get3A_205 = vector.load %arg1[%get3A_203, %get3A_204] : memref<32x16384xf32, #tpu.memory_space<vmem>>, vector<32x128xf32>
    %transpose3A_206 = tpu.transpose %get3A_205, [1, 0] : vector<32x128xf32> -> vector<128x32xf32>
    %get3A_207 = arith.constant 0 : index
    %get3A_208 = arith.constant 5504 : index
    %get3A_209 = vector.load %arg1[%get3A_207, %get3A_208] : memref<32x16384xf32, #tpu.memory_space<vmem>>, vector<32x128xf32>
    %transpose3A_210 = tpu.transpose %get3A_209, [1, 0] : vector<32x128xf32> -> vector<128x32xf32>
    %concatenate3A_211 = tpu.concatenate %transpose3A_198, %transpose3A_202, %transpose3A_206, %transpose3A_210 in 1 : vector<128x32xf32>, vector<128x32xf32>, vector<128x32xf32>, vector<128x32xf32> -> vector<128x128xf32>
    %reshape3A_212 = vector.shape_cast %concatenate3A_211 : vector<128x128xf32> to vector<16384xf32>
    %swap3A_213 = arith.constant 163840 : index
    %swap3A_214 = vector.load %arg2[%swap3A_213] : memref<524288xf32, #tpu.memory_space<vmem>>, vector<16384xf32>
    tpu.vector_store %arg2[%swap3A_213], %reshape3A_212 {strides = array<i32>} : memref<524288xf32, #tpu.memory_space<vmem>>, vector<16384xf32>,
    %get3A_215 = arith.constant 0 : index
    %get3A_216 = arith.constant 5632 : index
    %get3A_217 = vector.load %arg1[%get3A_215, %get3A_216] : memref<32x16384xf32, #tpu.memory_space<vmem>>, vector<32x128xf32>
    %transpose3A_218 = tpu.transpose %get3A_217, [1, 0] : vector<32x128xf32> -> vector<128x32xf32>
    %get3A_219 = arith.constant 0 : index
    %get3A_220 = arith.constant 5760 : index
    %get3A_221 = vector.load %arg1[%get3A_219, %get3A_220] : memref<32x16384xf32, #tpu.memory_space<vmem>>, vector<32x128xf32>
    %transpose3A_222 = tpu.transpose %get3A_221, [1, 0] : vector<32x128xf32> -> vector<128x32xf32>
    %get3A_223 = arith.constant 0 : index
    %get3A_224 = arith.constant 5888 : index
    %get3A_225 = vector.load %arg1[%get3A_223, %get3A_224] : memref<32x16384xf32, #tpu.memory_space<vmem>>, vector<32x128xf32>
    %transpose3A_226 = tpu.transpose %get3A_225, [1, 0] : vector<32x128xf32> -> vector<128x32xf32>
    %get3A_227 = arith.constant 0 : index
    %get3A_228 = arith.constant 6016 : index
    %get3A_229 = vector.load %arg1[%get3A_227, %get3A_228] : memref<32x16384xf32, #tpu.memory_space<vmem>>, vector<32x128xf32>
    %transpose3A_230 = tpu.transpose %get3A_229, [1, 0] : vector<32x128xf32> -> vector<128x32xf32>
    %concatenate3A_231 = tpu.concatenate %transpose3A_218, %transpose3A_222, %transpose3A_226, %transpose3A_230 in 1 : vector<128x32xf32>, vector<128x32xf32>, vector<128x32xf32>, vector<128x32xf32> -> vector<128x128xf32>
    %reshape3A_232 = vector.shape_cast %concatenate3A_231 : vector<128x128xf32> to vector<16384xf32>
    %swap3A_233 = arith.constant 180224 : index
    %swap3A_234 = vector.load %arg2[%swap3A_233] : memref<524288xf32, #tpu.memory_space<vmem>>, vector<16384xf32>
    tpu.vector_store %arg2[%swap3A_233], %reshape3A_232 {strides = array<i32>} : memref<524288xf32, #tpu.memory_space<vmem>>, vector<16384xf32>,
    %get3A_235 = arith.constant 0 : index
    %get3A_236 = arith.constant 6144 : index
    %get3A_237 = vector.load %arg1[%get3A_235, %get3A_236] : memref<32x16384xf32, #tpu.memory_space<vmem>>, vector<32x128xf32>
    %transpose3A_238 = tpu.transpose %get3A_237, [1, 0] : vector<32x128xf32> -> vector<128x32xf32>
    %get3A_239 = arith.constant 0 : index
    %get3A_240 = arith.constant 6272 : index
    %get3A_241 = vector.load %arg1[%get3A_239, %get3A_240] : memref<32x16384xf32, #tpu.memory_space<vmem>>, vector<32x128xf32>
    %transpose3A_242 = tpu.transpose %get3A_241, [1, 0] : vector<32x128xf32> -> vector<128x32xf32>
    %get3A_243 = arith.constant 0 : index
    %get3A_244 = arith.constant 6400 : index
    %get3A_245 = vector.load %arg1[%get3A_243, %get3A_244] : memref<32x16384xf32, #tpu.memory_space<vmem>>, vector<32x128xf32>
    %transpose3A_246 = tpu.transpose %get3A_245, [1, 0] : vector<32x128xf32> -> vector<128x32xf32>
    %get3A_247 = arith.constant 0 : index
    %get3A_248 = arith.constant 6528 : index
    %get3A_249 = vector.load %arg1[%get3A_247, %get3A_248] : memref<32x16384xf32, #tpu.memory_space<vmem>>, vector<32x128xf32>
    %transpose3A_250 = tpu.transpose %get3A_249, [1, 0] : vector<32x128xf32> -> vector<128x32xf32>
    %concatenate3A_251 = tpu.concatenate %transpose3A_238, %transpose3A_242, %transpose3A_246, %transpose3A_250 in 1 : vector<128x32xf32>, vector<128x32xf32>, vector<128x32xf32>, vector<128x32xf32> -> vector<128x128xf32>
    %reshape3A_252 = vector.shape_cast %concatenate3A_251 : vector<128x128xf32> to vector<16384xf32>
    %swap3A_253 = arith.constant 196608 : index
    %swap3A_254 = vector.load %arg2[%swap3A_253] : memref<524288xf32, #tpu.memory_space<vmem>>, vector<16384xf32>
    tpu.vector_store %arg2[%swap3A_253], %reshape3A_252 {strides = array<i32>} : memref<524288xf32, #tpu.memory_space<vmem>>, vector<16384xf32>,
    %get3A_255 = arith.constant 0 : index
    %get3A_256 = arith.constant 6656 : index
    %get3A_257 = vector.load %arg1[%get3A_255, %get3A_256] : memref<32x16384xf32, #tpu.memory_space<vmem>>, vector<32x128xf32>
    %transpose3A_258 = tpu.transpose %get3A_257, [1, 0] : vector<32x128xf32> -> vector<128x32xf32>
    %get3A_259 = arith.constant 0 : index
    %get3A_260 = arith.constant 6784 : index
    %get3A_261 = vector.load %arg1[%get3A_259, %get3A_260] : memref<32x16384xf32, #tpu.memory_space<vmem>>, vector<32x128xf32>
    %transpose3A_262 = tpu.transpose %get3A_261, [1, 0] : vector<32x128xf32> -> vector<128x32xf32>
    %get3A_263 = arith.constant 0 : index
    %get3A_264 = arith.constant 6912 : index
    %get3A_265 = vector.load %arg1[%get3A_263, %get3A_264] : memref<32x16384xf32, #tpu.memory_space<vmem>>, vector<32x128xf32>
    %transpose3A_266 = tpu.transpose %get3A_265, [1, 0] : vector<32x128xf32> -> vector<128x32xf32>
    %get3A_267 = arith.constant 0 : index
    %get3A_268 = arith.constant 7040 : index
    %get3A_269 = vector.load %arg1[%get3A_267, %get3A_268] : memref<32x16384xf32, #tpu.memory_space<vmem>>, vector<32x128xf32>
    %transpose3A_270 = tpu.transpose %get3A_269, [1, 0] : vector<32x128xf32> -> vector<128x32xf32>
    %concatenate3A_271 = tpu.concatenate %transpose3A_258, %transpose3A_262, %transpose3A_266, %transpose3A_270 in 1 : vector<128x32xf32>, vector<128x32xf32>, vector<128x32xf32>, vector<128x32xf32> -> vector<128x128xf32>
    %reshape3A_272 = vector.shape_cast %concatenate3A_271 : vector<128x128xf32> to vector<16384xf32>
    %swap3A_273 = arith.constant 212992 : index
    %swap3A_274 = vector.load %arg2[%swap3A_273] : memref<524288xf32, #tpu.memory_space<vmem>>, vector<16384xf32>
    tpu.vector_store %arg2[%swap3A_273], %reshape3A_272 {strides = array<i32>} : memref<524288xf32, #tpu.memory_space<vmem>>, vector<16384xf32>,
    %get3A_275 = arith.constant 0 : index
    %get3A_276 = arith.constant 7168 : index
    %get3A_277 = vector.load %arg1[%get3A_275, %get3A_276] : memref<32x16384xf32, #tpu.memory_space<vmem>>, vector<32x128xf32>
    %transpose3A_278 = tpu.transpose %get3A_277, [1, 0] : vector<32x128xf32> -> vector<128x32xf32>
    %get3A_279 = arith.constant 0 : index
    %get3A_280 = arith.constant 7296 : index
    %get3A_281 = vector.load %arg1[%get3A_279, %get3A_280] : memref<32x16384xf32, #tpu.memory_space<vmem>>, vector<32x128xf32>
    %transpose3A_282 = tpu.transpose %get3A_281, [1, 0] : vector<32x128xf32> -> vector<128x32xf32>
    %get3A_283 = arith.constant 0 : index
    %get3A_284 = arith.constant 7424 : index
    %get3A_285 = vector.load %arg1[%get3A_283, %get3A_284] : memref<32x16384xf32, #tpu.memory_space<vmem>>, vector<32x128xf32>
    %transpose3A_286 = tpu.transpose %get3A_285, [1, 0] : vector<32x128xf32> -> vector<128x32xf32>
    %get3A_287 = arith.constant 0 : index
    %get3A_288 = arith.constant 7552 : index
    %get3A_289 = vector.load %arg1[%get3A_287, %get3A_288] : memref<32x16384xf32, #tpu.memory_space<vmem>>, vector<32x128xf32>
    %transpose3A_290 = tpu.transpose %get3A_289, [1, 0] : vector<32x128xf32> -> vector<128x32xf32>
    %concatenate3A_291 = tpu.concatenate %transpose3A_278, %transpose3A_282, %transpose3A_286, %transpose3A_290 in 1 : vector<128x32xf32>, vector<128x32xf32>, vector<128x32xf32>, vector<128x32xf32> -> vector<128x128xf32>
    %reshape3A_292 = vector.shape_cast %concatenate3A_291 : vector<128x128xf32> to vector<16384xf32>
    %swap3A_293 = arith.constant 229376 : index
    %swap3A_294 = vector.load %arg2[%swap3A_293] : memref<524288xf32, #tpu.memory_space<vmem>>, vector<16384xf32>
    tpu.vector_store %arg2[%swap3A_293], %reshape3A_292 {strides = array<i32>} : memref<524288xf32, #tpu.memory_space<vmem>>, vector<16384xf32>,
    %get3A_295 = arith.constant 0 : index
    %get3A_296 = arith.constant 7680 : index
    %get3A_297 = vector.load %arg1[%get3A_295, %get3A_296] : memref<32x16384xf32, #tpu.memory_space<vmem>>, vector<32x128xf32>
    %transpose3A_298 = tpu.transpose %get3A_297, [1, 0] : vector<32x128xf32> -> vector<128x32xf32>
    %get3A_299 = arith.constant 0 : index
    %get3A_300 = arith.constant 7808 : index
    %get3A_301 = vector.load %arg1[%get3A_299, %get3A_300] : memref<32x16384xf32, #tpu.memory_space<vmem>>, vector<32x128xf32>
    %transpose3A_302 = tpu.transpose %get3A_301, [1, 0] : vector<32x128xf32> -> vector<128x32xf32>
    %get3A_303 = arith.constant 0 : index
    %get3A_304 = arith.constant 7936 : index
    %get3A_305 = vector.load %arg1[%get3A_303, %get3A_304] : memref<32x16384xf32, #tpu.memory_space<vmem>>, vector<32x128xf32>
    %transpose3A_306 = tpu.transpose %get3A_305, [1, 0] : vector<32x128xf32> -> vector<128x32xf32>
    %get3A_307 = arith.constant 0 : index
    %get3A_308 = arith.constant 8064 : index
    %get3A_309 = vector.load %arg1[%get3A_307, %get3A_308] : memref<32x16384xf32, #tpu.memory_space<vmem>>, vector<32x128xf32>
    %transpose3A_310 = tpu.transpose %get3A_309, [1, 0] : vector<32x128xf32> -> vector<128x32xf32>
    %concatenate3A_311 = tpu.concatenate %transpose3A_298, %transpose3A_302, %transpose3A_306, %transpose3A_310 in 1 : vector<128x32xf32>, vector<128x32xf32>, vector<128x32xf32>, vector<128x32xf32> -> vector<128x128xf32>
    %reshape3A_312 = vector.shape_cast %concatenate3A_311 : vector<128x128xf32> to vector<16384xf32>
    %swap3A_313 = arith.constant 245760 : index
    %swap3A_314 = vector.load %arg2[%swap3A_313] : memref<524288xf32, #tpu.memory_space<vmem>>, vector<16384xf32>
    tpu.vector_store %arg2[%swap3A_313], %reshape3A_312 {strides = array<i32>} : memref<524288xf32, #tpu.memory_space<vmem>>, vector<16384xf32>,
    %get3A_315 = arith.constant 0 : index
    %get3A_316 = arith.constant 8192 : index
    %get3A_317 = vector.load %arg1[%get3A_315, %get3A_316] : memref<32x16384xf32, #tpu.memory_space<vmem>>, vector<32x128xf32>
    %transpose3A_318 = tpu.transpose %get3A_317, [1, 0] : vector<32x128xf32> -> vector<128x32xf32>
    %get3A_319 = arith.constant 0 : index
    %get3A_320 = arith.constant 8320 : index
    %get3A_321 = vector.load %arg1[%get3A_319, %get3A_320] : memref<32x16384xf32, #tpu.memory_space<vmem>>, vector<32x128xf32>
    %transpose3A_322 = tpu.transpose %get3A_321, [1, 0] : vector<32x128xf32> -> vector<128x32xf32>
    %get3A_323 = arith.constant 0 : index
    %get3A_324 = arith.constant 8448 : index
    %get3A_325 = vector.load %arg1[%get3A_323, %get3A_324] : memref<32x16384xf32, #tpu.memory_space<vmem>>, vector<32x128xf32>
    %transpose3A_326 = tpu.transpose %get3A_325, [1, 0] : vector<32x128xf32> -> vector<128x32xf32>
    %get3A_327 = arith.constant 0 : index
    %get3A_328 = arith.constant 8576 : index
    %get3A_329 = vector.load %arg1[%get3A_327, %get3A_328] : memref<32x16384xf32, #tpu.memory_space<vmem>>, vector<32x128xf32>
    %transpose3A_330 = tpu.transpose %get3A_329, [1, 0] : vector<32x128xf32> -> vector<128x32xf32>
    %concatenate3A_331 = tpu.concatenate %transpose3A_318, %transpose3A_322, %transpose3A_326, %transpose3A_330 in 1 : vector<128x32xf32>, vector<128x32xf32>, vector<128x32xf32>, vector<128x32xf32> -> vector<128x128xf32>
    %reshape3A_332 = vector.shape_cast %concatenate3A_331 : vector<128x128xf32> to vector<16384xf32>
    %swap3A_333 = arith.constant 262144 : index
    %swap3A_334 = vector.load %arg2[%swap3A_333] : memref<524288xf32, #tpu.memory_space<vmem>>, vector<16384xf32>
    tpu.vector_store %arg2[%swap3A_333], %reshape3A_332 {strides = array<i32>} : memref<524288xf32, #tpu.memory_space<vmem>>, vector<16384xf32>,
    %get3A_335 = arith.constant 0 : index
    %get3A_336 = arith.constant 8704 : index
    %get3A_337 = vector.load %arg1[%get3A_335, %get3A_336] : memref<32x16384xf32, #tpu.memory_space<vmem>>, vector<32x128xf32>
    %transpose3A_338 = tpu.transpose %get3A_337, [1, 0] : vector<32x128xf32> -> vector<128x32xf32>
    %get3A_339 = arith.constant 0 : index
    %get3A_340 = arith.constant 8832 : index
    %get3A_341 = vector.load %arg1[%get3A_339, %get3A_340] : memref<32x16384xf32, #tpu.memory_space<vmem>>, vector<32x128xf32>
    %transpose3A_342 = tpu.transpose %get3A_341, [1, 0] : vector<32x128xf32> -> vector<128x32xf32>
    %get3A_343 = arith.constant 0 : index
    %get3A_344 = arith.constant 8960 : index
    %get3A_345 = vector.load %arg1[%get3A_343, %get3A_344] : memref<32x16384xf32, #tpu.memory_space<vmem>>, vector<32x128xf32>
    %transpose3A_346 = tpu.transpose %get3A_345, [1, 0] : vector<32x128xf32> -> vector<128x32xf32>
    %get3A_347 = arith.constant 0 : index
    %get3A_348 = arith.constant 9088 : index
    %get3A_349 = vector.load %arg1[%get3A_347, %get3A_348] : memref<32x16384xf32, #tpu.memory_space<vmem>>, vector<32x128xf32>
    %transpose3A_350 = tpu.transpose %get3A_349, [1, 0] : vector<32x128xf32> -> vector<128x32xf32>
    %concatenate3A_351 = tpu.concatenate %transpose3A_338, %transpose3A_342, %transpose3A_346, %transpose3A_350 in 1 : vector<128x32xf32>, vector<128x32xf32>, vector<128x32xf32>, vector<128x32xf32> -> vector<128x128xf32>
    %reshape3A_352 = vector.shape_cast %concatenate3A_351 : vector<128x128xf32> to vector<16384xf32>
    %swap3A_353 = arith.constant 278528 : index
    %swap3A_354 = vector.load %arg2[%swap3A_353] : memref<524288xf32, #tpu.memory_space<vmem>>, vector<16384xf32>
    tpu.vector_store %arg2[%swap3A_353], %reshape3A_352 {strides = array<i32>} : memref<524288xf32, #tpu.memory_space<vmem>>, vector<16384xf32>,
    %get3A_355 = arith.constant 0 : index
    %get3A_356 = arith.constant 9216 : index
    %get3A_357 = vector.load %arg1[%get3A_355, %get3A_356] : memref<32x16384xf32, #tpu.memory_space<vmem>>, vector<32x128xf32>
    %transpose3A_358 = tpu.transpose %get3A_357, [1, 0] : vector<32x128xf32> -> vector<128x32xf32>
    %get3A_359 = arith.constant 0 : index
    %get3A_360 = arith.constant 9344 : index
    %get3A_361 = vector.load %arg1[%get3A_359, %get3A_360] : memref<32x16384xf32, #tpu.memory_space<vmem>>, vector<32x128xf32>
    %transpose3A_362 = tpu.transpose %get3A_361, [1, 0] : vector<32x128xf32> -> vector<128x32xf32>
    %get3A_363 = arith.constant 0 : index
    %get3A_364 = arith.constant 9472 : index
    %get3A_365 = vector.load %arg1[%get3A_363, %get3A_364] : memref<32x16384xf32, #tpu.memory_space<vmem>>, vector<32x128xf32>
    %transpose3A_366 = tpu.transpose %get3A_365, [1, 0] : vector<32x128xf32> -> vector<128x32xf32>
    %get3A_367 = arith.constant 0 : index
    %get3A_368 = arith.constant 9600 : index
    %get3A_369 = vector.load %arg1[%get3A_367, %get3A_368] : memref<32x16384xf32, #tpu.memory_space<vmem>>, vector<32x128xf32>
    %transpose3A_370 = tpu.transpose %get3A_369, [1, 0] : vector<32x128xf32> -> vector<128x32xf32>
    %concatenate3A_371 = tpu.concatenate %transpose3A_358, %transpose3A_362, %transpose3A_366, %transpose3A_370 in 1 : vector<128x32xf32>, vector<128x32xf32>, vector<128x32xf32>, vector<128x32xf32> -> vector<128x128xf32>
    %reshape3A_372 = vector.shape_cast %concatenate3A_371 : vector<128x128xf32> to vector<16384xf32>
    %swap3A_373 = arith.constant 294912 : index
    %swap3A_374 = vector.load %arg2[%swap3A_373] : memref<524288xf32, #tpu.memory_space<vmem>>, vector<16384xf32>
    tpu.vector_store %arg2[%swap3A_373], %reshape3A_372 {strides = array<i32>} : memref<524288xf32, #tpu.memory_space<vmem>>, vector<16384xf32>,
    %get3A_375 = arith.constant 0 : index
    %get3A_376 = arith.constant 9728 : index
    %get3A_377 = vector.load %arg1[%get3A_375, %get3A_376] : memref<32x16384xf32, #tpu.memory_space<vmem>>, vector<32x128xf32>
    %transpose3A_378 = tpu.transpose %get3A_377, [1, 0] : vector<32x128xf32> -> vector<128x32xf32>
    %get3A_379 = arith.constant 0 : index
    %get3A_380 = arith.constant 9856 : index
    %get3A_381 = vector.load %arg1[%get3A_379, %get3A_380] : memref<32x16384xf32, #tpu.memory_space<vmem>>, vector<32x128xf32>
    %transpose3A_382 = tpu.transpose %get3A_381, [1, 0] : vector<32x128xf32> -> vector<128x32xf32>
    %get3A_383 = arith.constant 0 : index
    %get3A_384 = arith.constant 9984 : index
    %get3A_385 = vector.load %arg1[%get3A_383, %get3A_384] : memref<32x16384xf32, #tpu.memory_space<vmem>>, vector<32x128xf32>
    %transpose3A_386 = tpu.transpose %get3A_385, [1, 0] : vector<32x128xf32> -> vector<128x32xf32>
    %get3A_387 = arith.constant 0 : index
    %get3A_388 = arith.constant 10112 : index
    %get3A_389 = vector.load %arg1[%get3A_387, %get3A_388] : memref<32x16384xf32, #tpu.memory_space<vmem>>, vector<32x128xf32>
    %transpose3A_390 = tpu.transpose %get3A_389, [1, 0] : vector<32x128xf32> -> vector<128x32xf32>
    %concatenate3A_391 = tpu.concatenate %transpose3A_378, %transpose3A_382, %transpose3A_386, %transpose3A_390 in 1 : vector<128x32xf32>, vector<128x32xf32>, vector<128x32xf32>, vector<128x32xf32> -> vector<128x128xf32>
    %reshape3A_392 = vector.shape_cast %concatenate3A_391 : vector<128x128xf32> to vector<16384xf32>
    %swap3A_393 = arith.constant 311296 : index
    %swap3A_394 = vector.load %arg2[%swap3A_393] : memref<524288xf32, #tpu.memory_space<vmem>>, vector<16384xf32>
    tpu.vector_store %arg2[%swap3A_393], %reshape3A_392 {strides = array<i32>} : memref<524288xf32, #tpu.memory_space<vmem>>, vector<16384xf32>,
    %get3A_395 = arith.constant 0 : index
    %get3A_396 = arith.constant 10240 : index
    %get3A_397 = vector.load %arg1[%get3A_395, %get3A_396] : memref<32x16384xf32, #tpu.memory_space<vmem>>, vector<32x128xf32>
    %transpose3A_398 = tpu.transpose %get3A_397, [1, 0] : vector<32x128xf32> -> vector<128x32xf32>
    %get3A_399 = arith.constant 0 : index
    %get3A_400 = arith.constant 10368 : index
    %get3A_401 = vector.load %arg1[%get3A_399, %get3A_400] : memref<32x16384xf32, #tpu.memory_space<vmem>>, vector<32x128xf32>
    %transpose3A_402 = tpu.transpose %get3A_401, [1, 0] : vector<32x128xf32> -> vector<128x32xf32>
    %get3A_403 = arith.constant 0 : index
    %get3A_404 = arith.constant 10496 : index
    %get3A_405 = vector.load %arg1[%get3A_403, %get3A_404] : memref<32x16384xf32, #tpu.memory_space<vmem>>, vector<32x128xf32>
    %transpose3A_406 = tpu.transpose %get3A_405, [1, 0] : vector<32x128xf32> -> vector<128x32xf32>
    %get3A_407 = arith.constant 0 : index
    %get3A_408 = arith.constant 10624 : index
    %get3A_409 = vector.load %arg1[%get3A_407, %get3A_408] : memref<32x16384xf32, #tpu.memory_space<vmem>>, vector<32x128xf32>
    %transpose3A_410 = tpu.transpose %get3A_409, [1, 0] : vector<32x128xf32> -> vector<128x32xf32>
    %concatenate3A_411 = tpu.concatenate %transpose3A_398, %transpose3A_402, %transpose3A_406, %transpose3A_410 in 1 : vector<128x32xf32>, vector<128x32xf32>, vector<128x32xf32>, vector<128x32xf32> -> vector<128x128xf32>
    %reshape3A_412 = vector.shape_cast %concatenate3A_411 : vector<128x128xf32> to vector<16384xf32>
    %swap3A_413 = arith.constant 327680 : index
    %swap3A_414 = vector.load %arg2[%swap3A_413] : memref<524288xf32, #tpu.memory_space<vmem>>, vector<16384xf32>
    tpu.vector_store %arg2[%swap3A_413], %reshape3A_412 {strides = array<i32>} : memref<524288xf32, #tpu.memory_space<vmem>>, vector<16384xf32>,
    %get3A_415 = arith.constant 0 : index
    %get3A_416 = arith.constant 10752 : index
    %get3A_417 = vector.load %arg1[%get3A_415, %get3A_416] : memref<32x16384xf32, #tpu.memory_space<vmem>>, vector<32x128xf32>
    %transpose3A_418 = tpu.transpose %get3A_417, [1, 0] : vector<32x128xf32> -> vector<128x32xf32>
    %get3A_419 = arith.constant 0 : index
    %get3A_420 = arith.constant 10880 : index
    %get3A_421 = vector.load %arg1[%get3A_419, %get3A_420] : memref<32x16384xf32, #tpu.memory_space<vmem>>, vector<32x128xf32>
    %transpose3A_422 = tpu.transpose %get3A_421, [1, 0] : vector<32x128xf32> -> vector<128x32xf32>
    %get3A_423 = arith.constant 0 : index
    %get3A_424 = arith.constant 11008 : index
    %get3A_425 = vector.load %arg1[%get3A_423, %get3A_424] : memref<32x16384xf32, #tpu.memory_space<vmem>>, vector<32x128xf32>
    %transpose3A_426 = tpu.transpose %get3A_425, [1, 0] : vector<32x128xf32> -> vector<128x32xf32>
    %get3A_427 = arith.constant 0 : index
    %get3A_428 = arith.constant 11136 : index
    %get3A_429 = vector.load %arg1[%get3A_427, %get3A_428] : memref<32x16384xf32, #tpu.memory_space<vmem>>, vector<32x128xf32>
    %transpose3A_430 = tpu.transpose %get3A_429, [1, 0] : vector<32x128xf32> -> vector<128x32xf32>
    %concatenate3A_431 = tpu.concatenate %transpose3A_418, %transpose3A_422, %transpose3A_426, %transpose3A_430 in 1 : vector<128x32xf32>, vector<128x32xf32>, vector<128x32xf32>, vector<128x32xf32> -> vector<128x128xf32>
    %reshape3A_432 = vector.shape_cast %concatenate3A_431 : vector<128x128xf32> to vector<16384xf32>
    %swap3A_433 = arith.constant 344064 : index
    %swap3A_434 = vector.load %arg2[%swap3A_433] : memref<524288xf32, #tpu.memory_space<vmem>>, vector<16384xf32>
    tpu.vector_store %arg2[%swap3A_433], %reshape3A_432 {strides = array<i32>} : memref<524288xf32, #tpu.memory_space<vmem>>, vector<16384xf32>,
    %get3A_435 = arith.constant 0 : index
    %get3A_436 = arith.constant 11264 : index
    %get3A_437 = vector.load %arg1[%get3A_435, %get3A_436] : memref<32x16384xf32, #tpu.memory_space<vmem>>, vector<32x128xf32>
    %transpose3A_438 = tpu.transpose %get3A_437, [1, 0] : vector<32x128xf32> -> vector<128x32xf32>
    %get3A_439 = arith.constant 0 : index
    %get3A_440 = arith.constant 11392 : index
    %get3A_441 = vector.load %arg1[%get3A_439, %get3A_440] : memref<32x16384xf32, #tpu.memory_space<vmem>>, vector<32x128xf32>
    %transpose3A_442 = tpu.transpose %get3A_441, [1, 0] : vector<32x128xf32> -> vector<128x32xf32>
    %get3A_443 = arith.constant 0 : index
    %get3A_444 = arith.constant 11520 : index
    %get3A_445 = vector.load %arg1[%get3A_443, %get3A_444] : memref<32x16384xf32, #tpu.memory_space<vmem>>, vector<32x128xf32>
    %transpose3A_446 = tpu.transpose %get3A_445, [1, 0] : vector<32x128xf32> -> vector<128x32xf32>
    %get3A_447 = arith.constant 0 : index
    %get3A_448 = arith.constant 11648 : index
    %get3A_449 = vector.load %arg1[%get3A_447, %get3A_448] : memref<32x16384xf32, #tpu.memory_space<vmem>>, vector<32x128xf32>
    %transpose3A_450 = tpu.transpose %get3A_449, [1, 0] : vector<32x128xf32> -> vector<128x32xf32>
    %concatenate3A_451 = tpu.concatenate %transpose3A_438, %transpose3A_442, %transpose3A_446, %transpose3A_450 in 1 : vector<128x32xf32>, vector<128x32xf32>, vector<128x32xf32>, vector<128x32xf32> -> vector<128x128xf32>
    %reshape3A_452 = vector.shape_cast %concatenate3A_451 : vector<128x128xf32> to vector<16384xf32>
    %swap3A_453 = arith.constant 360448 : index
    %swap3A_454 = vector.load %arg2[%swap3A_453] : memref<524288xf32, #tpu.memory_space<vmem>>, vector<16384xf32>
    tpu.vector_store %arg2[%swap3A_453], %reshape3A_452 {strides = array<i32>} : memref<524288xf32, #tpu.memory_space<vmem>>, vector<16384xf32>,
    %get3A_455 = arith.constant 0 : index
    %get3A_456 = arith.constant 11776 : index
    %get3A_457 = vector.load %arg1[%get3A_455, %get3A_456] : memref<32x16384xf32, #tpu.memory_space<vmem>>, vector<32x128xf32>
    %transpose3A_458 = tpu.transpose %get3A_457, [1, 0] : vector<32x128xf32> -> vector<128x32xf32>
    %get3A_459 = arith.constant 0 : index
    %get3A_460 = arith.constant 11904 : index
    %get3A_461 = vector.load %arg1[%get3A_459, %get3A_460] : memref<32x16384xf32, #tpu.memory_space<vmem>>, vector<32x128xf32>
    %transpose3A_462 = tpu.transpose %get3A_461, [1, 0] : vector<32x128xf32> -> vector<128x32xf32>
    %get3A_463 = arith.constant 0 : index
    %get3A_464 = arith.constant 12032 : index
    %get3A_465 = vector.load %arg1[%get3A_463, %get3A_464] : memref<32x16384xf32, #tpu.memory_space<vmem>>, vector<32x128xf32>
    %transpose3A_466 = tpu.transpose %get3A_465, [1, 0] : vector<32x128xf32> -> vector<128x32xf32>
    %get3A_467 = arith.constant 0 : index
    %get3A_468 = arith.constant 12160 : index
    %get3A_469 = vector.load %arg1[%get3A_467, %get3A_468] : memref<32x16384xf32, #tpu.memory_space<vmem>>, vector<32x128xf32>
    %transpose3A_470 = tpu.transpose %get3A_469, [1, 0] : vector<32x128xf32> -> vector<128x32xf32>
    %concatenate3A_471 = tpu.concatenate %transpose3A_458, %transpose3A_462, %transpose3A_466, %transpose3A_470 in 1 : vector<128x32xf32>, vector<128x32xf32>, vector<128x32xf32>, vector<128x32xf32> -> vector<128x128xf32>
    %reshape3A_472 = vector.shape_cast %concatenate3A_471 : vector<128x128xf32> to vector<16384xf32>
    %swap3A_473 = arith.constant 376832 : index
    %swap3A_474 = vector.load %arg2[%swap3A_473] : memref<524288xf32, #tpu.memory_space<vmem>>, vector<16384xf32>
    tpu.vector_store %arg2[%swap3A_473], %reshape3A_472 {strides = array<i32>} : memref<524288xf32, #tpu.memory_space<vmem>>, vector<16384xf32>,
    %get3A_475 = arith.constant 0 : index
    %get3A_476 = arith.constant 12288 : index
    %get3A_477 = vector.load %arg1[%get3A_475, %get3A_476] : memref<32x16384xf32, #tpu.memory_space<vmem>>, vector<32x128xf32>
    %transpose3A_478 = tpu.transpose %get3A_477, [1, 0] : vector<32x128xf32> -> vector<128x32xf32>
    %get3A_479 = arith.constant 0 : index
    %get3A_480 = arith.constant 12416 : index
    %get3A_481 = vector.load %arg1[%get3A_479, %get3A_480] : memref<32x16384xf32, #tpu.memory_space<vmem>>, vector<32x128xf32>
    %transpose3A_482 = tpu.transpose %get3A_481, [1, 0] : vector<32x128xf32> -> vector<128x32xf32>
    %get3A_483 = arith.constant 0 : index
    %get3A_484 = arith.constant 12544 : index
    %get3A_485 = vector.load %arg1[%get3A_483, %get3A_484] : memref<32x16384xf32, #tpu.memory_space<vmem>>, vector<32x128xf32>
    %transpose3A_486 = tpu.transpose %get3A_485, [1, 0] : vector<32x128xf32> -> vector<128x32xf32>
    %get3A_487 = arith.constant 0 : index
    %get3A_488 = arith.constant 12672 : index
    %get3A_489 = vector.load %arg1[%get3A_487, %get3A_488] : memref<32x16384xf32, #tpu.memory_space<vmem>>, vector<32x128xf32>
    %transpose3A_490 = tpu.transpose %get3A_489, [1, 0] : vector<32x128xf32> -> vector<128x32xf32>
    %concatenate3A_491 = tpu.concatenate %transpose3A_478, %transpose3A_482, %transpose3A_486, %transpose3A_490 in 1 : vector<128x32xf32>, vector<128x32xf32>, vector<128x32xf32>, vector<128x32xf32> -> vector<128x128xf32>
    %reshape3A_492 = vector.shape_cast %concatenate3A_491 : vector<128x128xf32> to vector<16384xf32>
    %swap3A_493 = arith.constant 393216 : index
    %swap3A_494 = vector.load %arg2[%swap3A_493] : memref<524288xf32, #tpu.memory_space<vmem>>, vector<16384xf32>
    tpu.vector_store %arg2[%swap3A_493], %reshape3A_492 {strides = array<i32>} : memref<524288xf32, #tpu.memory_space<vmem>>, vector<16384xf32>,
    %get3A_495 = arith.constant 0 : index
    %get3A_496 = arith.constant 12800 : index
    %get3A_497 = vector.load %arg1[%get3A_495, %get3A_496] : memref<32x16384xf32, #tpu.memory_space<vmem>>, vector<32x128xf32>
    %transpose3A_498 = tpu.transpose %get3A_497, [1, 0] : vector<32x128xf32> -> vector<128x32xf32>
    %get3A_499 = arith.constant 0 : index
    %get3A_500 = arith.constant 12928 : index
    %get3A_501 = vector.load %arg1[%get3A_499, %get3A_500] : memref<32x16384xf32, #tpu.memory_space<vmem>>, vector<32x128xf32>
    %transpose3A_502 = tpu.transpose %get3A_501, [1, 0] : vector<32x128xf32> -> vector<128x32xf32>
    %get3A_503 = arith.constant 0 : index
    %get3A_504 = arith.constant 13056 : index
    %get3A_505 = vector.load %arg1[%get3A_503, %get3A_504] : memref<32x16384xf32, #tpu.memory_space<vmem>>, vector<32x128xf32>
    %transpose3A_506 = tpu.transpose %get3A_505, [1, 0] : vector<32x128xf32> -> vector<128x32xf32>
    %get3A_507 = arith.constant 0 : index
    %get3A_508 = arith.constant 13184 : index
    %get3A_509 = vector.load %arg1[%get3A_507, %get3A_508] : memref<32x16384xf32, #tpu.memory_space<vmem>>, vector<32x128xf32>
    %transpose3A_510 = tpu.transpose %get3A_509, [1, 0] : vector<32x128xf32> -> vector<128x32xf32>
    %concatenate3A_511 = tpu.concatenate %transpose3A_498, %transpose3A_502, %transpose3A_506, %transpose3A_510 in 1 : vector<128x32xf32>, vector<128x32xf32>, vector<128x32xf32>, vector<128x32xf32> -> vector<128x128xf32>
    %reshape3A_512 = vector.shape_cast %concatenate3A_511 : vector<128x128xf32> to vector<16384xf32>
    %swap3A_513 = arith.constant 409600 : index
    %swap3A_514 = vector.load %arg2[%swap3A_513] : memref<524288xf32, #tpu.memory_space<vmem>>, vector<16384xf32>
    tpu.vector_store %arg2[%swap3A_513], %reshape3A_512 {strides = array<i32>} : memref<524288xf32, #tpu.memory_space<vmem>>, vector<16384xf32>,
    %get3A_515 = arith.constant 0 : index
    %get3A_516 = arith.constant 13312 : index
    %get3A_517 = vector.load %arg1[%get3A_515, %get3A_516] : memref<32x16384xf32, #tpu.memory_space<vmem>>, vector<32x128xf32>
    %transpose3A_518 = tpu.transpose %get3A_517, [1, 0] : vector<32x128xf32> -> vector<128x32xf32>
    %get3A_519 = arith.constant 0 : index
    %get3A_520 = arith.constant 13440 : index
    %get3A_521 = vector.load %arg1[%get3A_519, %get3A_520] : memref<32x16384xf32, #tpu.memory_space<vmem>>, vector<32x128xf32>
    %transpose3A_522 = tpu.transpose %get3A_521, [1, 0] : vector<32x128xf32> -> vector<128x32xf32>
    %get3A_523 = arith.constant 0 : index
    %get3A_524 = arith.constant 13568 : index
    %get3A_525 = vector.load %arg1[%get3A_523, %get3A_524] : memref<32x16384xf32, #tpu.memory_space<vmem>>, vector<32x128xf32>
    %transpose3A_526 = tpu.transpose %get3A_525, [1, 0] : vector<32x128xf32> -> vector<128x32xf32>
    %get3A_527 = arith.constant 0 : index
    %get3A_528 = arith.constant 13696 : index
    %get3A_529 = vector.load %arg1[%get3A_527, %get3A_528] : memref<32x16384xf32, #tpu.memory_space<vmem>>, vector<32x128xf32>
    %transpose3A_530 = tpu.transpose %get3A_529, [1, 0] : vector<32x128xf32> -> vector<128x32xf32>
    %concatenate3A_531 = tpu.concatenate %transpose3A_518, %transpose3A_522, %transpose3A_526, %transpose3A_530 in 1 : vector<128x32xf32>, vector<128x32xf32>, vector<128x32xf32>, vector<128x32xf32> -> vector<128x128xf32>
    %reshape3A_532 = vector.shape_cast %concatenate3A_531 : vector<128x128xf32> to vector<16384xf32>
    %swap3A_533 = arith.constant 425984 : index
    %swap3A_534 = vector.load %arg2[%swap3A_533] : memref<524288xf32, #tpu.memory_space<vmem>>, vector<16384xf32>
    tpu.vector_store %arg2[%swap3A_533], %reshape3A_532 {strides = array<i32>} : memref<524288xf32, #tpu.memory_space<vmem>>, vector<16384xf32>,
    %get3A_535 = arith.constant 0 : index
    %get3A_536 = arith.constant 13824 : index
    %get3A_537 = vector.load %arg1[%get3A_535, %get3A_536] : memref<32x16384xf32, #tpu.memory_space<vmem>>, vector<32x128xf32>
    %transpose3A_538 = tpu.transpose %get3A_537, [1, 0] : vector<32x128xf32> -> vector<128x32xf32>
    %get3A_539 = arith.constant 0 : index
    %get3A_540 = arith.constant 13952 : index
    %get3A_541 = vector.load %arg1[%get3A_539, %get3A_540] : memref<32x16384xf32, #tpu.memory_space<vmem>>, vector<32x128xf32>
    %transpose3A_542 = tpu.transpose %get3A_541, [1, 0] : vector<32x128xf32> -> vector<128x32xf32>
    %get3A_543 = arith.constant 0 : index
    %get3A_544 = arith.constant 14080 : index
    %get3A_545 = vector.load %arg1[%get3A_543, %get3A_544] : memref<32x16384xf32, #tpu.memory_space<vmem>>, vector<32x128xf32>
    %transpose3A_546 = tpu.transpose %get3A_545, [1, 0] : vector<32x128xf32> -> vector<128x32xf32>
    %get3A_547 = arith.constant 0 : index
    %get3A_548 = arith.constant 14208 : index
    %get3A_549 = vector.load %arg1[%get3A_547, %get3A_548] : memref<32x16384xf32, #tpu.memory_space<vmem>>, vector<32x128xf32>
    %transpose3A_550 = tpu.transpose %get3A_549, [1, 0] : vector<32x128xf32> -> vector<128x32xf32>
    %concatenate3A_551 = tpu.concatenate %transpose3A_538, %transpose3A_542, %transpose3A_546, %transpose3A_550 in 1 : vector<128x32xf32>, vector<128x32xf32>, vector<128x32xf32>, vector<128x32xf32> -> vector<128x128xf32>
    %reshape3A_552 = vector.shape_cast %concatenate3A_551 : vector<128x128xf32> to vector<16384xf32>
    %swap3A_553 = arith.constant 442368 : index
    %swap3A_554 = vector.load %arg2[%swap3A_553] : memref<524288xf32, #tpu.memory_space<vmem>>, vector<16384xf32>
    tpu.vector_store %arg2[%swap3A_553], %reshape3A_552 {strides = array<i32>} : memref<524288xf32, #tpu.memory_space<vmem>>, vector<16384xf32>,
    %get3A_555 = arith.constant 0 : index
    %get3A_556 = arith.constant 14336 : index
    %get3A_557 = vector.load %arg1[%get3A_555, %get3A_556] : memref<32x16384xf32, #tpu.memory_space<vmem>>, vector<32x128xf32>
    %transpose3A_558 = tpu.transpose %get3A_557, [1, 0] : vector<32x128xf32> -> vector<128x32xf32>
    %get3A_559 = arith.constant 0 : index
    %get3A_560 = arith.constant 14464 : index
    %get3A_561 = vector.load %arg1[%get3A_559, %get3A_560] : memref<32x16384xf32, #tpu.memory_space<vmem>>, vector<32x128xf32>
    %transpose3A_562 = tpu.transpose %get3A_561, [1, 0] : vector<32x128xf32> -> vector<128x32xf32>
    %get3A_563 = arith.constant 0 : index
    %get3A_564 = arith.constant 14592 : index
    %get3A_565 = vector.load %arg1[%get3A_563, %get3A_564] : memref<32x16384xf32, #tpu.memory_space<vmem>>, vector<32x128xf32>
    %transpose3A_566 = tpu.transpose %get3A_565, [1, 0] : vector<32x128xf32> -> vector<128x32xf32>
    %get3A_567 = arith.constant 0 : index
    %get3A_568 = arith.constant 14720 : index
    %get3A_569 = vector.load %arg1[%get3A_567, %get3A_568] : memref<32x16384xf32, #tpu.memory_space<vmem>>, vector<32x128xf32>
    %transpose3A_570 = tpu.transpose %get3A_569, [1, 0] : vector<32x128xf32> -> vector<128x32xf32>
    %concatenate3A_571 = tpu.concatenate %transpose3A_558, %transpose3A_562, %transpose3A_566, %transpose3A_570 in 1 : vector<128x32xf32>, vector<128x32xf32>, vector<128x32xf32>, vector<128x32xf32> -> vector<128x128xf32>
    %reshape3A_572 = vector.shape_cast %concatenate3A_571 : vector<128x128xf32> to vector<16384xf32>
    %swap3A_573 = arith.constant 458752 : index
    %swap3A_574 = vector.load %arg2[%swap3A_573] : memref<524288xf32, #tpu.memory_space<vmem>>, vector<16384xf32>
    tpu.vector_store %arg2[%swap3A_573], %reshape3A_572 {strides = array<i32>} : memref<524288xf32, #tpu.memory_space<vmem>>, vector<16384xf32>,
    %get3A_575 = arith.constant 0 : index
    %get3A_576 = arith.constant 14848 : index
    %get3A_577 = vector.load %arg1[%get3A_575, %get3A_576] : memref<32x16384xf32, #tpu.memory_space<vmem>>, vector<32x128xf32>
    %transpose3A_578 = tpu.transpose %get3A_577, [1, 0] : vector<32x128xf32> -> vector<128x32xf32>
    %get3A_579 = arith.constant 0 : index
    %get3A_580 = arith.constant 14976 : index
    %get3A_581 = vector.load %arg1[%get3A_579, %get3A_580] : memref<32x16384xf32, #tpu.memory_space<vmem>>, vector<32x128xf32>
    %transpose3A_582 = tpu.transpose %get3A_581, [1, 0] : vector<32x128xf32> -> vector<128x32xf32>
    %get3A_583 = arith.constant 0 : index
    %get3A_584 = arith.constant 15104 : index
    %get3A_585 = vector.load %arg1[%get3A_583, %get3A_584] : memref<32x16384xf32, #tpu.memory_space<vmem>>, vector<32x128xf32>
    %transpose3A_586 = tpu.transpose %get3A_585, [1, 0] : vector<32x128xf32> -> vector<128x32xf32>
    %get3A_587 = arith.constant 0 : index
    %get3A_588 = arith.constant 15232 : index
    %get3A_589 = vector.load %arg1[%get3A_587, %get3A_588] : memref<32x16384xf32, #tpu.memory_space<vmem>>, vector<32x128xf32>
    %transpose3A_590 = tpu.transpose %get3A_589, [1, 0] : vector<32x128xf32> -> vector<128x32xf32>
    %concatenate3A_591 = tpu.concatenate %transpose3A_578, %transpose3A_582, %transpose3A_586, %transpose3A_590 in 1 : vector<128x32xf32>, vector<128x32xf32>, vector<128x32xf32>, vector<128x32xf32> -> vector<128x128xf32>
    %reshape3A_592 = vector.shape_cast %concatenate3A_591 : vector<128x128xf32> to vector<16384xf32>
    %swap3A_593 = arith.constant 475136 : index
    %swap3A_594 = vector.load %arg2[%swap3A_593] : memref<524288xf32, #tpu.memory_space<vmem>>, vector<16384xf32>
    tpu.vector_store %arg2[%swap3A_593], %reshape3A_592 {strides = array<i32>} : memref<524288xf32, #tpu.memory_space<vmem>>, vector<16384xf32>,
    %get3A_595 = arith.constant 0 : index
    %get3A_596 = arith.constant 15360 : index
    %get3A_597 = vector.load %arg1[%get3A_595, %get3A_596] : memref<32x16384xf32, #tpu.memory_space<vmem>>, vector<32x128xf32>
    %transpose3A_598 = tpu.transpose %get3A_597, [1, 0] : vector<32x128xf32> -> vector<128x32xf32>
    %get3A_599 = arith.constant 0 : index
    %get3A_600 = arith.constant 15488 : index
    %get3A_601 = vector.load %arg1[%get3A_599, %get3A_600] : memref<32x16384xf32, #tpu.memory_space<vmem>>, vector<32x128xf32>
    %transpose3A_602 = tpu.transpose %get3A_601, [1, 0] : vector<32x128xf32> -> vector<128x32xf32>
    %get3A_603 = arith.constant 0 : index
    %get3A_604 = arith.constant 15616 : index
    %get3A_605 = vector.load %arg1[%get3A_603, %get3A_604] : memref<32x16384xf32, #tpu.memory_space<vmem>>, vector<32x128xf32>
    %transpose3A_606 = tpu.transpose %get3A_605, [1, 0] : vector<32x128xf32> -> vector<128x32xf32>
    %get3A_607 = arith.constant 0 : index
    %get3A_608 = arith.constant 15744 : index
    %get3A_609 = vector.load %arg1[%get3A_607, %get3A_608] : memref<32x16384xf32, #tpu.memory_space<vmem>>, vector<32x128xf32>
    %transpose3A_610 = tpu.transpose %get3A_609, [1, 0] : vector<32x128xf32> -> vector<128x32xf32>
    %concatenate3A_611 = tpu.concatenate %transpose3A_598, %transpose3A_602, %transpose3A_606, %transpose3A_610 in 1 : vector<128x32xf32>, vector<128x32xf32>, vector<128x32xf32>, vector<128x32xf32> -> vector<128x128xf32>
    %reshape3A_612 = vector.shape_cast %concatenate3A_611 : vector<128x128xf32> to vector<16384xf32>
    %swap3A_613 = arith.constant 491520 : index
    %swap3A_614 = vector.load %arg2[%swap3A_613] : memref<524288xf32, #tpu.memory_space<vmem>>, vector<16384xf32>
    tpu.vector_store %arg2[%swap3A_613], %reshape3A_612 {strides = array<i32>} : memref<524288xf32, #tpu.memory_space<vmem>>, vector<16384xf32>,
    %get3A_615 = arith.constant 0 : index
    %get3A_616 = arith.constant 15872 : index
    %get3A_617 = vector.load %arg1[%get3A_615, %get3A_616] : memref<32x16384xf32, #tpu.memory_space<vmem>>, vector<32x128xf32>
    %transpose3A_618 = tpu.transpose %get3A_617, [1, 0] : vector<32x128xf32> -> vector<128x32xf32>
    %get3A_619 = arith.constant 0 : index
    %get3A_620 = arith.constant 16000 : index
    %get3A_621 = vector.load %arg1[%get3A_619, %get3A_620] : memref<32x16384xf32, #tpu.memory_space<vmem>>, vector<32x128xf32>
    %transpose3A_622 = tpu.transpose %get3A_621, [1, 0] : vector<32x128xf32> -> vector<128x32xf32>
    %get3A_623 = arith.constant 0 : index
    %get3A_624 = arith.constant 16128 : index
    %get3A_625 = vector.load %arg1[%get3A_623, %get3A_624] : memref<32x16384xf32, #tpu.memory_space<vmem>>, vector<32x128xf32>
    %transpose3A_626 = tpu.transpose %get3A_625, [1, 0] : vector<32x128xf32> -> vector<128x32xf32>
    %get3A_627 = arith.constant 0 : index
    %get3A_628 = arith.constant 16256 : index
    %get3A_629 = vector.load %arg1[%get3A_627, %get3A_628] : memref<32x16384xf32, #tpu.memory_space<vmem>>, vector<32x128xf32>
    %transpose3A_630 = tpu.transpose %get3A_629, [1, 0] : vector<32x128xf32> -> vector<128x32xf32>
    %concatenate3A_631 = tpu.concatenate %transpose3A_618, %transpose3A_622, %transpose3A_626, %transpose3A_630 in 1 : vector<128x32xf32>, vector<128x32xf32>, vector<128x32xf32>, vector<128x32xf32> -> vector<128x128xf32>
    %reshape3A_632 = vector.shape_cast %concatenate3A_631 : vector<128x128xf32> to vector<16384xf32>
    %swap3A_633 = arith.constant 507904 : index
    %swap3A_634 = vector.load %arg2[%swap3A_633] : memref<524288xf32, #tpu.memory_space<vmem>>, vector<16384xf32>
    tpu.vector_store %arg2[%swap3A_633], %reshape3A_632 {strides = array<i32>} : memref<524288xf32, #tpu.memory_space<vmem>>, vector<16384xf32>,
    return
  }
  func.func @transform_0(%arg0: i32) -> (i32, i32) {
    %c0_i32 = arith.constant 0 : i32
    %c0_i32_0 = arith.constant 0 : i32
    return %c0_i32, %arg0 : i32, i32
  }
  func.func @transform_1(%arg0: i32) -> i32 {
    %c0_i32 = arith.constant 0 : i32
    return %arg0 : i32
  }
}

module attributes {stable_mosaic.version = 14 : i64} {
  func.func @_tr_body(%arg0: i32, %arg1: memref<32x16384xf32, #tpu.memory_space<vmem>>, %arg2: memref<524288xf32, #tpu.memory_space<vmem>>) attributes {dimension_semantics = [#tpu.dimension_semantics<arbitrary>], iteration_bounds = array<i64: 62>, scalar_prefetch = 0 : i64, scratch_operands = 0 : i64, tpu.core_type = #tpu.core_type<tc>, window_params = [{transform_indices = @transform_0, window_bounds = array<i64: 32, 16384>}, {transform_indices = @transform_1, window_bounds = array<i64: 524288>}]} {
    %get3A = arith.constant 0 : index
    %get3A_0 = arith.constant 0 : index
    %get3A_1 = vector.load %arg1[%get3A, %get3A_0] : memref<32x16384xf32, #tpu.memory_space<vmem>>, vector<32x128xf32>
    %transpose3A = tpu.transpose %get3A_1, [1, 0] : vector<32x128xf32> -> vector<128x32xf32>
    %get3A_2 = arith.constant 0 : index
    %get3A_3 = arith.constant 128 : index
    %get3A_4 = vector.load %arg1[%get3A_2, %get3A_3] : memref<32x16384xf32, #tpu.memory_space<vmem>>, vector<32x128xf32>
    %transpose3A_5 = tpu.transpose %get3A_4, [1, 0] : vector<32x128xf32> -> vector<128x32xf32>
    %get3A_6 = arith.constant 0 : index
    %get3A_7 = arith.constant 256 : index
    %get3A_8 = vector.load %arg1[%get3A_6, %get3A_7] : memref<32x16384xf32, #tpu.memory_space<vmem>>, vector<32x128xf32>
    %transpose3A_9 = tpu.transpose %get3A_8, [1, 0] : vector<32x128xf32> -> vector<128x32xf32>
    %get3A_10 = arith.constant 0 : index
    %get3A_11 = arith.constant 384 : index
    %get3A_12 = vector.load %arg1[%get3A_10, %get3A_11] : memref<32x16384xf32, #tpu.memory_space<vmem>>, vector<32x128xf32>
    %transpose3A_13 = tpu.transpose %get3A_12, [1, 0] : vector<32x128xf32> -> vector<128x32xf32>
    %concatenate3A = tpu.concatenate %transpose3A, %transpose3A_5, %transpose3A_9, %transpose3A_13 in 1 : vector<128x32xf32>, vector<128x32xf32>, vector<128x32xf32>, vector<128x32xf32> -> vector<128x128xf32>
    %reshape3A = vector.shape_cast %concatenate3A : vector<128x128xf32> to vector<16384xf32>
    %swap3A = arith.constant 0 : index
    %swap3A_14 = vector.load %arg2[%swap3A] : memref<524288xf32, #tpu.memory_space<vmem>>, vector<16384xf32>
    tpu.vector_store %arg2[%swap3A], %reshape3A {strides = array<i32>} : memref<524288xf32, #tpu.memory_space<vmem>>, vector<16384xf32>,
    %get3A_15 = arith.constant 0 : index
    %get3A_16 = arith.constant 512 : index
    %get3A_17 = vector.load %arg1[%get3A_15, %get3A_16] : memref<32x16384xf32, #tpu.memory_space<vmem>>, vector<32x128xf32>
    %transpose3A_18 = tpu.transpose %get3A_17, [1, 0] : vector<32x128xf32> -> vector<128x32xf32>
    %get3A_19 = arith.constant 0 : index
    %get3A_20 = arith.constant 640 : index
    %get3A_21 = vector.load %arg1[%get3A_19, %get3A_20] : memref<32x16384xf32, #tpu.memory_space<vmem>>, vector<32x128xf32>
    %transpose3A_22 = tpu.transpose %get3A_21, [1, 0] : vector<32x128xf32> -> vector<128x32xf32>
    %get3A_23 = arith.constant 0 : index
    %get3A_24 = arith.constant 768 : index
    %get3A_25 = vector.load %arg1[%get3A_23, %get3A_24] : memref<32x16384xf32, #tpu.memory_space<vmem>>, vector<32x128xf32>
    %transpose3A_26 = tpu.transpose %get3A_25, [1, 0] : vector<32x128xf32> -> vector<128x32xf32>
    %get3A_27 = arith.constant 0 : index
    %get3A_28 = arith.constant 896 : index
    %get3A_29 = vector.load %arg1[%get3A_27, %get3A_28] : memref<32x16384xf32, #tpu.memory_space<vmem>>, vector<32x128xf32>
    %transpose3A_30 = tpu.transpose %get3A_29, [1, 0] : vector<32x128xf32> -> vector<128x32xf32>
    %concatenate3A_31 = tpu.concatenate %transpose3A_18, %transpose3A_22, %transpose3A_26, %transpose3A_30 in 1 : vector<128x32xf32>, vector<128x32xf32>, vector<128x32xf32>, vector<128x32xf32> -> vector<128x128xf32>
    %reshape3A_32 = vector.shape_cast %concatenate3A_31 : vector<128x128xf32> to vector<16384xf32>
    %swap3A_33 = arith.constant 16384 : index
    %swap3A_34 = vector.load %arg2[%swap3A_33] : memref<524288xf32, #tpu.memory_space<vmem>>, vector<16384xf32>
    tpu.vector_store %arg2[%swap3A_33], %reshape3A_32 {strides = array<i32>} : memref<524288xf32, #tpu.memory_space<vmem>>, vector<16384xf32>,
    %get3A_35 = arith.constant 0 : index
    %get3A_36 = arith.constant 1024 : index
    %get3A_37 = vector.load %arg1[%get3A_35, %get3A_36] : memref<32x16384xf32, #tpu.memory_space<vmem>>, vector<32x128xf32>
    %transpose3A_38 = tpu.transpose %get3A_37, [1, 0] : vector<32x128xf32> -> vector<128x32xf32>
    %get3A_39 = arith.constant 0 : index
    %get3A_40 = arith.constant 1152 : index
    %get3A_41 = vector.load %arg1[%get3A_39, %get3A_40] : memref<32x16384xf32, #tpu.memory_space<vmem>>, vector<32x128xf32>
    %transpose3A_42 = tpu.transpose %get3A_41, [1, 0] : vector<32x128xf32> -> vector<128x32xf32>
    %get3A_43 = arith.constant 0 : index
    %get3A_44 = arith.constant 1280 : index
    %get3A_45 = vector.load %arg1[%get3A_43, %get3A_44] : memref<32x16384xf32, #tpu.memory_space<vmem>>, vector<32x128xf32>
    %transpose3A_46 = tpu.transpose %get3A_45, [1, 0] : vector<32x128xf32> -> vector<128x32xf32>
    %get3A_47 = arith.constant 0 : index
    %get3A_48 = arith.constant 1408 : index
    %get3A_49 = vector.load %arg1[%get3A_47, %get3A_48] : memref<32x16384xf32, #tpu.memory_space<vmem>>, vector<32x128xf32>
    %transpose3A_50 = tpu.transpose %get3A_49, [1, 0] : vector<32x128xf32> -> vector<128x32xf32>
    %concatenate3A_51 = tpu.concatenate %transpose3A_38, %transpose3A_42, %transpose3A_46, %transpose3A_50 in 1 : vector<128x32xf32>, vector<128x32xf32>, vector<128x32xf32>, vector<128x32xf32> -> vector<128x128xf32>
    %reshape3A_52 = vector.shape_cast %concatenate3A_51 : vector<128x128xf32> to vector<16384xf32>
    %swap3A_53 = arith.constant 32768 : index
    %swap3A_54 = vector.load %arg2[%swap3A_53] : memref<524288xf32, #tpu.memory_space<vmem>>, vector<16384xf32>
    tpu.vector_store %arg2[%swap3A_53], %reshape3A_52 {strides = array<i32>} : memref<524288xf32, #tpu.memory_space<vmem>>, vector<16384xf32>,
    %get3A_55 = arith.constant 0 : index
    %get3A_56 = arith.constant 1536 : index
    %get3A_57 = vector.load %arg1[%get3A_55, %get3A_56] : memref<32x16384xf32, #tpu.memory_space<vmem>>, vector<32x128xf32>
    %transpose3A_58 = tpu.transpose %get3A_57, [1, 0] : vector<32x128xf32> -> vector<128x32xf32>
    %get3A_59 = arith.constant 0 : index
    %get3A_60 = arith.constant 1664 : index
    %get3A_61 = vector.load %arg1[%get3A_59, %get3A_60] : memref<32x16384xf32, #tpu.memory_space<vmem>>, vector<32x128xf32>
    %transpose3A_62 = tpu.transpose %get3A_61, [1, 0] : vector<32x128xf32> -> vector<128x32xf32>
    %get3A_63 = arith.constant 0 : index
    %get3A_64 = arith.constant 1792 : index
    %get3A_65 = vector.load %arg1[%get3A_63, %get3A_64] : memref<32x16384xf32, #tpu.memory_space<vmem>>, vector<32x128xf32>
    %transpose3A_66 = tpu.transpose %get3A_65, [1, 0] : vector<32x128xf32> -> vector<128x32xf32>
    %get3A_67 = arith.constant 0 : index
    %get3A_68 = arith.constant 1920 : index
    %get3A_69 = vector.load %arg1[%get3A_67, %get3A_68] : memref<32x16384xf32, #tpu.memory_space<vmem>>, vector<32x128xf32>
    %transpose3A_70 = tpu.transpose %get3A_69, [1, 0] : vector<32x128xf32> -> vector<128x32xf32>
    %concatenate3A_71 = tpu.concatenate %transpose3A_58, %transpose3A_62, %transpose3A_66, %transpose3A_70 in 1 : vector<128x32xf32>, vector<128x32xf32>, vector<128x32xf32>, vector<128x32xf32> -> vector<128x128xf32>
    %reshape3A_72 = vector.shape_cast %concatenate3A_71 : vector<128x128xf32> to vector<16384xf32>
    %swap3A_73 = arith.constant 49152 : index
    %swap3A_74 = vector.load %arg2[%swap3A_73] : memref<524288xf32, #tpu.memory_space<vmem>>, vector<16384xf32>
    tpu.vector_store %arg2[%swap3A_73], %reshape3A_72 {strides = array<i32>} : memref<524288xf32, #tpu.memory_space<vmem>>, vector<16384xf32>,
    %get3A_75 = arith.constant 0 : index
    %get3A_76 = arith.constant 2048 : index
    %get3A_77 = vector.load %arg1[%get3A_75, %get3A_76] : memref<32x16384xf32, #tpu.memory_space<vmem>>, vector<32x128xf32>
    %transpose3A_78 = tpu.transpose %get3A_77, [1, 0] : vector<32x128xf32> -> vector<128x32xf32>
    %get3A_79 = arith.constant 0 : index
    %get3A_80 = arith.constant 2176 : index
    %get3A_81 = vector.load %arg1[%get3A_79, %get3A_80] : memref<32x16384xf32, #tpu.memory_space<vmem>>, vector<32x128xf32>
    %transpose3A_82 = tpu.transpose %get3A_81, [1, 0] : vector<32x128xf32> -> vector<128x32xf32>
    %get3A_83 = arith.constant 0 : index
    %get3A_84 = arith.constant 2304 : index
    %get3A_85 = vector.load %arg1[%get3A_83, %get3A_84] : memref<32x16384xf32, #tpu.memory_space<vmem>>, vector<32x128xf32>
    %transpose3A_86 = tpu.transpose %get3A_85, [1, 0] : vector<32x128xf32> -> vector<128x32xf32>
    %get3A_87 = arith.constant 0 : index
    %get3A_88 = arith.constant 2432 : index
    %get3A_89 = vector.load %arg1[%get3A_87, %get3A_88] : memref<32x16384xf32, #tpu.memory_space<vmem>>, vector<32x128xf32>
    %transpose3A_90 = tpu.transpose %get3A_89, [1, 0] : vector<32x128xf32> -> vector<128x32xf32>
    %concatenate3A_91 = tpu.concatenate %transpose3A_78, %transpose3A_82, %transpose3A_86, %transpose3A_90 in 1 : vector<128x32xf32>, vector<128x32xf32>, vector<128x32xf32>, vector<128x32xf32> -> vector<128x128xf32>
    %reshape3A_92 = vector.shape_cast %concatenate3A_91 : vector<128x128xf32> to vector<16384xf32>
    %swap3A_93 = arith.constant 65536 : index
    %swap3A_94 = vector.load %arg2[%swap3A_93] : memref<524288xf32, #tpu.memory_space<vmem>>, vector<16384xf32>
    tpu.vector_store %arg2[%swap3A_93], %reshape3A_92 {strides = array<i32>} : memref<524288xf32, #tpu.memory_space<vmem>>, vector<16384xf32>,
    %get3A_95 = arith.constant 0 : index
    %get3A_96 = arith.constant 2560 : index
    %get3A_97 = vector.load %arg1[%get3A_95, %get3A_96] : memref<32x16384xf32, #tpu.memory_space<vmem>>, vector<32x128xf32>
    %transpose3A_98 = tpu.transpose %get3A_97, [1, 0] : vector<32x128xf32> -> vector<128x32xf32>
    %get3A_99 = arith.constant 0 : index
    %get3A_100 = arith.constant 2688 : index
    %get3A_101 = vector.load %arg1[%get3A_99, %get3A_100] : memref<32x16384xf32, #tpu.memory_space<vmem>>, vector<32x128xf32>
    %transpose3A_102 = tpu.transpose %get3A_101, [1, 0] : vector<32x128xf32> -> vector<128x32xf32>
    %get3A_103 = arith.constant 0 : index
    %get3A_104 = arith.constant 2816 : index
    %get3A_105 = vector.load %arg1[%get3A_103, %get3A_104] : memref<32x16384xf32, #tpu.memory_space<vmem>>, vector<32x128xf32>
    %transpose3A_106 = tpu.transpose %get3A_105, [1, 0] : vector<32x128xf32> -> vector<128x32xf32>
    %get3A_107 = arith.constant 0 : index
    %get3A_108 = arith.constant 2944 : index
    %get3A_109 = vector.load %arg1[%get3A_107, %get3A_108] : memref<32x16384xf32, #tpu.memory_space<vmem>>, vector<32x128xf32>
    %transpose3A_110 = tpu.transpose %get3A_109, [1, 0] : vector<32x128xf32> -> vector<128x32xf32>
    %concatenate3A_111 = tpu.concatenate %transpose3A_98, %transpose3A_102, %transpose3A_106, %transpose3A_110 in 1 : vector<128x32xf32>, vector<128x32xf32>, vector<128x32xf32>, vector<128x32xf32> -> vector<128x128xf32>
    %reshape3A_112 = vector.shape_cast %concatenate3A_111 : vector<128x128xf32> to vector<16384xf32>
    %swap3A_113 = arith.constant 81920 : index
    %swap3A_114 = vector.load %arg2[%swap3A_113] : memref<524288xf32, #tpu.memory_space<vmem>>, vector<16384xf32>
    tpu.vector_store %arg2[%swap3A_113], %reshape3A_112 {strides = array<i32>} : memref<524288xf32, #tpu.memory_space<vmem>>, vector<16384xf32>,
    %get3A_115 = arith.constant 0 : index
    %get3A_116 = arith.constant 3072 : index
    %get3A_117 = vector.load %arg1[%get3A_115, %get3A_116] : memref<32x16384xf32, #tpu.memory_space<vmem>>, vector<32x128xf32>
    %transpose3A_118 = tpu.transpose %get3A_117, [1, 0] : vector<32x128xf32> -> vector<128x32xf32>
    %get3A_119 = arith.constant 0 : index
    %get3A_120 = arith.constant 3200 : index
    %get3A_121 = vector.load %arg1[%get3A_119, %get3A_120] : memref<32x16384xf32, #tpu.memory_space<vmem>>, vector<32x128xf32>
    %transpose3A_122 = tpu.transpose %get3A_121, [1, 0] : vector<32x128xf32> -> vector<128x32xf32>
    %get3A_123 = arith.constant 0 : index
    %get3A_124 = arith.constant 3328 : index
    %get3A_125 = vector.load %arg1[%get3A_123, %get3A_124] : memref<32x16384xf32, #tpu.memory_space<vmem>>, vector<32x128xf32>
    %transpose3A_126 = tpu.transpose %get3A_125, [1, 0] : vector<32x128xf32> -> vector<128x32xf32>
    %get3A_127 = arith.constant 0 : index
    %get3A_128 = arith.constant 3456 : index
    %get3A_129 = vector.load %arg1[%get3A_127, %get3A_128] : memref<32x16384xf32, #tpu.memory_space<vmem>>, vector<32x128xf32>
    %transpose3A_130 = tpu.transpose %get3A_129, [1, 0] : vector<32x128xf32> -> vector<128x32xf32>
    %concatenate3A_131 = tpu.concatenate %transpose3A_118, %transpose3A_122, %transpose3A_126, %transpose3A_130 in 1 : vector<128x32xf32>, vector<128x32xf32>, vector<128x32xf32>, vector<128x32xf32> -> vector<128x128xf32>
    %reshape3A_132 = vector.shape_cast %concatenate3A_131 : vector<128x128xf32> to vector<16384xf32>
    %swap3A_133 = arith.constant 98304 : index
    %swap3A_134 = vector.load %arg2[%swap3A_133] : memref<524288xf32, #tpu.memory_space<vmem>>, vector<16384xf32>
    tpu.vector_store %arg2[%swap3A_133], %reshape3A_132 {strides = array<i32>} : memref<524288xf32, #tpu.memory_space<vmem>>, vector<16384xf32>,
    %get3A_135 = arith.constant 0 : index
    %get3A_136 = arith.constant 3584 : index
    %get3A_137 = vector.load %arg1[%get3A_135, %get3A_136] : memref<32x16384xf32, #tpu.memory_space<vmem>>, vector<32x128xf32>
    %transpose3A_138 = tpu.transpose %get3A_137, [1, 0] : vector<32x128xf32> -> vector<128x32xf32>
    %get3A_139 = arith.constant 0 : index
    %get3A_140 = arith.constant 3712 : index
    %get3A_141 = vector.load %arg1[%get3A_139, %get3A_140] : memref<32x16384xf32, #tpu.memory_space<vmem>>, vector<32x128xf32>
    %transpose3A_142 = tpu.transpose %get3A_141, [1, 0] : vector<32x128xf32> -> vector<128x32xf32>
    %get3A_143 = arith.constant 0 : index
    %get3A_144 = arith.constant 3840 : index
    %get3A_145 = vector.load %arg1[%get3A_143, %get3A_144] : memref<32x16384xf32, #tpu.memory_space<vmem>>, vector<32x128xf32>
    %transpose3A_146 = tpu.transpose %get3A_145, [1, 0] : vector<32x128xf32> -> vector<128x32xf32>
    %get3A_147 = arith.constant 0 : index
    %get3A_148 = arith.constant 3968 : index
    %get3A_149 = vector.load %arg1[%get3A_147, %get3A_148] : memref<32x16384xf32, #tpu.memory_space<vmem>>, vector<32x128xf32>
    %transpose3A_150 = tpu.transpose %get3A_149, [1, 0] : vector<32x128xf32> -> vector<128x32xf32>
    %concatenate3A_151 = tpu.concatenate %transpose3A_138, %transpose3A_142, %transpose3A_146, %transpose3A_150 in 1 : vector<128x32xf32>, vector<128x32xf32>, vector<128x32xf32>, vector<128x32xf32> -> vector<128x128xf32>
    %reshape3A_152 = vector.shape_cast %concatenate3A_151 : vector<128x128xf32> to vector<16384xf32>
    %swap3A_153 = arith.constant 114688 : index
    %swap3A_154 = vector.load %arg2[%swap3A_153] : memref<524288xf32, #tpu.memory_space<vmem>>, vector<16384xf32>
    tpu.vector_store %arg2[%swap3A_153], %reshape3A_152 {strides = array<i32>} : memref<524288xf32, #tpu.memory_space<vmem>>, vector<16384xf32>,
    %get3A_155 = arith.constant 0 : index
    %get3A_156 = arith.constant 4096 : index
    %get3A_157 = vector.load %arg1[%get3A_155, %get3A_156] : memref<32x16384xf32, #tpu.memory_space<vmem>>, vector<32x128xf32>
    %transpose3A_158 = tpu.transpose %get3A_157, [1, 0] : vector<32x128xf32> -> vector<128x32xf32>
    %get3A_159 = arith.constant 0 : index
    %get3A_160 = arith.constant 4224 : index
    %get3A_161 = vector.load %arg1[%get3A_159, %get3A_160] : memref<32x16384xf32, #tpu.memory_space<vmem>>, vector<32x128xf32>
    %transpose3A_162 = tpu.transpose %get3A_161, [1, 0] : vector<32x128xf32> -> vector<128x32xf32>
    %get3A_163 = arith.constant 0 : index
    %get3A_164 = arith.constant 4352 : index
    %get3A_165 = vector.load %arg1[%get3A_163, %get3A_164] : memref<32x16384xf32, #tpu.memory_space<vmem>>, vector<32x128xf32>
    %transpose3A_166 = tpu.transpose %get3A_165, [1, 0] : vector<32x128xf32> -> vector<128x32xf32>
    %get3A_167 = arith.constant 0 : index
    %get3A_168 = arith.constant 4480 : index
    %get3A_169 = vector.load %arg1[%get3A_167, %get3A_168] : memref<32x16384xf32, #tpu.memory_space<vmem>>, vector<32x128xf32>
    %transpose3A_170 = tpu.transpose %get3A_169, [1, 0] : vector<32x128xf32> -> vector<128x32xf32>
    %concatenate3A_171 = tpu.concatenate %transpose3A_158, %transpose3A_162, %transpose3A_166, %transpose3A_170 in 1 : vector<128x32xf32>, vector<128x32xf32>, vector<128x32xf32>, vector<128x32xf32> -> vector<128x128xf32>
    %reshape3A_172 = vector.shape_cast %concatenate3A_171 : vector<128x128xf32> to vector<16384xf32>
    %swap3A_173 = arith.constant 131072 : index
    %swap3A_174 = vector.load %arg2[%swap3A_173] : memref<524288xf32, #tpu.memory_space<vmem>>, vector<16384xf32>
    tpu.vector_store %arg2[%swap3A_173], %reshape3A_172 {strides = array<i32>} : memref<524288xf32, #tpu.memory_space<vmem>>, vector<16384xf32>,
    %get3A_175 = arith.constant 0 : index
    %get3A_176 = arith.constant 4608 : index
    %get3A_177 = vector.load %arg1[%get3A_175, %get3A_176] : memref<32x16384xf32, #tpu.memory_space<vmem>>, vector<32x128xf32>
    %transpose3A_178 = tpu.transpose %get3A_177, [1, 0] : vector<32x128xf32> -> vector<128x32xf32>
    %get3A_179 = arith.constant 0 : index
    %get3A_180 = arith.constant 4736 : index
    %get3A_181 = vector.load %arg1[%get3A_179, %get3A_180] : memref<32x16384xf32, #tpu.memory_space<vmem>>, vector<32x128xf32>
    %transpose3A_182 = tpu.transpose %get3A_181, [1, 0] : vector<32x128xf32> -> vector<128x32xf32>
    %get3A_183 = arith.constant 0 : index
    %get3A_184 = arith.constant 4864 : index
    %get3A_185 = vector.load %arg1[%get3A_183, %get3A_184] : memref<32x16384xf32, #tpu.memory_space<vmem>>, vector<32x128xf32>
    %transpose3A_186 = tpu.transpose %get3A_185, [1, 0] : vector<32x128xf32> -> vector<128x32xf32>
    %get3A_187 = arith.constant 0 : index
    %get3A_188 = arith.constant 4992 : index
    %get3A_189 = vector.load %arg1[%get3A_187, %get3A_188] : memref<32x16384xf32, #tpu.memory_space<vmem>>, vector<32x128xf32>
    %transpose3A_190 = tpu.transpose %get3A_189, [1, 0] : vector<32x128xf32> -> vector<128x32xf32>
    %concatenate3A_191 = tpu.concatenate %transpose3A_178, %transpose3A_182, %transpose3A_186, %transpose3A_190 in 1 : vector<128x32xf32>, vector<128x32xf32>, vector<128x32xf32>, vector<128x32xf32> -> vector<128x128xf32>
    %reshape3A_192 = vector.shape_cast %concatenate3A_191 : vector<128x128xf32> to vector<16384xf32>
    %swap3A_193 = arith.constant 147456 : index
    %swap3A_194 = vector.load %arg2[%swap3A_193] : memref<524288xf32, #tpu.memory_space<vmem>>, vector<16384xf32>
    tpu.vector_store %arg2[%swap3A_193], %reshape3A_192 {strides = array<i32>} : memref<524288xf32, #tpu.memory_space<vmem>>, vector<16384xf32>,
    %get3A_195 = arith.constant 0 : index
    %get3A_196 = arith.constant 5120 : index
    %get3A_197 = vector.load %arg1[%get3A_195, %get3A_196] : memref<32x16384xf32, #tpu.memory_space<vmem>>, vector<32x128xf32>
    %transpose3A_198 = tpu.transpose %get3A_197, [1, 0] : vector<32x128xf32> -> vector<128x32xf32>
    %get3A_199 = arith.constant 0 : index
    %get3A_200 = arith.constant 5248 : index
    %get3A_201 = vector.load %arg1[%get3A_199, %get3A_200] : memref<32x16384xf32, #tpu.memory_space<vmem>>, vector<32x128xf32>
    %transpose3A_202 = tpu.transpose %get3A_201, [1, 0] : vector<32x128xf32> -> vector<128x32xf32>
    %get3A_203 = arith.constant 0 : index
    %get3A_204 = arith.constant 5376 : index
    %get3A_205 = vector.load %arg1[%get3A_203, %get3A_204] : memref<32x16384xf32, #tpu.memory_space<vmem>>, vector<32x128xf32>
    %transpose3A_206 = tpu.transpose %get3A_205, [1, 0] : vector<32x128xf32> -> vector<128x32xf32>
    %get3A_207 = arith.constant 0 : index
    %get3A_208 = arith.constant 5504 : index
    %get3A_209 = vector.load %arg1[%get3A_207, %get3A_208] : memref<32x16384xf32, #tpu.memory_space<vmem>>, vector<32x128xf32>
    %transpose3A_210 = tpu.transpose %get3A_209, [1, 0] : vector<32x128xf32> -> vector<128x32xf32>
    %concatenate3A_211 = tpu.concatenate %transpose3A_198, %transpose3A_202, %transpose3A_206, %transpose3A_210 in 1 : vector<128x32xf32>, vector<128x32xf32>, vector<128x32xf32>, vector<128x32xf32> -> vector<128x128xf32>
    %reshape3A_212 = vector.shape_cast %concatenate3A_211 : vector<128x128xf32> to vector<16384xf32>
    %swap3A_213 = arith.constant 163840 : index
    %swap3A_214 = vector.load %arg2[%swap3A_213] : memref<524288xf32, #tpu.memory_space<vmem>>, vector<16384xf32>
    tpu.vector_store %arg2[%swap3A_213], %reshape3A_212 {strides = array<i32>} : memref<524288xf32, #tpu.memory_space<vmem>>, vector<16384xf32>,
    %get3A_215 = arith.constant 0 : index
    %get3A_216 = arith.constant 5632 : index
    %get3A_217 = vector.load %arg1[%get3A_215, %get3A_216] : memref<32x16384xf32, #tpu.memory_space<vmem>>, vector<32x128xf32>
    %transpose3A_218 = tpu.transpose %get3A_217, [1, 0] : vector<32x128xf32> -> vector<128x32xf32>
    %get3A_219 = arith.constant 0 : index
    %get3A_220 = arith.constant 5760 : index
    %get3A_221 = vector.load %arg1[%get3A_219, %get3A_220] : memref<32x16384xf32, #tpu.memory_space<vmem>>, vector<32x128xf32>
    %transpose3A_222 = tpu.transpose %get3A_221, [1, 0] : vector<32x128xf32> -> vector<128x32xf32>
    %get3A_223 = arith.constant 0 : index
    %get3A_224 = arith.constant 5888 : index
    %get3A_225 = vector.load %arg1[%get3A_223, %get3A_224] : memref<32x16384xf32, #tpu.memory_space<vmem>>, vector<32x128xf32>
    %transpose3A_226 = tpu.transpose %get3A_225, [1, 0] : vector<32x128xf32> -> vector<128x32xf32>
    %get3A_227 = arith.constant 0 : index
    %get3A_228 = arith.constant 6016 : index
    %get3A_229 = vector.load %arg1[%get3A_227, %get3A_228] : memref<32x16384xf32, #tpu.memory_space<vmem>>, vector<32x128xf32>
    %transpose3A_230 = tpu.transpose %get3A_229, [1, 0] : vector<32x128xf32> -> vector<128x32xf32>
    %concatenate3A_231 = tpu.concatenate %transpose3A_218, %transpose3A_222, %transpose3A_226, %transpose3A_230 in 1 : vector<128x32xf32>, vector<128x32xf32>, vector<128x32xf32>, vector<128x32xf32> -> vector<128x128xf32>
    %reshape3A_232 = vector.shape_cast %concatenate3A_231 : vector<128x128xf32> to vector<16384xf32>
    %swap3A_233 = arith.constant 180224 : index
    %swap3A_234 = vector.load %arg2[%swap3A_233] : memref<524288xf32, #tpu.memory_space<vmem>>, vector<16384xf32>
    tpu.vector_store %arg2[%swap3A_233], %reshape3A_232 {strides = array<i32>} : memref<524288xf32, #tpu.memory_space<vmem>>, vector<16384xf32>,
    %get3A_235 = arith.constant 0 : index
    %get3A_236 = arith.constant 6144 : index
    %get3A_237 = vector.load %arg1[%get3A_235, %get3A_236] : memref<32x16384xf32, #tpu.memory_space<vmem>>, vector<32x128xf32>
    %transpose3A_238 = tpu.transpose %get3A_237, [1, 0] : vector<32x128xf32> -> vector<128x32xf32>
    %get3A_239 = arith.constant 0 : index
    %get3A_240 = arith.constant 6272 : index
    %get3A_241 = vector.load %arg1[%get3A_239, %get3A_240] : memref<32x16384xf32, #tpu.memory_space<vmem>>, vector<32x128xf32>
    %transpose3A_242 = tpu.transpose %get3A_241, [1, 0] : vector<32x128xf32> -> vector<128x32xf32>
    %get3A_243 = arith.constant 0 : index
    %get3A_244 = arith.constant 6400 : index
    %get3A_245 = vector.load %arg1[%get3A_243, %get3A_244] : memref<32x16384xf32, #tpu.memory_space<vmem>>, vector<32x128xf32>
    %transpose3A_246 = tpu.transpose %get3A_245, [1, 0] : vector<32x128xf32> -> vector<128x32xf32>
    %get3A_247 = arith.constant 0 : index
    %get3A_248 = arith.constant 6528 : index
    %get3A_249 = vector.load %arg1[%get3A_247, %get3A_248] : memref<32x16384xf32, #tpu.memory_space<vmem>>, vector<32x128xf32>
    %transpose3A_250 = tpu.transpose %get3A_249, [1, 0] : vector<32x128xf32> -> vector<128x32xf32>
    %concatenate3A_251 = tpu.concatenate %transpose3A_238, %transpose3A_242, %transpose3A_246, %transpose3A_250 in 1 : vector<128x32xf32>, vector<128x32xf32>, vector<128x32xf32>, vector<128x32xf32> -> vector<128x128xf32>
    %reshape3A_252 = vector.shape_cast %concatenate3A_251 : vector<128x128xf32> to vector<16384xf32>
    %swap3A_253 = arith.constant 196608 : index
    %swap3A_254 = vector.load %arg2[%swap3A_253] : memref<524288xf32, #tpu.memory_space<vmem>>, vector<16384xf32>
    tpu.vector_store %arg2[%swap3A_253], %reshape3A_252 {strides = array<i32>} : memref<524288xf32, #tpu.memory_space<vmem>>, vector<16384xf32>,
    %get3A_255 = arith.constant 0 : index
    %get3A_256 = arith.constant 6656 : index
    %get3A_257 = vector.load %arg1[%get3A_255, %get3A_256] : memref<32x16384xf32, #tpu.memory_space<vmem>>, vector<32x128xf32>
    %transpose3A_258 = tpu.transpose %get3A_257, [1, 0] : vector<32x128xf32> -> vector<128x32xf32>
    %get3A_259 = arith.constant 0 : index
    %get3A_260 = arith.constant 6784 : index
    %get3A_261 = vector.load %arg1[%get3A_259, %get3A_260] : memref<32x16384xf32, #tpu.memory_space<vmem>>, vector<32x128xf32>
    %transpose3A_262 = tpu.transpose %get3A_261, [1, 0] : vector<32x128xf32> -> vector<128x32xf32>
    %get3A_263 = arith.constant 0 : index
    %get3A_264 = arith.constant 6912 : index
    %get3A_265 = vector.load %arg1[%get3A_263, %get3A_264] : memref<32x16384xf32, #tpu.memory_space<vmem>>, vector<32x128xf32>
    %transpose3A_266 = tpu.transpose %get3A_265, [1, 0] : vector<32x128xf32> -> vector<128x32xf32>
    %get3A_267 = arith.constant 0 : index
    %get3A_268 = arith.constant 7040 : index
    %get3A_269 = vector.load %arg1[%get3A_267, %get3A_268] : memref<32x16384xf32, #tpu.memory_space<vmem>>, vector<32x128xf32>
    %transpose3A_270 = tpu.transpose %get3A_269, [1, 0] : vector<32x128xf32> -> vector<128x32xf32>
    %concatenate3A_271 = tpu.concatenate %transpose3A_258, %transpose3A_262, %transpose3A_266, %transpose3A_270 in 1 : vector<128x32xf32>, vector<128x32xf32>, vector<128x32xf32>, vector<128x32xf32> -> vector<128x128xf32>
    %reshape3A_272 = vector.shape_cast %concatenate3A_271 : vector<128x128xf32> to vector<16384xf32>
    %swap3A_273 = arith.constant 212992 : index
    %swap3A_274 = vector.load %arg2[%swap3A_273] : memref<524288xf32, #tpu.memory_space<vmem>>, vector<16384xf32>
    tpu.vector_store %arg2[%swap3A_273], %reshape3A_272 {strides = array<i32>} : memref<524288xf32, #tpu.memory_space<vmem>>, vector<16384xf32>,
    %get3A_275 = arith.constant 0 : index
    %get3A_276 = arith.constant 7168 : index
    %get3A_277 = vector.load %arg1[%get3A_275, %get3A_276] : memref<32x16384xf32, #tpu.memory_space<vmem>>, vector<32x128xf32>
    %transpose3A_278 = tpu.transpose %get3A_277, [1, 0] : vector<32x128xf32> -> vector<128x32xf32>
    %get3A_279 = arith.constant 0 : index
    %get3A_280 = arith.constant 7296 : index
    %get3A_281 = vector.load %arg1[%get3A_279, %get3A_280] : memref<32x16384xf32, #tpu.memory_space<vmem>>, vector<32x128xf32>
    %transpose3A_282 = tpu.transpose %get3A_281, [1, 0] : vector<32x128xf32> -> vector<128x32xf32>
    %get3A_283 = arith.constant 0 : index
    %get3A_284 = arith.constant 7424 : index
    %get3A_285 = vector.load %arg1[%get3A_283, %get3A_284] : memref<32x16384xf32, #tpu.memory_space<vmem>>, vector<32x128xf32>
    %transpose3A_286 = tpu.transpose %get3A_285, [1, 0] : vector<32x128xf32> -> vector<128x32xf32>
    %get3A_287 = arith.constant 0 : index
    %get3A_288 = arith.constant 7552 : index
    %get3A_289 = vector.load %arg1[%get3A_287, %get3A_288] : memref<32x16384xf32, #tpu.memory_space<vmem>>, vector<32x128xf32>
    %transpose3A_290 = tpu.transpose %get3A_289, [1, 0] : vector<32x128xf32> -> vector<128x32xf32>
    %concatenate3A_291 = tpu.concatenate %transpose3A_278, %transpose3A_282, %transpose3A_286, %transpose3A_290 in 1 : vector<128x32xf32>, vector<128x32xf32>, vector<128x32xf32>, vector<128x32xf32> -> vector<128x128xf32>
    %reshape3A_292 = vector.shape_cast %concatenate3A_291 : vector<128x128xf32> to vector<16384xf32>
    %swap3A_293 = arith.constant 229376 : index
    %swap3A_294 = vector.load %arg2[%swap3A_293] : memref<524288xf32, #tpu.memory_space<vmem>>, vector<16384xf32>
    tpu.vector_store %arg2[%swap3A_293], %reshape3A_292 {strides = array<i32>} : memref<524288xf32, #tpu.memory_space<vmem>>, vector<16384xf32>,
    %get3A_295 = arith.constant 0 : index
    %get3A_296 = arith.constant 7680 : index
    %get3A_297 = vector.load %arg1[%get3A_295, %get3A_296] : memref<32x16384xf32, #tpu.memory_space<vmem>>, vector<32x128xf32>
    %transpose3A_298 = tpu.transpose %get3A_297, [1, 0] : vector<32x128xf32> -> vector<128x32xf32>
    %get3A_299 = arith.constant 0 : index
    %get3A_300 = arith.constant 7808 : index
    %get3A_301 = vector.load %arg1[%get3A_299, %get3A_300] : memref<32x16384xf32, #tpu.memory_space<vmem>>, vector<32x128xf32>
    %transpose3A_302 = tpu.transpose %get3A_301, [1, 0] : vector<32x128xf32> -> vector<128x32xf32>
    %get3A_303 = arith.constant 0 : index
    %get3A_304 = arith.constant 7936 : index
    %get3A_305 = vector.load %arg1[%get3A_303, %get3A_304] : memref<32x16384xf32, #tpu.memory_space<vmem>>, vector<32x128xf32>
    %transpose3A_306 = tpu.transpose %get3A_305, [1, 0] : vector<32x128xf32> -> vector<128x32xf32>
    %get3A_307 = arith.constant 0 : index
    %get3A_308 = arith.constant 8064 : index
    %get3A_309 = vector.load %arg1[%get3A_307, %get3A_308] : memref<32x16384xf32, #tpu.memory_space<vmem>>, vector<32x128xf32>
    %transpose3A_310 = tpu.transpose %get3A_309, [1, 0] : vector<32x128xf32> -> vector<128x32xf32>
    %concatenate3A_311 = tpu.concatenate %transpose3A_298, %transpose3A_302, %transpose3A_306, %transpose3A_310 in 1 : vector<128x32xf32>, vector<128x32xf32>, vector<128x32xf32>, vector<128x32xf32> -> vector<128x128xf32>
    %reshape3A_312 = vector.shape_cast %concatenate3A_311 : vector<128x128xf32> to vector<16384xf32>
    %swap3A_313 = arith.constant 245760 : index
    %swap3A_314 = vector.load %arg2[%swap3A_313] : memref<524288xf32, #tpu.memory_space<vmem>>, vector<16384xf32>
    tpu.vector_store %arg2[%swap3A_313], %reshape3A_312 {strides = array<i32>} : memref<524288xf32, #tpu.memory_space<vmem>>, vector<16384xf32>,
    %get3A_315 = arith.constant 0 : index
    %get3A_316 = arith.constant 8192 : index
    %get3A_317 = vector.load %arg1[%get3A_315, %get3A_316] : memref<32x16384xf32, #tpu.memory_space<vmem>>, vector<32x128xf32>
    %transpose3A_318 = tpu.transpose %get3A_317, [1, 0] : vector<32x128xf32> -> vector<128x32xf32>
    %get3A_319 = arith.constant 0 : index
    %get3A_320 = arith.constant 8320 : index
    %get3A_321 = vector.load %arg1[%get3A_319, %get3A_320] : memref<32x16384xf32, #tpu.memory_space<vmem>>, vector<32x128xf32>
    %transpose3A_322 = tpu.transpose %get3A_321, [1, 0] : vector<32x128xf32> -> vector<128x32xf32>
    %get3A_323 = arith.constant 0 : index
    %get3A_324 = arith.constant 8448 : index
    %get3A_325 = vector.load %arg1[%get3A_323, %get3A_324] : memref<32x16384xf32, #tpu.memory_space<vmem>>, vector<32x128xf32>
    %transpose3A_326 = tpu.transpose %get3A_325, [1, 0] : vector<32x128xf32> -> vector<128x32xf32>
    %get3A_327 = arith.constant 0 : index
    %get3A_328 = arith.constant 8576 : index
    %get3A_329 = vector.load %arg1[%get3A_327, %get3A_328] : memref<32x16384xf32, #tpu.memory_space<vmem>>, vector<32x128xf32>
    %transpose3A_330 = tpu.transpose %get3A_329, [1, 0] : vector<32x128xf32> -> vector<128x32xf32>
    %concatenate3A_331 = tpu.concatenate %transpose3A_318, %transpose3A_322, %transpose3A_326, %transpose3A_330 in 1 : vector<128x32xf32>, vector<128x32xf32>, vector<128x32xf32>, vector<128x32xf32> -> vector<128x128xf32>
    %reshape3A_332 = vector.shape_cast %concatenate3A_331 : vector<128x128xf32> to vector<16384xf32>
    %swap3A_333 = arith.constant 262144 : index
    %swap3A_334 = vector.load %arg2[%swap3A_333] : memref<524288xf32, #tpu.memory_space<vmem>>, vector<16384xf32>
    tpu.vector_store %arg2[%swap3A_333], %reshape3A_332 {strides = array<i32>} : memref<524288xf32, #tpu.memory_space<vmem>>, vector<16384xf32>,
    %get3A_335 = arith.constant 0 : index
    %get3A_336 = arith.constant 8704 : index
    %get3A_337 = vector.load %arg1[%get3A_335, %get3A_336] : memref<32x16384xf32, #tpu.memory_space<vmem>>, vector<32x128xf32>
    %transpose3A_338 = tpu.transpose %get3A_337, [1, 0] : vector<32x128xf32> -> vector<128x32xf32>
    %get3A_339 = arith.constant 0 : index
    %get3A_340 = arith.constant 8832 : index
    %get3A_341 = vector.load %arg1[%get3A_339, %get3A_340] : memref<32x16384xf32, #tpu.memory_space<vmem>>, vector<32x128xf32>
    %transpose3A_342 = tpu.transpose %get3A_341, [1, 0] : vector<32x128xf32> -> vector<128x32xf32>
    %get3A_343 = arith.constant 0 : index
    %get3A_344 = arith.constant 8960 : index
    %get3A_345 = vector.load %arg1[%get3A_343, %get3A_344] : memref<32x16384xf32, #tpu.memory_space<vmem>>, vector<32x128xf32>
    %transpose3A_346 = tpu.transpose %get3A_345, [1, 0] : vector<32x128xf32> -> vector<128x32xf32>
    %get3A_347 = arith.constant 0 : index
    %get3A_348 = arith.constant 9088 : index
    %get3A_349 = vector.load %arg1[%get3A_347, %get3A_348] : memref<32x16384xf32, #tpu.memory_space<vmem>>, vector<32x128xf32>
    %transpose3A_350 = tpu.transpose %get3A_349, [1, 0] : vector<32x128xf32> -> vector<128x32xf32>
    %concatenate3A_351 = tpu.concatenate %transpose3A_338, %transpose3A_342, %transpose3A_346, %transpose3A_350 in 1 : vector<128x32xf32>, vector<128x32xf32>, vector<128x32xf32>, vector<128x32xf32> -> vector<128x128xf32>
    %reshape3A_352 = vector.shape_cast %concatenate3A_351 : vector<128x128xf32> to vector<16384xf32>
    %swap3A_353 = arith.constant 278528 : index
    %swap3A_354 = vector.load %arg2[%swap3A_353] : memref<524288xf32, #tpu.memory_space<vmem>>, vector<16384xf32>
    tpu.vector_store %arg2[%swap3A_353], %reshape3A_352 {strides = array<i32>} : memref<524288xf32, #tpu.memory_space<vmem>>, vector<16384xf32>,
    %get3A_355 = arith.constant 0 : index
    %get3A_356 = arith.constant 9216 : index
    %get3A_357 = vector.load %arg1[%get3A_355, %get3A_356] : memref<32x16384xf32, #tpu.memory_space<vmem>>, vector<32x128xf32>
    %transpose3A_358 = tpu.transpose %get3A_357, [1, 0] : vector<32x128xf32> -> vector<128x32xf32>
    %get3A_359 = arith.constant 0 : index
    %get3A_360 = arith.constant 9344 : index
    %get3A_361 = vector.load %arg1[%get3A_359, %get3A_360] : memref<32x16384xf32, #tpu.memory_space<vmem>>, vector<32x128xf32>
    %transpose3A_362 = tpu.transpose %get3A_361, [1, 0] : vector<32x128xf32> -> vector<128x32xf32>
    %get3A_363 = arith.constant 0 : index
    %get3A_364 = arith.constant 9472 : index
    %get3A_365 = vector.load %arg1[%get3A_363, %get3A_364] : memref<32x16384xf32, #tpu.memory_space<vmem>>, vector<32x128xf32>
    %transpose3A_366 = tpu.transpose %get3A_365, [1, 0] : vector<32x128xf32> -> vector<128x32xf32>
    %get3A_367 = arith.constant 0 : index
    %get3A_368 = arith.constant 9600 : index
    %get3A_369 = vector.load %arg1[%get3A_367, %get3A_368] : memref<32x16384xf32, #tpu.memory_space<vmem>>, vector<32x128xf32>
    %transpose3A_370 = tpu.transpose %get3A_369, [1, 0] : vector<32x128xf32> -> vector<128x32xf32>
    %concatenate3A_371 = tpu.concatenate %transpose3A_358, %transpose3A_362, %transpose3A_366, %transpose3A_370 in 1 : vector<128x32xf32>, vector<128x32xf32>, vector<128x32xf32>, vector<128x32xf32> -> vector<128x128xf32>
    %reshape3A_372 = vector.shape_cast %concatenate3A_371 : vector<128x128xf32> to vector<16384xf32>
    %swap3A_373 = arith.constant 294912 : index
    %swap3A_374 = vector.load %arg2[%swap3A_373] : memref<524288xf32, #tpu.memory_space<vmem>>, vector<16384xf32>
    tpu.vector_store %arg2[%swap3A_373], %reshape3A_372 {strides = array<i32>} : memref<524288xf32, #tpu.memory_space<vmem>>, vector<16384xf32>,
    %get3A_375 = arith.constant 0 : index
    %get3A_376 = arith.constant 9728 : index
    %get3A_377 = vector.load %arg1[%get3A_375, %get3A_376] : memref<32x16384xf32, #tpu.memory_space<vmem>>, vector<32x128xf32>
    %transpose3A_378 = tpu.transpose %get3A_377, [1, 0] : vector<32x128xf32> -> vector<128x32xf32>
    %get3A_379 = arith.constant 0 : index
    %get3A_380 = arith.constant 9856 : index
    %get3A_381 = vector.load %arg1[%get3A_379, %get3A_380] : memref<32x16384xf32, #tpu.memory_space<vmem>>, vector<32x128xf32>
    %transpose3A_382 = tpu.transpose %get3A_381, [1, 0] : vector<32x128xf32> -> vector<128x32xf32>
    %get3A_383 = arith.constant 0 : index
    %get3A_384 = arith.constant 9984 : index
    %get3A_385 = vector.load %arg1[%get3A_383, %get3A_384] : memref<32x16384xf32, #tpu.memory_space<vmem>>, vector<32x128xf32>
    %transpose3A_386 = tpu.transpose %get3A_385, [1, 0] : vector<32x128xf32> -> vector<128x32xf32>
    %get3A_387 = arith.constant 0 : index
    %get3A_388 = arith.constant 10112 : index
    %get3A_389 = vector.load %arg1[%get3A_387, %get3A_388] : memref<32x16384xf32, #tpu.memory_space<vmem>>, vector<32x128xf32>
    %transpose3A_390 = tpu.transpose %get3A_389, [1, 0] : vector<32x128xf32> -> vector<128x32xf32>
    %concatenate3A_391 = tpu.concatenate %transpose3A_378, %transpose3A_382, %transpose3A_386, %transpose3A_390 in 1 : vector<128x32xf32>, vector<128x32xf32>, vector<128x32xf32>, vector<128x32xf32> -> vector<128x128xf32>
    %reshape3A_392 = vector.shape_cast %concatenate3A_391 : vector<128x128xf32> to vector<16384xf32>
    %swap3A_393 = arith.constant 311296 : index
    %swap3A_394 = vector.load %arg2[%swap3A_393] : memref<524288xf32, #tpu.memory_space<vmem>>, vector<16384xf32>
    tpu.vector_store %arg2[%swap3A_393], %reshape3A_392 {strides = array<i32>} : memref<524288xf32, #tpu.memory_space<vmem>>, vector<16384xf32>,
    %get3A_395 = arith.constant 0 : index
    %get3A_396 = arith.constant 10240 : index
    %get3A_397 = vector.load %arg1[%get3A_395, %get3A_396] : memref<32x16384xf32, #tpu.memory_space<vmem>>, vector<32x128xf32>
    %transpose3A_398 = tpu.transpose %get3A_397, [1, 0] : vector<32x128xf32> -> vector<128x32xf32>
    %get3A_399 = arith.constant 0 : index
    %get3A_400 = arith.constant 10368 : index
    %get3A_401 = vector.load %arg1[%get3A_399, %get3A_400] : memref<32x16384xf32, #tpu.memory_space<vmem>>, vector<32x128xf32>
    %transpose3A_402 = tpu.transpose %get3A_401, [1, 0] : vector<32x128xf32> -> vector<128x32xf32>
    %get3A_403 = arith.constant 0 : index
    %get3A_404 = arith.constant 10496 : index
    %get3A_405 = vector.load %arg1[%get3A_403, %get3A_404] : memref<32x16384xf32, #tpu.memory_space<vmem>>, vector<32x128xf32>
    %transpose3A_406 = tpu.transpose %get3A_405, [1, 0] : vector<32x128xf32> -> vector<128x32xf32>
    %get3A_407 = arith.constant 0 : index
    %get3A_408 = arith.constant 10624 : index
    %get3A_409 = vector.load %arg1[%get3A_407, %get3A_408] : memref<32x16384xf32, #tpu.memory_space<vmem>>, vector<32x128xf32>
    %transpose3A_410 = tpu.transpose %get3A_409, [1, 0] : vector<32x128xf32> -> vector<128x32xf32>
    %concatenate3A_411 = tpu.concatenate %transpose3A_398, %transpose3A_402, %transpose3A_406, %transpose3A_410 in 1 : vector<128x32xf32>, vector<128x32xf32>, vector<128x32xf32>, vector<128x32xf32> -> vector<128x128xf32>
    %reshape3A_412 = vector.shape_cast %concatenate3A_411 : vector<128x128xf32> to vector<16384xf32>
    %swap3A_413 = arith.constant 327680 : index
    %swap3A_414 = vector.load %arg2[%swap3A_413] : memref<524288xf32, #tpu.memory_space<vmem>>, vector<16384xf32>
    tpu.vector_store %arg2[%swap3A_413], %reshape3A_412 {strides = array<i32>} : memref<524288xf32, #tpu.memory_space<vmem>>, vector<16384xf32>,
    %get3A_415 = arith.constant 0 : index
    %get3A_416 = arith.constant 10752 : index
    %get3A_417 = vector.load %arg1[%get3A_415, %get3A_416] : memref<32x16384xf32, #tpu.memory_space<vmem>>, vector<32x128xf32>
    %transpose3A_418 = tpu.transpose %get3A_417, [1, 0] : vector<32x128xf32> -> vector<128x32xf32>
    %get3A_419 = arith.constant 0 : index
    %get3A_420 = arith.constant 10880 : index
    %get3A_421 = vector.load %arg1[%get3A_419, %get3A_420] : memref<32x16384xf32, #tpu.memory_space<vmem>>, vector<32x128xf32>
    %transpose3A_422 = tpu.transpose %get3A_421, [1, 0] : vector<32x128xf32> -> vector<128x32xf32>
    %get3A_423 = arith.constant 0 : index
    %get3A_424 = arith.constant 11008 : index
    %get3A_425 = vector.load %arg1[%get3A_423, %get3A_424] : memref<32x16384xf32, #tpu.memory_space<vmem>>, vector<32x128xf32>
    %transpose3A_426 = tpu.transpose %get3A_425, [1, 0] : vector<32x128xf32> -> vector<128x32xf32>
    %get3A_427 = arith.constant 0 : index
    %get3A_428 = arith.constant 11136 : index
    %get3A_429 = vector.load %arg1[%get3A_427, %get3A_428] : memref<32x16384xf32, #tpu.memory_space<vmem>>, vector<32x128xf32>
    %transpose3A_430 = tpu.transpose %get3A_429, [1, 0] : vector<32x128xf32> -> vector<128x32xf32>
    %concatenate3A_431 = tpu.concatenate %transpose3A_418, %transpose3A_422, %transpose3A_426, %transpose3A_430 in 1 : vector<128x32xf32>, vector<128x32xf32>, vector<128x32xf32>, vector<128x32xf32> -> vector<128x128xf32>
    %reshape3A_432 = vector.shape_cast %concatenate3A_431 : vector<128x128xf32> to vector<16384xf32>
    %swap3A_433 = arith.constant 344064 : index
    %swap3A_434 = vector.load %arg2[%swap3A_433] : memref<524288xf32, #tpu.memory_space<vmem>>, vector<16384xf32>
    tpu.vector_store %arg2[%swap3A_433], %reshape3A_432 {strides = array<i32>} : memref<524288xf32, #tpu.memory_space<vmem>>, vector<16384xf32>,
    %get3A_435 = arith.constant 0 : index
    %get3A_436 = arith.constant 11264 : index
    %get3A_437 = vector.load %arg1[%get3A_435, %get3A_436] : memref<32x16384xf32, #tpu.memory_space<vmem>>, vector<32x128xf32>
    %transpose3A_438 = tpu.transpose %get3A_437, [1, 0] : vector<32x128xf32> -> vector<128x32xf32>
    %get3A_439 = arith.constant 0 : index
    %get3A_440 = arith.constant 11392 : index
    %get3A_441 = vector.load %arg1[%get3A_439, %get3A_440] : memref<32x16384xf32, #tpu.memory_space<vmem>>, vector<32x128xf32>
    %transpose3A_442 = tpu.transpose %get3A_441, [1, 0] : vector<32x128xf32> -> vector<128x32xf32>
    %get3A_443 = arith.constant 0 : index
    %get3A_444 = arith.constant 11520 : index
    %get3A_445 = vector.load %arg1[%get3A_443, %get3A_444] : memref<32x16384xf32, #tpu.memory_space<vmem>>, vector<32x128xf32>
    %transpose3A_446 = tpu.transpose %get3A_445, [1, 0] : vector<32x128xf32> -> vector<128x32xf32>
    %get3A_447 = arith.constant 0 : index
    %get3A_448 = arith.constant 11648 : index
    %get3A_449 = vector.load %arg1[%get3A_447, %get3A_448] : memref<32x16384xf32, #tpu.memory_space<vmem>>, vector<32x128xf32>
    %transpose3A_450 = tpu.transpose %get3A_449, [1, 0] : vector<32x128xf32> -> vector<128x32xf32>
    %concatenate3A_451 = tpu.concatenate %transpose3A_438, %transpose3A_442, %transpose3A_446, %transpose3A_450 in 1 : vector<128x32xf32>, vector<128x32xf32>, vector<128x32xf32>, vector<128x32xf32> -> vector<128x128xf32>
    %reshape3A_452 = vector.shape_cast %concatenate3A_451 : vector<128x128xf32> to vector<16384xf32>
    %swap3A_453 = arith.constant 360448 : index
    %swap3A_454 = vector.load %arg2[%swap3A_453] : memref<524288xf32, #tpu.memory_space<vmem>>, vector<16384xf32>
    tpu.vector_store %arg2[%swap3A_453], %reshape3A_452 {strides = array<i32>} : memref<524288xf32, #tpu.memory_space<vmem>>, vector<16384xf32>,
    %get3A_455 = arith.constant 0 : index
    %get3A_456 = arith.constant 11776 : index
    %get3A_457 = vector.load %arg1[%get3A_455, %get3A_456] : memref<32x16384xf32, #tpu.memory_space<vmem>>, vector<32x128xf32>
    %transpose3A_458 = tpu.transpose %get3A_457, [1, 0] : vector<32x128xf32> -> vector<128x32xf32>
    %get3A_459 = arith.constant 0 : index
    %get3A_460 = arith.constant 11904 : index
    %get3A_461 = vector.load %arg1[%get3A_459, %get3A_460] : memref<32x16384xf32, #tpu.memory_space<vmem>>, vector<32x128xf32>
    %transpose3A_462 = tpu.transpose %get3A_461, [1, 0] : vector<32x128xf32> -> vector<128x32xf32>
    %get3A_463 = arith.constant 0 : index
    %get3A_464 = arith.constant 12032 : index
    %get3A_465 = vector.load %arg1[%get3A_463, %get3A_464] : memref<32x16384xf32, #tpu.memory_space<vmem>>, vector<32x128xf32>
    %transpose3A_466 = tpu.transpose %get3A_465, [1, 0] : vector<32x128xf32> -> vector<128x32xf32>
    %get3A_467 = arith.constant 0 : index
    %get3A_468 = arith.constant 12160 : index
    %get3A_469 = vector.load %arg1[%get3A_467, %get3A_468] : memref<32x16384xf32, #tpu.memory_space<vmem>>, vector<32x128xf32>
    %transpose3A_470 = tpu.transpose %get3A_469, [1, 0] : vector<32x128xf32> -> vector<128x32xf32>
    %concatenate3A_471 = tpu.concatenate %transpose3A_458, %transpose3A_462, %transpose3A_466, %transpose3A_470 in 1 : vector<128x32xf32>, vector<128x32xf32>, vector<128x32xf32>, vector<128x32xf32> -> vector<128x128xf32>
    %reshape3A_472 = vector.shape_cast %concatenate3A_471 : vector<128x128xf32> to vector<16384xf32>
    %swap3A_473 = arith.constant 376832 : index
    %swap3A_474 = vector.load %arg2[%swap3A_473] : memref<524288xf32, #tpu.memory_space<vmem>>, vector<16384xf32>
    tpu.vector_store %arg2[%swap3A_473], %reshape3A_472 {strides = array<i32>} : memref<524288xf32, #tpu.memory_space<vmem>>, vector<16384xf32>,
    %get3A_475 = arith.constant 0 : index
    %get3A_476 = arith.constant 12288 : index
    %get3A_477 = vector.load %arg1[%get3A_475, %get3A_476] : memref<32x16384xf32, #tpu.memory_space<vmem>>, vector<32x128xf32>
    %transpose3A_478 = tpu.transpose %get3A_477, [1, 0] : vector<32x128xf32> -> vector<128x32xf32>
    %get3A_479 = arith.constant 0 : index
    %get3A_480 = arith.constant 12416 : index
    %get3A_481 = vector.load %arg1[%get3A_479, %get3A_480] : memref<32x16384xf32, #tpu.memory_space<vmem>>, vector<32x128xf32>
    %transpose3A_482 = tpu.transpose %get3A_481, [1, 0] : vector<32x128xf32> -> vector<128x32xf32>
    %get3A_483 = arith.constant 0 : index
    %get3A_484 = arith.constant 12544 : index
    %get3A_485 = vector.load %arg1[%get3A_483, %get3A_484] : memref<32x16384xf32, #tpu.memory_space<vmem>>, vector<32x128xf32>
    %transpose3A_486 = tpu.transpose %get3A_485, [1, 0] : vector<32x128xf32> -> vector<128x32xf32>
    %get3A_487 = arith.constant 0 : index
    %get3A_488 = arith.constant 12672 : index
    %get3A_489 = vector.load %arg1[%get3A_487, %get3A_488] : memref<32x16384xf32, #tpu.memory_space<vmem>>, vector<32x128xf32>
    %transpose3A_490 = tpu.transpose %get3A_489, [1, 0] : vector<32x128xf32> -> vector<128x32xf32>
    %concatenate3A_491 = tpu.concatenate %transpose3A_478, %transpose3A_482, %transpose3A_486, %transpose3A_490 in 1 : vector<128x32xf32>, vector<128x32xf32>, vector<128x32xf32>, vector<128x32xf32> -> vector<128x128xf32>
    %reshape3A_492 = vector.shape_cast %concatenate3A_491 : vector<128x128xf32> to vector<16384xf32>
    %swap3A_493 = arith.constant 393216 : index
    %swap3A_494 = vector.load %arg2[%swap3A_493] : memref<524288xf32, #tpu.memory_space<vmem>>, vector<16384xf32>
    tpu.vector_store %arg2[%swap3A_493], %reshape3A_492 {strides = array<i32>} : memref<524288xf32, #tpu.memory_space<vmem>>, vector<16384xf32>,
    %get3A_495 = arith.constant 0 : index
    %get3A_496 = arith.constant 12800 : index
    %get3A_497 = vector.load %arg1[%get3A_495, %get3A_496] : memref<32x16384xf32, #tpu.memory_space<vmem>>, vector<32x128xf32>
    %transpose3A_498 = tpu.transpose %get3A_497, [1, 0] : vector<32x128xf32> -> vector<128x32xf32>
    %get3A_499 = arith.constant 0 : index
    %get3A_500 = arith.constant 12928 : index
    %get3A_501 = vector.load %arg1[%get3A_499, %get3A_500] : memref<32x16384xf32, #tpu.memory_space<vmem>>, vector<32x128xf32>
    %transpose3A_502 = tpu.transpose %get3A_501, [1, 0] : vector<32x128xf32> -> vector<128x32xf32>
    %get3A_503 = arith.constant 0 : index
    %get3A_504 = arith.constant 13056 : index
    %get3A_505 = vector.load %arg1[%get3A_503, %get3A_504] : memref<32x16384xf32, #tpu.memory_space<vmem>>, vector<32x128xf32>
    %transpose3A_506 = tpu.transpose %get3A_505, [1, 0] : vector<32x128xf32> -> vector<128x32xf32>
    %get3A_507 = arith.constant 0 : index
    %get3A_508 = arith.constant 13184 : index
    %get3A_509 = vector.load %arg1[%get3A_507, %get3A_508] : memref<32x16384xf32, #tpu.memory_space<vmem>>, vector<32x128xf32>
    %transpose3A_510 = tpu.transpose %get3A_509, [1, 0] : vector<32x128xf32> -> vector<128x32xf32>
    %concatenate3A_511 = tpu.concatenate %transpose3A_498, %transpose3A_502, %transpose3A_506, %transpose3A_510 in 1 : vector<128x32xf32>, vector<128x32xf32>, vector<128x32xf32>, vector<128x32xf32> -> vector<128x128xf32>
    %reshape3A_512 = vector.shape_cast %concatenate3A_511 : vector<128x128xf32> to vector<16384xf32>
    %swap3A_513 = arith.constant 409600 : index
    %swap3A_514 = vector.load %arg2[%swap3A_513] : memref<524288xf32, #tpu.memory_space<vmem>>, vector<16384xf32>
    tpu.vector_store %arg2[%swap3A_513], %reshape3A_512 {strides = array<i32>} : memref<524288xf32, #tpu.memory_space<vmem>>, vector<16384xf32>,
    %get3A_515 = arith.constant 0 : index
    %get3A_516 = arith.constant 13312 : index
    %get3A_517 = vector.load %arg1[%get3A_515, %get3A_516] : memref<32x16384xf32, #tpu.memory_space<vmem>>, vector<32x128xf32>
    %transpose3A_518 = tpu.transpose %get3A_517, [1, 0] : vector<32x128xf32> -> vector<128x32xf32>
    %get3A_519 = arith.constant 0 : index
    %get3A_520 = arith.constant 13440 : index
    %get3A_521 = vector.load %arg1[%get3A_519, %get3A_520] : memref<32x16384xf32, #tpu.memory_space<vmem>>, vector<32x128xf32>
    %transpose3A_522 = tpu.transpose %get3A_521, [1, 0] : vector<32x128xf32> -> vector<128x32xf32>
    %get3A_523 = arith.constant 0 : index
    %get3A_524 = arith.constant 13568 : index
    %get3A_525 = vector.load %arg1[%get3A_523, %get3A_524] : memref<32x16384xf32, #tpu.memory_space<vmem>>, vector<32x128xf32>
    %transpose3A_526 = tpu.transpose %get3A_525, [1, 0] : vector<32x128xf32> -> vector<128x32xf32>
    %get3A_527 = arith.constant 0 : index
    %get3A_528 = arith.constant 13696 : index
    %get3A_529 = vector.load %arg1[%get3A_527, %get3A_528] : memref<32x16384xf32, #tpu.memory_space<vmem>>, vector<32x128xf32>
    %transpose3A_530 = tpu.transpose %get3A_529, [1, 0] : vector<32x128xf32> -> vector<128x32xf32>
    %concatenate3A_531 = tpu.concatenate %transpose3A_518, %transpose3A_522, %transpose3A_526, %transpose3A_530 in 1 : vector<128x32xf32>, vector<128x32xf32>, vector<128x32xf32>, vector<128x32xf32> -> vector<128x128xf32>
    %reshape3A_532 = vector.shape_cast %concatenate3A_531 : vector<128x128xf32> to vector<16384xf32>
    %swap3A_533 = arith.constant 425984 : index
    %swap3A_534 = vector.load %arg2[%swap3A_533] : memref<524288xf32, #tpu.memory_space<vmem>>, vector<16384xf32>
    tpu.vector_store %arg2[%swap3A_533], %reshape3A_532 {strides = array<i32>} : memref<524288xf32, #tpu.memory_space<vmem>>, vector<16384xf32>,
    %get3A_535 = arith.constant 0 : index
    %get3A_536 = arith.constant 13824 : index
    %get3A_537 = vector.load %arg1[%get3A_535, %get3A_536] : memref<32x16384xf32, #tpu.memory_space<vmem>>, vector<32x128xf32>
    %transpose3A_538 = tpu.transpose %get3A_537, [1, 0] : vector<32x128xf32> -> vector<128x32xf32>
    %get3A_539 = arith.constant 0 : index
    %get3A_540 = arith.constant 13952 : index
    %get3A_541 = vector.load %arg1[%get3A_539, %get3A_540] : memref<32x16384xf32, #tpu.memory_space<vmem>>, vector<32x128xf32>
    %transpose3A_542 = tpu.transpose %get3A_541, [1, 0] : vector<32x128xf32> -> vector<128x32xf32>
    %get3A_543 = arith.constant 0 : index
    %get3A_544 = arith.constant 14080 : index
    %get3A_545 = vector.load %arg1[%get3A_543, %get3A_544] : memref<32x16384xf32, #tpu.memory_space<vmem>>, vector<32x128xf32>
    %transpose3A_546 = tpu.transpose %get3A_545, [1, 0] : vector<32x128xf32> -> vector<128x32xf32>
    %get3A_547 = arith.constant 0 : index
    %get3A_548 = arith.constant 14208 : index
    %get3A_549 = vector.load %arg1[%get3A_547, %get3A_548] : memref<32x16384xf32, #tpu.memory_space<vmem>>, vector<32x128xf32>
    %transpose3A_550 = tpu.transpose %get3A_549, [1, 0] : vector<32x128xf32> -> vector<128x32xf32>
    %concatenate3A_551 = tpu.concatenate %transpose3A_538, %transpose3A_542, %transpose3A_546, %transpose3A_550 in 1 : vector<128x32xf32>, vector<128x32xf32>, vector<128x32xf32>, vector<128x32xf32> -> vector<128x128xf32>
    %reshape3A_552 = vector.shape_cast %concatenate3A_551 : vector<128x128xf32> to vector<16384xf32>
    %swap3A_553 = arith.constant 442368 : index
    %swap3A_554 = vector.load %arg2[%swap3A_553] : memref<524288xf32, #tpu.memory_space<vmem>>, vector<16384xf32>
    tpu.vector_store %arg2[%swap3A_553], %reshape3A_552 {strides = array<i32>} : memref<524288xf32, #tpu.memory_space<vmem>>, vector<16384xf32>,
    %get3A_555 = arith.constant 0 : index
    %get3A_556 = arith.constant 14336 : index
    %get3A_557 = vector.load %arg1[%get3A_555, %get3A_556] : memref<32x16384xf32, #tpu.memory_space<vmem>>, vector<32x128xf32>
    %transpose3A_558 = tpu.transpose %get3A_557, [1, 0] : vector<32x128xf32> -> vector<128x32xf32>
    %get3A_559 = arith.constant 0 : index
    %get3A_560 = arith.constant 14464 : index
    %get3A_561 = vector.load %arg1[%get3A_559, %get3A_560] : memref<32x16384xf32, #tpu.memory_space<vmem>>, vector<32x128xf32>
    %transpose3A_562 = tpu.transpose %get3A_561, [1, 0] : vector<32x128xf32> -> vector<128x32xf32>
    %get3A_563 = arith.constant 0 : index
    %get3A_564 = arith.constant 14592 : index
    %get3A_565 = vector.load %arg1[%get3A_563, %get3A_564] : memref<32x16384xf32, #tpu.memory_space<vmem>>, vector<32x128xf32>
    %transpose3A_566 = tpu.transpose %get3A_565, [1, 0] : vector<32x128xf32> -> vector<128x32xf32>
    %get3A_567 = arith.constant 0 : index
    %get3A_568 = arith.constant 14720 : index
    %get3A_569 = vector.load %arg1[%get3A_567, %get3A_568] : memref<32x16384xf32, #tpu.memory_space<vmem>>, vector<32x128xf32>
    %transpose3A_570 = tpu.transpose %get3A_569, [1, 0] : vector<32x128xf32> -> vector<128x32xf32>
    %concatenate3A_571 = tpu.concatenate %transpose3A_558, %transpose3A_562, %transpose3A_566, %transpose3A_570 in 1 : vector<128x32xf32>, vector<128x32xf32>, vector<128x32xf32>, vector<128x32xf32> -> vector<128x128xf32>
    %reshape3A_572 = vector.shape_cast %concatenate3A_571 : vector<128x128xf32> to vector<16384xf32>
    %swap3A_573 = arith.constant 458752 : index
    %swap3A_574 = vector.load %arg2[%swap3A_573] : memref<524288xf32, #tpu.memory_space<vmem>>, vector<16384xf32>
    tpu.vector_store %arg2[%swap3A_573], %reshape3A_572 {strides = array<i32>} : memref<524288xf32, #tpu.memory_space<vmem>>, vector<16384xf32>,
    %get3A_575 = arith.constant 0 : index
    %get3A_576 = arith.constant 14848 : index
    %get3A_577 = vector.load %arg1[%get3A_575, %get3A_576] : memref<32x16384xf32, #tpu.memory_space<vmem>>, vector<32x128xf32>
    %transpose3A_578 = tpu.transpose %get3A_577, [1, 0] : vector<32x128xf32> -> vector<128x32xf32>
    %get3A_579 = arith.constant 0 : index
    %get3A_580 = arith.constant 14976 : index
    %get3A_581 = vector.load %arg1[%get3A_579, %get3A_580] : memref<32x16384xf32, #tpu.memory_space<vmem>>, vector<32x128xf32>
    %transpose3A_582 = tpu.transpose %get3A_581, [1, 0] : vector<32x128xf32> -> vector<128x32xf32>
    %get3A_583 = arith.constant 0 : index
    %get3A_584 = arith.constant 15104 : index
    %get3A_585 = vector.load %arg1[%get3A_583, %get3A_584] : memref<32x16384xf32, #tpu.memory_space<vmem>>, vector<32x128xf32>
    %transpose3A_586 = tpu.transpose %get3A_585, [1, 0] : vector<32x128xf32> -> vector<128x32xf32>
    %get3A_587 = arith.constant 0 : index
    %get3A_588 = arith.constant 15232 : index
    %get3A_589 = vector.load %arg1[%get3A_587, %get3A_588] : memref<32x16384xf32, #tpu.memory_space<vmem>>, vector<32x128xf32>
    %transpose3A_590 = tpu.transpose %get3A_589, [1, 0] : vector<32x128xf32> -> vector<128x32xf32>
    %concatenate3A_591 = tpu.concatenate %transpose3A_578, %transpose3A_582, %transpose3A_586, %transpose3A_590 in 1 : vector<128x32xf32>, vector<128x32xf32>, vector<128x32xf32>, vector<128x32xf32> -> vector<128x128xf32>
    %reshape3A_592 = vector.shape_cast %concatenate3A_591 : vector<128x128xf32> to vector<16384xf32>
    %swap3A_593 = arith.constant 475136 : index
    %swap3A_594 = vector.load %arg2[%swap3A_593] : memref<524288xf32, #tpu.memory_space<vmem>>, vector<16384xf32>
    tpu.vector_store %arg2[%swap3A_593], %reshape3A_592 {strides = array<i32>} : memref<524288xf32, #tpu.memory_space<vmem>>, vector<16384xf32>,
    %get3A_595 = arith.constant 0 : index
    %get3A_596 = arith.constant 15360 : index
    %get3A_597 = vector.load %arg1[%get3A_595, %get3A_596] : memref<32x16384xf32, #tpu.memory_space<vmem>>, vector<32x128xf32>
    %transpose3A_598 = tpu.transpose %get3A_597, [1, 0] : vector<32x128xf32> -> vector<128x32xf32>
    %get3A_599 = arith.constant 0 : index
    %get3A_600 = arith.constant 15488 : index
    %get3A_601 = vector.load %arg1[%get3A_599, %get3A_600] : memref<32x16384xf32, #tpu.memory_space<vmem>>, vector<32x128xf32>
    %transpose3A_602 = tpu.transpose %get3A_601, [1, 0] : vector<32x128xf32> -> vector<128x32xf32>
    %get3A_603 = arith.constant 0 : index
    %get3A_604 = arith.constant 15616 : index
    %get3A_605 = vector.load %arg1[%get3A_603, %get3A_604] : memref<32x16384xf32, #tpu.memory_space<vmem>>, vector<32x128xf32>
    %transpose3A_606 = tpu.transpose %get3A_605, [1, 0] : vector<32x128xf32> -> vector<128x32xf32>
    %get3A_607 = arith.constant 0 : index
    %get3A_608 = arith.constant 15744 : index
    %get3A_609 = vector.load %arg1[%get3A_607, %get3A_608] : memref<32x16384xf32, #tpu.memory_space<vmem>>, vector<32x128xf32>
    %transpose3A_610 = tpu.transpose %get3A_609, [1, 0] : vector<32x128xf32> -> vector<128x32xf32>
    %concatenate3A_611 = tpu.concatenate %transpose3A_598, %transpose3A_602, %transpose3A_606, %transpose3A_610 in 1 : vector<128x32xf32>, vector<128x32xf32>, vector<128x32xf32>, vector<128x32xf32> -> vector<128x128xf32>
    %reshape3A_612 = vector.shape_cast %concatenate3A_611 : vector<128x128xf32> to vector<16384xf32>
    %swap3A_613 = arith.constant 491520 : index
    %swap3A_614 = vector.load %arg2[%swap3A_613] : memref<524288xf32, #tpu.memory_space<vmem>>, vector<16384xf32>
    tpu.vector_store %arg2[%swap3A_613], %reshape3A_612 {strides = array<i32>} : memref<524288xf32, #tpu.memory_space<vmem>>, vector<16384xf32>,
    %get3A_615 = arith.constant 0 : index
    %get3A_616 = arith.constant 15872 : index
    %get3A_617 = vector.load %arg1[%get3A_615, %get3A_616] : memref<32x16384xf32, #tpu.memory_space<vmem>>, vector<32x128xf32>
    %transpose3A_618 = tpu.transpose %get3A_617, [1, 0] : vector<32x128xf32> -> vector<128x32xf32>
    %get3A_619 = arith.constant 0 : index
    %get3A_620 = arith.constant 16000 : index
    %get3A_621 = vector.load %arg1[%get3A_619, %get3A_620] : memref<32x16384xf32, #tpu.memory_space<vmem>>, vector<32x128xf32>
    %transpose3A_622 = tpu.transpose %get3A_621, [1, 0] : vector<32x128xf32> -> vector<128x32xf32>
    %get3A_623 = arith.constant 0 : index
    %get3A_624 = arith.constant 16128 : index
    %get3A_625 = vector.load %arg1[%get3A_623, %get3A_624] : memref<32x16384xf32, #tpu.memory_space<vmem>>, vector<32x128xf32>
    %transpose3A_626 = tpu.transpose %get3A_625, [1, 0] : vector<32x128xf32> -> vector<128x32xf32>
    %get3A_627 = arith.constant 0 : index
    %get3A_628 = arith.constant 16256 : index
    %get3A_629 = vector.load %arg1[%get3A_627, %get3A_628] : memref<32x16384xf32, #tpu.memory_space<vmem>>, vector<32x128xf32>
    %transpose3A_630 = tpu.transpose %get3A_629, [1, 0] : vector<32x128xf32> -> vector<128x32xf32>
    %concatenate3A_631 = tpu.concatenate %transpose3A_618, %transpose3A_622, %transpose3A_626, %transpose3A_630 in 1 : vector<128x32xf32>, vector<128x32xf32>, vector<128x32xf32>, vector<128x32xf32> -> vector<128x128xf32>
    %reshape3A_632 = vector.shape_cast %concatenate3A_631 : vector<128x128xf32> to vector<16384xf32>
    %swap3A_633 = arith.constant 507904 : index
    %swap3A_634 = vector.load %arg2[%swap3A_633] : memref<524288xf32, #tpu.memory_space<vmem>>, vector<16384xf32>
    tpu.vector_store %arg2[%swap3A_633], %reshape3A_632 {strides = array<i32>} : memref<524288xf32, #tpu.memory_space<vmem>>, vector<16384xf32>,
    return
  }
  func.func @transform_0(%arg0: i32) -> (i32, i32) {
    %c0_i32 = arith.constant 0 : i32
    %c0_i32_0 = arith.constant 0 : i32
    return %c0_i32, %arg0 : i32, i32
  }
  func.func @transform_1(%arg0: i32) -> i32 {
    %c0_i32 = arith.constant 0 : i32
    return %arg0 : i32
  }
}

</mosaic_0001>

<sc_bundles>
// kernel: kernel.5.cloned.1.call-start
scs
__scs_entry_jumppad:
0x0: {  	(pc) =	sbr.rel $0x88, $3  }
0x1: {  	(tag) =	ssettag $0x0;
	lr =	simm.s32 $0x1  }
0x2: {  	[smem:$0x3F9B] =	sst lr;
	_ =	strace $0xD0000000  }
0x3: {  	_ = 	snop  }
0x4: {  	_ = 	snop  }
0x5: {  	_ = 	snop  }
0x6: {  	_ = 	snop  }
0x7: {  	_ = 	snop  }
__scs_overlays_trampoline_lowered:
0x8: {  	[smem:$0x3FAA] =	sst s0  }
0x9: {  	[smem:$0x3FAB] =	sst s1  }
0xa: {  	[smem:$0x3FAC] =	sst s2  }
0xb: {  	[smem:$0x3FAD] =	sst s3  }
0xc: {  	[smem:$0x3FAE] =	sst s4  }
0xd: {  	[smem:$0x3FAF] =	sst s5  }
0xe: {  	[smem:$0x3FB0] =	sst s6  }
0xf: {  	[smem:$0x3FB1] =	sst s7  }
0x10: {  	[smem:$0x3FB2] =	sst s8  }
0x11: {  	[smem:$0x3FB3] =	sst s9;
	s0 =	simm.s32 @!p0 $0x0  }
0x12: {  	s1 =	sld [smem:$0x3F99];
	s0 =	simm.s32 @p0 $0x1  }
0x13: {  	[smem:$0x3FB4] =	sst s0;
	s0 =	simm.s32 @!p1 $0x0  }
0x14: {  	s2 =	sld [smem:$0x3F98];
	s0 =	simm.s32 @p1 $0x1  }
0x15: {  	[smem:$0x3FB5] =	sst s0;
	s0 =	simm.s32 @!p2 $0x0  }
0x16: {  	s3 =	sld [smem:$0x3FDB];
	s0 =	simm.s32 @p2 $0x1  }
0x17: {  	s4 =	simm.s32 $0x1BF5;
	[smem:$0x3FB7] =	sst s0  }
0x18: {  	s0 =	sld [smem:$0x3F9A];
	_ =	swait.ge [sflag:s4], $0x0  }
0x19: {  	s7 =	sld [smem:$0x3F9B]  }
0x1a: {  	s8 =	sadd.s32 $0xFFFFE003, lr  }
0x1b: {  	s9 =	sadd.s32 $0xFFFFFEF7, lr;
	s5 =	simm.s32 $0xFFFFFFFF;
	p2 =	slt.u32 s8, $0xFFFFF086  }
0x1c: {  	p1 =	slt.u32 s9, $0xF7A;
	s5 =	simm.s32 @!p2 $0x0  }
0x1d: {  	s5 =	simm.s32 @p1 $0x1;
	p0 =	seq.s32 s7, s2  }
0x1e: {  	s7 =	smul.u32 @!p0 $0xF7A, s2;
	p2 =	seq.s32 @!p0 s5, $0x0  }
0x1f: {  	s9 =	smul.u32 $0xF7A, s1;
	s8 =	simm.s32 @!p0 $0x1BF5;
	p2 =	por !p2, p0  }
0x20: {  	[sflag:s8] =	ssyncset.s32 @!p0 $0xFFFFF086;
	s6 =	sadd.s32 @!p0 s3, s7;
	s7 =	simm.s32 @!p0 $0x108  }
0x21: {  	s3 =	sadd.s32 s3, s9;
	s6 =	sadd.s32 @!p0 $0x88, s6;
	s7 =	simm.s32 @p2 $0x1082  }
0x22: {  	[simem:s7], [sflag:s8] =	dma.local @!p0 [hbm:s6], $0xF7A  }
0x23: {  	s9 =	sor.u32 $0xD0000000, s2;
	s6 =	simm.s32 $0x108;
	_ =	swait.ge @!p0 [sflag:s8], $0x0  }
0x24: {  	s3 =	sadd.s32 $0x88, s3;
	s6 =	simm.s32 @!p1 $0x1082;
	[sflag:s4] =	ssyncset.s32 $0xFFFFF086  }
0x25: {  	[simem:s6], [sflag:s4] =	dma.local [hbm:s3], $0xF7A  }
0x26: {  	[smem:$0x3F9B] =	sst s1;
	(tag) =	ssettag s2;
	_ =	strace s9  }
0x27: {  	s1 =	sld [smem:$0x3FAB]  }
0x28: {  	s2 =	sld [smem:$0x3FAC]  }
0x29: {  	s4 =	sld [smem:$0x3FAE]  }
0x2a: {  	p0 =	seq.s32 s5, $0x0;
	s5 =	sld [smem:$0x3FAF]  }
0x2b: {  	s6 =	sld [smem:$0x3FB0]  }
0x2c: {  	s7 =	sld [smem:$0x3FB1]  }
0x2d: {  	s3 =	simm.s32 $0x108;
	s8 =	sld [smem:$0x3FB2]  }
0x2e: {  	s3 =	simm.s32 @!p0 $0x1082;
	s9 =	sld [smem:$0x3FB3]  }
0x2f: {  	lr =	sadd.s32 s0, s3;
	s0 =	sld [smem:$0x3FAA]  }
0x30: {  	s3 =	sld [smem:$0x3FAD]  }
0x31: {  	[smem:$0x3FB6] =	sst s10  }
0x32: {  	s10 =	sld [smem:$0x3FB4];
	_ =	sdelay $0x3  }
0x33: {  	p0 =	seq.s32 s10, $0x1;
	s10 =	sld [smem:$0x3FB6];
	_ =	sdelay $0x3  }
0x34: {  	[smem:$0x3FB6] =	sst s10  }
0x35: {  	s10 =	sld [smem:$0x3FB5];
	_ =	sdelay $0x3  }
0x36: {  	p1 =	seq.s32 s10, $0x1;
	s10 =	sld [smem:$0x3FB6];
	_ =	sdelay $0x3  }
0x37: {  	[smem:$0x3FB6] =	sst s10  }
0x38: {  	s10 =	sld [smem:$0x3FB7]  }
0x39: {  	_ = 	snop;
	(pc) =	sbr.ind lr, $3  }
0x3a: {  	_ = 	snop  }
0x3b: {  	_ = 	snop  }
0x3c: {  	p2 =	seq.s32 s10, $0x1;
	s10 =	sld [smem:$0x3FB6]  }
0x3d: {  	_ =	shalt  }
0x3e: {  	_ =	shalt  }
0x3f: {  	_ =	shalt  }
0x40: {  	_ =	shalt  }
0x41: {  	_ =	shalt  }
0x42: {  	_ =	shalt  }
0x43: {  	_ =	shalt  }
0x44: {  	_ =	shalt  }
0x45: {  	_ =	shalt  }
0x46: {  	_ =	shalt  }
0x47: {  	_ =	shalt  }
0x48: {  	_ =	shalt  }
0x49: {  	_ =	shalt  }
0x4a: {  	_ =	shalt  }
0x4b: {  	_ =	shalt  }
0x4c: {  	_ =	shalt  }
0x4d: {  	_ =	shalt  }
0x4e: {  	_ =	shalt  }
0x4f: {  	_ =	shalt  }
0x50: {  	_ =	shalt  }
0x51: {  	_ =	shalt  }
0x52: {  	_ =	shalt  }
0x53: {  	_ =	shalt  }
0x54: {  	_ =	shalt  }
0x55: {  	_ =	shalt  }
0x56: {  	_ =	shalt  }
0x57: {  	_ =	shalt  }
0x58: {  	_ =	shalt  }
0x59: {  	_ =	shalt  }
0x5a: {  	_ =	shalt  }
0x5b: {  	_ =	shalt  }
0x5c: {  	_ =	shalt  }
0x5d: {  	_ =	shalt  }
0x5e: {  	_ =	shalt  }
0x5f: {  	_ =	shalt  }
0x60: {  	_ =	shalt  }
0x61: {  	_ =	shalt  }
0x62: {  	_ =	shalt  }
0x63: {  	_ =	shalt  }
0x64: {  	_ =	shalt  }
0x65: {  	_ =	shalt  }
0x66: {  	_ =	shalt  }
0x67: {  	_ =	shalt  }
0x68: {  	_ =	shalt  }
0x69: {  	_ =	shalt  }
0x6a: {  	_ =	shalt  }
0x6b: {  	_ =	shalt  }
0x6c: {  	_ =	shalt  }
0x6d: {  	_ =	shalt  }
0x6e: {  	_ =	shalt  }
0x6f: {  	_ =	shalt  }
0x70: {  	_ =	shalt  }
0x71: {  	_ =	shalt  }
0x72: {  	_ =	shalt  }
0x73: {  	_ =	shalt  }
0x74: {  	_ =	shalt  }
0x75: {  	_ =	shalt  }
0x76: {  	_ =	shalt  }
0x77: {  	_ =	shalt  }
0x78: {  	_ =	shalt  }
0x79: {  	_ =	shalt  }
0x7a: {  	_ =	shalt  }
0x7b: {  	_ =	shalt  }
0x7c: {  	_ =	shalt  }
0x7d: {  	_ =	shalt  }
0x7e: {  	_ =	shalt  }
0x7f: {  	_ =	shalt  }
0x80: {  	_ =	shalt  }
0x81: {  	_ =	shalt  }
0x82: {  	_ =	shalt  }
0x83: {  	_ =	shalt  }
0x84: {  	_ =	shalt  }
0x85: {  	_ =	shalt  }
0x86: {  	_ =	shalt  }
0x87: {  	_ =	shalt  }
.Lfunc_end0:
.L_simem_size_0:
called_computation_lowered:
.L_overlay_start_0:
0x88: {  	s2 =	sld [smem:$0x3FD9]  }
0x89: {  	s3 =	sld [smem:$0x3FFE];
	_ =	sdelay $0x1  }
0x8a: {  	s1 =	srdreg.scid  }
0x8b: {  	s0 =	sand.u32 $0x1, s1  }
0x8c: {  	s17 =	sshll.u32 s0, $0xA;
	s2 =	sadd.s32 s3, s2  }
0x8d: {  	s2 =	sadd.s32 s2, s17  }
0x8e: {  	[smem:$0x3FC2] =	sst s2  }
0x8f: {  	_ = 	snop  }
0x90: {  	s2 =	sld [smem:$0x3FD0];
	(tm) =	ssettm $0x1  }
0x91: {  	s18 =	sld [smem:$0x3FFB];
	_ =	sdelay $0x3  }
0x92: {  	_ =	strace s18  }
0x93: {  	s3 =	sld [smem:$0x3FFC];
	_ =	sdelay $0x3  }
0x94: {  	_ =	strace s3  }
0x95: {  	s3 =	sld [smem:$0x3FFD];
	_ =	sdelay $0x3  }
0x96: {  	_ =	strace s3  }
0x97: {  	_ =	strace $0x8FFFFFFF  }
0x98: {  	s19 =	sld [smem:$0x3FDB];
	_ =	sdelay $0x1  }
0x99: {  	s4 =	simm.s32 $_scs_section_size  }
0x9a: {  	s5 =	simm.s32 $_size__tile_overlayer_lowered;
	s6 =	simm.s32 $_tile_overlayer_lowered  }
0x9b: {  	s22 =	simm.s32 $0x1BFF;
	s21 =	sshll.u32 s6, $0x1;
	s3 =	sadd.s32 s4, s19  }
0x9c: {  	s7 =	simm.s32 $0x0;
	s20 =	sshll.u32 s5, $0x1;
	s5 =	sadd.s32 s21, s3  }
0x9d: {  	[timem:s7], [sflag:s22] =	dma.local [hbm:s5], s20  }
0x9e: {  	_ =	swait.ge [sflag:s22], s20  }
0x9f: {  	s4 =	ssub.s32 $0x0, s20;
	[sflag:s22] =	ssyncset.done $0x0  }
0xa0: {  	[sflag:s22] =	ssyncadd.s32 s4;
	_ =	sdelay $0x1  }
0xa1: {  	s23 =	simm.s32 $0x1B8B  }
0xa2: {  	_ =	swait.ge [sflag:s23], $0x1  }
0xa3: {  	[sflag:s23] =	ssyncset.done $0x0  }
0xa4: {  	s25 =	simm.s32 $0x1B8E;
	s24 =	sld [smem:$0x3FFE];
	[sflag:s23] =	ssyncadd.s32 $0xFFFFFFFF  }
0xa5: {  	s26 =	simm.s32 $execute0_lowered;
	[smem:$0x3FD2] =	sst s25  }
0xa6: {  	s5 =	sshll.u32 s26, $0x1;
	_ =	strace $0x80000046;
	[dreg:$0x1] =	wrdreg $0xFFFFFFFF  }
0xa7: {  	s28 =	simm.s32 $_size_execute0_lowered;
	s3 =	sadd.s32 s3, s5;
	[dreg:$0x0] =	wrdreg $0x0  }
0xa8: {  	s5 =	sshll.u32 s28, $0x1;
	[dreg:$0x2] =	wrdreg s3  }
0xa9: {  	[dreg:$0x3] =	wrdreg s5  }
0xaa: {  	[dreg:$0x4] =	wrdreg $0xC0  }
0xab: {  	_ =	task [dreg:s7], $0x5FFFF  }
0xac: {  	[dreg:$0x1] =	wrdreg $0xFFFFFFFF  }
0xad: {  	[dreg:$0x0] =	wrdreg $0x60  }
0xae: {  	[dreg:$0x2] =	wrdreg s24  }
0xaf: {  	[dreg:$0x3] =	wrdreg s2  }
0xb0: {  	[dreg:$0x4] =	wrdreg $0x9  }
0xb1: {  	_ =	task.clear_ibuf [dreg:s7], $0x5FFFF;
	_ =	strace $0x90000046  }
0xb2: {  	s29 =	simm.s32 $0x9;
	_ =	strace $0x80000048  }
0xb3: {  	_ =	swait.ge [sflag:s29], $0x1  }
0xb4: {  	[sflag:s29] =	ssyncadd.s32 $0xFFFFFFFF  }
0xb5: {  	_ =	strace $0x90000048  }
0xb6: {  	_ =	sfence  }
0xb7: {  	s30 =	sld [smem:$0x0];
	_ =	sdelay $0x2  }
0xb8: {  	s31 =	sshll.u32 s1, $0xD;
	s1 =	sshrl.u32 s1, $0x2  }
0xb9: {  	s3 =	sand.u32 $0x4000, s31;
	s1 =	sadd.s32 s1, s30  }
0xba: {  	s0 =	sor.u32 s3, s0;
	s1 =	sshll.u32 s1, $0x11  }
0xbb: {  	s0 =	sor.u32 s1, s0  }
0xbc: {  	s0 =	sadd.s32 $0x8F2B, s0  }
0xbd: {  	[sflag:s0] =	ssyncadd.remote.s32 $0x1  }
0xbe: {  	_ =	sfence.sel $0xFFFF  }
0xbf: {  	[dreg:$0x0] =	wrdreg $0xFFFFFFFF;
	(pc) =	sbr.abs _section_cstart, $3  }
0xc0: {  	[dreg:$0x1] =	wrdreg $0xFFFFFFFF  }
0xc1: {  	_ =	task.clear_ibuf [dreg:s7], $0x2FFFF;
	_ =	strace $0x9FFFFFFF  }
0xc2: {  	(tm) =	ssettm $0x7FFFFFFF  }
0xc3: {  	_ =	shalt  }
tec
execute0_lowered:
.L_overlay_start_1:
0x0: {  	(tag) =	ssettag $0x1  }
0x1: {  	s0 =	rddreg [dreg:$0x0]  }
0x2: {  	s2 =	rddreg [dreg:$0x1]  }
0x3: {  	s1 =	srdreg.scid;
	s4 =	stileid.u32;
	s3 =	simm.s32 $0x0  }
0x4: {  	s15 =	simm.s32 $0x5;
	s17 =	simm.s32 $0x80;
	s24 =	simm.s32 $0x40  }
0x5: {  	s28 =	simm.s32 $0x20;
	s30 =	simm.s32 $0x640;
	s31 =	simm.s32 $0xB40  }
0x6: {  	s16 =	simm.s32 $0x18480;
	s18 =	simm.s32 $0xC40;
	s19 =	simm.s32 $0x19480  }
0x7: {  	s20 =	simm.s32 $0x1A080;
	s21 =	simm.s32 $0x1;
	s22 =	simm.s32 $0x1A480  }
0x8: {  	s23 =	simm.s32 $0x2;
	s1 =	sand.u32 $0x1, s1;
	s4 =	sshll.u32 s4, $0x1  }
0x9: {  	[smem:$0x7FF] =	sst s3;
	s6 =	sadd.s32 $0x1AE00, s0;
	s7 =	sadd.s32 $0x8AE00, s0  }
0xa: {  	s8 =	sor.u32 s1, s4;
	_ =	strace $0x80000047;
	s1 =	ssub.s32 $0x2, s1  }
0xb: {  	s4 =	sshll.u32 s8, $0x6;
	s5 =	smul.u32 $0x6400, s8;
	s25 =	sshrl.u32 s1, $0x1  }
0xc: {  	s10 =	sadd.s32 s4, s0;
	s4 =	sadd.s32 $0x1E00, s0;
	s0 =	sadd.s32 $0x46AE00, s0  }
0xd: {  	s9 =	sshll.u32 s8, $0x9;
	[dreg:$0x3] =	wrdreg s0;
	s11 =	sshrl.u32 s5, $0x3  }
.Ltmp0:
0xe: {  	s0 =	ssub.s32 s1, s25;
	s29 =	sadd.s32 $0x1600, s10;
	(pc) =	sbr.rel .LBB2_1-.Ltmp0, $4  }
0xf: {  	s25 =	simm.s32 $0x1B080;
	s26 =	sadd.s32 s4, s11;
	[dreg:$0x5] =	wrdreg s29  }
0x10: {  	s10 =	simm.s32 $0x0;
	s0 =	smax.u32 s0, $0x1;
	[dreg:$0x4] =	wrdreg s26  }
0x11: {  	s1 =	sadd.s32 $0xC8, s26;
	[dreg:$0x7] =	wrdreg s0;
	s0 =	simm.s32 $0x17480  }
0x12: {  	s26 =	simm.s32 $0x4;
	[dreg:$0x6] =	wrdreg s1;
	s1 =	simm.s32 $0xBC0  }
.LBB2_8:
0x13: {  	s8 =	simm.s32 $0x3  }
0x14: {  	_ =	swait.ge [sflag:s8], $0xC00  }
0x15: {  	[sflag:s8] =	ssyncset.done $0x0  }
0x16: {  	[sflag:s8] =	ssyncadd.s32 $0xFFFFF400  }
0x17: {  	_ =	swait.ge [sflag:s26], $0xC00  }
0x18: {  	s10 =	rddreg [dreg:$0x8]  }
0x19: {  	s29 =	rddreg [dreg:$0x7];
	s10 =	sadd.s32 $0x1, s10  }
0x1a: {  	p0 =	sne.s32 s10, s29  }
.Ltmp1:
0x1b: {  	_ = 	snop;
	(pc) =	sbr.rel @!p0 .LBB2_9-.Ltmp1, $3  }
0x1c: {  	_ =	sdelay $0x1  }
0x1d: {  	[sflag:s26] =	ssyncset.done $0x0  }
0x1e: {  	[sflag:s26] =	ssyncadd.s32 $0xFFFFF400  }
.LBB2_1:
0x1f: {  	[dreg:$0x8] =	wrdreg s10  }
0x20: {  	s8 =	rddreg [dreg:$0x5];
	s10 =	simm.s32 $0x1BC80  }
0x21: {  	[tilespmem:s10], [sflag:$0x5] =	stream.linear.gather [hbm4b:s8+s3], $0x200, $0x38;
	[tilespmem:$0x1BEC0] =	vst v63  }
0x22: {  	_ =	swait.ge [sflag:s15], $0x200  }
0x23: {  	[sflag:s15] =	ssyncset.done $0x0  }
0x24: {  	s11 =	simm.s32 $0x1BE80;
	s14 =	rddreg [dreg:$0x3];
	[sflag:s15] =	ssyncadd.s32 $0xFFFFFE00  }
0x25: {  	[tilespmem:s11], [sflag:$0x5] =	stream.linear.gather [hbm4b:s14+s3], $0x40, $0x38;
	[tilespmem:$0x1BEC0] =	vst v63  }
0x26: {  	_ =	swait.ge [sflag:s15], $0x40  }
0x27: {  	[sflag:s15] =	ssyncset.done $0x0  }
0x28: {  	s12 =	rddreg [dreg:$0x4];
	[sflag:s15] =	ssyncadd.s32 $0xFFFFFFC0  }
0x29: {  	[tilespmem:s3], [sflag:$0x5] =	stream.linear.gather [hbm4b:s12+s3], $0x640, $0x38;
	[tilespmem:$0x1BEC0] =	vst v63  }
0x2a: {  	_ =	swait.ge [sflag:s15], $0x640  }
0x2b: {  	[sflag:s15] =	ssyncset.done $0x0  }
0x2c: {  	s13 =	simm.s32 $0xC80;
	[sflag:s15] =	ssyncadd.s32 $0xFFFFF9C0  }
0x2d: {  	[tilespmem:s13], [sflag:$0x1] =	stream.indirect.gather [hbm4b:s7+s17], $0x20, s3, s17, $0xb8;
	[tilespmem:$0x1BEC0] =	vst v63  }
0x2e: {  	s14 =	simm.s32 $0x1C80  }
0x2f: {  	[tilespmem:s14], [sflag:$0x1] =	stream.indirect.gather [hbm4b:s7+s17], $0x20, s17, s17, $0xb8;
	[tilespmem:$0x1BEC0] =	vst v63  }
0x30: {  	s11 =	simm.s32 $0x100;
	s12 =	simm.s32 $0x2C80  }
0x31: {  	[tilespmem:s12], [sflag:$0x1] =	stream.indirect.gather [hbm4b:s7+s17], $0x20, s11, s17, $0xb8;
	[tilespmem:$0x1BEC0] =	vst v63  }
0x32: {  	s13 =	simm.s32 $0x180;
	s14 =	simm.s32 $0x3C80  }
0x33: {  	[tilespmem:s14], [sflag:$0x1] =	stream.indirect.gather [hbm4b:s7+s17], $0x20, s13, s17, $0xb8;
	[tilespmem:$0x1BEC0] =	vst v63  }
0x34: {  	s11 =	simm.s32 $0x200;
	s12 =	simm.s32 $0x4C80  }
0x35: {  	[tilespmem:s12], [sflag:$0x1] =	stream.indirect.gather [hbm4b:s7+s17], $0x20, s11, s17, $0xb8;
	[tilespmem:$0x1BEC0] =	vst v63  }
0x36: {  	s13 =	simm.s32 $0x280;
	s14 =	simm.s32 $0x5C80  }
0x37: {  	[tilespmem:s14], [sflag:$0x1] =	stream.indirect.gather [hbm4b:s7+s17], $0x20, s13, s17, $0xb8;
	[tilespmem:$0x1BEC0] =	vst v63  }
0x38: {  	s11 =	simm.s32 $0x300;
	s12 =	simm.s32 $0x6C80  }
0x39: {  	[tilespmem:s12], [sflag:$0x1] =	stream.indirect.gather [hbm4b:s7+s17], $0x20, s11, s17, $0xb8;
	[tilespmem:$0x1BEC0] =	vst v63  }
0x3a: {  	s13 =	simm.s32 $0x380;
	s14 =	simm.s32 $0x7C80  }
0x3b: {  	[tilespmem:s14], [sflag:$0x1] =	stream.indirect.gather [hbm4b:s7+s17], $0x20, s13, s17, $0xb8;
	[tilespmem:$0x1BEC0] =	vst v63  }
0x3c: {  	s11 =	simm.s32 $0x400;
	s12 =	simm.s32 $0x8C80  }
0x3d: {  	[tilespmem:s12], [sflag:$0x1] =	stream.indirect.gather [hbm4b:s7+s17], $0x20, s11, s17, $0xb8;
	[tilespmem:$0x1BEC0] =	vst v63  }
0x3e: {  	s13 =	simm.s32 $0x480;
	s14 =	simm.s32 $0x9C80  }
0x3f: {  	[tilespmem:s14], [sflag:$0x1] =	stream.indirect.gather [hbm4b:s7+s17], $0x20, s13, s17, $0xb8;
	[tilespmem:$0x1BEC0] =	vst v63  }
0x40: {  	s11 =	simm.s32 $0x500;
	s12 =	simm.s32 $0xAC80  }
0x41: {  	[tilespmem:s12], [sflag:$0x1] =	stream.indirect.gather [hbm4b:s7+s17], $0x20, s11, s17, $0xb8;
	[tilespmem:$0x1BEC0] =	vst v63  }
0x42: {  	s13 =	simm.s32 $0x580;
	s14 =	simm.s32 $0xBC80  }
0x43: {  	[tilespmem:s14], [sflag:$0x1] =	stream.indirect.gather [hbm4b:s7+s17], $0x20, s13, s17, $0xb8;
	[tilespmem:$0x1BEC0] =	vst v63  }
0x44: {  	s12 =	simm.s32 $0x600;
	s13 =	simm.s32 $0xCC80  }
0x45: {  	[tilespmem:s13], [sflag:$0x1] =	stream.indirect.gather [hbm4b:s7+s24], $0x20, s12, s24, $0xb8;
	[tilespmem:$0x1BEC0] =	vst v63  }
0x46: {  	s14 =	simm.s32 $0x19C80  }
0x47: {  	[tilespmem:s14], [sflag:$0x1] =	stream.indirect.gather [hbm4b:s6+s28], $0x20, s10, s28, $0xb8;
	[tilespmem:$0x1BEC0] =	vst v63  }
0x48: {  	s11 =	rddreg [dreg:$0x6]  }
0x49: {  	[tilespmem:s30], [sflag:$0x5] =	stream.linear.gather [hbm4b:s11+s3], $0x640, $0x38;
	[tilespmem:$0x1BEC0] =	vst v63  }
0x4a: {  	_ =	swait.ge [sflag:s15], $0x640  }
0x4b: {  	[sflag:s15] =	ssyncset.done $0x0  }
0x4c: {  	s12 =	simm.s32 $0xD480;
	[sflag:s15] =	ssyncadd.s32 $0xFFFFF9C0  }
0x4d: {  	[tilespmem:s12], [sflag:$0x2] =	stream.indirect.gather [hbm4b:s7+s17], $0x20, s30, s17, $0xb8;
	[tilespmem:$0x1BEC0] =	vst v63  }
0x4e: {  	s13 =	simm.s32 $0x6C0;
	s14 =	simm.s32 $0xE480  }
0x4f: {  	[tilespmem:s14], [sflag:$0x2] =	stream.indirect.gather [hbm4b:s7+s17], $0x20, s13, s17, $0xb8;
	[tilespmem:$0x1BEC0] =	vst v63  }
0x50: {  	s11 =	simm.s32 $0x740;
	s12 =	simm.s32 $0xF480  }
0x51: {  	[tilespmem:s12], [sflag:$0x2] =	stream.indirect.gather [hbm4b:s7+s17], $0x20, s11, s17, $0xb8;
	[tilespmem:$0x1BEC0] =	vst v63  }
0x52: {  	s13 =	simm.s32 $0x7C0;
	s14 =	simm.s32 $0x10480  }
0x53: {  	[tilespmem:s14], [sflag:$0x2] =	stream.indirect.gather [hbm4b:s7+s17], $0x20, s13, s17, $0xb8;
	[tilespmem:$0x1BEC0] =	vst v63  }
0x54: {  	s11 =	simm.s32 $0x840;
	s12 =	simm.s32 $0x11480  }
0x55: {  	[tilespmem:s12], [sflag:$0x2] =	stream.indirect.gather [hbm4b:s7+s17], $0x20, s11, s17, $0xb8;
	[tilespmem:$0x1BEC0] =	vst v63  }
0x56: {  	s13 =	simm.s32 $0x8C0;
	s14 =	simm.s32 $0x12480  }
0x57: {  	[tilespmem:s14], [sflag:$0x2] =	stream.indirect.gather [hbm4b:s7+s17], $0x20, s13, s17, $0xb8;
	[tilespmem:$0x1BEC0] =	vst v63  }
0x58: {  	s11 =	simm.s32 $0x940;
	s12 =	simm.s32 $0x13480  }
0x59: {  	[tilespmem:s12], [sflag:$0x2] =	stream.indirect.gather [hbm4b:s7+s17], $0x20, s11, s17, $0xb8;
	[tilespmem:$0x1BEC0] =	vst v63  }
0x5a: {  	s13 =	simm.s32 $0x9C0;
	s14 =	simm.s32 $0x14480  }
0x5b: {  	[tilespmem:s14], [sflag:$0x2] =	stream.indirect.gather [hbm4b:s7+s17], $0x20, s13, s17, $0xb8;
	[tilespmem:$0x1BEC0] =	vst v63  }
0x5c: {  	s10 =	simm.s32 $0xA40;
	s11 =	simm.s32 $0x15480  }
0x5d: {  	[tilespmem:s11], [sflag:$0x2] =	stream.indirect.gather [hbm4b:s7+s17], $0x20, s10, s17, $0xb8;
	[tilespmem:$0x1BEC0] =	vst v63  }
0x5e: {  	s12 =	simm.s32 $0xAC0;
	s13 =	simm.s32 $0x16480  }
0x5f: {  	[tilespmem:s13], [sflag:$0x2] =	stream.indirect.gather [hbm4b:s7+s17], $0x20, s12, s17, $0xb8;
	[tilespmem:$0x1BEC0] =	vst v63  }
0x60: {  	_ = 	snop  }
0x61: {  	[tilespmem:s0], [sflag:$0x2] =	stream.indirect.gather [hbm4b:s7+s17], $0x20, s31, s17, $0xb8;
	[tilespmem:$0x1BEC0] =	vst v63  }
0x62: {  	_ = 	snop  }
0x63: {  	[tilespmem:s16], [sflag:$0x2] =	stream.indirect.gather [hbm4b:s7+s17], $0x20, s1, s17, $0xb8;
	[tilespmem:$0x1BEC0] =	vst v63  }
0x64: {  	_ = 	snop  }
0x65: {  	[tilespmem:s19], [sflag:$0x2] =	stream.indirect.gather [hbm4b:s7+s24], $0x20, s18, s24, $0xb8;
	[tilespmem:$0x1BEC0] =	vst v63  }
0x66: {  	s29 =	simm.s32 $0x0;
	s14 =	simm.s32 $0x1BCA0  }
0x67: {  	[tilespmem:s20], [sflag:$0x2] =	stream.indirect.gather [hbm4b:s6+s28], $0x20, s14, s28, $0xb8;
	[tilespmem:$0x1BEC0] =	vst v63  }
.LBB2_2:
0x68: {  	p0 =	seq.s32 s29, $0x0  }
0x69: {  	s8 =	simm.s32 @!p0 $0x3  }
0x6a: {  	_ =	swait.ge @!p0 [sflag:s8], $0xC00  }
0x6b: {  	[sflag:s8] =	ssyncset.done @!p0 $0x0  }
0x6c: {  	[sflag:s8] =	ssyncadd.s32 @!p0 $0xFFFFF400  }
0x6d: {  	_ =	swait.ge [sflag:s21], $0x1000  }
0x6e: {  	[sflag:s21] =	ssyncset.done $0x0  }
0x6f: {  	[sflag:s21] =	ssyncadd.s32 $0xFFFFF000  }
0x70: {  	_ =	swait.ge [sflag:s21], $0x1000  }
0x71: {  	[sflag:s21] =	ssyncset.done $0x0  }
0x72: {  	[sflag:s21] =	ssyncadd.s32 $0xFFFFF000  }
0x73: {  	_ =	swait.ge [sflag:s21], $0x1000  }
0x74: {  	[sflag:s21] =	ssyncset.done $0x0  }
0x75: {  	[sflag:s21] =	ssyncadd.s32 $0xFFFFF000  }
0x76: {  	_ =	swait.ge [sflag:s21], $0x1000  }
0x77: {  	[sflag:s21] =	ssyncset.done $0x0  }
0x78: {  	[sflag:s21] =	ssyncadd.s32 $0xFFFFF000  }
0x79: {  	_ =	swait.ge [sflag:s21], $0x1000  }
0x7a: {  	[sflag:s21] =	ssyncset.done $0x0  }
0x7b: {  	[sflag:s21] =	ssyncadd.s32 $0xFFFFF000  }
0x7c: {  	_ =	swait.ge [sflag:s21], $0x1000  }
0x7d: {  	[sflag:s21] =	ssyncset.done $0x0  }
0x7e: {  	[sflag:s21] =	ssyncadd.s32 $0xFFFFF000  }
0x7f: {  	_ =	swait.ge [sflag:s21], $0x1000  }
0x80: {  	[sflag:s21] =	ssyncset.done $0x0  }
0x81: {  	[sflag:s21] =	ssyncadd.s32 $0xFFFFF000  }
0x82: {  	_ =	swait.ge [sflag:s21], $0x1000  }
0x83: {  	[sflag:s21] =	ssyncset.done $0x0  }
0x84: {  	[sflag:s21] =	ssyncadd.s32 $0xFFFFF000  }
0x85: {  	_ =	swait.ge [sflag:s21], $0x1000  }
0x86: {  	[sflag:s21] =	ssyncset.done $0x0  }
0x87: {  	[sflag:s21] =	ssyncadd.s32 $0xFFFFF000  }
0x88: {  	_ =	swait.ge [sflag:s21], $0x1000  }
0x89: {  	[sflag:s21] =	ssyncset.done $0x0  }
0x8a: {  	[sflag:s21] =	ssyncadd.s32 $0xFFFFF000  }
0x8b: {  	_ =	swait.ge [sflag:s21], $0x1000  }
0x8c: {  	[sflag:s21] =	ssyncset.done $0x0  }
0x8d: {  	[sflag:s21] =	ssyncadd.s32 $0xFFFFF000  }
0x8e: {  	_ =	swait.ge [sflag:s21], $0x1000  }
0x8f: {  	[sflag:s21] =	ssyncset.done $0x0  }
0x90: {  	[sflag:s21] =	ssyncadd.s32 $0xFFFFF000  }
0x91: {  	_ =	swait.ge [sflag:s21], $0x800  }
0x92: {  	[sflag:s21] =	ssyncset.done $0x0  }
0x93: {  	[sflag:s21] =	ssyncadd.s32 $0xFFFFF800  }
0x94: {  	_ =	swait.ge [sflag:s21], $0x400  }
0x95: {  	[sflag:s21] =	ssyncset.done $0x0  }
0x96: {  	[sflag:s21] =	ssyncadd.s32 $0xFFFFFC00  }
0x97: {  	v5 =	vld [tilespmem:$0x1BEB0];
	_ =	sdelay $0x2  }
0x98: {  	v3 =	vld [tilespmem:$0x1BE80]  }
0x99: {  	v0 =	vimm.s32 $0x2  }
0x9a: {  	v1 =	vperm.xlane v5, v0;
	_ =	sdelay $0x1  }
0x9b: {  	[tilespmem:$0x1FDF0] =	vst v1;
	v1 =	vimm.s32 $0x0  }
0x9c: {  	v2 =	vperm.xlane v3, v1;
	_ =	sdelay $0x1  }
0x9d: {  	[tilespmem:$0x1FE00] =	vst v2;
	v2 =	vimm.s32 $0x1  }
0x9e: {  	v4 =	vperm.xlane v3, v2;
	_ =	sdelay $0x1  }
0x9f: {  	[tilespmem:$0x1FE10] =	vst v4;
	v4 =	vperm.xlane v3, v0  }
0xa0: {  	v6 =	vimm.s32 $0x3  }
0xa1: {  	[tilespmem:$0x1FE20] =	vst v4;
	v4 =	vperm.xlane v3, v6  }
0xa2: {  	v7 =	vimm.s32 $0x4  }
0xa3: {  	v8 =	vimm.s32 $0x5;
	v9 =	vimm.s32 $0x6;
	[tilespmem:$0x1FE30] =	vst v4;
	v4 =	vperm.xlane v3, v7  }
0xa4: {  	v39 =	vimm.s32 $0x7;
	v40 =	vimm.s32 $0x8;
	v41 =	vimm.s32 $0x9  }
0xa5: {  	v42 =	vimm.s32 $0xA;
	v43 =	vimm.s32 $0xB;
	[tilespmem:$0x1FE40] =	vst v4;
	v4 =	vperm.xlane v3, v8  }
0xa6: {  	v44 =	vimm.s32 $0xC;
	v10 =	vperm.xlane v3, v9;
	v11 =	vperm.xlane v3, v39  }
0xa7: {  	v45 =	vimm.s32 $0xD;
	v12 =	vperm.xlane v3, v40;
	v13 =	vperm.xlane v3, v41;
	[tilespmem:$0x1FE50] =	vst v4;
	v4 =	vld [tilespmem:$0x1BE90]  }
0xa8: {  	v46 =	vimm.s32 $0xE;
	v14 =	vperm.xlane v3, v42;
	v15 =	vperm.xlane v3, v43  }
0xa9: {  	v47 =	vimm.s32 $0xF;
	v16 =	vperm.xlane v3, v44;
	v17 =	vperm.xlane v3, v45  }
0xaa: {  	v18 =	vperm.xlane v3, v46;
	v3 =	vperm.xlane v3, v47  }
0xab: {  	[tilespmem:$0x1FE60] =	vst v10  }
0xac: {  	[tilespmem:$0x1FEF0] =	vst v3;
	v3 =	vperm.xlane v4, v1  }
0xad: {  	[tilespmem:$0x1FE70] =	vst v11  }
0xae: {  	[tilespmem:$0x1FF00] =	vst v3;
	v3 =	vperm.xlane v4, v2  }
0xaf: {  	[tilespmem:$0x1FE80] =	vst v12  }
0xb0: {  	[tilespmem:$0x1FF10] =	vst v3;
	v3 =	vperm.xlane v4, v0  }
0xb1: {  	[tilespmem:$0x1FE90] =	vst v13  }
0xb2: {  	[tilespmem:$0x1FF20] =	vst v3;
	v3 =	vperm.xlane v4, v6  }
0xb3: {  	[tilespmem:$0x1FEA0] =	vst v14  }
0xb4: {  	[tilespmem:$0x1FF30] =	vst v3;
	v3 =	vperm.xlane v4, v7  }
0xb5: {  	[tilespmem:$0x1FEB0] =	vst v15;
	v19 =	vperm.xlane v4, v9  }
0xb6: {  	v56 =	vperm.xlane v4, v39;
	[tilespmem:$0x1FF40] =	vst v3;
	v3 =	vperm.xlane v4, v8  }
0xb7: {  	[tilespmem:$0x1FEC0] =	vst v16;
	v57 =	vperm.xlane v4, v40;
	v58 =	vperm.xlane v4, v41  }
0xb8: {  	v59 =	vperm.xlane v4, v42;
	v60 =	vperm.xlane v4, v43;
	[tilespmem:$0x1FF50] =	vst v3;
	v3 =	vld [tilespmem:$0x1BEA0]  }
0xb9: {  	[tilespmem:$0x1FED0] =	vst v17;
	v61 =	vperm.xlane v4, v44;
	v62 =	vperm.xlane v4, v45  }
0xba: {  	[tilespmem:$0x1FEE0] =	vst v18;
	v63 =	vperm.xlane v4, v46;
	v4 =	vperm.xlane v4, v47  }
0xbb: {  	[tilespmem:$0x1FF60] =	vst v19  }
0xbc: {  	[tilespmem:$0x1FFF0] =	vst v4;
	v4 =	vperm.xlane v5, v1;
	v5 =	vperm.xlane v5, v2  }
0xbd: {  	[tilespmem:$0x1FF70] =	vst v56;
	v49 =	vperm.xlane v3, v1;
	v50 =	vperm.xlane v3, v2  }
0xbe: {  	[tilespmem:$0x1FF80] =	vst v57;
	v51 =	vperm.xlane v3, v0;
	v52 =	vperm.xlane v3, v6  }
0xbf: {  	[tilespmem:$0x1FF90] =	vst v58;
	v53 =	vperm.xlane v3, v7;
	v54 =	vperm.xlane v3, v8  }
0xc0: {  	[tilespmem:$0x1FFA0] =	vst v59;
	v55 =	vperm.xlane v3, v9;
	v56 =	vperm.xlane v3, v39  }
0xc1: {  	[tilespmem:$0x1FFB0] =	vst v60;
	v57 =	vperm.xlane v3, v40;
	v58 =	vperm.xlane v3, v41  }
0xc2: {  	[tilespmem:$0x1FFC0] =	vst v61;
	v59 =	vperm.xlane v3, v42;
	v60 =	vperm.xlane v3, v43  }
0xc3: {  	s14 =	sshll.u32 s29, $0x1;
	[tilespmem:$0x1FFD0] =	vst v62;
	v61 =	vperm.xlane v3, v44;
	v62 =	vperm.xlane v3, v45  }
0xc4: {  	s11 =	simm.s32 $0x1A4B0;
	s12 =	simm.s32 $0xFA0;
	s8 =	simm.s32 $0x0;
	[tilespmem:$0x1FFE0] =	vst v63;
	v63 =	vperm.xlane v3, v46;
	v3 =	vperm.xlane v3, v47  }
.LBB2_3:
0xc5: {  	v6 =	vld [tilespmem:s12+$0xFFFFFCE0]  }
0xc6: {  	v7 =	vld [tilespmem:s12+$0xFFFFFCF0]  }
0xc7: {  	v8 =	vld [tilespmem:s12+$0xFFFFFD00]  }
0xc8: {  	v9 =	vld [tilespmem:s12+$0xFFFFFD10]  }
0xc9: {  	v10 =	vld [tilespmem:s12+$0xFFFFFD20]  }
0xca: {  	v11 =	vld [tilespmem:s12+$0xFFFFFD30]  }
0xcb: {  	v12 =	vld [tilespmem:s12+$0xFFFFFD40]  }
0xcc: {  	v13 =	vld [tilespmem:s12+$0xFFFFFD50]  }
0xcd: {  	v14 =	vld [tilespmem:s12+$0xFFFFFD60]  }
0xce: {  	v15 =	vld [tilespmem:s12+$0xFFFFFD70]  }
0xcf: {  	v48 =	vld [tilespmem:$0x1FE40]  }
0xd0: {  	v0 =	vld [tilespmem:s12+$0xFFFFFD80]  }
0xd1: {  	v1 =	vld [tilespmem:s12+$0xFFFFFD90]  }
0xd2: {  	v2 =	vld [tilespmem:s12+$0xFFFFFDA0]  }
0xd3: {  	v16 =	vld [tilespmem:s12+$0xFFFFFDB0]  }
0xd4: {  	v14 =	vmul.f32 v14, v48;
	v15 =	vmul.f32 v15, v48;
	v48 =	vld [tilespmem:$0x1FE50]  }
0xd5: {  	v43 =	vld [tilespmem:$0x1FE10]  }
0xd6: {  	v17 =	vld [tilespmem:s12+$0xFFFFFDC0]  }
0xd7: {  	v18 =	vld [tilespmem:s12+$0xFFFFFDD0]  }
0xd8: {  	v19 =	vld [tilespmem:s12+$0xFFFFFDE0]  }
0xd9: {  	v0 =	vmul.f32 v0, v48;
	v1 =	vmul.f32 v1, v48;
	v48 =	vld [tilespmem:$0x1FE60]  }
0xda: {  	v20 =	vld [tilespmem:s12+$0xFFFFFDF0];
	v8 =	vmul.f32 v8, v43  }
0xdb: {  	v21 =	vld [tilespmem:s12+$0xFFFFFE00]  }
0xdc: {  	v45 =	vld [tilespmem:$0x1FE20];
	v8 =	vadd.f32 $0.0e+00, v8  }
0xdd: {  	v47 =	vld [tilespmem:$0x1FE30]  }
0xde: {  	v0 =	vadd.f32 v0, v8;
	v2 =	vmul.f32 v2, v48;
	v8 =	vmul.f32 v16, v48;
	v48 =	vld [tilespmem:$0x1FE70]  }
0xdf: {  	v22 =	vld [tilespmem:s12+$0xFFFFFE10];
	v9 =	vmul.f32 v9, v43  }
0xe0: {  	v23 =	vld [tilespmem:s12+$0xFFFFFE20]  }
0xe1: {  	v24 =	vld [tilespmem:s12+$0xFFFFFE30];
	v9 =	vadd.f32 $0.0e+00, v9  }
0xe2: {  	v42 =	vld [tilespmem:$0x1FE00];
	v10 =	vmul.f32 v10, v45;
	v12 =	vmul.f32 v12, v47  }
0xe3: {  	v1 =	vadd.f32 v1, v9;
	v9 =	vmul.f32 v17, v48;
	v17 =	vmul.f32 v18, v48;
	v48 =	vld [tilespmem:$0x1FE80]  }
0xe4: {  	v25 =	vld [tilespmem:s12+$0xFFFFFE40];
	v13 =	vmul.f32 v13, v47  }
0xe5: {  	v26 =	vld [tilespmem:s12+$0xFFFFFE50];
	v10 =	vadd.f32 $0.0e+00, v10;
	v12 =	vadd.f32 $0.0e+00, v12  }
0xe6: {  	v27 =	vld [tilespmem:s12+$0xFFFFFE60];
	v13 =	vadd.f32 $0.0e+00, v13  }
0xe7: {  	v28 =	vld [tilespmem:s12+$0xFFFFFE70];
	v6 =	vmul.f32 v6, v42;
	v2 =	vadd.f32 v2, v10;
	v9 =	vadd.f32 v9, v12  }
0xe8: {  	v12 =	vadd.f32 v17, v13;
	v10 =	vmul.f32 v19, v48;
	v13 =	vmul.f32 v20, v48;
	v48 =	vld [tilespmem:$0x1FE90]  }
0xe9: {  	v29 =	vld [tilespmem:s12+$0xFFFFFE80];
	v6 =	vadd.f32 $0.0e+00, v6  }
0xea: {  	v30 =	vld [tilespmem:s12+$0xFFFFFE90]  }
0xeb: {  	v31 =	vld [tilespmem:s12+$0xFFFFFEA0];
	v6 =	vadd.f32 v14, v6  }
0xec: {  	v32 =	vld [tilespmem:s12+$0xFFFFFEB0]  }
0xed: {  	v6 =	vadd.f32 v10, v6;
	v10 =	vmul.f32 v21, v48;
	v21 =	vld [tilespmem:$0x1FEA0]  }
0xee: {  	v33 =	vld [tilespmem:s12+$0xFFFFFEC0]  }
0xef: {  	v34 =	vld [tilespmem:s12+$0xFFFFFED0]  }
0xf0: {  	v35 =	vld [tilespmem:s12+$0xFFFFFEE0]  }
0xf1: {  	v36 =	vld [tilespmem:s12+$0xFFFFFEF0];
	v19 =	vmul.f32 v22, v48  }
0xf2: {  	v48 =	vmul.f32 v23, v21;
	v21 =	vmul.f32 v24, v21;
	v24 =	vld [tilespmem:$0x1FEB0]  }
0xf3: {  	v37 =	vld [tilespmem:s12+$0xFFFFFF00]  }
0xf4: {  	v38 =	vld [tilespmem:s12+$0xFFFFFF10]  }
0xf5: {  	v39 =	vld [tilespmem:s12+$0xFFFFFF20]  }
0xf6: {  	v40 =	vld [tilespmem:s12+$0xFFFFFF30]  }
0xf7: {  	v2 =	vadd.f32 v48, v2;
	v48 =	vmul.f32 v26, v24;
	v26 =	vld [tilespmem:$0x1FEC0]  }
0xf8: {  	v41 =	vld [tilespmem:s12+$0xFFFFFF40]  }
0xf9: {  	v44 =	vld [tilespmem:s12+$0xFFFFFF70]  }
0xfa: {  	v46 =	vld [tilespmem:s12+$0xFFFFFF90]  }
0xfb: {  	v7 =	vmul.f32 v7, v42;
	v42 =	vld [tilespmem:s12+$0xFFFFFF50]  }
0xfc: {  	v23 =	vmul.f32 v28, v26;
	v28 =	vld [tilespmem:$0x1FED0]  }
0xfd: {  	v43 =	vld [tilespmem:s12+$0xFFFFFF60]  }
0xfe: {  	v11 =	vmul.f32 v11, v45;
	v45 =	vld [tilespmem:s12+$0xFFFFFF80]  }
0xff: {  	v47 =	vld [tilespmem:s12+$0xFFFFFFA0];
	v25 =	vmul.f32 v25, v24  }
0x100: {  	v7 =	vadd.f32 $0.0e+00, v7;
	v14 =	vld [tilespmem:s12+$0xFFFFFFB0]  }
0x101: {  	v11 =	vadd.f32 $0.0e+00, v11;
	v9 =	vadd.f32 v25, v9;
	v25 =	vmul.f32 v30, v28;
	v30 =	vld [tilespmem:$0x1FEE0]  }
0x102: {  	v7 =	vadd.f32 v15, v7;
	v15 =	vld [tilespmem:s12+$0xFFFFFFC0]  }
0x103: {  	v16 =	vld [tilespmem:s12+$0xFFFFFFD0];
	v8 =	vadd.f32 v8, v11  }
0x104: {  	v11 =	vld [tilespmem:s12+$0xFFFFFFF0];
	v0 =	vadd.f32 v10, v0;
	v12 =	vadd.f32 v48, v12;
	v48 =	vmul.f32 v29, v28  }
0x105: {  	v18 =	vld [tilespmem:s12+$0xFFFFFFE0]  }
0x106: {  	v0 =	vadd.f32 v48, v0;
	v48 =	vmul.f32 v32, v30;
	v32 =	vld [tilespmem:$0x1FEF0]  }
0x107: {  	v17 =	vld [tilespmem:s12+$0x0]  }
0x108: {  	v20 =	vld [tilespmem:s12+$0x10]  }
0x109: {  	v22 =	vld [tilespmem:s12+$0x20]  }
0x10a: {  	v1 =	vadd.f32 v19, v1;
	v19 =	vld [tilespmem:s12+$0x30]  }
0x10b: {  	v10 =	vmul.f32 v27, v26;
	v27 =	vmul.f32 v34, v32;
	v34 =	vld [tilespmem:$0x1FF00]  }
0x10c: {  	v8 =	vadd.f32 v21, v8;
	v21 =	vld [tilespmem:s12+$0x40]  }
0x10d: {  	v7 =	vadd.f32 v13, v7;
	v24 =	vld [tilespmem:s12+$0x50]  }
0x10e: {  	v26 =	vld [tilespmem:s12+$0x60]  }
0x10f: {  	v7 =	vadd.f32 v23, v7;
	v23 =	vld [tilespmem:s12+$0x70]  }
0x110: {  	v29 =	vmul.f32 v36, v34;
	v36 =	vld [tilespmem:$0x1FF10]  }
0x111: {  	v28 =	vld [tilespmem:s12+$0x90]  }
0x112: {  	v1 =	vadd.f32 v25, v1;
	v25 =	vld [tilespmem:s12+$0x80]  }
0x113: {  	v31 =	vmul.f32 v31, v30;
	v30 =	vld [tilespmem:s12+$0xA0]  }
0x114: {  	v33 =	vmul.f32 v33, v32;
	v32 =	vld [tilespmem:s12+$0xD0]  }
0x115: {  	v8 =	vadd.f32 v48, v8;
	v37 =	vmul.f32 v37, v36;
	v48 =	vmul.f32 v38, v36;
	v36 =	vld [tilespmem:$0x1FF20]  }
0x116: {  	v38 =	vld [tilespmem:$0x1FF30]  }
0x117: {  	v6 =	vadd.f32 v10, v6;
	v10 =	vadd.f32 v27, v12;
	v27 =	vld [tilespmem:s12+$0xB0]  }
0x118: {  	v12 =	vld [tilespmem:s12+$0x170]  }
0x119: {  	v2 =	vadd.f32 v31, v2;
	v35 =	vmul.f32 v35, v34;
	v34 =	vld [tilespmem:s12+$0xE0]  }
0x11a: {  	v9 =	vadd.f32 v33, v9;
	v7 =	vadd.f32 v29, v7;
	v31 =	vmul.f32 v40, v36;
	v40 =	vld [tilespmem:$0x1FF40]  }
0x11b: {  	v29 =	vld [tilespmem:s12+$0xC0];
	v0 =	vadd.f32 v37, v0;
	v37 =	vmul.f32 v39, v36;
	v39 =	vmul.f32 v41, v38  }
0x11c: {  	v36 =	vld [tilespmem:s12+$0x110]  }
0x11d: {  	v9 =	vadd.f32 v39, v9;
	v39 =	vld [tilespmem:$0x1FF80]  }
0x11e: {  	v33 =	vmul.f32 v42, v38;
	v8 =	vadd.f32 v31, v8;
	v31 =	vld [tilespmem:s12+$0xF0]  }
0x11f: {  	v41 =	vmul.f32 v43, v40;
	v43 =	vld [tilespmem:$0x1FF50]  }
0x120: {  	v6 =	vadd.f32 v35, v6;
	v10 =	vadd.f32 v33, v10;
	v33 =	vld [tilespmem:s12+$0x100]  }
0x121: {  	v2 =	vadd.f32 v37, v2;
	v37 =	vld [tilespmem:s12+$0x120]  }
0x122: {  	v42 =	vmul.f32 v44, v40;
	v6 =	vadd.f32 v41, v6;
	v40 =	vmul.f32 v18, v39;
	v41 =	vld [tilespmem:$0x1FF90]  }
0x123: {  	v18 =	vld [tilespmem:s12+$0x160]  }
0x124: {  	v6 =	vadd.f32 v40, v6;
	v40 =	vld [tilespmem:$0x1FFE0];
	v44 =	vmul.f32 v45, v43  }
0x125: {  	v45 =	vld [tilespmem:$0x1FF60]  }
0x126: {  	v1 =	vadd.f32 v48, v1;
	v0 =	vadd.f32 v44, v0;
	v44 =	vld [tilespmem:$0x1FFA0]  }
0x127: {  	v7 =	vadd.f32 v42, v7;
	v35 =	vmul.f32 v46, v43;
	v42 =	vmul.f32 v17, v41;
	v17 =	vld [tilespmem:s12+$0x180]  }
0x128: {  	v43 =	vmul.f32 v20, v41;
	v20 =	vld [tilespmem:s12+$0x190]  }
0x129: {  	v1 =	vadd.f32 v35, v1;
	v35 =	vld [tilespmem:$0x1FFD0]  }
0x12a: {  	v0 =	vadd.f32 v42, v0;
	v42 =	vld [tilespmem:$0x1FFF0];
	v14 =	vmul.f32 v14, v45  }
0x12b: {  	v11 =	vmul.f32 v11, v39;
	v46 =	vmul.f32 v47, v45;
	v47 =	vld [tilespmem:$0x1FF70]  }
0x12c: {  	v12 =	vmul.f32 v12, v53;
	v8 =	vadd.f32 v14, v8;
	v14 =	vld [tilespmem:s12+$0x140]  }
0x12d: {  	v7 =	vadd.f32 v11, v7;
	v2 =	vadd.f32 v46, v2;
	v45 =	vmul.f32 v22, v44;
	v22 =	vld [tilespmem:s12+$0x1A0]  }
0x12e: {  	v1 =	vadd.f32 v43, v1;
	v46 =	vmul.f32 v19, v44;
	v39 =	vmul.f32 v28, v35;
	v28 =	vld [tilespmem:s12+$0x210]  }
0x12f: {  	v41 =	vmul.f32 v30, v40;
	v44 =	vmul.f32 v34, v49;
	v34 =	vld [tilespmem:s12+$0x240];
	v2 =	vadd.f32 v45, v2  }
0x130: {  	v8 =	vadd.f32 v46, v8;
	v48 =	vmul.f32 v15, v47;
	v38 =	vmul.f32 v16, v47;
	v47 =	vld [tilespmem:$0x1FFB0]  }
0x131: {  	v1 =	vadd.f32 v39, v1;
	v43 =	vmul.f32 v29, v42;
	v45 =	vmul.f32 v31, v49;
	v29 =	vld [tilespmem:s12+$0x220]  }
0x132: {  	v46 =	vmul.f32 v33, v50;
	v15 =	vld [tilespmem:s12+$0x130];
	v10 =	vadd.f32 v38, v10;
	v38 =	vmul.f32 v25, v35  }
0x133: {  	v39 =	vld [tilespmem:s12+$0x260];
	v2 =	vadd.f32 v41, v2;
	v25 =	vmul.f32 v32, v42;
	v31 =	vmul.f32 v14, v52  }
0x134: {  	v16 =	vld [tilespmem:s12+$0x150];
	v35 =	vmul.f32 v18, v53;
	v28 =	vmul.f32 v28, v58;
	v0 =	vadd.f32 v38, v0  }
0x135: {  	v9 =	vadd.f32 v48, v9;
	v32 =	vld [tilespmem:s12+$0x230];
	v48 =	vmul.f32 v21, v47;
	v19 =	vmul.f32 v24, v47  }
0x136: {  	v38 =	vmul.f32 v20, v54;
	v24 =	vld [tilespmem:$0x1FFC0];
	v47 =	vmul.f32 v36, v50;
	v0 =	vadd.f32 v46, v0  }
0x137: {  	v15 =	vmul.f32 v15, v51;
	v36 =	vld [tilespmem:s12+$0x250];
	v9 =	vadd.f32 v48, v9;
	v10 =	vadd.f32 v19, v10  }
0x138: {  	v46 =	vld [tilespmem:s12+$0x290];
	v48 =	vmul.f32 v37, v51;
	v1 =	vadd.f32 v47, v1;
	v37 =	vmul.f32 v17, v54  }
0x139: {  	v33 =	vmul.f32 v16, v52;
	v19 =	vld [tilespmem:s12+$0x1B0];
	v9 =	vadd.f32 v43, v9;
	v10 =	vadd.f32 v25, v10  }
0x13a: {  	v14 =	vmul.f32 v32, v59;
	v2 =	vadd.f32 v48, v2;
	v0 =	vadd.f32 v37, v0;
	v43 =	vld [tilespmem:s12+$0x280]  }
0x13b: {  	v1 =	vadd.f32 v38, v1;
	v38 =	vld [tilespmem:s12+$0x300];
	v26 =	vmul.f32 v26, v24;
	v21 =	vmul.f32 v23, v24  }
0x13c: {  	v23 =	vmul.f32 v27, v40;
	v24 =	vld [tilespmem:s12+$0x1D0];
	v40 =	vmul.f32 v22, v55;
	v9 =	vadd.f32 v31, v9  }
0x13d: {  	v27 =	vld [tilespmem:s12+$0x2B0];
	v10 =	vadd.f32 v33, v10;
	v31 =	vmul.f32 v29, v59;
	v1 =	vadd.f32 v28, v1  }
0x13e: {  	v33 =	vmul.f32 v34, v60;
	v6 =	vadd.f32 v26, v6;
	v7 =	vadd.f32 v21, v7;
	v21 =	vld [tilespmem:s12+$0x1C0]  }
0x13f: {  	v34 =	vmul.f32 v36, v60;
	v36 =	vmul.f32 v39, v61;
	v26 =	vld [tilespmem:s12+$0x1E0];
	v8 =	vadd.f32 v23, v8  }
0x140: {  	v23 =	vld [tilespmem:s12+$0x1F0];
	v42 =	vmul.f32 v19, v55;
	v2 =	vadd.f32 v40, v2;
	v6 =	vadd.f32 v44, v6  }
0x141: {  	v25 =	vld [tilespmem:s12+$0x200];
	v40 =	vmul.f32 v46, v62;
	v7 =	vadd.f32 v45, v7;
	v8 =	vadd.f32 v15, v8  }
0x142: {  	v41 =	vld [tilespmem:s12+$0x270];
	v2 =	vadd.f32 v31, v2;
	v39 =	vmul.f32 v43, v62;
	v13 =	vmul.f32 v38, v5  }
0x143: {  	v32 =	vld [tilespmem:s12+$0x2D0];
	v1 =	vadd.f32 v40, v1;
	v45 =	vmul.f32 v24, v56;
	v43 =	vmul.f32 v27, v63  }
0x144: {  	v37 =	vld [tilespmem:s12+$0x2F0];
	v6 =	vadd.f32 v35, v6;
	v8 =	vadd.f32 v42, v8;
	v44 =	vmul.f32 v21, v56  }
0x145: {  	v24 =	vld [tilespmem:s12+$0x2A0];
	v7 =	vadd.f32 v12, v7;
	v47 =	vmul.f32 v26, v57;
	v48 =	vmul.f32 v23, v57  }
0x146: {  	v35 =	vld [tilespmem:s12+$0x2E0];
	v10 =	vadd.f32 v45, v10;
	v26 =	vmul.f32 v25, v58;
	v8 =	vadd.f32 v14, v8  }
0x147: {  	v12 =	vmul.f32 v41, v61;
	v41 =	vld [tilespmem:s12+$0x310];
	v9 =	vadd.f32 v44, v9;
	v6 =	vadd.f32 v47, v6  }
0x148: {  	v30 =	vld [tilespmem:s12+$0x2C0];
	v45 =	vmul.f32 v32, v3;
	v7 =	vadd.f32 v48, v7;
	v0 =	vadd.f32 v26, v0  }
0x149: {  	v10 =	vadd.f32 v34, v10;
	v47 =	vmul.f32 v37, v4;
	v8 =	vadd.f32 v43, v8  }
0x14a: {  	v42 =	vmul.f32 v24, v63;
	v9 =	vadd.f32 v33, v9;
	v6 =	vadd.f32 v36, v6  }
0x14b: {  	v7 =	vadd.f32 v12, v7;
	v0 =	vadd.f32 v39, v0;
	v46 =	vmul.f32 v35, v4  }
0x14c: {  	v10 =	vadd.f32 v45, v10;
	v48 =	vmul.f32 v41, v5;
	v2 =	vadd.f32 v42, v2  }
0x14d: {  	v44 =	vmul.f32 v30, v3;
	v6 =	vadd.f32 v46, v6;
	v0 =	vadd.f32 v13, v0  }
0x14e: {  	v7 =	vadd.f32 v47, v7;
	v1 =	vadd.f32 v48, v1  }
0x14f: {  	v9 =	vadd.f32 v44, v9;
	v0 =	vadd.f32 v0, v6  }
0x150: {  	s13 =	sshra.s32 s8, $0x2;
	v1 =	vadd.f32 v1, v7;
	v6 =	vadd.f32 v10, v8  }
0x151: {  	v2 =	vadd.f32 v9, v2;
	v7 =	vld [tilespmem:s13+$0x19C80]  }
0x152: {  	v1 =	vadd.f32 v1, v6;
	v6 =	vld [tilespmem:$0x1FDF0]  }
0x153: {  	v0 =	vadd.f32 v0, v2;
	v2 =	vld [tilespmem:s13+$0x19C90];
	_ =	sdelay $0x3  }
0x154: {  	p0 =	sne.s32 s8, $0xF80;
	[tilespmem:s11+$0xFFFFFFD0] =	vst v7;
	v0 =	vadd.f32 v0, v6  }
.Ltmp2:
0x155: {  	v1 =	vadd.f32 v1, v6;
	[tilespmem:s11+$0xFFFFFFE0] =	vst v2;
	(pc) =	sbr.rel @p0 .LBB2_3-.Ltmp2, $4  }
0x156: {  	v6 =	vmul.f32 v0, v7;
	[tilespmem:s11+$0x10] =	vst v0  }
0x157: {  	v2 =	vmul.f32 v1, v2;
	[tilespmem:s11+$0x20] =	vst v1  }
0x158: {  	[tilespmem:s11+$0xFFFFFFF0] =	vst v6  }
0x159: {  	s8 =	sadd.s32 $0x80, s8;
	s12 =	sadd.s32 $0x640, s12;
	[tilespmem:s11+$0x0] =	vst v2;
	s11 =	sadd.s32 $0x60, s11  }
0x15a: {  	s8 =	sshll.u32 s29, $0x6  }
0x15b: {  	s11 =	sadd.s32 s9, s8  }
0x15c: {  	p0 =	seq.s32 s29, $0x7;
	s11 =	smul.u32 $0xC, s11  }
0x15d: {  	s12 =	sadd.s32 @!p0 $0x2, s14  }
0x15e: {  	s13 =	smul.u32 @!p0 $0x640, s12;
	s11 =	sadd.s32 s2, s11  }
0x15f: {  	[hbm4b:s11+s3] =	stream.linear.scatter [tilespmem:s22], [sflag:$0x3], $0xC00, $0x38;
	[tilespmem:$0x1BEC0] =	vst v63  }
0x160: {  	s11 =	sadd.s32 @!p0 s5, s13  }
0x161: {  	s11 =	sshrl.u32 @!p0 s11, $0x3  }
0x162: {  	s13 =	simm.s32 @!p0 $0x0;
	s11 =	sadd.s32 @!p0 s4, s11  }
0x163: {  	[tilespmem:s13], [sflag:$0x5] =	stream.linear.gather @!p0 [hbm4b:s11+s13], $0x640, $0x38;
	[tilespmem:$0x1BEC0] =	vst v63  }
0x164: {  	s11 =	simm.s32 @!p0 $0x5  }
0x165: {  	_ =	swait.ge @!p0 [sflag:s11], $0x640  }
0x166: {  	[sflag:s11] =	ssyncset.done @!p0 $0x0  }
0x167: {  	s10 =	simm.s32 @!p0 $0xC80;
	[sflag:s11] =	ssyncadd.s32 @!p0 $0xFFFFF9C0;
	s11 =	simm.s32 @!p0 $0x80  }
0x168: {  	[tilespmem:s10], [sflag:$0x1] =	stream.indirect.gather @!p0 [hbm4b:s7+s11], $0x20, s13, s11, $0xb8;
	[tilespmem:$0x1BEC0] =	vst v63  }
0x169: {  	s10 =	simm.s32 @!p0 $0x1C80  }
0x16a: {  	[tilespmem:s10], [sflag:$0x1] =	stream.indirect.gather @!p0 [hbm4b:s7+s11], $0x20, s11, s11, $0xb8;
	[tilespmem:$0x1BEC0] =	vst v63  }
0x16b: {  	s13 =	simm.s32 @!p0 $0x2C80;
	s10 =	simm.s32 @!p0 $0x100  }
0x16c: {  	[tilespmem:s13], [sflag:$0x1] =	stream.indirect.gather @!p0 [hbm4b:s7+s11], $0x20, s10, s11, $0xb8;
	[tilespmem:$0x1BEC0] =	vst v63  }
0x16d: {  	s10 =	simm.s32 @!p0 $0x180;
	s13 =	simm.s32 @!p0 $0x3C80  }
0x16e: {  	[tilespmem:s13], [sflag:$0x1] =	stream.indirect.gather @!p0 [hbm4b:s7+s11], $0x20, s10, s11, $0xb8;
	[tilespmem:$0x1BEC0] =	vst v63  }
0x16f: {  	s10 =	simm.s32 @!p0 $0x200;
	s13 =	simm.s32 @!p0 $0x4C80  }
0x170: {  	[tilespmem:s13], [sflag:$0x1] =	stream.indirect.gather @!p0 [hbm4b:s7+s11], $0x20, s10, s11, $0xb8;
	[tilespmem:$0x1BEC0] =	vst v63  }
0x171: {  	s10 =	simm.s32 @!p0 $0x280;
	s13 =	simm.s32 @!p0 $0x5C80  }
0x172: {  	[tilespmem:s13], [sflag:$0x1] =	stream.indirect.gather @!p0 [hbm4b:s7+s11], $0x20, s10, s11, $0xb8;
	[tilespmem:$0x1BEC0] =	vst v63  }
0x173: {  	s10 =	simm.s32 @!p0 $0x300;
	s13 =	simm.s32 @!p0 $0x6C80  }
0x174: {  	[tilespmem:s13], [sflag:$0x1] =	stream.indirect.gather @!p0 [hbm4b:s7+s11], $0x20, s10, s11, $0xb8;
	[tilespmem:$0x1BEC0] =	vst v63  }
0x175: {  	s10 =	simm.s32 @!p0 $0x380;
	s13 =	simm.s32 @!p0 $0x7C80  }
0x176: {  	[tilespmem:s13], [sflag:$0x1] =	stream.indirect.gather @!p0 [hbm4b:s7+s11], $0x20, s10, s11, $0xb8;
	[tilespmem:$0x1BEC0] =	vst v63  }
0x177: {  	s10 =	simm.s32 @!p0 $0x400;
	s13 =	simm.s32 @!p0 $0x8C80  }
0x178: {  	[tilespmem:s13], [sflag:$0x1] =	stream.indirect.gather @!p0 [hbm4b:s7+s11], $0x20, s10, s11, $0xb8;
	[tilespmem:$0x1BEC0] =	vst v63  }
0x179: {  	s10 =	simm.s32 @!p0 $0x480;
	s13 =	simm.s32 @!p0 $0x9C80  }
0x17a: {  	[tilespmem:s13], [sflag:$0x1] =	stream.indirect.gather @!p0 [hbm4b:s7+s11], $0x20, s10, s11, $0xb8;
	[tilespmem:$0x1BEC0] =	vst v63  }
0x17b: {  	s10 =	simm.s32 @!p0 $0x500;
	s13 =	simm.s32 @!p0 $0xAC80  }
0x17c: {  	[tilespmem:s13], [sflag:$0x1] =	stream.indirect.gather @!p0 [hbm4b:s7+s11], $0x20, s10, s11, $0xb8;
	[tilespmem:$0x1BEC0] =	vst v63  }
0x17d: {  	s10 =	simm.s32 @!p0 $0x580;
	s13 =	simm.s32 @!p0 $0xBC80  }
0x17e: {  	[tilespmem:s13], [sflag:$0x1] =	stream.indirect.gather @!p0 [hbm4b:s7+s11], $0x20, s10, s11, $0xb8;
	[tilespmem:$0x1BEC0] =	vst v63  }
0x17f: {  	s10 =	simm.s32 @!p0 $0x40;
	s11 =	simm.s32 @!p0 $0x600;
	s13 =	simm.s32 @!p0 $0xCC80  }
0x180: {  	[tilespmem:s13], [sflag:$0x1] =	stream.indirect.gather @!p0 [hbm4b:s7+s10], $0x20, s11, s10, $0xb8;
	[tilespmem:$0x1BEC0] =	vst v63  }
0x181: {  	p1 =	seq.s32 @!p0 s29, $0x0;
	s10 =	sshll.u32 @!p0 s12, $0x5  }
0x182: {  	p1 =	por p0, !p1;
	s10 =	sand.u32 @!p0 $0x3FFFFFE0, s10  }
0x183: {  	s11 =	simm.s32 @!p0 $0x20;
	s12 =	simm.s32 @!p0 $0x19C80;
	s10 =	sadd.s32 @!p0 $0x1BC80, s10  }
0x184: {  	[tilespmem:s12], [sflag:$0x1] =	stream.indirect.gather @!p0 [hbm4b:s6+s11], $0x20, s10, s11, $0xb8;
	[tilespmem:$0x1BEC0] =	vst v63  }
0x185: {  	_ =	swait.ge @p1 [sflag:s26], $0xC00  }
0x186: {  	[sflag:s26] =	ssyncset.done @p1 $0x0  }
0x187: {  	[sflag:s26] =	ssyncadd.s32 @p1 $0xFFFFF400  }
0x188: {  	_ =	swait.ge [sflag:s23], $0x1000  }
0x189: {  	[sflag:s23] =	ssyncset.done $0x0  }
0x18a: {  	[sflag:s23] =	ssyncadd.s32 $0xFFFFF000  }
0x18b: {  	_ =	swait.ge [sflag:s23], $0x1000  }
0x18c: {  	[sflag:s23] =	ssyncset.done $0x0  }
0x18d: {  	[sflag:s23] =	ssyncadd.s32 $0xFFFFF000  }
0x18e: {  	_ =	swait.ge [sflag:s23], $0x1000  }
0x18f: {  	[sflag:s23] =	ssyncset.done $0x0  }
0x190: {  	[sflag:s23] =	ssyncadd.s32 $0xFFFFF000  }
0x191: {  	_ =	swait.ge [sflag:s23], $0x1000  }
0x192: {  	[sflag:s23] =	ssyncset.done $0x0  }
0x193: {  	[sflag:s23] =	ssyncadd.s32 $0xFFFFF000  }
0x194: {  	_ =	swait.ge [sflag:s23], $0x1000  }
0x195: {  	[sflag:s23] =	ssyncset.done $0x0  }
0x196: {  	[sflag:s23] =	ssyncadd.s32 $0xFFFFF000  }
0x197: {  	_ =	swait.ge [sflag:s23], $0x1000  }
0x198: {  	[sflag:s23] =	ssyncset.done $0x0  }
0x199: {  	[sflag:s23] =	ssyncadd.s32 $0xFFFFF000  }
0x19a: {  	_ =	swait.ge [sflag:s23], $0x1000  }
0x19b: {  	[sflag:s23] =	ssyncset.done $0x0  }
0x19c: {  	[sflag:s23] =	ssyncadd.s32 $0xFFFFF000  }
0x19d: {  	_ =	swait.ge [sflag:s23], $0x1000  }
0x19e: {  	[sflag:s23] =	ssyncset.done $0x0  }
0x19f: {  	[sflag:s23] =	ssyncadd.s32 $0xFFFFF000  }
0x1a0: {  	_ =	swait.ge [sflag:s23], $0x1000  }
0x1a1: {  	[sflag:s23] =	ssyncset.done $0x0  }
0x1a2: {  	[sflag:s23] =	ssyncadd.s32 $0xFFFFF000  }
0x1a3: {  	_ =	swait.ge [sflag:s23], $0x1000  }
0x1a4: {  	[sflag:s23] =	ssyncset.done $0x0  }
0x1a5: {  	[sflag:s23] =	ssyncadd.s32 $0xFFFFF000  }
0x1a6: {  	_ =	swait.ge [sflag:s23], $0x1000  }
0x1a7: {  	[sflag:s23] =	ssyncset.done $0x0  }
0x1a8: {  	[sflag:s23] =	ssyncadd.s32 $0xFFFFF000  }
0x1a9: {  	_ =	swait.ge [sflag:s23], $0x1000  }
0x1aa: {  	[sflag:s23] =	ssyncset.done $0x0  }
0x1ab: {  	[sflag:s23] =	ssyncadd.s32 $0xFFFFF000  }
0x1ac: {  	_ =	swait.ge [sflag:s23], $0x800  }
0x1ad: {  	[sflag:s23] =	ssyncset.done $0x0  }
0x1ae: {  	[sflag:s23] =	ssyncadd.s32 $0xFFFFF800  }
0x1af: {  	_ =	swait.ge [sflag:s23], $0x400  }
0x1b0: {  	[sflag:s23] =	ssyncset.done $0x0  }
0x1b1: {  	[sflag:s23] =	ssyncadd.s32 $0xFFFFFC00  }
0x1b2: {  	v0 =	vld [tilespmem:$0x1BEB0];
	_ =	sdelay $0x1  }
0x1b3: {  	v1 =	vld [tilespmem:$0x1BE80];
	_ =	sdelay $0x1  }
0x1b4: {  	v3 =	vimm.s32 $0x2  }
0x1b5: {  	v2 =	vperm.xlane v0, v3  }
0x1b6: {  	v4 =	vimm.s32 $0x0  }
0x1b7: {  	[tilespmem:$0x1FBE0] =	vst v2;
	v2 =	vperm.xlane v1, v4  }
0x1b8: {  	v5 =	vimm.s32 $0x1  }
0x1b9: {  	[tilespmem:$0x1FBF0] =	vst v2;
	v2 =	vperm.xlane v1, v5;
	_ =	sdelay $0x1  }
0x1ba: {  	[tilespmem:$0x1FC00] =	vst v2;
	v2 =	vperm.xlane v1, v3  }
0x1bb: {  	v6 =	vimm.s32 $0x3  }
0x1bc: {  	[tilespmem:$0x1FC10] =	vst v2;
	v2 =	vperm.xlane v1, v6  }
0x1bd: {  	v7 =	vimm.s32 $0x4  }
0x1be: {  	v8 =	vimm.s32 $0x5;
	v9 =	vimm.s32 $0x6;
	[tilespmem:$0x1FC20] =	vst v2;
	v2 =	vperm.xlane v1, v7  }
0x1bf: {  	v39 =	vimm.s32 $0x7;
	v40 =	vimm.s32 $0x8;
	v41 =	vimm.s32 $0x9  }
0x1c0: {  	v42 =	vimm.s32 $0xA;
	v43 =	vimm.s32 $0xB;
	[tilespmem:$0x1FC30] =	vst v2;
	v2 =	vperm.xlane v1, v8  }
0x1c1: {  	v44 =	vimm.s32 $0xC;
	v10 =	vperm.xlane v1, v9;
	v11 =	vperm.xlane v1, v39  }
0x1c2: {  	v45 =	vimm.s32 $0xD;
	v12 =	vperm.xlane v1, v40;
	v13 =	vperm.xlane v1, v41;
	[tilespmem:$0x1FC40] =	vst v2;
	v2 =	vld [tilespmem:$0x1BE90]  }
0x1c3: {  	v46 =	vimm.s32 $0xE;
	v14 =	vperm.xlane v1, v42;
	v15 =	vperm.xlane v1, v43  }
0x1c4: {  	v47 =	vimm.s32 $0xF;
	v16 =	vperm.xlane v1, v44;
	v17 =	vperm.xlane v1, v45  }
0x1c5: {  	v18 =	vperm.xlane v1, v46;
	v1 =	vperm.xlane v1, v47;
	_ =	sdelay $0x1  }
0x1c6: {  	[tilespmem:$0x1FCE0] =	vst v1;
	v1 =	vperm.xlane v2, v4  }
0x1c7: {  	[tilespmem:$0x1FC50] =	vst v10  }
0x1c8: {  	[tilespmem:$0x1FCF0] =	vst v1;
	v1 =	vperm.xlane v2, v5  }
0x1c9: {  	[tilespmem:$0x1FC60] =	vst v11  }
0x1ca: {  	[tilespmem:$0x1FD00] =	vst v1;
	v1 =	vperm.xlane v2, v3  }
0x1cb: {  	[tilespmem:$0x1FC70] =	vst v12  }
0x1cc: {  	[tilespmem:$0x1FD10] =	vst v1;
	v1 =	vperm.xlane v2, v6  }
0x1cd: {  	[tilespmem:$0x1FC80] =	vst v13  }
0x1ce: {  	[tilespmem:$0x1FD20] =	vst v1;
	v1 =	vperm.xlane v2, v7  }
0x1cf: {  	[tilespmem:$0x1FC90] =	vst v14  }
0x1d0: {  	[tilespmem:$0x1FD30] =	vst v1;
	v1 =	vperm.xlane v2, v8  }
0x1d1: {  	[tilespmem:$0x1FCA0] =	vst v15  }
0x1d2: {  	v19 =	vperm.xlane v2, v9;
	v56 =	vperm.xlane v2, v39;
	[tilespmem:$0x1FD40] =	vst v1;
	v1 =	vld [tilespmem:$0x1BEA0]  }
0x1d3: {  	[tilespmem:$0x1FCB0] =	vst v16;
	v57 =	vperm.xlane v2, v40;
	v58 =	vperm.xlane v2, v41  }
0x1d4: {  	[tilespmem:$0x1FCC0] =	vst v17;
	v59 =	vperm.xlane v2, v42;
	v60 =	vperm.xlane v2, v43  }
0x1d5: {  	[tilespmem:$0x1FCD0] =	vst v18;
	v61 =	vperm.xlane v2, v44;
	v62 =	vperm.xlane v2, v45  }
0x1d6: {  	v63 =	vperm.xlane v2, v46;
	[tilespmem:$0x1FD50] =	vst v19;
	v2 =	vperm.xlane v2, v47  }
0x1d7: {  	[tilespmem:$0x1FD60] =	vst v56;
	v49 =	vperm.xlane v1, v4;
	v50 =	vperm.xlane v1, v5  }
0x1d8: {  	[tilespmem:$0x1FD70] =	vst v57;
	v51 =	vperm.xlane v1, v3;
	v52 =	vperm.xlane v1, v6  }
0x1d9: {  	[tilespmem:$0x1FD80] =	vst v58;
	v53 =	vperm.xlane v1, v7;
	v54 =	vperm.xlane v1, v8  }
0x1da: {  	[tilespmem:$0x1FD90] =	vst v59;
	v55 =	vperm.xlane v1, v9;
	v56 =	vperm.xlane v1, v39  }
0x1db: {  	[tilespmem:$0x1FDA0] =	vst v60;
	v57 =	vperm.xlane v1, v40;
	v58 =	vperm.xlane v1, v41  }
0x1dc: {  	[tilespmem:$0x1FDB0] =	vst v61;
	v59 =	vperm.xlane v1, v42;
	v60 =	vperm.xlane v1, v43  }
0x1dd: {  	[tilespmem:$0x1FDC0] =	vst v62;
	v61 =	vperm.xlane v1, v44;
	v62 =	vperm.xlane v1, v45  }
0x1de: {  	[tilespmem:$0x1FDD0] =	vst v63;
	v63 =	vperm.xlane v1, v46;
	v3 =	vperm.xlane v1, v47  }
0x1df: {  	s13 =	simm.s32 $0xD7A0;
	s11 =	simm.s32 $0x0;
	s12 =	simm.s32 $0x1B0B0;
	[tilespmem:$0x1FDE0] =	vst v2;
	v4 =	vperm.xlane v0, v4;
	v5 =	vperm.xlane v0, v5  }
.LBB2_5:
0x1e0: {  	v0 =	vld [tilespmem:s13+$0xFFFFFCE0]  }
0x1e1: {  	v1 =	vld [tilespmem:s13+$0xFFFFFCF0]  }
0x1e2: {  	v2 =	vld [tilespmem:s13+$0xFFFFFD00]  }
0x1e3: {  	v6 =	vld [tilespmem:s13+$0xFFFFFD10]  }
0x1e4: {  	v7 =	vld [tilespmem:s13+$0xFFFFFD20]  }
0x1e5: {  	v8 =	vld [tilespmem:s13+$0xFFFFFD30]  }
0x1e6: {  	v11 =	vld [tilespmem:s13+$0xFFFFFD60]  }
0x1e7: {  	v12 =	vld [tilespmem:s13+$0xFFFFFD70]  }
0x1e8: {  	v42 =	vld [tilespmem:$0x1FBF0]  }
0x1e9: {  	v48 =	vld [tilespmem:$0x1FC30]  }
0x1ea: {  	v9 =	vld [tilespmem:s13+$0xFFFFFD40]  }
0x1eb: {  	v10 =	vld [tilespmem:s13+$0xFFFFFD50]  }
0x1ec: {  	v13 =	vld [tilespmem:s13+$0xFFFFFD80]  }
0x1ed: {  	v14 =	vld [tilespmem:s13+$0xFFFFFD90];
	v0 =	vmul.f32 v0, v42  }
0x1ee: {  	v11 =	vmul.f32 v11, v48;
	v12 =	vmul.f32 v12, v48;
	v48 =	vld [tilespmem:$0x1FC40]  }
0x1ef: {  	v43 =	vld [tilespmem:$0x1FC00];
	v1 =	vmul.f32 v1, v42  }
0x1f0: {  	v15 =	vld [tilespmem:s13+$0xFFFFFDA0];
	v0 =	vadd.f32 $0.0e+00, v0  }
0x1f1: {  	v16 =	vld [tilespmem:s13+$0xFFFFFDB0];
	v1 =	vadd.f32 $0.0e+00, v1  }
0x1f2: {  	v17 =	vld [tilespmem:s13+$0xFFFFFDC0];
	v0 =	vadd.f32 v11, v0  }
0x1f3: {  	v1 =	vadd.f32 v12, v1;
	v11 =	vmul.f32 v13, v48;
	v12 =	vmul.f32 v14, v48;
	v48 =	vld [tilespmem:$0x1FC50]  }
0x1f4: {  	v18 =	vld [tilespmem:s13+$0xFFFFFDD0];
	v2 =	vmul.f32 v2, v43  }
0x1f5: {  	v19 =	vld [tilespmem:s13+$0xFFFFFDE0]  }
0x1f6: {  	v20 =	vld [tilespmem:s13+$0xFFFFFDF0];
	v2 =	vadd.f32 $0.0e+00, v2  }
0x1f7: {  	v45 =	vld [tilespmem:$0x1FC10]  }
0x1f8: {  	v2 =	vadd.f32 v11, v2;
	v11 =	vmul.f32 v15, v48;
	v15 =	vmul.f32 v16, v48;
	v48 =	vld [tilespmem:$0x1FC60]  }
0x1f9: {  	v47 =	vld [tilespmem:$0x1FC20];
	v6 =	vmul.f32 v6, v43  }
0x1fa: {  	v21 =	vld [tilespmem:s13+$0xFFFFFE00]  }
0x1fb: {  	v22 =	vld [tilespmem:s13+$0xFFFFFE10];
	v6 =	vadd.f32 $0.0e+00, v6  }
0x1fc: {  	v23 =	vld [tilespmem:s13+$0xFFFFFE20];
	v7 =	vmul.f32 v7, v45  }
0x1fd: {  	v6 =	vadd.f32 v12, v6;
	v12 =	vmul.f32 v17, v48;
	v17 =	vmul.f32 v18, v48;
	v48 =	vld [tilespmem:$0x1FC70]  }
0x1fe: {  	v24 =	vld [tilespmem:s13+$0xFFFFFE30];
	v9 =	vmul.f32 v9, v47  }
0x1ff: {  	v25 =	vld [tilespmem:s13+$0xFFFFFE40];
	v7 =	vadd.f32 $0.0e+00, v7  }
0x200: {  	v26 =	vld [tilespmem:s13+$0xFFFFFE50];
	v9 =	vadd.f32 $0.0e+00, v9  }
0x201: {  	v27 =	vld [tilespmem:s13+$0xFFFFFE60];
	v7 =	vadd.f32 v11, v7  }
0x202: {  	v9 =	vadd.f32 v12, v9;
	v11 =	vmul.f32 v19, v48;
	v12 =	vmul.f32 v20, v48;
	v48 =	vld [tilespmem:$0x1FC80]  }
0x203: {  	v28 =	vld [tilespmem:s13+$0xFFFFFE70]  }
0x204: {  	v29 =	vld [tilespmem:s13+$0xFFFFFE80]  }
0x205: {  	v30 =	vld [tilespmem:s13+$0xFFFFFE90]  }
0x206: {  	v31 =	vld [tilespmem:s13+$0xFFFFFEA0]  }
0x207: {  	v0 =	vadd.f32 v11, v0;
	v11 =	vmul.f32 v21, v48;
	v21 =	vld [tilespmem:$0x1FC90]  }
0x208: {  	v32 =	vld [tilespmem:s13+$0xFFFFFEB0]  }
0x209: {  	v33 =	vld [tilespmem:s13+$0xFFFFFEC0]  }
0x20a: {  	v34 =	vld [tilespmem:s13+$0xFFFFFED0]  }
0x20b: {  	v35 =	vld [tilespmem:s13+$0xFFFFFEE0];
	v19 =	vmul.f32 v22, v48  }
0x20c: {  	v48 =	vmul.f32 v23, v21;
	v21 =	vmul.f32 v24, v21;
	v24 =	vld [tilespmem:$0x1FCA0]  }
0x20d: {  	v36 =	vld [tilespmem:s13+$0xFFFFFEF0]  }
0x20e: {  	v37 =	vld [tilespmem:s13+$0xFFFFFF00]  }
0x20f: {  	v38 =	vld [tilespmem:s13+$0xFFFFFF10]  }
0x210: {  	v39 =	vld [tilespmem:s13+$0xFFFFFF20]  }
0x211: {  	v7 =	vadd.f32 v48, v7;
	v48 =	vmul.f32 v26, v24;
	v26 =	vld [tilespmem:$0x1FCB0]  }
0x212: {  	v40 =	vld [tilespmem:s13+$0xFFFFFF30]  }
0x213: {  	v41 =	vld [tilespmem:s13+$0xFFFFFF40]  }
0x214: {  	v44 =	vld [tilespmem:s13+$0xFFFFFF70]  }
0x215: {  	v46 =	vld [tilespmem:s13+$0xFFFFFF90]  }
0x216: {  	v23 =	vmul.f32 v28, v26;
	v28 =	vld [tilespmem:$0x1FCC0]  }
0x217: {  	v42 =	vld [tilespmem:s13+$0xFFFFFF50]  }
0x218: {  	v43 =	vld [tilespmem:s13+$0xFFFFFF60];
	v10 =	vmul.f32 v10, v47  }
0x219: {  	v8 =	vmul.f32 v8, v45;
	v45 =	vld [tilespmem:s13+$0xFFFFFF80];
	v25 =	vmul.f32 v25, v24  }
0x21a: {  	v47 =	vld [tilespmem:s13+$0xFFFFFFA0];
	v10 =	vadd.f32 $0.0e+00, v10  }
0x21b: {  	v9 =	vadd.f32 v25, v9;
	v25 =	vmul.f32 v30, v28;
	v30 =	vld [tilespmem:$0x1FCD0]  }
0x21c: {  	v13 =	vld [tilespmem:s13+$0xFFFFFFB0];
	v10 =	vadd.f32 v17, v10  }
0x21d: {  	v8 =	vadd.f32 $0.0e+00, v8;
	v14 =	vld [tilespmem:s13+$0xFFFFFFC0]  }
0x21e: {  	v16 =	vld [tilespmem:s13+$0xFFFFFFD0];
	v2 =	vadd.f32 v11, v2;
	v10 =	vadd.f32 v48, v10;
	v48 =	vmul.f32 v29, v28  }
0x21f: {  	v8 =	vadd.f32 v15, v8;
	v15 =	vld [tilespmem:s13+$0xFFFFFFF0]  }
0x220: {  	v2 =	vadd.f32 v48, v2;
	v48 =	vmul.f32 v32, v30;
	v32 =	vld [tilespmem:$0x1FCE0]  }
0x221: {  	v18 =	vld [tilespmem:s13+$0xFFFFFFE0]  }
0x222: {  	v17 =	vld [tilespmem:s13+$0x0]  }
0x223: {  	v20 =	vld [tilespmem:s13+$0x10]  }
0x224: {  	v22 =	vld [tilespmem:s13+$0x20]  }
0x225: {  	v11 =	vmul.f32 v27, v26;
	v27 =	vmul.f32 v34, v32;
	v34 =	vld [tilespmem:$0x1FCF0]  }
0x226: {  	v6 =	vadd.f32 v19, v6;
	v19 =	vld [tilespmem:s13+$0x30]  }
0x227: {  	v8 =	vadd.f32 v21, v8;
	v21 =	vld [tilespmem:s13+$0x40]  }
0x228: {  	v24 =	vld [tilespmem:s13+$0x50]  }
0x229: {  	v1 =	vadd.f32 v12, v1;
	v26 =	vld [tilespmem:s13+$0x60]  }
0x22a: {  	v29 =	vmul.f32 v36, v34;
	v36 =	vld [tilespmem:$0x1FD00]  }
0x22b: {  	v1 =	vadd.f32 v23, v1;
	v23 =	vld [tilespmem:s13+$0x70]  }
0x22c: {  	v28 =	vld [tilespmem:s13+$0x90]  }
0x22d: {  	v6 =	vadd.f32 v25, v6;
	v25 =	vld [tilespmem:s13+$0x80]  }
0x22e: {  	v31 =	vmul.f32 v31, v30;
	v30 =	vld [tilespmem:s13+$0xA0]  }
0x22f: {  	v8 =	vadd.f32 v48, v8;
	v37 =	vmul.f32 v37, v36;
	v48 =	vmul.f32 v38, v36;
	v36 =	vld [tilespmem:$0x1FD10]  }
0x230: {  	v38 =	vld [tilespmem:$0x1FD20]  }
0x231: {  	v33 =	vmul.f32 v33, v32;
	v32 =	vld [tilespmem:s13+$0xD0]  }
0x232: {  	v10 =	vadd.f32 v27, v10;
	v27 =	vld [tilespmem:s13+$0xB0]  }
0x233: {  	v7 =	vadd.f32 v31, v7;
	v35 =	vmul.f32 v35, v34;
	v34 =	vld [tilespmem:s13+$0xE0]  }
0x234: {  	v1 =	vadd.f32 v29, v1;
	v29 =	vld [tilespmem:s13+$0xC0];
	v2 =	vadd.f32 v37, v2;
	v37 =	vmul.f32 v39, v36  }
0x235: {  	v9 =	vadd.f32 v33, v9;
	v31 =	vmul.f32 v40, v36;
	v39 =	vmul.f32 v41, v38;
	v40 =	vld [tilespmem:$0x1FD30]  }
0x236: {  	v36 =	vld [tilespmem:s13+$0x110]  }
0x237: {  	v33 =	vmul.f32 v42, v38;
	v9 =	vadd.f32 v39, v9;
	v39 =	vld [tilespmem:$0x1FD70]  }
0x238: {  	v0 =	vadd.f32 v11, v0;
	v8 =	vadd.f32 v31, v8;
	v31 =	vld [tilespmem:s13+$0xF0]  }
0x239: {  	v10 =	vadd.f32 v33, v10;
	v33 =	vld [tilespmem:s13+$0x100]  }
0x23a: {  	v0 =	vadd.f32 v35, v0;
	v41 =	vmul.f32 v43, v40;
	v42 =	vmul.f32 v44, v40;
	v43 =	vld [tilespmem:$0x1FD40]  }
0x23b: {  	v7 =	vadd.f32 v37, v7;
	v37 =	vld [tilespmem:s13+$0x120]  }
0x23c: {  	v0 =	vadd.f32 v41, v0;
	v1 =	vadd.f32 v42, v1;
	v15 =	vmul.f32 v15, v39;
	v41 =	vld [tilespmem:$0x1FD80]  }
0x23d: {  	v40 =	vmul.f32 v18, v39;
	v18 =	vld [tilespmem:s13+$0x160]  }
0x23e: {  	v1 =	vadd.f32 v15, v1;
	v15 =	vld [tilespmem:s13+$0x170]  }
0x23f: {  	v0 =	vadd.f32 v40, v0;
	v40 =	vld [tilespmem:$0x1FDD0];
	v44 =	vmul.f32 v45, v43  }
0x240: {  	v45 =	vld [tilespmem:$0x1FD50]  }
0x241: {  	v2 =	vadd.f32 v44, v2;
	v44 =	vld [tilespmem:$0x1FD90]  }
0x242: {  	v6 =	vadd.f32 v48, v6;
	v35 =	vmul.f32 v46, v43;
	v42 =	vmul.f32 v17, v41;
	v17 =	vld [tilespmem:s13+$0x180]  }
0x243: {  	v43 =	vmul.f32 v20, v41;
	v20 =	vld [tilespmem:s13+$0x190]  }
0x244: {  	v6 =	vadd.f32 v35, v6;
	v35 =	vld [tilespmem:$0x1FDC0]  }
0x245: {  	v2 =	vadd.f32 v42, v2;
	v42 =	vld [tilespmem:$0x1FDE0];
	v13 =	vmul.f32 v13, v45  }
0x246: {  	v46 =	vmul.f32 v47, v45;
	v47 =	vld [tilespmem:$0x1FD60]  }
0x247: {  	v41 =	vmul.f32 v30, v40;
	v8 =	vadd.f32 v13, v8;
	v13 =	vld [tilespmem:s13+$0x140]  }
0x248: {  	v15 =	vmul.f32 v15, v53;
	v45 =	vmul.f32 v22, v44;
	v22 =	vld [tilespmem:s13+$0x1A0]  }
0x249: {  	v7 =	vadd.f32 v46, v7;
	v46 =	vmul.f32 v19, v44;
	v39 =	vmul.f32 v28, v35;
	v28 =	vld [tilespmem:s13+$0x210]  }
0x24a: {  	v6 =	vadd.f32 v43, v6;
	v44 =	vmul.f32 v34, v49;
	v43 =	vmul.f32 v29, v42;
	v29 =	vld [tilespmem:s13+$0x220]  }
0x24b: {  	v48 =	vmul.f32 v14, v47;
	v38 =	vmul.f32 v16, v47;
	v47 =	vld [tilespmem:$0x1FDA0]  }
0x24c: {  	v7 =	vadd.f32 v45, v7;
	v8 =	vadd.f32 v46, v8;
	v45 =	vmul.f32 v31, v49;
	v14 =	vld [tilespmem:s13+$0x130]  }
0x24d: {  	v46 =	vmul.f32 v33, v50;
	v16 =	vld [tilespmem:s13+$0x150];
	v10 =	vadd.f32 v38, v10;
	v38 =	vmul.f32 v25, v35  }
0x24e: {  	v34 =	vld [tilespmem:s13+$0x240];
	v6 =	vadd.f32 v39, v6;
	v25 =	vmul.f32 v32, v42;
	v31 =	vmul.f32 v13, v52  }
0x24f: {  	v32 =	vld [tilespmem:s13+$0x230];
	v35 =	vmul.f32 v18, v53;
	v2 =	vadd.f32 v38, v2;
	v38 =	vmul.f32 v20, v54  }
0x250: {  	v39 =	vld [tilespmem:s13+$0x260];
	v9 =	vadd.f32 v48, v9;
	v30 =	vmul.f32 v29, v59;
	v48 =	vmul.f32 v21, v47  }
0x251: {  	v7 =	vadd.f32 v41, v7;
	v41 =	vld [tilespmem:s13+$0x270];
	v19 =	vmul.f32 v24, v47;
	v47 =	vmul.f32 v36, v50  }
0x252: {  	v24 =	vld [tilespmem:$0x1FDB0];
	v14 =	vmul.f32 v14, v51;
	v33 =	vmul.f32 v16, v52;
	v2 =	vadd.f32 v46, v2  }
0x253: {  	v36 =	vld [tilespmem:s13+$0x250];
	v9 =	vadd.f32 v48, v9;
	v10 =	vadd.f32 v19, v10;
	v48 =	vmul.f32 v37, v51  }
0x254: {  	v46 =	vld [tilespmem:s13+$0x290];
	v6 =	vadd.f32 v47, v6;
	v37 =	vmul.f32 v17, v54;
	v13 =	vmul.f32 v32, v59  }
0x255: {  	v19 =	vld [tilespmem:s13+$0x1B0];
	v32 =	vmul.f32 v34, v60;
	v9 =	vadd.f32 v43, v9;
	v10 =	vadd.f32 v25, v10  }
0x256: {  	v34 =	vld [tilespmem:s13+$0x2E0];
	v7 =	vadd.f32 v48, v7;
	v2 =	vadd.f32 v37, v2;
	v37 =	vmul.f32 v41, v61  }
0x257: {  	v25 =	vld [tilespmem:s13+$0x200];
	v6 =	vadd.f32 v38, v6;
	v26 =	vmul.f32 v26, v24;
	v21 =	vmul.f32 v23, v24  }
0x258: {  	v43 =	vld [tilespmem:s13+$0x280];
	v23 =	vmul.f32 v27, v40;
	v40 =	vmul.f32 v22, v55;
	v9 =	vadd.f32 v31, v9  }
0x259: {  	v38 =	vld [tilespmem:s13+$0x300];
	v27 =	vmul.f32 v28, v58;
	v10 =	vadd.f32 v33, v10;
	v0 =	vadd.f32 v26, v0  }
0x25a: {  	v24 =	vld [tilespmem:s13+$0x1D0];
	v33 =	vmul.f32 v36, v60;
	v1 =	vadd.f32 v21, v1;
	v8 =	vadd.f32 v23, v8  }
0x25b: {  	v21 =	vld [tilespmem:s13+$0x1C0];
	v42 =	vmul.f32 v19, v55;
	v7 =	vadd.f32 v40, v7;
	v6 =	vadd.f32 v27, v6  }
0x25c: {  	v26 =	vld [tilespmem:s13+$0x1E0];
	v40 =	vmul.f32 v46, v62;
	v0 =	vadd.f32 v44, v0;
	v1 =	vadd.f32 v45, v1  }
0x25d: {  	v23 =	vld [tilespmem:s13+$0x1F0];
	v46 =	vmul.f32 v34, v4;
	v8 =	vadd.f32 v14, v8;
	v7 =	vadd.f32 v30, v7  }
0x25e: {  	v41 =	vld [tilespmem:s13+$0x310];
	v25 =	vmul.f32 v25, v58;
	v6 =	vadd.f32 v40, v6;
	v0 =	vadd.f32 v35, v0  }
0x25f: {  	v31 =	vld [tilespmem:s13+$0x2D0];
	v45 =	vmul.f32 v24, v56;
	v1 =	vadd.f32 v15, v1;
	v8 =	vadd.f32 v42, v8  }
0x260: {  	v36 =	vld [tilespmem:s13+$0x2F0];
	v2 =	vadd.f32 v25, v2;
	v35 =	vmul.f32 v39, v61;
	v39 =	vmul.f32 v43, v62  }
0x261: {  	v24 =	vld [tilespmem:s13+$0x2A0];
	v44 =	vmul.f32 v21, v56;
	v47 =	vmul.f32 v26, v57;
	v10 =	vadd.f32 v45, v10  }
0x262: {  	v48 =	vmul.f32 v23, v57;
	v26 =	vld [tilespmem:s13+$0x2B0];
	v8 =	vadd.f32 v13, v8;
	v2 =	vadd.f32 v39, v2  }
0x263: {  	v28 =	vld [tilespmem:s13+$0x2C0];
	v14 =	vmul.f32 v38, v5;
	v9 =	vadd.f32 v44, v9;
	v0 =	vadd.f32 v47, v0  }
0x264: {  	v45 =	vmul.f32 v31, v3;
	v1 =	vadd.f32 v48, v1;
	v10 =	vadd.f32 v33, v10  }
0x265: {  	v47 =	vmul.f32 v36, v4;
	v48 =	vmul.f32 v41, v5;
	v2 =	vadd.f32 v14, v2  }
0x266: {  	v42 =	vmul.f32 v24, v63;
	v9 =	vadd.f32 v32, v9;
	v0 =	vadd.f32 v35, v0  }
0x267: {  	v1 =	vadd.f32 v37, v1;
	v10 =	vadd.f32 v45, v10;
	v43 =	vmul.f32 v26, v63  }
0x268: {  	v44 =	vmul.f32 v28, v3;
	v6 =	vadd.f32 v48, v6;
	v7 =	vadd.f32 v42, v7  }
0x269: {  	v1 =	vadd.f32 v47, v1;
	v8 =	vadd.f32 v43, v8  }
0x26a: {  	v9 =	vadd.f32 v44, v9;
	v0 =	vadd.f32 v46, v0  }
0x26b: {  	s10 =	sshra.s32 s11, $0x2;
	v1 =	vadd.f32 v6, v1;
	v6 =	vadd.f32 v10, v8  }
0x26c: {  	v0 =	vadd.f32 v2, v0;
	v2 =	vadd.f32 v9, v7;
	v7 =	vld [tilespmem:s10+$0x1A080]  }
0x26d: {  	v1 =	vadd.f32 v1, v6;
	v6 =	vld [tilespmem:$0x1FBE0]  }
0x26e: {  	v0 =	vadd.f32 v0, v2;
	v2 =	vld [tilespmem:s10+$0x1A090];
	_ =	sdelay $0x3  }
0x26f: {  	p1 =	sne.s32 s11, $0xF80;
	[tilespmem:s12+$0xFFFFFFD0] =	vst v7;
	v0 =	vadd.f32 v0, v6  }
.Ltmp3:
0x270: {  	[tilespmem:s12+$0xFFFFFFE0] =	vst v2;
	v1 =	vadd.f32 v1, v6;
	(pc) =	sbr.rel @p1 .LBB2_5-.Ltmp3, $4  }
0x271: {  	v6 =	vmul.f32 v0, v7;
	[tilespmem:s12+$0x10] =	vst v0  }
0x272: {  	v2 =	vmul.f32 v1, v2;
	[tilespmem:s12+$0x20] =	vst v1  }
0x273: {  	[tilespmem:s12+$0xFFFFFFF0] =	vst v6  }
0x274: {  	s11 =	sadd.s32 $0x80, s11;
	s13 =	sadd.s32 $0x640, s13;
	[tilespmem:s12+$0x0] =	vst v2;
	s12 =	sadd.s32 $0x60, s12  }
0x275: {  	s8 =	sadd.s32 s8, s9  }
0x276: {  	s8 =	smul.u32 $0xC, s8  }
.Ltmp4:
0x277: {  	_ = 	snop;
	(pc) =	sbr.rel @p0 .LBB2_8-.Ltmp4, $4  }
0x278: {  	_ = 	snop  }
0x279: {  	s8 =	sadd.s32 s2, s8  }
0x27a: {  	s8 =	sadd.s32 $0x180, s8  }
0x27b: {  	[hbm4b:s8+s3] =	stream.linear.scatter [tilespmem:s25], [sflag:$0x4], $0xC00, $0x38;
	[tilespmem:$0x1BEC0] =	vst v63  }
0x27c: {  	s8 =	sadd.s32 $0x3, s14  }
0x27d: {  	s10 =	smul.u32 $0x640, s8;
	_ =	sdelay $0x1  }
0x27e: {  	s10 =	sadd.s32 s5, s10  }
0x27f: {  	s10 =	sshrl.u32 s10, $0x3  }
0x280: {  	s10 =	sadd.s32 s4, s10  }
0x281: {  	[tilespmem:s30], [sflag:$0x5] =	stream.linear.gather [hbm4b:s10+s3], $0x640, $0x38;
	[tilespmem:$0x1BEC0] =	vst v63  }
0x282: {  	_ =	swait.ge [sflag:s15], $0x640  }
0x283: {  	[sflag:s15] =	ssyncset.done $0x0  }
0x284: {  	s13 =	simm.s32 $0xD480;
	[sflag:s15] =	ssyncadd.s32 $0xFFFFF9C0  }
0x285: {  	[tilespmem:s13], [sflag:$0x2] =	stream.indirect.gather [hbm4b:s7+s17], $0x20, s30, s17, $0xb8;
	[tilespmem:$0x1BEC0] =	vst v63  }
0x286: {  	s14 =	simm.s32 $0x6C0;
	s11 =	simm.s32 $0xE480  }
0x287: {  	[tilespmem:s11], [sflag:$0x2] =	stream.indirect.gather [hbm4b:s7+s17], $0x20, s14, s17, $0xb8;
	[tilespmem:$0x1BEC0] =	vst v63  }
0x288: {  	s12 =	simm.s32 $0xF480;
	s11 =	simm.s32 $0x740  }
0x289: {  	[tilespmem:s12], [sflag:$0x2] =	stream.indirect.gather [hbm4b:s7+s17], $0x20, s11, s17, $0xb8;
	[tilespmem:$0x1BEC0] =	vst v63  }
0x28a: {  	s13 =	simm.s32 $0x7C0;
	s14 =	simm.s32 $0x10480  }
0x28b: {  	[tilespmem:s14], [sflag:$0x2] =	stream.indirect.gather [hbm4b:s7+s17], $0x20, s13, s17, $0xb8;
	[tilespmem:$0x1BEC0] =	vst v63  }
0x28c: {  	s11 =	simm.s32 $0x840;
	s12 =	simm.s32 $0x11480  }
0x28d: {  	[tilespmem:s12], [sflag:$0x2] =	stream.indirect.gather [hbm4b:s7+s17], $0x20, s11, s17, $0xb8;
	[tilespmem:$0x1BEC0] =	vst v63  }
0x28e: {  	s13 =	simm.s32 $0x8C0;
	s14 =	simm.s32 $0x12480  }
0x28f: {  	[tilespmem:s14], [sflag:$0x2] =	stream.indirect.gather [hbm4b:s7+s17], $0x20, s13, s17, $0xb8;
	[tilespmem:$0x1BEC0] =	vst v63  }
0x290: {  	s11 =	simm.s32 $0x940;
	s12 =	simm.s32 $0x13480  }
0x291: {  	[tilespmem:s12], [sflag:$0x2] =	stream.indirect.gather [hbm4b:s7+s17], $0x20, s11, s17, $0xb8;
	[tilespmem:$0x1BEC0] =	vst v63  }
0x292: {  	s13 =	simm.s32 $0x9C0;
	s14 =	simm.s32 $0x14480  }
0x293: {  	[tilespmem:s14], [sflag:$0x2] =	stream.indirect.gather [hbm4b:s7+s17], $0x20, s13, s17, $0xb8;
	[tilespmem:$0x1BEC0] =	vst v63  }
0x294: {  	s11 =	simm.s32 $0xA40;
	s12 =	simm.s32 $0x15480  }
0x295: {  	[tilespmem:s12], [sflag:$0x2] =	stream.indirect.gather [hbm4b:s7+s17], $0x20, s11, s17, $0xb8;
	[tilespmem:$0x1BEC0] =	vst v63  }
0x296: {  	s13 =	simm.s32 $0xAC0;
	s14 =	simm.s32 $0x16480  }
0x297: {  	[tilespmem:s14], [sflag:$0x2] =	stream.indirect.gather [hbm4b:s7+s17], $0x20, s13, s17, $0xb8;
	[tilespmem:$0x1BEC0] =	vst v63  }
0x298: {  	_ = 	snop  }
0x299: {  	[tilespmem:s0], [sflag:$0x2] =	stream.indirect.gather [hbm4b:s7+s17], $0x20, s31, s17, $0xb8;
	[tilespmem:$0x1BEC0] =	vst v63  }
0x29a: {  	_ = 	snop  }
0x29b: {  	[tilespmem:s16], [sflag:$0x2] =	stream.indirect.gather [hbm4b:s7+s17], $0x20, s1, s17, $0xb8;
	[tilespmem:$0x1BEC0] =	vst v63  }
.Ltmp5:
0x29c: {  	s8 =	sshll.u32 s8, $0x5;
	(pc) =	sbr.rel .LBB2_2-.Ltmp5, $4  }
0x29d: {  	s8 =	sand.u32 $0x3FFFFFE0, s8  }
0x29e: {  	[tilespmem:s19], [sflag:$0x2] =	stream.indirect.gather [hbm4b:s7+s24], $0x20, s18, s24, $0xb8;
	[tilespmem:$0x1BEC0] =	vst v63  }
0x29f: {  	s29 =	sadd.s32 $0x1, s29;
	s8 =	sadd.s32 $0x1BC80, s8  }
0x2a0: {  	[tilespmem:s20], [sflag:$0x2] =	stream.indirect.gather [hbm4b:s6+s28], $0x20, s8, s28, $0xb8;
	[tilespmem:$0x1BEC0] =	vst v63  }
.LBB2_9:
0x2a1: {  	_ =	sfence.sel $0x180000  }
0x2a2: {  	[bflag:$0x0] =	sbarrier.arrive $0xFFFF  }
0x2a3: {  	_ =	strace $0x90000047  }
0x2a4: {  	s0 =	stileid.u32;
	[bflag:$0x2] =	sbarrier.arrive $0xFFFF  }
0x2a5: {  	p0 =	sne.s32 s0, $0x0;
	s0 =	rddreg [dreg:$0x2]  }
0x2a6: {  	s0 =	sadd.s32 @!p0 $0x100000, s0  }
0x2a7: {  	[sflag:s0] =	ssyncadd.tile.s32 @!p0 $0x1;
	_ =	shalt  }
.Lfunc_end2:
_tile_overlayer_lowered:
.L_overlay_start_2:
0x2a8: {  	(tag) =	ssettag $0x2  }
0x2a9: {  	s0 =	rddreg [dreg:$0x0];
	s2 =	stileid.u32  }
0x2aa: {  	s1 =	rddreg [dreg:$0x1];
	p0 =	sne.s32 s2, $0x0  }
0x2ab: {  	s3 =	rddreg [dreg:$0x2];
	[bflag:$0x3] =	sbarrier.arrive $0xFFFF;
	s2 =	simm.s32 @!p0 $0x1C05  }
0x2ac: {  	[timem:s3], [sflag:s2] =	dma.local @!p0 [hbm:s0], s1  }
0x2ad: {  	s0 =	simm.s32 @!p0 $0x5  }
0x2ae: {  	_ =	swait.ge @!p0 [sflag:s0], s1  }
0x2af: {  	s1 =	ssub.s32 @!p0 $0x0, s1;
	[sflag:s0] =	ssyncset.done @!p0 $0x0  }
0x2b0: {  	[sflag:s0] =	ssyncadd.s32 @!p0 s1  }
0x2b1: {  	[bflag:$0x3] =	sbarrier.arrive $0xFFFF  }
0x2b2: {  	_ =	shalt  }

</sc_bundles>
